<compile_context>
chip_gen: v7x
topology: tpu7x:2x2x1
jax: 0.10.2.dev20260603
libtpu: 0.0.44.dev20260713+nightly
codegen_flags: <defaults>
</compile_context>

<pallas_src>
import functools

import jax
import jax.numpy as jnp
from jax import lax
from jax.experimental import pallas as pl
from jax.experimental.pallas import tpu as pltpu
from jax.experimental.pallas import tpu_sc as plsc

_N = 10000
_E = 160000
_D = 256
_HALF = 128
_B = 64
_NSUB = 16
_CHUNK = 80
_EPS = _E // _NSUB
_NCHUNK = _EPS // _CHUNK
_NPAD = 10240
_STRIPE = _NPAD // _NSUB

_sc_mesh = plsc.VectorSubcoreMesh(core_axis_name="c", subcore_axis_name="s",
                                  num_cores=2, num_subcores=16)


@functools.partial(
    pl.kernel,
    out_type=(
        jax.ShapeDtypeStruct((_NPAD, _HALF), jnp.float32),
        jax.ShapeDtypeStruct((_NPAD, _HALF), jnp.float32),
    ),
    mesh=_sc_mesh,
    scratch_types=[
        pltpu.VMEM((_NCHUNK, _CHUNK), jnp.int32),
        pltpu.VMEM((_CHUNK, _HALF), jnp.float32),
        pltpu.MemorySpace.VMEM_SHARED((_NPAD, _HALF), jnp.float32),
    ],
)
def _sc_count(dstb, ones_hbm, zrow_hbm, cnt0, cnt1, dst_v, ones_v, acc):
    c = lax.axis_index("c")
    s = lax.axis_index("s")
    pltpu.sync_copy(zrow_hbm, acc.at[pl.ds(s * _STRIPE, _STRIPE)])
    pltpu.sync_copy(dstb.at[s], dst_v)
    pltpu.sync_copy(ones_hbm, ones_v)
    plsc.subcore_barrier()

    def run(lo, hi, out):
        def step(j, carry):
            pltpu.sync_copy(ones_v, acc.at[dst_v.at[j]], add=True)
            return carry

        lax.fori_loop(lo, hi, step, 0)
        plsc.subcore_barrier()
        pltpu.sync_copy(acc.at[pl.ds(s * _STRIPE, _STRIPE)],
                        out.at[pl.ds(s * _STRIPE, _STRIPE)])

    @pl.when(c == 0)
    def _():
        run(0, 62, cnt0)

    @pl.when(c == 1)
    def _():
        run(62, _NCHUNK, cnt1)


@functools.partial(
    pl.kernel,
    out_type=(
        jax.ShapeDtypeStruct((_NPAD, _HALF), jnp.float32),
        jax.ShapeDtypeStruct((_NPAD, _HALF), jnp.float32),
    ),
    mesh=_sc_mesh,
    scratch_types=[
        pltpu.VMEM((2, 1, _CHUNK), jnp.int32),
        pltpu.VMEM((_NCHUNK, _CHUNK), jnp.int32),
        pltpu.VMEM((_CHUNK, _HALF), jnp.float32),
        pltpu.VMEM((_CHUNK, _HALF), jnp.float32),
        pltpu.MemorySpace.VMEM_SHARED((_NPAD, _HALF), jnp.float32),
        pltpu.SemaphoreType.DMA,
        pltpu.SemaphoreType.DMA,
        pltpu.SemaphoreType.DMA,
        pltpu.SemaphoreType.DMA,
    ],
)
def _sc_segsum(t_lo, t_hi, srcb, dstb, zrow_hbm, a_lo, a_hi,
               sidx, dst_v, rows_a, rows_b, acc, sem_a, sem_b, sem_sa, sem_sb):
    c = lax.axis_index("c")
    s = lax.axis_index("s")
    pltpu.sync_copy(zrow_hbm, acc.at[pl.ds(s * _STRIPE, _STRIPE)])
    pltpu.sync_copy(dstb.at[s], dst_v)
    plsc.subcore_barrier()

    def run(tbl, out):
        last = _NCHUNK - 1
        pltpu.sync_copy(srcb.at[s, pl.ds(0, 1)], sidx.at[0])
        pltpu.async_copy(srcb.at[s, pl.ds(1, 1)], sidx.at[1], sem_sb)
        pltpu.async_copy(tbl.at[sidx.at[0, 0]], rows_a, sem_a)

        def step(k, carry):
            j0 = 2 * k
            pltpu.make_async_copy(srcb.at[s, pl.ds(j0 + 1, 1)], sidx.at[1], sem_sb).wait()
            pltpu.make_async_copy(tbl.at[sidx.at[0, 0]], rows_a, sem_a).wait()
            pltpu.async_copy(tbl.at[sidx.at[1, 0]], rows_b, sem_b)
            pltpu.async_copy(srcb.at[s, pl.ds(j0 + 2, 1)], sidx.at[0], sem_sa)
            pltpu.sync_copy(rows_a, acc.at[dst_v.at[j0]], add=True)
            pltpu.make_async_copy(srcb.at[s, pl.ds(j0 + 2, 1)], sidx.at[0], sem_sa).wait()
            pltpu.make_async_copy(tbl.at[sidx.at[1, 0]], rows_b, sem_b).wait()
            pltpu.async_copy(tbl.at[sidx.at[0, 0]], rows_a, sem_a)
            pltpu.async_copy(srcb.at[s, pl.ds(jnp.minimum(j0 + 3, last), 1)],
                             sidx.at[1], sem_sb)
            pltpu.sync_copy(rows_b, acc.at[dst_v.at[j0 + 1]], add=True)
            return carry

        lax.fori_loop(0, (_NCHUNK - 1) // 2, step, 0)
        pltpu.make_async_copy(srcb.at[s, pl.ds(last, 1)], sidx.at[1], sem_sb).wait()
        pltpu.make_async_copy(tbl.at[sidx.at[0, 0]], rows_a, sem_a).wait()
        pltpu.sync_copy(rows_a, acc.at[dst_v.at[last]], add=True)
        plsc.subcore_barrier()
        pltpu.sync_copy(acc.at[pl.ds(s * _STRIPE, _STRIPE)],
                        out.at[pl.ds(s * _STRIPE, _STRIPE)])

    @pl.when(c == 0)
    def _():
        run(t_lo, a_lo)

    @pl.when(c == 1)
    def _():
        run(t_hi, a_hi)


_BLK = 1000


def _layer_body(al, ah, hl, hh, c0, c1, wll, wlh, wrl, wrh, b, ol, oh):
    cnt = (jnp.max(c0[...], axis=1, keepdims=True)
           + jnp.max(c1[...], axis=1, keepdims=True))
    inv = 1.0 / jnp.maximum(cnt, 1.0)
    acc = jnp.dot(al[...] * inv, wll[...], preferred_element_type=jnp.float32)
    acc = acc + jnp.dot(ah[...] * inv, wlh[...], preferred_element_type=jnp.float32)
    acc = acc + jnp.dot(hl[...], wrl[...], preferred_element_type=jnp.float32)
    acc = acc + jnp.dot(hh[...], wrh[...], preferred_element_type=jnp.float32)
    r = jnp.maximum(acc + b[...], 0.0)
    ol[...] = r[:, :_HALF]
    oh[...] = r[:, _HALF:]


def _tc_layer(a_lo, a_hi, h_lo, h_hi, cnt0, cnt1, WlT, WrT, bl):
    row = lambda i: (i, 0)
    full = lambda i: (0, 0)
    return pl.pallas_call(
        _layer_body,
        grid=(_N // _BLK,),
        in_specs=[
            pl.BlockSpec((_BLK, _HALF), row),
            pl.BlockSpec((_BLK, _HALF), row),
            pl.BlockSpec((_BLK, _HALF), row),
            pl.BlockSpec((_BLK, _HALF), row),
            pl.BlockSpec((_BLK, _HALF), row),
            pl.BlockSpec((_BLK, _HALF), row),
            pl.BlockSpec((_HALF, _D), full),
            pl.BlockSpec((_HALF, _D), full),
            pl.BlockSpec((_HALF, _D), full),
            pl.BlockSpec((_HALF, _D), full),
            pl.BlockSpec((1, _D), full),
        ],
        out_specs=[
            pl.BlockSpec((_BLK, _HALF), row),
            pl.BlockSpec((_BLK, _HALF), row),
        ],
        out_shape=[
            jax.ShapeDtypeStruct((_N, _HALF), jnp.float32),
            jax.ShapeDtypeStruct((_N, _HALF), jnp.float32),
        ],
    )(a_lo, a_hi, h_lo, h_hi, cnt0, cnt1,
      WlT[:_HALF], WlT[_HALF:], WrT[:_HALF], WrT[_HALF:], bl)


def _head_body(hl, hh, w1l, w1h, b1, w2, b2, out, pool_l, pool_h):
    def seg(b, carry):
        start = (625 * b + 3) // 4
        nxt = (625 * (b + 1) + 3) // 4
        ln = nxt - start
        idx = lax.broadcasted_iota(jnp.int32, (160, 1), 0)
        m = idx < ln
        rl = jnp.where(m, hl[pl.ds(start, 160), :], 0.0)
        rh = jnp.where(m, hh[pl.ds(start, 160), :], 0.0)
        pool_l[pl.ds(b, 1), :] = jnp.max(rl, axis=0, keepdims=True)
        pool_h[pl.ds(b, 1), :] = jnp.max(rh, axis=0, keepdims=True)
        return carry

    lax.fori_loop(0, _B, seg, 0)
    z = (jnp.dot(pool_l[...], w1l[...], preferred_element_type=jnp.float32)
         + jnp.dot(pool_h[...], w1h[...], preferred_element_type=jnp.float32)
         + b1[...])
    z = jnp.maximum(z, 0.0)
    zb = z.astype(jnp.bfloat16).astype(jnp.float32)
    wb = w2[...].astype(jnp.bfloat16).astype(jnp.float32)
    out[...] = jnp.sum(zb * wb, axis=1, keepdims=True) + b2[...]


def _tc_head(hl_pad, hh_pad, W1T, b1, w2row, b2):
    return pl.pallas_call(
        _head_body,
        out_shape=jax.ShapeDtypeStruct((_B, 1), jnp.float32),
        scratch_shapes=[
            pltpu.VMEM((_B, _HALF), jnp.float32),
            pltpu.VMEM((_B, _HALF), jnp.float32),
        ],
    )(hl_pad, hh_pad, W1T[:_HALF], W1T[_HALF:], b1, w2row, b2)


def kernel(x, edge_index, Wl1, bl1, Wr1, Wl2, bl2, Wr2, Wl3, bl3, Wr3,
           W_lin1, b_lin1, W_lin2, b_lin2):
    srcb = edge_index[0].reshape(_NSUB, _NCHUNK, _CHUNK)
    dstb = edge_index[1].reshape(_NSUB, _NCHUNK, _CHUNK)
    zrow = jnp.zeros((_STRIPE, _HALF), jnp.float32)
    ones = jnp.ones((_CHUNK, _HALF), jnp.float32)

    cnt0, cnt1 = _sc_count(dstb, ones, zrow)

    h_lo = x[:, :_HALF]
    h_hi = x[:, _HALF:]
    for Wl, bl, Wr in ((Wl1, bl1, Wr1), (Wl2, bl2, Wr2), (Wl3, bl3, Wr3)):
        a_lo, a_hi = _sc_segsum(h_lo, h_hi, srcb, dstb, zrow)
        h_lo, h_hi = _tc_layer(a_lo, a_hi, h_lo, h_hi, cnt0, cnt1,
                               Wl.T, Wr.T, bl.reshape(1, _D))

    pad = ((0, 10016 - _N), (0, 0))
    out = _tc_head(jnp.pad(h_lo, pad), jnp.pad(h_hi, pad),
                   W_lin1.T, b_lin1.reshape(1, _HALF),
                   W_lin2, b_lin2.reshape(1, 1))
    return out[:, 0]

# --- scband reference (transcript-rebuilt; emitter-appended) ---
"""Pipeline reference for scband-sage-gn-network-54150947668228 (READ-ONLY COPY).

The authoritative reference and input builder live on the scoring server;
editing this copy changes nothing except your own understanding.
"""

import jax, jax.numpy as jnp
import numpy as np

N = 10000
E = 160000
D = 256
H = 256
B = 64


def setup_inputs(seed: int = 0) -> dict:
    key = jax.random.key(seed)
    ks = jax.random.split(key, 16)
    x = jax.random.normal(ks[0], (N, D), dtype=jnp.float32)
    edge_index = jax.random.randint(ks[1], (2, E), 0, N, dtype=jnp.int32)
    s = 0.05
    Wl1 = jax.random.normal(ks[2], (H, D), dtype=jnp.float32) * s
    bl1 = jnp.zeros((H,), dtype=jnp.float32)
    Wr1 = jax.random.normal(ks[3], (H, D), dtype=jnp.float32) * s
    Wl2 = jax.random.normal(ks[4], (H, H), dtype=jnp.float32) * s
    bl2 = jnp.zeros((H,), dtype=jnp.float32)
    Wr2 = jax.random.normal(ks[5], (H, H), dtype=jnp.float32) * s
    Wl3 = jax.random.normal(ks[6], (H, H), dtype=jnp.float32) * s
    bl3 = jnp.zeros((H,), dtype=jnp.float32)
    Wr3 = jax.random.normal(ks[7], (H, H), dtype=jnp.float32) * s
    W_lin1 = jax.random.normal(ks[8], (H // 2, H), dtype=jnp.float32) * s
    b_lin1 = jnp.zeros((H // 2,), dtype=jnp.float32)
    W_lin2 = jax.random.normal(ks[9], (1, H // 2), dtype=jnp.float32) * s
    b_lin2 = jnp.zeros((1,), dtype=jnp.float32)
    return {"x": x, "edge_index": edge_index, "Wl1": Wl1, "bl1": bl1, "Wr1": Wr1,
            "Wl2": Wl2, "bl2": bl2, "Wr2": Wr2, "Wl3": Wl3, "bl3": bl3, "Wr3": Wr3,
            "W_lin1": W_lin1, "b_lin1": b_lin1, "W_lin2": W_lin2, "b_lin2": b_lin2}


def _sage_conv(x, edge_index, Wl, bl, Wr):
    # PyG SAGEConv with mean aggregation:
    # out = lin_l(mean_{j in N(i)} x_j) + lin_r(x_i)
    src = edge_index[0]
    dst = edge_index[1]
    msg = jnp.take(x, src, axis=0)
    agg_sum = jax.ops.segment_sum(msg, dst, num_segments=N)
    cnt = jax.ops.segment_sum(jnp.ones((msg.shape[0],), dtype=x.dtype), dst, num_segments=N)
    agg = agg_sum / jnp.clip(cnt, 1.0)[:, None]
    return agg @ Wl.T + bl + x @ Wr.T


def reference(x, edge_index, Wl1, bl1, Wr1, Wl2, bl2, Wr2, Wl3, bl3, Wr3,
              W_lin1, b_lin1, W_lin2, b_lin2):
    # conv1 -> relu -> dropout(eval: identity)
    h = jax.nn.relu(_sage_conv(x, edge_index, Wl1, bl1, Wr1))
    # conv2
    h = jax.nn.relu(_sage_conv(h, edge_index, Wl2, bl2, Wr2))
    # conv3
    h = jax.nn.relu(_sage_conv(h, edge_index, Wl3, bl3, Wr3))
    # global_max_pool over batch assignment (nodes evenly split into B graphs)
    batch_ids = (jnp.arange(N, dtype=jnp.int32) * B) // N
    pooled = jax.ops.segment_max(h, batch_ids, num_segments=B)
    z = jax.nn.relu(pooled @ W_lin1.T + b_lin1)
    out = (z @ W_lin2.T + b_lin2)
    return jnp.squeeze(out, axis=-1)

if __name__ == "__main__":
    import jax
    _d = setup_inputs()
    print(jax.jit(kernel)(*tuple(_d.values())))

</pallas_src>

<mosaic_0001>
#map = affine_map<(d0, d1) -> (0, 0)>
#map1 = affine_map<(d0, d1) -> (0, 0, 0)>
module attributes {stable_mosaic.version = 14 : i64} {
  func.func @_sc_segsum(%arg0: i32, %arg1: i32, %arg2: memref<10000x128xf32, #tpu.memory_space<hbm>>, %arg3: memref<10000x128xf32, #tpu.memory_space<hbm>>, %arg4: memref<16x125x80xi32, #tpu.memory_space<hbm>>, %arg5: memref<16x125x80xi32, #tpu.memory_space<hbm>>, %arg6: memref<640x128xf32, #tpu.memory_space<hbm>>, %arg7: memref<10240x128xf32, #tpu.memory_space<hbm>>, %arg8: memref<10240x128xf32, #tpu.memory_space<hbm>>, %arg9: memref<2x1x80xi32, #tpu.memory_space<vmem>>, %arg10: memref<125x80xi32, #tpu.memory_space<vmem>>, %arg11: memref<80x128xf32, #tpu.memory_space<vmem>>, %arg12: memref<80x128xf32, #tpu.memory_space<vmem>>, %arg13: memref<10240x128xf32, #tpu.memory_space<vmem_shared>>, %arg14: memref<!tpu.dma_semaphore, #tpu.memory_space<semaphore_mem>>, %arg15: memref<!tpu.dma_semaphore, #tpu.memory_space<semaphore_mem>>, %arg16: memref<!tpu.dma_semaphore, #tpu.memory_space<semaphore_mem>>, %arg17: memref<!tpu.dma_semaphore, #tpu.memory_space<semaphore_mem>>) attributes {dimension_semantics = [#tpu.dimension_semantics<core_parallel>, #tpu.dimension_semantics<subcore_parallel>], iteration_bounds = array<i64: 2, 16>, scalar_prefetch = 0 : i64, scratch_operands = 9 : i64, tpu.core_type = #tpu.core_type<sc_vector_subcore>, window_params = [{transform_indices = #map}, {transform_indices = #map}, {transform_indices = #map1}, {transform_indices = #map1}, {transform_indices = #map}, {transform_indices = #map}, {transform_indices = #map}]} {
    %mul3A = arith.constant 640 : i32
    %mul3A_0 = arith.muli %arg1, %mul3A : i32
    "tpu.region"() ({
      %run_scoped3A = tpu.sem_alloc : memref<!tpu.dma_semaphore, #tpu.memory_space<semaphore_mem>>
      %dma_start3A = arith.constant 0 : i32
      %dma_start3A_8 = tpu.memref_slice %arg13[%mul3A_0, %dma_start3A] : memref<10240x128xf32, #tpu.memory_space<vmem_shared>> -> memref<640x128xf32, #tpu.memory_space<vmem_shared>>
      tpu.enqueue_dma source(%arg6 : memref<640x128xf32, #tpu.memory_space<hbm>>) target(%dma_start3A_8 : memref<640x128xf32, #tpu.memory_space<vmem_shared>>) target_semaphore(%run_scoped3A : memref<!tpu.dma_semaphore, #tpu.memory_space<semaphore_mem>>)
      %dma_wait3A = arith.constant 0 : i32
      %dma_wait3A_9 = tpu.memref_slice %arg13[%mul3A_0, %dma_wait3A] : memref<10240x128xf32, #tpu.memory_space<vmem_shared>> -> memref<640x128xf32, #tpu.memory_space<vmem_shared>>
      tpu.wait_dma2 semaphore(%run_scoped3A : memref<!tpu.dma_semaphore, #tpu.memory_space<semaphore_mem>>) src(%arg6 : memref<640x128xf32, #tpu.memory_space<hbm>>) dst(%dma_wait3A_9 : memref<640x128xf32, #tpu.memory_space<vmem_shared>>)
      tpu.yield
    }) : () -> ()
    "tpu.region"() ({
      %run_scoped3A = tpu.sem_alloc : memref<!tpu.dma_semaphore, #tpu.memory_space<semaphore_mem>>
      %dma_start3A = arith.constant 0 : i32
      %dma_start3A_8 = arith.constant 0 : i32
      %dma_start3A_9 = tpu.memref_slice %arg5[%arg1, %dma_start3A, %dma_start3A_8] : memref<16x125x80xi32, #tpu.memory_space<hbm>> -> memref<1x125x80xi32, #tpu.memory_space<hbm>>
      %dma_start3A_10 = tpu.memref_squeeze %dma_start3A_9 : memref<1x125x80xi32, #tpu.memory_space<hbm>> -> memref<125x80xi32, #tpu.memory_space<hbm>>
      %dma_start3A_11 = arith.constant 0 : i32
      %dma_start3A_12 = arith.constant 0 : i32
      %dma_start3A_13 = tpu.memref_slice %arg5[%arg1, %dma_start3A_11, %dma_start3A_12] : memref<16x125x80xi32, #tpu.memory_space<hbm>> -> memref<1x125x80xi32, #tpu.memory_space<hbm>>
      %dma_start3A_14 = tpu.memref_squeeze %dma_start3A_13 : memref<1x125x80xi32, #tpu.memory_space<hbm>> -> memref<125x80xi32, #tpu.memory_space<hbm>>
      tpu.enqueue_dma source(%dma_start3A_14 : memref<125x80xi32, #tpu.memory_space<hbm>>) target(%arg10 : memref<125x80xi32, #tpu.memory_space<vmem>>) target_semaphore(%run_scoped3A : memref<!tpu.dma_semaphore, #tpu.memory_space<semaphore_mem>>)
      %dma_wait3A = arith.constant 0 : i32
      %dma_wait3A_15 = arith.constant 0 : i32
      %dma_wait3A_16 = tpu.memref_slice %arg5[%arg1, %dma_wait3A, %dma_wait3A_15] : memref<16x125x80xi32, #tpu.memory_space<hbm>> -> memref<1x125x80xi32, #tpu.memory_space<hbm>>
      %dma_wait3A_17 = tpu.memref_squeeze %dma_wait3A_16 : memref<1x125x80xi32, #tpu.memory_space<hbm>> -> memref<125x80xi32, #tpu.memory_space<hbm>>
      %dma_wait3A_18 = arith.constant 0 : i32
      %dma_wait3A_19 = arith.constant 0 : i32
      %dma_wait3A_20 = tpu.memref_slice %arg5[%arg1, %dma_wait3A_18, %dma_wait3A_19] : memref<16x125x80xi32, #tpu.memory_space<hbm>> -> memref<1x125x80xi32, #tpu.memory_space<hbm>>
      %dma_wait3A_21 = tpu.memref_squeeze %dma_wait3A_20 : memref<1x125x80xi32, #tpu.memory_space<hbm>> -> memref<125x80xi32, #tpu.memory_space<hbm>>
      tpu.wait_dma2 semaphore(%run_scoped3A : memref<!tpu.dma_semaphore, #tpu.memory_space<semaphore_mem>>) src(%dma_wait3A_21 : memref<125x80xi32, #tpu.memory_space<hbm>>) dst(%arg10 : memref<125x80xi32, #tpu.memory_space<vmem>>)
      tpu.yield
    }) : () -> ()
    %barrier3A = arith.constant 0 : index
    tpu.barrier barrier_id(%barrier3A)
    %eq3A = arith.constant 0 : i32
    %eq3A_1 = arith.cmpi eq, %arg0, %eq3A : i32
    %convert_element_type3A = arith.extui %eq3A_1 : i1 to i32
    %cond3A = arith.constant 0 : i32
    %cond3A_2 = arith.cmpi ne, %convert_element_type3A, %cond3A : i32
    scf.if %cond3A_2 {
      %run_scoped3A = arith.constant 0 : i32
      "tpu.region"() ({
        %run_scoped3A_67 = tpu.sem_alloc : memref<!tpu.dma_semaphore, #tpu.memory_space<semaphore_mem>>
        %dma_start3A_68 = arith.constant 0 : i32
        %dma_start3A_69 = arith.constant 0 : i32
        %dma_start3A_70 = tpu.memref_slice %arg9[%run_scoped3A, %dma_start3A_68, %dma_start3A_69] : memref<2x1x80xi32, #tpu.memory_space<vmem>> -> memref<1x1x80xi32, #tpu.memory_space<vmem>>
        %dma_start3A_71 = tpu.memref_squeeze %dma_start3A_70 : memref<1x1x80xi32, #tpu.memory_space<vmem>> -> memref<1x80xi32, #tpu.memory_space<vmem>>
        %dma_start3A_72 = arith.constant 0 : i32
        %dma_start3A_73 = arith.constant 0 : i32
        %dma_start3A_74 = tpu.memref_slice %arg4[%arg1, %dma_start3A_72, %dma_start3A_73] : memref<16x125x80xi32, #tpu.memory_space<hbm>> -> memref<1x1x80xi32, #tpu.memory_space<hbm>>
        %dma_start3A_75 = tpu.memref_squeeze %dma_start3A_74 : memref<1x1x80xi32, #tpu.memory_space<hbm>> -> memref<1x80xi32, #tpu.memory_space<hbm>>
        %dma_start3A_76 = arith.constant 0 : i32
        %dma_start3A_77 = arith.constant 0 : i32
        %dma_start3A_78 = tpu.memref_slice %arg9[%run_scoped3A, %dma_start3A_76, %dma_start3A_77] : memref<2x1x80xi32, #tpu.memory_space<vmem>> -> memref<1x1x80xi32, #tpu.memory_space<vmem>>
        %dma_start3A_79 = tpu.memref_squeeze %dma_start3A_78 : memref<1x1x80xi32, #tpu.memory_space<vmem>> -> memref<1x80xi32, #tpu.memory_space<vmem>>
        %dma_start3A_80 = arith.constant 0 : i32
        %dma_start3A_81 = arith.constant 0 : i32
        %dma_start3A_82 = tpu.memref_slice %arg4[%arg1, %dma_start3A_80, %dma_start3A_81] : memref<16x125x80xi32, #tpu.memory_space<hbm>> -> memref<1x1x80xi32, #tpu.memory_space<hbm>>
        %dma_start3A_83 = tpu.memref_squeeze %dma_start3A_82 : memref<1x1x80xi32, #tpu.memory_space<hbm>> -> memref<1x80xi32, #tpu.memory_space<hbm>>
        tpu.enqueue_dma source(%dma_start3A_83 : memref<1x80xi32, #tpu.memory_space<hbm>>) target(%dma_start3A_79 : memref<1x80xi32, #tpu.memory_space<vmem>>) target_semaphore(%run_scoped3A_67 : memref<!tpu.dma_semaphore, #tpu.memory_space<semaphore_mem>>)
        %dma_wait3A_84 = arith.constant 0 : i32
        %dma_wait3A_85 = arith.constant 0 : i32
        %dma_wait3A_86 = tpu.memref_slice %arg9[%run_scoped3A, %dma_wait3A_84, %dma_wait3A_85] : memref<2x1x80xi32, #tpu.memory_space<vmem>> -> memref<1x1x80xi32, #tpu.memory_space<vmem>>
        %dma_wait3A_87 = tpu.memref_squeeze %dma_wait3A_86 : memref<1x1x80xi32, #tpu.memory_space<vmem>> -> memref<1x80xi32, #tpu.memory_space<vmem>>
        %dma_wait3A_88 = arith.constant 0 : i32
        %dma_wait3A_89 = arith.constant 0 : i32
        %dma_wait3A_90 = tpu.memref_slice %arg4[%arg1, %dma_wait3A_88, %dma_wait3A_89] : memref<16x125x80xi32, #tpu.memory_space<hbm>> -> memref<1x1x80xi32, #tpu.memory_space<hbm>>
        %dma_wait3A_91 = tpu.memref_squeeze %dma_wait3A_90 : memref<1x1x80xi32, #tpu.memory_space<hbm>> -> memref<1x80xi32, #tpu.memory_space<hbm>>
        %dma_wait3A_92 = arith.constant 0 : i32
        %dma_wait3A_93 = arith.constant 0 : i32
        %dma_wait3A_94 = tpu.memref_slice %arg9[%run_scoped3A, %dma_wait3A_92, %dma_wait3A_93] : memref<2x1x80xi32, #tpu.memory_space<vmem>> -> memref<1x1x80xi32, #tpu.memory_space<vmem>>
        %dma_wait3A_95 = tpu.memref_squeeze %dma_wait3A_94 : memref<1x1x80xi32, #tpu.memory_space<vmem>> -> memref<1x80xi32, #tpu.memory_space<vmem>>
        %dma_wait3A_96 = arith.constant 0 : i32
        %dma_wait3A_97 = arith.constant 0 : i32
        %dma_wait3A_98 = tpu.memref_slice %arg4[%arg1, %dma_wait3A_96, %dma_wait3A_97] : memref<16x125x80xi32, #tpu.memory_space<hbm>> -> memref<1x1x80xi32, #tpu.memory_space<hbm>>
        %dma_wait3A_99 = tpu.memref_squeeze %dma_wait3A_98 : memref<1x1x80xi32, #tpu.memory_space<hbm>> -> memref<1x80xi32, #tpu.memory_space<hbm>>
        tpu.wait_dma2 semaphore(%run_scoped3A_67 : memref<!tpu.dma_semaphore, #tpu.memory_space<semaphore_mem>>) src(%dma_wait3A_99 : memref<1x80xi32, #tpu.memory_space<hbm>>) dst(%dma_wait3A_95 : memref<1x80xi32, #tpu.memory_space<vmem>>)
        tpu.yield
      }) : () -> ()
      %dma_start3A = arith.constant 1 : i32
      %dma_start3A_8 = arith.constant 0 : i32
      %dma_start3A_9 = arith.constant 0 : i32
      %dma_start3A_10 = tpu.memref_slice %arg9[%dma_start3A, %dma_start3A_8, %dma_start3A_9] : memref<2x1x80xi32, #tpu.memory_space<vmem>> -> memref<1x1x80xi32, #tpu.memory_space<vmem>>
      %dma_start3A_11 = tpu.memref_squeeze %dma_start3A_10 : memref<1x1x80xi32, #tpu.memory_space<vmem>> -> memref<1x80xi32, #tpu.memory_space<vmem>>
      %dma_start3A_12 = arith.constant 1 : i32
      %dma_start3A_13 = arith.constant 0 : i32
      %dma_start3A_14 = tpu.memref_slice %arg4[%arg1, %dma_start3A_12, %dma_start3A_13] : memref<16x125x80xi32, #tpu.memory_space<hbm>> -> memref<1x1x80xi32, #tpu.memory_space<hbm>>
      %dma_start3A_15 = tpu.memref_squeeze %dma_start3A_14 : memref<1x1x80xi32, #tpu.memory_space<hbm>> -> memref<1x80xi32, #tpu.memory_space<hbm>>
      %dma_start3A_16 = arith.constant 0 : i32
      %dma_start3A_17 = arith.constant 0 : i32
      %dma_start3A_18 = tpu.memref_slice %arg9[%dma_start3A, %dma_start3A_16, %dma_start3A_17] : memref<2x1x80xi32, #tpu.memory_space<vmem>> -> memref<1x1x80xi32, #tpu.memory_space<vmem>>
      %dma_start3A_19 = tpu.memref_squeeze %dma_start3A_18 : memref<1x1x80xi32, #tpu.memory_space<vmem>> -> memref<1x80xi32, #tpu.memory_space<vmem>>
      %dma_start3A_20 = arith.constant 1 : i32
      %dma_start3A_21 = arith.constant 0 : i32
      %dma_start3A_22 = tpu.memref_slice %arg4[%arg1, %dma_start3A_20, %dma_start3A_21] : memref<16x125x80xi32, #tpu.memory_space<hbm>> -> memref<1x1x80xi32, #tpu.memory_space<hbm>>
      %dma_start3A_23 = tpu.memref_squeeze %dma_start3A_22 : memref<1x1x80xi32, #tpu.memory_space<hbm>> -> memref<1x80xi32, #tpu.memory_space<hbm>>
      tpu.enqueue_dma source(%dma_start3A_23 : memref<1x80xi32, #tpu.memory_space<hbm>>) target(%dma_start3A_19 : memref<1x80xi32, #tpu.memory_space<vmem>>) target_semaphore(%arg17 : memref<!tpu.dma_semaphore, #tpu.memory_space<semaphore_mem>>)
      %dma_start3A_24 = arith.constant 0 : i32
      %dma_start3A_25 = arith.constant 0 : i32
      %dma_start3A_26 = arith.constant 0 : i32
      %dma_start3A_27 = tpu.memref_slice %arg9[%dma_start3A_24, %dma_start3A_25, %dma_start3A_26] : memref<2x1x80xi32, #tpu.memory_space<vmem>> -> memref<1x1x80xi32, #tpu.memory_space<vmem>>
      %dma_start3A_28 = tpu.memref_squeeze %dma_start3A_27 : memref<1x1x80xi32, #tpu.memory_space<vmem>> -> memref<80xi32, #tpu.memory_space<vmem>>
      %dma_start3A_29 = arith.constant 0 : i32
      %dma_start3A_30 = arith.constant 0 : i32
      %dma_start3A_31 = tpu.memref_slice %arg2[%dma_start3A_29, %dma_start3A_30] : memref<10000x128xf32, #tpu.memory_space<hbm>> -> memref<10000x128xf32, #tpu.memory_space<hbm>>
      tpu.enqueue_indirect_dma source(%dma_start3A_31 : memref<10000x128xf32, #tpu.memory_space<hbm>>) target(%arg11 : memref<80x128xf32, #tpu.memory_space<vmem>>) offsets(%dma_start3A_28 : memref<80xi32, #tpu.memory_space<vmem>>) semaphore(%arg14 : memref<!tpu.dma_semaphore, #tpu.memory_space<semaphore_mem>>)
      %scan3A = arith.constant 0 : i32
      %scan3A_32 = arith.constant 0 : i32
      %scan3A_33 = arith.constant 62 : i32
      %scan3A_34 = arith.addi %scan3A_32, %scan3A_33 : i32
      %scan3A_35 = arith.constant 1 : i32
      scf.for %scan3A_67 = %scan3A_32 to %scan3A_34 step %scan3A_35  : i32 {
        %mul3A_68 = arith.constant 2 : i32
        %mul3A_69 = arith.muli %mul3A_68, %scan3A_67 : i32
        %add3A = arith.constant 1 : i32
        %add3A_70 = arith.addi %mul3A_69, %add3A : i32
        %dma_wait3A_71 = arith.constant 1 : i32
        %dma_wait3A_72 = arith.constant 0 : i32
        %dma_wait3A_73 = arith.constant 0 : i32
        %dma_wait3A_74 = tpu.memref_slice %arg9[%dma_wait3A_71, %dma_wait3A_72, %dma_wait3A_73] : memref<2x1x80xi32, #tpu.memory_space<vmem>> -> memref<1x1x80xi32, #tpu.memory_space<vmem>>
        %dma_wait3A_75 = tpu.memref_squeeze %dma_wait3A_74 : memref<1x1x80xi32, #tpu.memory_space<vmem>> -> memref<1x80xi32, #tpu.memory_space<vmem>>
        %dma_wait3A_76 = arith.constant 0 : i32
        %dma_wait3A_77 = tpu.memref_slice %arg4[%arg1, %add3A_70, %dma_wait3A_76] : memref<16x125x80xi32, #tpu.memory_space<hbm>> -> memref<1x1x80xi32, #tpu.memory_space<hbm>>
        %dma_wait3A_78 = tpu.memref_squeeze %dma_wait3A_77 : memref<1x1x80xi32, #tpu.memory_space<hbm>> -> memref<1x80xi32, #tpu.memory_space<hbm>>
        %dma_wait3A_79 = arith.constant 0 : i32
        %dma_wait3A_80 = arith.constant 0 : i32
        %dma_wait3A_81 = tpu.memref_slice %arg9[%dma_wait3A_71, %dma_wait3A_79, %dma_wait3A_80] : memref<2x1x80xi32, #tpu.memory_space<vmem>> -> memref<1x1x80xi32, #tpu.memory_space<vmem>>
        %dma_wait3A_82 = tpu.memref_squeeze %dma_wait3A_81 : memref<1x1x80xi32, #tpu.memory_space<vmem>> -> memref<1x80xi32, #tpu.memory_space<vmem>>
        %dma_wait3A_83 = arith.constant 0 : i32
        %dma_wait3A_84 = tpu.memref_slice %arg4[%arg1, %add3A_70, %dma_wait3A_83] : memref<16x125x80xi32, #tpu.memory_space<hbm>> -> memref<1x1x80xi32, #tpu.memory_space<hbm>>
        %dma_wait3A_85 = tpu.memref_squeeze %dma_wait3A_84 : memref<1x1x80xi32, #tpu.memory_space<hbm>> -> memref<1x80xi32, #tpu.memory_space<hbm>>
        tpu.wait_dma2 semaphore(%arg17 : memref<!tpu.dma_semaphore, #tpu.memory_space<semaphore_mem>>) src(%dma_wait3A_85 : memref<1x80xi32, #tpu.memory_space<hbm>>) dst(%dma_wait3A_82 : memref<1x80xi32, #tpu.memory_space<vmem>>)
        %dma_wait3A_86 = arith.constant 0 : i32
        %dma_wait3A_87 = arith.constant 0 : i32
        %dma_wait3A_88 = arith.constant 0 : i32
        %dma_wait3A_89 = tpu.memref_slice %arg9[%dma_wait3A_86, %dma_wait3A_87, %dma_wait3A_88] : memref<2x1x80xi32, #tpu.memory_space<vmem>> -> memref<1x1x80xi32, #tpu.memory_space<vmem>>
        %dma_wait3A_90 = tpu.memref_squeeze %dma_wait3A_89 : memref<1x1x80xi32, #tpu.memory_space<vmem>> -> memref<80xi32, #tpu.memory_space<vmem>>
        %dma_wait3A_91 = arith.constant 0 : i32
        %dma_wait3A_92 = arith.constant 0 : i32
        %dma_wait3A_93 = tpu.memref_slice %arg2[%dma_wait3A_91, %dma_wait3A_92] : memref<10000x128xf32, #tpu.memory_space<hbm>> -> memref<10000x128xf32, #tpu.memory_space<hbm>>
        tpu.wait_indirect_dma semaphore(%arg14 : memref<!tpu.dma_semaphore, #tpu.memory_space<semaphore_mem>>) src(%dma_wait3A_93 : memref<10000x128xf32, #tpu.memory_space<hbm>>) dst(%arg11 : memref<80x128xf32, #tpu.memory_space<vmem>>)
        %dma_start3A_94 = arith.constant 1 : i32
        %dma_start3A_95 = arith.constant 0 : i32
        %dma_start3A_96 = arith.constant 0 : i32
        %dma_start3A_97 = tpu.memref_slice %arg9[%dma_start3A_94, %dma_start3A_95, %dma_start3A_96] : memref<2x1x80xi32, #tpu.memory_space<vmem>> -> memref<1x1x80xi32, #tpu.memory_space<vmem>>
        %dma_start3A_98 = tpu.memref_squeeze %dma_start3A_97 : memref<1x1x80xi32, #tpu.memory_space<vmem>> -> memref<80xi32, #tpu.memory_space<vmem>>
        %dma_start3A_99 = arith.constant 0 : i32
        %dma_start3A_100 = arith.constant 0 : i32
        %dma_start3A_101 = tpu.memref_slice %arg2[%dma_start3A_99, %dma_start3A_100] : memref<10000x128xf32, #tpu.memory_space<hbm>> -> memref<10000x128xf32, #tpu.memory_space<hbm>>
        tpu.enqueue_indirect_dma source(%dma_start3A_101 : memref<10000x128xf32, #tpu.memory_space<hbm>>) target(%arg12 : memref<80x128xf32, #tpu.memory_space<vmem>>) offsets(%dma_start3A_98 : memref<80xi32, #tpu.memory_space<vmem>>) semaphore(%arg15 : memref<!tpu.dma_semaphore, #tpu.memory_space<semaphore_mem>>)
        %add3A_102 = arith.constant 2 : i32
        %add3A_103 = arith.addi %mul3A_69, %add3A_102 : i32
        %dma_start3A_104 = arith.constant 0 : i32
        %dma_start3A_105 = arith.constant 0 : i32
        %dma_start3A_106 = arith.constant 0 : i32
        %dma_start3A_107 = tpu.memref_slice %arg9[%dma_start3A_104, %dma_start3A_105, %dma_start3A_106] : memref<2x1x80xi32, #tpu.memory_space<vmem>> -> memref<1x1x80xi32, #tpu.memory_space<vmem>>
        %dma_start3A_108 = tpu.memref_squeeze %dma_start3A_107 : memref<1x1x80xi32, #tpu.memory_space<vmem>> -> memref<1x80xi32, #tpu.memory_space<vmem>>
        %dma_start3A_109 = arith.constant 0 : i32
        %dma_start3A_110 = tpu.memref_slice %arg4[%arg1, %add3A_103, %dma_start3A_109] : memref<16x125x80xi32, #tpu.memory_space<hbm>> -> memref<1x1x80xi32, #tpu.memory_space<hbm>>
        %dma_start3A_111 = tpu.memref_squeeze %dma_start3A_110 : memref<1x1x80xi32, #tpu.memory_space<hbm>> -> memref<1x80xi32, #tpu.memory_space<hbm>>
        %dma_start3A_112 = arith.constant 0 : i32
        %dma_start3A_113 = arith.constant 0 : i32
        %dma_start3A_114 = tpu.memref_slice %arg9[%dma_start3A_104, %dma_start3A_112, %dma_start3A_113] : memref<2x1x80xi32, #tpu.memory_space<vmem>> -> memref<1x1x80xi32, #tpu.memory_space<vmem>>
        %dma_start3A_115 = tpu.memref_squeeze %dma_start3A_114 : memref<1x1x80xi32, #tpu.memory_space<vmem>> -> memref<1x80xi32, #tpu.memory_space<vmem>>
        %dma_start3A_116 = arith.constant 0 : i32
        %dma_start3A_117 = tpu.memref_slice %arg4[%arg1, %add3A_103, %dma_start3A_116] : memref<16x125x80xi32, #tpu.memory_space<hbm>> -> memref<1x1x80xi32, #tpu.memory_space<hbm>>
        %dma_start3A_118 = tpu.memref_squeeze %dma_start3A_117 : memref<1x1x80xi32, #tpu.memory_space<hbm>> -> memref<1x80xi32, #tpu.memory_space<hbm>>
        tpu.enqueue_dma source(%dma_start3A_118 : memref<1x80xi32, #tpu.memory_space<hbm>>) target(%dma_start3A_115 : memref<1x80xi32, #tpu.memory_space<vmem>>) target_semaphore(%arg16 : memref<!tpu.dma_semaphore, #tpu.memory_space<semaphore_mem>>)
        "tpu.region"() ({
          %run_scoped3A_172 = tpu.sem_alloc : memref<!tpu.dma_semaphore, #tpu.memory_space<semaphore_mem>>
          %dma_start3A_173 = arith.constant 0 : i32
          %dma_start3A_174 = tpu.memref_slice %arg10[%mul3A_69, %dma_start3A_173] : memref<125x80xi32, #tpu.memory_space<vmem>> -> memref<1x80xi32, #tpu.memory_space<vmem>>
          %dma_start3A_175 = tpu.memref_squeeze %dma_start3A_174 : memref<1x80xi32, #tpu.memory_space<vmem>> -> memref<80xi32, #tpu.memory_space<vmem>>
          %dma_start3A_176 = arith.constant 0 : i32
          %dma_start3A_177 = arith.constant 0 : i32
          %dma_start3A_178 = tpu.memref_slice %arg13[%dma_start3A_176, %dma_start3A_177] : memref<10240x128xf32, #tpu.memory_space<vmem_shared>> -> memref<10240x128xf32, #tpu.memory_space<vmem_shared>>
          tpu.enqueue_indirect_dma source(%arg11 : memref<80x128xf32, #tpu.memory_space<vmem>>) target(%dma_start3A_178 : memref<10240x128xf32, #tpu.memory_space<vmem_shared>>) offsets(%dma_start3A_175 : memref<80xi32, #tpu.memory_space<vmem>>) semaphore(%run_scoped3A_172 : memref<!tpu.dma_semaphore, #tpu.memory_space<semaphore_mem>>) {add = true}
          %dma_wait3A_179 = arith.constant 0 : i32
          %dma_wait3A_180 = tpu.memref_slice %arg10[%mul3A_69, %dma_wait3A_179] : memref<125x80xi32, #tpu.memory_space<vmem>> -> memref<1x80xi32, #tpu.memory_space<vmem>>
          %dma_wait3A_181 = tpu.memref_squeeze %dma_wait3A_180 : memref<1x80xi32, #tpu.memory_space<vmem>> -> memref<80xi32, #tpu.memory_space<vmem>>
          %dma_wait3A_182 = arith.constant 0 : i32
          %dma_wait3A_183 = arith.constant 0 : i32
          %dma_wait3A_184 = tpu.memref_slice %arg13[%dma_wait3A_182, %dma_wait3A_183] : memref<10240x128xf32, #tpu.memory_space<vmem_shared>> -> memref<10240x128xf32, #tpu.memory_space<vmem_shared>>
          tpu.wait_indirect_dma semaphore(%run_scoped3A_172 : memref<!tpu.dma_semaphore, #tpu.memory_space<semaphore_mem>>) src(%arg11 : memref<80x128xf32, #tpu.memory_space<vmem>>) dst(%dma_wait3A_184 : memref<10240x128xf32, #tpu.memory_space<vmem_shared>>)
          tpu.yield
        }) : () -> ()
        %add3A_119 = arith.constant 2 : i32
        %add3A_120 = arith.addi %mul3A_69, %add3A_119 : i32
        %dma_wait3A_121 = arith.constant 0 : i32
        %dma_wait3A_122 = arith.constant 0 : i32
        %dma_wait3A_123 = arith.constant 0 : i32
        %dma_wait3A_124 = tpu.memref_slice %arg9[%dma_wait3A_121, %dma_wait3A_122, %dma_wait3A_123] : memref<2x1x80xi32, #tpu.memory_space<vmem>> -> memref<1x1x80xi32, #tpu.memory_space<vmem>>
        %dma_wait3A_125 = tpu.memref_squeeze %dma_wait3A_124 : memref<1x1x80xi32, #tpu.memory_space<vmem>> -> memref<1x80xi32, #tpu.memory_space<vmem>>
        %dma_wait3A_126 = arith.constant 0 : i32
        %dma_wait3A_127 = tpu.memref_slice %arg4[%arg1, %add3A_120, %dma_wait3A_126] : memref<16x125x80xi32, #tpu.memory_space<hbm>> -> memref<1x1x80xi32, #tpu.memory_space<hbm>>
        %dma_wait3A_128 = tpu.memref_squeeze %dma_wait3A_127 : memref<1x1x80xi32, #tpu.memory_space<hbm>> -> memref<1x80xi32, #tpu.memory_space<hbm>>
        %dma_wait3A_129 = arith.constant 0 : i32
        %dma_wait3A_130 = arith.constant 0 : i32
        %dma_wait3A_131 = tpu.memref_slice %arg9[%dma_wait3A_121, %dma_wait3A_129, %dma_wait3A_130] : memref<2x1x80xi32, #tpu.memory_space<vmem>> -> memref<1x1x80xi32, #tpu.memory_space<vmem>>
        %dma_wait3A_132 = tpu.memref_squeeze %dma_wait3A_131 : memref<1x1x80xi32, #tpu.memory_space<vmem>> -> memref<1x80xi32, #tpu.memory_space<vmem>>
        %dma_wait3A_133 = arith.constant 0 : i32
        %dma_wait3A_134 = tpu.memref_slice %arg4[%arg1, %add3A_120, %dma_wait3A_133] : memref<16x125x80xi32, #tpu.memory_space<hbm>> -> memref<1x1x80xi32, #tpu.memory_space<hbm>>
        %dma_wait3A_135 = tpu.memref_squeeze %dma_wait3A_134 : memref<1x1x80xi32, #tpu.memory_space<hbm>> -> memref<1x80xi32, #tpu.memory_space<hbm>>
        tpu.wait_dma2 semaphore(%arg16 : memref<!tpu.dma_semaphore, #tpu.memory_space<semaphore_mem>>) src(%dma_wait3A_135 : memref<1x80xi32, #tpu.memory_space<hbm>>) dst(%dma_wait3A_132 : memref<1x80xi32, #tpu.memory_space<vmem>>)
        %dma_wait3A_136 = arith.constant 1 : i32
        %dma_wait3A_137 = arith.constant 0 : i32
        %dma_wait3A_138 = arith.constant 0 : i32
        %dma_wait3A_139 = tpu.memref_slice %arg9[%dma_wait3A_136, %dma_wait3A_137, %dma_wait3A_138] : memref<2x1x80xi32, #tpu.memory_space<vmem>> -> memref<1x1x80xi32, #tpu.memory_space<vmem>>
        %dma_wait3A_140 = tpu.memref_squeeze %dma_wait3A_139 : memref<1x1x80xi32, #tpu.memory_space<vmem>> -> memref<80xi32, #tpu.memory_space<vmem>>
        %dma_wait3A_141 = arith.constant 0 : i32
        %dma_wait3A_142 = arith.constant 0 : i32
        %dma_wait3A_143 = tpu.memref_slice %arg2[%dma_wait3A_141, %dma_wait3A_142] : memref<10000x128xf32, #tpu.memory_space<hbm>> -> memref<10000x128xf32, #tpu.memory_space<hbm>>
        tpu.wait_indirect_dma semaphore(%arg15 : memref<!tpu.dma_semaphore, #tpu.memory_space<semaphore_mem>>) src(%dma_wait3A_143 : memref<10000x128xf32, #tpu.memory_space<hbm>>) dst(%arg12 : memref<80x128xf32, #tpu.memory_space<vmem>>)
        %dma_start3A_144 = arith.constant 0 : i32
        %dma_start3A_145 = arith.constant 0 : i32
        %dma_start3A_146 = arith.constant 0 : i32
        %dma_start3A_147 = tpu.memref_slice %arg9[%dma_start3A_144, %dma_start3A_145, %dma_start3A_146] : memref<2x1x80xi32, #tpu.memory_space<vmem>> -> memref<1x1x80xi32, #tpu.memory_space<vmem>>
        %dma_start3A_148 = tpu.memref_squeeze %dma_start3A_147 : memref<1x1x80xi32, #tpu.memory_space<vmem>> -> memref<80xi32, #tpu.memory_space<vmem>>
        %dma_start3A_149 = arith.constant 0 : i32
        %dma_start3A_150 = arith.constant 0 : i32
        %dma_start3A_151 = tpu.memref_slice %arg2[%dma_start3A_149, %dma_start3A_150] : memref<10000x128xf32, #tpu.memory_space<hbm>> -> memref<10000x128xf32, #tpu.memory_space<hbm>>
        tpu.enqueue_indirect_dma source(%dma_start3A_151 : memref<10000x128xf32, #tpu.memory_space<hbm>>) target(%arg11 : memref<80x128xf32, #tpu.memory_space<vmem>>) offsets(%dma_start3A_148 : memref<80xi32, #tpu.memory_space<vmem>>) semaphore(%arg14 : memref<!tpu.dma_semaphore, #tpu.memory_space<semaphore_mem>>)
        %add3A_152 = arith.constant 3 : i32
        %add3A_153 = arith.addi %mul3A_69, %add3A_152 : i32
        %min3A = arith.constant 124 : i32
        %min3A_154 = arith.minsi %add3A_153, %min3A : i32
        %dma_start3A_155 = arith.constant 1 : i32
        %dma_start3A_156 = arith.constant 0 : i32
        %dma_start3A_157 = arith.constant 0 : i32
        %dma_start3A_158 = tpu.memref_slice %arg9[%dma_start3A_155, %dma_start3A_156, %dma_start3A_157] : memref<2x1x80xi32, #tpu.memory_space<vmem>> -> memref<1x1x80xi32, #tpu.memory_space<vmem>>
        %dma_start3A_159 = tpu.memref_squeeze %dma_start3A_158 : memref<1x1x80xi32, #tpu.memory_space<vmem>> -> memref<1x80xi32, #tpu.memory_space<vmem>>
        %dma_start3A_160 = arith.constant 0 : i32
        %dma_start3A_161 = tpu.memref_slice %arg4[%arg1, %min3A_154, %dma_start3A_160] : memref<16x125x80xi32, #tpu.memory_space<hbm>> -> memref<1x1x80xi32, #tpu.memory_space<hbm>>
        %dma_start3A_162 = tpu.memref_squeeze %dma_start3A_161 : memref<1x1x80xi32, #tpu.memory_space<hbm>> -> memref<1x80xi32, #tpu.memory_space<hbm>>
        %dma_start3A_163 = arith.constant 0 : i32
        %dma_start3A_164 = arith.constant 0 : i32
        %dma_start3A_165 = tpu.memref_slice %arg9[%dma_start3A_155, %dma_start3A_163, %dma_start3A_164] : memref<2x1x80xi32, #tpu.memory_space<vmem>> -> memref<1x1x80xi32, #tpu.memory_space<vmem>>
        %dma_start3A_166 = tpu.memref_squeeze %dma_start3A_165 : memref<1x1x80xi32, #tpu.memory_space<vmem>> -> memref<1x80xi32, #tpu.memory_space<vmem>>
        %dma_start3A_167 = arith.constant 0 : i32
        %dma_start3A_168 = tpu.memref_slice %arg4[%arg1, %min3A_154, %dma_start3A_167] : memref<16x125x80xi32, #tpu.memory_space<hbm>> -> memref<1x1x80xi32, #tpu.memory_space<hbm>>
        %dma_start3A_169 = tpu.memref_squeeze %dma_start3A_168 : memref<1x1x80xi32, #tpu.memory_space<hbm>> -> memref<1x80xi32, #tpu.memory_space<hbm>>
        tpu.enqueue_dma source(%dma_start3A_169 : memref<1x80xi32, #tpu.memory_space<hbm>>) target(%dma_start3A_166 : memref<1x80xi32, #tpu.memory_space<vmem>>) target_semaphore(%arg17 : memref<!tpu.dma_semaphore, #tpu.memory_space<semaphore_mem>>)
        %add3A_170 = arith.constant 1 : i32
        %add3A_171 = arith.addi %mul3A_69, %add3A_170 : i32
        "tpu.region"() ({
          %run_scoped3A_172 = tpu.sem_alloc : memref<!tpu.dma_semaphore, #tpu.memory_space<semaphore_mem>>
          %dma_start3A_173 = arith.constant 0 : i32
          %dma_start3A_174 = tpu.memref_slice %arg10[%add3A_171, %dma_start3A_173] : memref<125x80xi32, #tpu.memory_space<vmem>> -> memref<1x80xi32, #tpu.memory_space<vmem>>
          %dma_start3A_175 = tpu.memref_squeeze %dma_start3A_174 : memref<1x80xi32, #tpu.memory_space<vmem>> -> memref<80xi32, #tpu.memory_space<vmem>>
          %dma_start3A_176 = arith.constant 0 : i32
          %dma_start3A_177 = arith.constant 0 : i32
          %dma_start3A_178 = tpu.memref_slice %arg13[%dma_start3A_176, %dma_start3A_177] : memref<10240x128xf32, #tpu.memory_space<vmem_shared>> -> memref<10240x128xf32, #tpu.memory_space<vmem_shared>>
          tpu.enqueue_indirect_dma source(%arg12 : memref<80x128xf32, #tpu.memory_space<vmem>>) target(%dma_start3A_178 : memref<10240x128xf32, #tpu.memory_space<vmem_shared>>) offsets(%dma_start3A_175 : memref<80xi32, #tpu.memory_space<vmem>>) semaphore(%run_scoped3A_172 : memref<!tpu.dma_semaphore, #tpu.memory_space<semaphore_mem>>) {add = true}
          %dma_wait3A_179 = arith.constant 0 : i32
          %dma_wait3A_180 = tpu.memref_slice %arg10[%add3A_171, %dma_wait3A_179] : memref<125x80xi32, #tpu.memory_space<vmem>> -> memref<1x80xi32, #tpu.memory_space<vmem>>
          %dma_wait3A_181 = tpu.memref_squeeze %dma_wait3A_180 : memref<1x80xi32, #tpu.memory_space<vmem>> -> memref<80xi32, #tpu.memory_space<vmem>>
          %dma_wait3A_182 = arith.constant 0 : i32
          %dma_wait3A_183 = arith.constant 0 : i32
          %dma_wait3A_184 = tpu.memref_slice %arg13[%dma_wait3A_182, %dma_wait3A_183] : memref<10240x128xf32, #tpu.memory_space<vmem_shared>> -> memref<10240x128xf32, #tpu.memory_space<vmem_shared>>
          tpu.wait_indirect_dma semaphore(%run_scoped3A_172 : memref<!tpu.dma_semaphore, #tpu.memory_space<semaphore_mem>>) src(%arg12 : memref<80x128xf32, #tpu.memory_space<vmem>>) dst(%dma_wait3A_184 : memref<10240x128xf32, #tpu.memory_space<vmem_shared>>)
          tpu.yield
        }) : () -> ()
      }
      %scan3A_36 = arith.constant 62 : i32
      %dma_wait3A = arith.constant 1 : i32
      %dma_wait3A_37 = arith.constant 0 : i32
      %dma_wait3A_38 = arith.constant 0 : i32
      %dma_wait3A_39 = tpu.memref_slice %arg9[%dma_wait3A, %dma_wait3A_37, %dma_wait3A_38] : memref<2x1x80xi32, #tpu.memory_space<vmem>> -> memref<1x1x80xi32, #tpu.memory_space<vmem>>
      %dma_wait3A_40 = tpu.memref_squeeze %dma_wait3A_39 : memref<1x1x80xi32, #tpu.memory_space<vmem>> -> memref<1x80xi32, #tpu.memory_space<vmem>>
      %dma_wait3A_41 = arith.constant 124 : i32
      %dma_wait3A_42 = arith.constant 0 : i32
      %dma_wait3A_43 = tpu.memref_slice %arg4[%arg1, %dma_wait3A_41, %dma_wait3A_42] : memref<16x125x80xi32, #tpu.memory_space<hbm>> -> memref<1x1x80xi32, #tpu.memory_space<hbm>>
      %dma_wait3A_44 = tpu.memref_squeeze %dma_wait3A_43 : memref<1x1x80xi32, #tpu.memory_space<hbm>> -> memref<1x80xi32, #tpu.memory_space<hbm>>
      %dma_wait3A_45 = arith.constant 0 : i32
      %dma_wait3A_46 = arith.constant 0 : i32
      %dma_wait3A_47 = tpu.memref_slice %arg9[%dma_wait3A, %dma_wait3A_45, %dma_wait3A_46] : memref<2x1x80xi32, #tpu.memory_space<vmem>> -> memref<1x1x80xi32, #tpu.memory_space<vmem>>
      %dma_wait3A_48 = tpu.memref_squeeze %dma_wait3A_47 : memref<1x1x80xi32, #tpu.memory_space<vmem>> -> memref<1x80xi32, #tpu.memory_space<vmem>>
      %dma_wait3A_49 = arith.constant 124 : i32
      %dma_wait3A_50 = arith.constant 0 : i32
      %dma_wait3A_51 = tpu.memref_slice %arg4[%arg1, %dma_wait3A_49, %dma_wait3A_50] : memref<16x125x80xi32, #tpu.memory_space<hbm>> -> memref<1x1x80xi32, #tpu.memory_space<hbm>>
      %dma_wait3A_52 = tpu.memref_squeeze %dma_wait3A_51 : memref<1x1x80xi32, #tpu.memory_space<hbm>> -> memref<1x80xi32, #tpu.memory_space<hbm>>
      tpu.wait_dma2 semaphore(%arg17 : memref<!tpu.dma_semaphore, #tpu.memory_space<semaphore_mem>>) src(%dma_wait3A_52 : memref<1x80xi32, #tpu.memory_space<hbm>>) dst(%dma_wait3A_48 : memref<1x80xi32, #tpu.memory_space<vmem>>)
      %dma_wait3A_53 = arith.constant 0 : i32
      %dma_wait3A_54 = arith.constant 0 : i32
      %dma_wait3A_55 = arith.constant 0 : i32
      %dma_wait3A_56 = tpu.memref_slice %arg9[%dma_wait3A_53, %dma_wait3A_54, %dma_wait3A_55] : memref<2x1x80xi32, #tpu.memory_space<vmem>> -> memref<1x1x80xi32, #tpu.memory_space<vmem>>
      %dma_wait3A_57 = tpu.memref_squeeze %dma_wait3A_56 : memref<1x1x80xi32, #tpu.memory_space<vmem>> -> memref<80xi32, #tpu.memory_space<vmem>>
      %dma_wait3A_58 = arith.constant 0 : i32
      %dma_wait3A_59 = arith.constant 0 : i32
      %dma_wait3A_60 = tpu.memref_slice %arg2[%dma_wait3A_58, %dma_wait3A_59] : memref<10000x128xf32, #tpu.memory_space<hbm>> -> memref<10000x128xf32, #tpu.memory_space<hbm>>
      tpu.wait_indirect_dma semaphore(%arg14 : memref<!tpu.dma_semaphore, #tpu.memory_space<semaphore_mem>>) src(%dma_wait3A_60 : memref<10000x128xf32, #tpu.memory_space<hbm>>) dst(%arg11 : memref<80x128xf32, #tpu.memory_space<vmem>>)
      %run_scoped3A_61 = arith.constant 124 : i32
      "tpu.region"() ({
        %run_scoped3A_67 = tpu.sem_alloc : memref<!tpu.dma_semaphore, #tpu.memory_space<semaphore_mem>>
        %dma_start3A_68 = arith.constant 0 : i32
        %dma_start3A_69 = tpu.memref_slice %arg10[%run_scoped3A_61, %dma_start3A_68] : memref<125x80xi32, #tpu.memory_space<vmem>> -> memref<1x80xi32, #tpu.memory_space<vmem>>
        %dma_start3A_70 = tpu.memref_squeeze %dma_start3A_69 : memref<1x80xi32, #tpu.memory_space<vmem>> -> memref<80xi32, #tpu.memory_space<vmem>>
        %dma_start3A_71 = arith.constant 0 : i32
        %dma_start3A_72 = arith.constant 0 : i32
        %dma_start3A_73 = tpu.memref_slice %arg13[%dma_start3A_71, %dma_start3A_72] : memref<10240x128xf32, #tpu.memory_space<vmem_shared>> -> memref<10240x128xf32, #tpu.memory_space<vmem_shared>>
        tpu.enqueue_indirect_dma source(%arg11 : memref<80x128xf32, #tpu.memory_space<vmem>>) target(%dma_start3A_73 : memref<10240x128xf32, #tpu.memory_space<vmem_shared>>) offsets(%dma_start3A_70 : memref<80xi32, #tpu.memory_space<vmem>>) semaphore(%run_scoped3A_67 : memref<!tpu.dma_semaphore, #tpu.memory_space<semaphore_mem>>) {add = true}
        %dma_wait3A_74 = arith.constant 0 : i32
        %dma_wait3A_75 = tpu.memref_slice %arg10[%run_scoped3A_61, %dma_wait3A_74] : memref<125x80xi32, #tpu.memory_space<vmem>> -> memref<1x80xi32, #tpu.memory_space<vmem>>
        %dma_wait3A_76 = tpu.memref_squeeze %dma_wait3A_75 : memref<1x80xi32, #tpu.memory_space<vmem>> -> memref<80xi32, #tpu.memory_space<vmem>>
        %dma_wait3A_77 = arith.constant 0 : i32
        %dma_wait3A_78 = arith.constant 0 : i32
        %dma_wait3A_79 = tpu.memref_slice %arg13[%dma_wait3A_77, %dma_wait3A_78] : memref<10240x128xf32, #tpu.memory_space<vmem_shared>> -> memref<10240x128xf32, #tpu.memory_space<vmem_shared>>
        tpu.wait_indirect_dma semaphore(%run_scoped3A_67 : memref<!tpu.dma_semaphore, #tpu.memory_space<semaphore_mem>>) src(%arg11 : memref<80x128xf32, #tpu.memory_space<vmem>>) dst(%dma_wait3A_79 : memref<10240x128xf32, #tpu.memory_space<vmem_shared>>)
        tpu.yield
      }) : () -> ()
      %barrier3A_62 = arith.constant 0 : index
      tpu.barrier barrier_id(%barrier3A_62)
      %mul3A_63 = arith.constant 640 : i32
      %mul3A_64 = arith.muli %arg1, %mul3A_63 : i32
      %mul3A_65 = arith.constant 640 : i32
      %mul3A_66 = arith.muli %arg1, %mul3A_65 : i32
      "tpu.region"() ({
        %run_scoped3A_67 = tpu.sem_alloc : memref<!tpu.dma_semaphore, #tpu.memory_space<semaphore_mem>>
        %dma_start3A_68 = arith.constant 0 : i32
        %dma_start3A_69 = tpu.memref_slice %arg7[%mul3A_66, %dma_start3A_68] : memref<10240x128xf32, #tpu.memory_space<hbm>> -> memref<640x128xf32, #tpu.memory_space<hbm>>
        %dma_start3A_70 = arith.constant 0 : i32
        %dma_start3A_71 = tpu.memref_slice %arg13[%mul3A_64, %dma_start3A_70] : memref<10240x128xf32, #tpu.memory_space<vmem_shared>> -> memref<640x128xf32, #tpu.memory_space<vmem_shared>>
        tpu.enqueue_dma source(%dma_start3A_71 : memref<640x128xf32, #tpu.memory_space<vmem_shared>>) target(%dma_start3A_69 : memref<640x128xf32, #tpu.memory_space<hbm>>) target_semaphore(%run_scoped3A_67 : memref<!tpu.dma_semaphore, #tpu.memory_space<semaphore_mem>>)
        %dma_wait3A_72 = arith.constant 0 : i32
        %dma_wait3A_73 = tpu.memref_slice %arg7[%mul3A_66, %dma_wait3A_72] : memref<10240x128xf32, #tpu.memory_space<hbm>> -> memref<640x128xf32, #tpu.memory_space<hbm>>
        %dma_wait3A_74 = arith.constant 0 : i32
        %dma_wait3A_75 = tpu.memref_slice %arg13[%mul3A_64, %dma_wait3A_74] : memref<10240x128xf32, #tpu.memory_space<vmem_shared>> -> memref<640x128xf32, #tpu.memory_space<vmem_shared>>
        tpu.wait_dma2 semaphore(%run_scoped3A_67 : memref<!tpu.dma_semaphore, #tpu.memory_space<semaphore_mem>>) src(%dma_wait3A_75 : memref<640x128xf32, #tpu.memory_space<vmem_shared>>) dst(%dma_wait3A_73 : memref<640x128xf32, #tpu.memory_space<hbm>>)
        tpu.yield
      }) : () -> ()
    } else {
    }
    %eq3A_3 = arith.constant 1 : i32
    %eq3A_4 = arith.cmpi eq, %arg0, %eq3A_3 : i32
    %convert_element_type3A_5 = arith.extui %eq3A_4 : i1 to i32
    %cond3A_6 = arith.constant 0 : i32
    %cond3A_7 = arith.cmpi ne, %convert_element_type3A_5, %cond3A_6 : i32
    scf.if %cond3A_7 {
      %run_scoped3A = arith.constant 0 : i32
      "tpu.region"() ({
        %run_scoped3A_67 = tpu.sem_alloc : memref<!tpu.dma_semaphore, #tpu.memory_space<semaphore_mem>>
        %dma_start3A_68 = arith.constant 0 : i32
        %dma_start3A_69 = arith.constant 0 : i32
        %dma_start3A_70 = tpu.memref_slice %arg9[%run_scoped3A, %dma_start3A_68, %dma_start3A_69] : memref<2x1x80xi32, #tpu.memory_space<vmem>> -> memref<1x1x80xi32, #tpu.memory_space<vmem>>
        %dma_start3A_71 = tpu.memref_squeeze %dma_start3A_70 : memref<1x1x80xi32, #tpu.memory_space<vmem>> -> memref<1x80xi32, #tpu.memory_space<vmem>>
        %dma_start3A_72 = arith.constant 0 : i32
        %dma_start3A_73 = arith.constant 0 : i32
        %dma_start3A_74 = tpu.memref_slice %arg4[%arg1, %dma_start3A_72, %dma_start3A_73] : memref<16x125x80xi32, #tpu.memory_space<hbm>> -> memref<1x1x80xi32, #tpu.memory_space<hbm>>
        %dma_start3A_75 = tpu.memref_squeeze %dma_start3A_74 : memref<1x1x80xi32, #tpu.memory_space<hbm>> -> memref<1x80xi32, #tpu.memory_space<hbm>>
        %dma_start3A_76 = arith.constant 0 : i32
        %dma_start3A_77 = arith.constant 0 : i32
        %dma_start3A_78 = tpu.memref_slice %arg9[%run_scoped3A, %dma_start3A_76, %dma_start3A_77] : memref<2x1x80xi32, #tpu.memory_space<vmem>> -> memref<1x1x80xi32, #tpu.memory_space<vmem>>
        %dma_start3A_79 = tpu.memref_squeeze %dma_start3A_78 : memref<1x1x80xi32, #tpu.memory_space<vmem>> -> memref<1x80xi32, #tpu.memory_space<vmem>>
        %dma_start3A_80 = arith.constant 0 : i32
        %dma_start3A_81 = arith.constant 0 : i32
        %dma_start3A_82 = tpu.memref_slice %arg4[%arg1, %dma_start3A_80, %dma_start3A_81] : memref<16x125x80xi32, #tpu.memory_space<hbm>> -> memref<1x1x80xi32, #tpu.memory_space<hbm>>
        %dma_start3A_83 = tpu.memref_squeeze %dma_start3A_82 : memref<1x1x80xi32, #tpu.memory_space<hbm>> -> memref<1x80xi32, #tpu.memory_space<hbm>>
        tpu.enqueue_dma source(%dma_start3A_83 : memref<1x80xi32, #tpu.memory_space<hbm>>) target(%dma_start3A_79 : memref<1x80xi32, #tpu.memory_space<vmem>>) target_semaphore(%run_scoped3A_67 : memref<!tpu.dma_semaphore, #tpu.memory_space<semaphore_mem>>)
        %dma_wait3A_84 = arith.constant 0 : i32
        %dma_wait3A_85 = arith.constant 0 : i32
        %dma_wait3A_86 = tpu.memref_slice %arg9[%run_scoped3A, %dma_wait3A_84, %dma_wait3A_85] : memref<2x1x80xi32, #tpu.memory_space<vmem>> -> memref<1x1x80xi32, #tpu.memory_space<vmem>>
        %dma_wait3A_87 = tpu.memref_squeeze %dma_wait3A_86 : memref<1x1x80xi32, #tpu.memory_space<vmem>> -> memref<1x80xi32, #tpu.memory_space<vmem>>
        %dma_wait3A_88 = arith.constant 0 : i32
        %dma_wait3A_89 = arith.constant 0 : i32
        %dma_wait3A_90 = tpu.memref_slice %arg4[%arg1, %dma_wait3A_88, %dma_wait3A_89] : memref<16x125x80xi32, #tpu.memory_space<hbm>> -> memref<1x1x80xi32, #tpu.memory_space<hbm>>
        %dma_wait3A_91 = tpu.memref_squeeze %dma_wait3A_90 : memref<1x1x80xi32, #tpu.memory_space<hbm>> -> memref<1x80xi32, #tpu.memory_space<hbm>>
        %dma_wait3A_92 = arith.constant 0 : i32
        %dma_wait3A_93 = arith.constant 0 : i32
        %dma_wait3A_94 = tpu.memref_slice %arg9[%run_scoped3A, %dma_wait3A_92, %dma_wait3A_93] : memref<2x1x80xi32, #tpu.memory_space<vmem>> -> memref<1x1x80xi32, #tpu.memory_space<vmem>>
        %dma_wait3A_95 = tpu.memref_squeeze %dma_wait3A_94 : memref<1x1x80xi32, #tpu.memory_space<vmem>> -> memref<1x80xi32, #tpu.memory_space<vmem>>
        %dma_wait3A_96 = arith.constant 0 : i32
        %dma_wait3A_97 = arith.constant 0 : i32
        %dma_wait3A_98 = tpu.memref_slice %arg4[%arg1, %dma_wait3A_96, %dma_wait3A_97] : memref<16x125x80xi32, #tpu.memory_space<hbm>> -> memref<1x1x80xi32, #tpu.memory_space<hbm>>
        %dma_wait3A_99 = tpu.memref_squeeze %dma_wait3A_98 : memref<1x1x80xi32, #tpu.memory_space<hbm>> -> memref<1x80xi32, #tpu.memory_space<hbm>>
        tpu.wait_dma2 semaphore(%run_scoped3A_67 : memref<!tpu.dma_semaphore, #tpu.memory_space<semaphore_mem>>) src(%dma_wait3A_99 : memref<1x80xi32, #tpu.memory_space<hbm>>) dst(%dma_wait3A_95 : memref<1x80xi32, #tpu.memory_space<vmem>>)
        tpu.yield
      }) : () -> ()
      %dma_start3A = arith.constant 1 : i32
      %dma_start3A_8 = arith.constant 0 : i32
      %dma_start3A_9 = arith.constant 0 : i32
      %dma_start3A_10 = tpu.memref_slice %arg9[%dma_start3A, %dma_start3A_8, %dma_start3A_9] : memref<2x1x80xi32, #tpu.memory_space<vmem>> -> memref<1x1x80xi32, #tpu.memory_space<vmem>>
      %dma_start3A_11 = tpu.memref_squeeze %dma_start3A_10 : memref<1x1x80xi32, #tpu.memory_space<vmem>> -> memref<1x80xi32, #tpu.memory_space<vmem>>
      %dma_start3A_12 = arith.constant 1 : i32
      %dma_start3A_13 = arith.constant 0 : i32
      %dma_start3A_14 = tpu.memref_slice %arg4[%arg1, %dma_start3A_12, %dma_start3A_13] : memref<16x125x80xi32, #tpu.memory_space<hbm>> -> memref<1x1x80xi32, #tpu.memory_space<hbm>>
      %dma_start3A_15 = tpu.memref_squeeze %dma_start3A_14 : memref<1x1x80xi32, #tpu.memory_space<hbm>> -> memref<1x80xi32, #tpu.memory_space<hbm>>
      %dma_start3A_16 = arith.constant 0 : i32
      %dma_start3A_17 = arith.constant 0 : i32
      %dma_start3A_18 = tpu.memref_slice %arg9[%dma_start3A, %dma_start3A_16, %dma_start3A_17] : memref<2x1x80xi32, #tpu.memory_space<vmem>> -> memref<1x1x80xi32, #tpu.memory_space<vmem>>
      %dma_start3A_19 = tpu.memref_squeeze %dma_start3A_18 : memref<1x1x80xi32, #tpu.memory_space<vmem>> -> memref<1x80xi32, #tpu.memory_space<vmem>>
      %dma_start3A_20 = arith.constant 1 : i32
      %dma_start3A_21 = arith.constant 0 : i32
      %dma_start3A_22 = tpu.memref_slice %arg4[%arg1, %dma_start3A_20, %dma_start3A_21] : memref<16x125x80xi32, #tpu.memory_space<hbm>> -> memref<1x1x80xi32, #tpu.memory_space<hbm>>
      %dma_start3A_23 = tpu.memref_squeeze %dma_start3A_22 : memref<1x1x80xi32, #tpu.memory_space<hbm>> -> memref<1x80xi32, #tpu.memory_space<hbm>>
      tpu.enqueue_dma source(%dma_start3A_23 : memref<1x80xi32, #tpu.memory_space<hbm>>) target(%dma_start3A_19 : memref<1x80xi32, #tpu.memory_space<vmem>>) target_semaphore(%arg17 : memref<!tpu.dma_semaphore, #tpu.memory_space<semaphore_mem>>)
      %dma_start3A_24 = arith.constant 0 : i32
      %dma_start3A_25 = arith.constant 0 : i32
      %dma_start3A_26 = arith.constant 0 : i32
      %dma_start3A_27 = tpu.memref_slice %arg9[%dma_start3A_24, %dma_start3A_25, %dma_start3A_26] : memref<2x1x80xi32, #tpu.memory_space<vmem>> -> memref<1x1x80xi32, #tpu.memory_space<vmem>>
      %dma_start3A_28 = tpu.memref_squeeze %dma_start3A_27 : memref<1x1x80xi32, #tpu.memory_space<vmem>> -> memref<80xi32, #tpu.memory_space<vmem>>
      %dma_start3A_29 = arith.constant 0 : i32
      %dma_start3A_30 = arith.constant 0 : i32
      %dma_start3A_31 = tpu.memref_slice %arg3[%dma_start3A_29, %dma_start3A_30] : memref<10000x128xf32, #tpu.memory_space<hbm>> -> memref<10000x128xf32, #tpu.memory_space<hbm>>
      tpu.enqueue_indirect_dma source(%dma_start3A_31 : memref<10000x128xf32, #tpu.memory_space<hbm>>) target(%arg11 : memref<80x128xf32, #tpu.memory_space<vmem>>) offsets(%dma_start3A_28 : memref<80xi32, #tpu.memory_space<vmem>>) semaphore(%arg14 : memref<!tpu.dma_semaphore, #tpu.memory_space<semaphore_mem>>)
      %scan3A = arith.constant 0 : i32
      %scan3A_32 = arith.constant 0 : i32
      %scan3A_33 = arith.constant 62 : i32
      %scan3A_34 = arith.addi %scan3A_32, %scan3A_33 : i32
      %scan3A_35 = arith.constant 1 : i32
      scf.for %scan3A_67 = %scan3A_32 to %scan3A_34 step %scan3A_35  : i32 {
        %mul3A_68 = arith.constant 2 : i32
        %mul3A_69 = arith.muli %mul3A_68, %scan3A_67 : i32
        %add3A = arith.constant 1 : i32
        %add3A_70 = arith.addi %mul3A_69, %add3A : i32
        %dma_wait3A_71 = arith.constant 1 : i32
        %dma_wait3A_72 = arith.constant 0 : i32
        %dma_wait3A_73 = arith.constant 0 : i32
        %dma_wait3A_74 = tpu.memref_slice %arg9[%dma_wait3A_71, %dma_wait3A_72, %dma_wait3A_73] : memref<2x1x80xi32, #tpu.memory_space<vmem>> -> memref<1x1x80xi32, #tpu.memory_space<vmem>>
        %dma_wait3A_75 = tpu.memref_squeeze %dma_wait3A_74 : memref<1x1x80xi32, #tpu.memory_space<vmem>> -> memref<1x80xi32, #tpu.memory_space<vmem>>
        %dma_wait3A_76 = arith.constant 0 : i32
        %dma_wait3A_77 = tpu.memref_slice %arg4[%arg1, %add3A_70, %dma_wait3A_76] : memref<16x125x80xi32, #tpu.memory_space<hbm>> -> memref<1x1x80xi32, #tpu.memory_space<hbm>>
        %dma_wait3A_78 = tpu.memref_squeeze %dma_wait3A_77 : memref<1x1x80xi32, #tpu.memory_space<hbm>> -> memref<1x80xi32, #tpu.memory_space<hbm>>
        %dma_wait3A_79 = arith.constant 0 : i32
        %dma_wait3A_80 = arith.constant 0 : i32
        %dma_wait3A_81 = tpu.memref_slice %arg9[%dma_wait3A_71, %dma_wait3A_79, %dma_wait3A_80] : memref<2x1x80xi32, #tpu.memory_space<vmem>> -> memref<1x1x80xi32, #tpu.memory_space<vmem>>
        %dma_wait3A_82 = tpu.memref_squeeze %dma_wait3A_81 : memref<1x1x80xi32, #tpu.memory_space<vmem>> -> memref<1x80xi32, #tpu.memory_space<vmem>>
        %dma_wait3A_83 = arith.constant 0 : i32
        %dma_wait3A_84 = tpu.memref_slice %arg4[%arg1, %add3A_70, %dma_wait3A_83] : memref<16x125x80xi32, #tpu.memory_space<hbm>> -> memref<1x1x80xi32, #tpu.memory_space<hbm>>
        %dma_wait3A_85 = tpu.memref_squeeze %dma_wait3A_84 : memref<1x1x80xi32, #tpu.memory_space<hbm>> -> memref<1x80xi32, #tpu.memory_space<hbm>>
        tpu.wait_dma2 semaphore(%arg17 : memref<!tpu.dma_semaphore, #tpu.memory_space<semaphore_mem>>) src(%dma_wait3A_85 : memref<1x80xi32, #tpu.memory_space<hbm>>) dst(%dma_wait3A_82 : memref<1x80xi32, #tpu.memory_space<vmem>>)
        %dma_wait3A_86 = arith.constant 0 : i32
        %dma_wait3A_87 = arith.constant 0 : i32
        %dma_wait3A_88 = arith.constant 0 : i32
        %dma_wait3A_89 = tpu.memref_slice %arg9[%dma_wait3A_86, %dma_wait3A_87, %dma_wait3A_88] : memref<2x1x80xi32, #tpu.memory_space<vmem>> -> memref<1x1x80xi32, #tpu.memory_space<vmem>>
        %dma_wait3A_90 = tpu.memref_squeeze %dma_wait3A_89 : memref<1x1x80xi32, #tpu.memory_space<vmem>> -> memref<80xi32, #tpu.memory_space<vmem>>
        %dma_wait3A_91 = arith.constant 0 : i32
        %dma_wait3A_92 = arith.constant 0 : i32
        %dma_wait3A_93 = tpu.memref_slice %arg3[%dma_wait3A_91, %dma_wait3A_92] : memref<10000x128xf32, #tpu.memory_space<hbm>> -> memref<10000x128xf32, #tpu.memory_space<hbm>>
        tpu.wait_indirect_dma semaphore(%arg14 : memref<!tpu.dma_semaphore, #tpu.memory_space<semaphore_mem>>) src(%dma_wait3A_93 : memref<10000x128xf32, #tpu.memory_space<hbm>>) dst(%arg11 : memref<80x128xf32, #tpu.memory_space<vmem>>)
        %dma_start3A_94 = arith.constant 1 : i32
        %dma_start3A_95 = arith.constant 0 : i32
        %dma_start3A_96 = arith.constant 0 : i32
        %dma_start3A_97 = tpu.memref_slice %arg9[%dma_start3A_94, %dma_start3A_95, %dma_start3A_96] : memref<2x1x80xi32, #tpu.memory_space<vmem>> -> memref<1x1x80xi32, #tpu.memory_space<vmem>>
        %dma_start3A_98 = tpu.memref_squeeze %dma_start3A_97 : memref<1x1x80xi32, #tpu.memory_space<vmem>> -> memref<80xi32, #tpu.memory_space<vmem>>
        %dma_start3A_99 = arith.constant 0 : i32
        %dma_start3A_100 = arith.constant 0 : i32
        %dma_start3A_101 = tpu.memref_slice %arg3[%dma_start3A_99, %dma_start3A_100] : memref<10000x128xf32, #tpu.memory_space<hbm>> -> memref<10000x128xf32, #tpu.memory_space<hbm>>
        tpu.enqueue_indirect_dma source(%dma_start3A_101 : memref<10000x128xf32, #tpu.memory_space<hbm>>) target(%arg12 : memref<80x128xf32, #tpu.memory_space<vmem>>) offsets(%dma_start3A_98 : memref<80xi32, #tpu.memory_space<vmem>>) semaphore(%arg15 : memref<!tpu.dma_semaphore, #tpu.memory_space<semaphore_mem>>)
        %add3A_102 = arith.constant 2 : i32
        %add3A_103 = arith.addi %mul3A_69, %add3A_102 : i32
        %dma_start3A_104 = arith.constant 0 : i32
        %dma_start3A_105 = arith.constant 0 : i32
        %dma_start3A_106 = arith.constant 0 : i32
        %dma_start3A_107 = tpu.memref_slice %arg9[%dma_start3A_104, %dma_start3A_105, %dma_start3A_106] : memref<2x1x80xi32, #tpu.memory_space<vmem>> -> memref<1x1x80xi32, #tpu.memory_space<vmem>>
        %dma_start3A_108 = tpu.memref_squeeze %dma_start3A_107 : memref<1x1x80xi32, #tpu.memory_space<vmem>> -> memref<1x80xi32, #tpu.memory_space<vmem>>
        %dma_start3A_109 = arith.constant 0 : i32
        %dma_start3A_110 = tpu.memref_slice %arg4[%arg1, %add3A_103, %dma_start3A_109] : memref<16x125x80xi32, #tpu.memory_space<hbm>> -> memref<1x1x80xi32, #tpu.memory_space<hbm>>
        %dma_start3A_111 = tpu.memref_squeeze %dma_start3A_110 : memref<1x1x80xi32, #tpu.memory_space<hbm>> -> memref<1x80xi32, #tpu.memory_space<hbm>>
        %dma_start3A_112 = arith.constant 0 : i32
        %dma_start3A_113 = arith.constant 0 : i32
        %dma_start3A_114 = tpu.memref_slice %arg9[%dma_start3A_104, %dma_start3A_112, %dma_start3A_113] : memref<2x1x80xi32, #tpu.memory_space<vmem>> -> memref<1x1x80xi32, #tpu.memory_space<vmem>>
        %dma_start3A_115 = tpu.memref_squeeze %dma_start3A_114 : memref<1x1x80xi32, #tpu.memory_space<vmem>> -> memref<1x80xi32, #tpu.memory_space<vmem>>
        %dma_start3A_116 = arith.constant 0 : i32
        %dma_start3A_117 = tpu.memref_slice %arg4[%arg1, %add3A_103, %dma_start3A_116] : memref<16x125x80xi32, #tpu.memory_space<hbm>> -> memref<1x1x80xi32, #tpu.memory_space<hbm>>
        %dma_start3A_118 = tpu.memref_squeeze %dma_start3A_117 : memref<1x1x80xi32, #tpu.memory_space<hbm>> -> memref<1x80xi32, #tpu.memory_space<hbm>>
        tpu.enqueue_dma source(%dma_start3A_118 : memref<1x80xi32, #tpu.memory_space<hbm>>) target(%dma_start3A_115 : memref<1x80xi32, #tpu.memory_space<vmem>>) target_semaphore(%arg16 : memref<!tpu.dma_semaphore, #tpu.memory_space<semaphore_mem>>)
        "tpu.region"() ({
          %run_scoped3A_172 = tpu.sem_alloc : memref<!tpu.dma_semaphore, #tpu.memory_space<semaphore_mem>>
          %dma_start3A_173 = arith.constant 0 : i32
          %dma_start3A_174 = tpu.memref_slice %arg10[%mul3A_69, %dma_start3A_173] : memref<125x80xi32, #tpu.memory_space<vmem>> -> memref<1x80xi32, #tpu.memory_space<vmem>>
          %dma_start3A_175 = tpu.memref_squeeze %dma_start3A_174 : memref<1x80xi32, #tpu.memory_space<vmem>> -> memref<80xi32, #tpu.memory_space<vmem>>
          %dma_start3A_176 = arith.constant 0 : i32
          %dma_start3A_177 = arith.constant 0 : i32
          %dma_start3A_178 = tpu.memref_slice %arg13[%dma_start3A_176, %dma_start3A_177] : memref<10240x128xf32, #tpu.memory_space<vmem_shared>> -> memref<10240x128xf32, #tpu.memory_space<vmem_shared>>
          tpu.enqueue_indirect_dma source(%arg11 : memref<80x128xf32, #tpu.memory_space<vmem>>) target(%dma_start3A_178 : memref<10240x128xf32, #tpu.memory_space<vmem_shared>>) offsets(%dma_start3A_175 : memref<80xi32, #tpu.memory_space<vmem>>) semaphore(%run_scoped3A_172 : memref<!tpu.dma_semaphore, #tpu.memory_space<semaphore_mem>>) {add = true}
          %dma_wait3A_179 = arith.constant 0 : i32
          %dma_wait3A_180 = tpu.memref_slice %arg10[%mul3A_69, %dma_wait3A_179] : memref<125x80xi32, #tpu.memory_space<vmem>> -> memref<1x80xi32, #tpu.memory_space<vmem>>
          %dma_wait3A_181 = tpu.memref_squeeze %dma_wait3A_180 : memref<1x80xi32, #tpu.memory_space<vmem>> -> memref<80xi32, #tpu.memory_space<vmem>>
          %dma_wait3A_182 = arith.constant 0 : i32
          %dma_wait3A_183 = arith.constant 0 : i32
          %dma_wait3A_184 = tpu.memref_slice %arg13[%dma_wait3A_182, %dma_wait3A_183] : memref<10240x128xf32, #tpu.memory_space<vmem_shared>> -> memref<10240x128xf32, #tpu.memory_space<vmem_shared>>
          tpu.wait_indirect_dma semaphore(%run_scoped3A_172 : memref<!tpu.dma_semaphore, #tpu.memory_space<semaphore_mem>>) src(%arg11 : memref<80x128xf32, #tpu.memory_space<vmem>>) dst(%dma_wait3A_184 : memref<10240x128xf32, #tpu.memory_space<vmem_shared>>)
          tpu.yield
        }) : () -> ()
        %add3A_119 = arith.constant 2 : i32
        %add3A_120 = arith.addi %mul3A_69, %add3A_119 : i32
        %dma_wait3A_121 = arith.constant 0 : i32
        %dma_wait3A_122 = arith.constant 0 : i32
        %dma_wait3A_123 = arith.constant 0 : i32
        %dma_wait3A_124 = tpu.memref_slice %arg9[%dma_wait3A_121, %dma_wait3A_122, %dma_wait3A_123] : memref<2x1x80xi32, #tpu.memory_space<vmem>> -> memref<1x1x80xi32, #tpu.memory_space<vmem>>
        %dma_wait3A_125 = tpu.memref_squeeze %dma_wait3A_124 : memref<1x1x80xi32, #tpu.memory_space<vmem>> -> memref<1x80xi32, #tpu.memory_space<vmem>>
        %dma_wait3A_126 = arith.constant 0 : i32
        %dma_wait3A_127 = tpu.memref_slice %arg4[%arg1, %add3A_120, %dma_wait3A_126] : memref<16x125x80xi32, #tpu.memory_space<hbm>> -> memref<1x1x80xi32, #tpu.memory_space<hbm>>
        %dma_wait3A_128 = tpu.memref_squeeze %dma_wait3A_127 : memref<1x1x80xi32, #tpu.memory_space<hbm>> -> memref<1x80xi32, #tpu.memory_space<hbm>>
        %dma_wait3A_129 = arith.constant 0 : i32
        %dma_wait3A_130 = arith.constant 0 : i32
        %dma_wait3A_131 = tpu.memref_slice %arg9[%dma_wait3A_121, %dma_wait3A_129, %dma_wait3A_130] : memref<2x1x80xi32, #tpu.memory_space<vmem>> -> memref<1x1x80xi32, #tpu.memory_space<vmem>>
        %dma_wait3A_132 = tpu.memref_squeeze %dma_wait3A_131 : memref<1x1x80xi32, #tpu.memory_space<vmem>> -> memref<1x80xi32, #tpu.memory_space<vmem>>
        %dma_wait3A_133 = arith.constant 0 : i32
        %dma_wait3A_134 = tpu.memref_slice %arg4[%arg1, %add3A_120, %dma_wait3A_133] : memref<16x125x80xi32, #tpu.memory_space<hbm>> -> memref<1x1x80xi32, #tpu.memory_space<hbm>>
        %dma_wait3A_135 = tpu.memref_squeeze %dma_wait3A_134 : memref<1x1x80xi32, #tpu.memory_space<hbm>> -> memref<1x80xi32, #tpu.memory_space<hbm>>
        tpu.wait_dma2 semaphore(%arg16 : memref<!tpu.dma_semaphore, #tpu.memory_space<semaphore_mem>>) src(%dma_wait3A_135 : memref<1x80xi32, #tpu.memory_space<hbm>>) dst(%dma_wait3A_132 : memref<1x80xi32, #tpu.memory_space<vmem>>)
        %dma_wait3A_136 = arith.constant 1 : i32
        %dma_wait3A_137 = arith.constant 0 : i32
        %dma_wait3A_138 = arith.constant 0 : i32
        %dma_wait3A_139 = tpu.memref_slice %arg9[%dma_wait3A_136, %dma_wait3A_137, %dma_wait3A_138] : memref<2x1x80xi32, #tpu.memory_space<vmem>> -> memref<1x1x80xi32, #tpu.memory_space<vmem>>
        %dma_wait3A_140 = tpu.memref_squeeze %dma_wait3A_139 : memref<1x1x80xi32, #tpu.memory_space<vmem>> -> memref<80xi32, #tpu.memory_space<vmem>>
        %dma_wait3A_141 = arith.constant 0 : i32
        %dma_wait3A_142 = arith.constant 0 : i32
        %dma_wait3A_143 = tpu.memref_slice %arg3[%dma_wait3A_141, %dma_wait3A_142] : memref<10000x128xf32, #tpu.memory_space<hbm>> -> memref<10000x128xf32, #tpu.memory_space<hbm>>
        tpu.wait_indirect_dma semaphore(%arg15 : memref<!tpu.dma_semaphore, #tpu.memory_space<semaphore_mem>>) src(%dma_wait3A_143 : memref<10000x128xf32, #tpu.memory_space<hbm>>) dst(%arg12 : memref<80x128xf32, #tpu.memory_space<vmem>>)
        %dma_start3A_144 = arith.constant 0 : i32
        %dma_start3A_145 = arith.constant 0 : i32
        %dma_start3A_146 = arith.constant 0 : i32
        %dma_start3A_147 = tpu.memref_slice %arg9[%dma_start3A_144, %dma_start3A_145, %dma_start3A_146] : memref<2x1x80xi32, #tpu.memory_space<vmem>> -> memref<1x1x80xi32, #tpu.memory_space<vmem>>
        %dma_start3A_148 = tpu.memref_squeeze %dma_start3A_147 : memref<1x1x80xi32, #tpu.memory_space<vmem>> -> memref<80xi32, #tpu.memory_space<vmem>>
        %dma_start3A_149 = arith.constant 0 : i32
        %dma_start3A_150 = arith.constant 0 : i32
        %dma_start3A_151 = tpu.memref_slice %arg3[%dma_start3A_149, %dma_start3A_150] : memref<10000x128xf32, #tpu.memory_space<hbm>> -> memref<10000x128xf32, #tpu.memory_space<hbm>>
        tpu.enqueue_indirect_dma source(%dma_start3A_151 : memref<10000x128xf32, #tpu.memory_space<hbm>>) target(%arg11 : memref<80x128xf32, #tpu.memory_space<vmem>>) offsets(%dma_start3A_148 : memref<80xi32, #tpu.memory_space<vmem>>) semaphore(%arg14 : memref<!tpu.dma_semaphore, #tpu.memory_space<semaphore_mem>>)
        %add3A_152 = arith.constant 3 : i32
        %add3A_153 = arith.addi %mul3A_69, %add3A_152 : i32
        %min3A = arith.constant 124 : i32
        %min3A_154 = arith.minsi %add3A_153, %min3A : i32
        %dma_start3A_155 = arith.constant 1 : i32
        %dma_start3A_156 = arith.constant 0 : i32
        %dma_start3A_157 = arith.constant 0 : i32
        %dma_start3A_158 = tpu.memref_slice %arg9[%dma_start3A_155, %dma_start3A_156, %dma_start3A_157] : memref<2x1x80xi32, #tpu.memory_space<vmem>> -> memref<1x1x80xi32, #tpu.memory_space<vmem>>
        %dma_start3A_159 = tpu.memref_squeeze %dma_start3A_158 : memref<1x1x80xi32, #tpu.memory_space<vmem>> -> memref<1x80xi32, #tpu.memory_space<vmem>>
        %dma_start3A_160 = arith.constant 0 : i32
        %dma_start3A_161 = tpu.memref_slice %arg4[%arg1, %min3A_154, %dma_start3A_160] : memref<16x125x80xi32, #tpu.memory_space<hbm>> -> memref<1x1x80xi32, #tpu.memory_space<hbm>>
        %dma_start3A_162 = tpu.memref_squeeze %dma_start3A_161 : memref<1x1x80xi32, #tpu.memory_space<hbm>> -> memref<1x80xi32, #tpu.memory_space<hbm>>
        %dma_start3A_163 = arith.constant 0 : i32
        %dma_start3A_164 = arith.constant 0 : i32
        %dma_start3A_165 = tpu.memref_slice %arg9[%dma_start3A_155, %dma_start3A_163, %dma_start3A_164] : memref<2x1x80xi32, #tpu.memory_space<vmem>> -> memref<1x1x80xi32, #tpu.memory_space<vmem>>
        %dma_start3A_166 = tpu.memref_squeeze %dma_start3A_165 : memref<1x1x80xi32, #tpu.memory_space<vmem>> -> memref<1x80xi32, #tpu.memory_space<vmem>>
        %dma_start3A_167 = arith.constant 0 : i32
        %dma_start3A_168 = tpu.memref_slice %arg4[%arg1, %min3A_154, %dma_start3A_167] : memref<16x125x80xi32, #tpu.memory_space<hbm>> -> memref<1x1x80xi32, #tpu.memory_space<hbm>>
        %dma_start3A_169 = tpu.memref_squeeze %dma_start3A_168 : memref<1x1x80xi32, #tpu.memory_space<hbm>> -> memref<1x80xi32, #tpu.memory_space<hbm>>
        tpu.enqueue_dma source(%dma_start3A_169 : memref<1x80xi32, #tpu.memory_space<hbm>>) target(%dma_start3A_166 : memref<1x80xi32, #tpu.memory_space<vmem>>) target_semaphore(%arg17 : memref<!tpu.dma_semaphore, #tpu.memory_space<semaphore_mem>>)
        %add3A_170 = arith.constant 1 : i32
        %add3A_171 = arith.addi %mul3A_69, %add3A_170 : i32
        "tpu.region"() ({
          %run_scoped3A_172 = tpu.sem_alloc : memref<!tpu.dma_semaphore, #tpu.memory_space<semaphore_mem>>
          %dma_start3A_173 = arith.constant 0 : i32
          %dma_start3A_174 = tpu.memref_slice %arg10[%add3A_171, %dma_start3A_173] : memref<125x80xi32, #tpu.memory_space<vmem>> -> memref<1x80xi32, #tpu.memory_space<vmem>>
          %dma_start3A_175 = tpu.memref_squeeze %dma_start3A_174 : memref<1x80xi32, #tpu.memory_space<vmem>> -> memref<80xi32, #tpu.memory_space<vmem>>
          %dma_start3A_176 = arith.constant 0 : i32
          %dma_start3A_177 = arith.constant 0 : i32
          %dma_start3A_178 = tpu.memref_slice %arg13[%dma_start3A_176, %dma_start3A_177] : memref<10240x128xf32, #tpu.memory_space<vmem_shared>> -> memref<10240x128xf32, #tpu.memory_space<vmem_shared>>
          tpu.enqueue_indirect_dma source(%arg12 : memref<80x128xf32, #tpu.memory_space<vmem>>) target(%dma_start3A_178 : memref<10240x128xf32, #tpu.memory_space<vmem_shared>>) offsets(%dma_start3A_175 : memref<80xi32, #tpu.memory_space<vmem>>) semaphore(%run_scoped3A_172 : memref<!tpu.dma_semaphore, #tpu.memory_space<semaphore_mem>>) {add = true}
          %dma_wait3A_179 = arith.constant 0 : i32
          %dma_wait3A_180 = tpu.memref_slice %arg10[%add3A_171, %dma_wait3A_179] : memref<125x80xi32, #tpu.memory_space<vmem>> -> memref<1x80xi32, #tpu.memory_space<vmem>>
          %dma_wait3A_181 = tpu.memref_squeeze %dma_wait3A_180 : memref<1x80xi32, #tpu.memory_space<vmem>> -> memref<80xi32, #tpu.memory_space<vmem>>
          %dma_wait3A_182 = arith.constant 0 : i32
          %dma_wait3A_183 = arith.constant 0 : i32
          %dma_wait3A_184 = tpu.memref_slice %arg13[%dma_wait3A_182, %dma_wait3A_183] : memref<10240x128xf32, #tpu.memory_space<vmem_shared>> -> memref<10240x128xf32, #tpu.memory_space<vmem_shared>>
          tpu.wait_indirect_dma semaphore(%run_scoped3A_172 : memref<!tpu.dma_semaphore, #tpu.memory_space<semaphore_mem>>) src(%arg12 : memref<80x128xf32, #tpu.memory_space<vmem>>) dst(%dma_wait3A_184 : memref<10240x128xf32, #tpu.memory_space<vmem_shared>>)
          tpu.yield
        }) : () -> ()
      }
      %scan3A_36 = arith.constant 62 : i32
      %dma_wait3A = arith.constant 1 : i32
      %dma_wait3A_37 = arith.constant 0 : i32
      %dma_wait3A_38 = arith.constant 0 : i32
      %dma_wait3A_39 = tpu.memref_slice %arg9[%dma_wait3A, %dma_wait3A_37, %dma_wait3A_38] : memref<2x1x80xi32, #tpu.memory_space<vmem>> -> memref<1x1x80xi32, #tpu.memory_space<vmem>>
      %dma_wait3A_40 = tpu.memref_squeeze %dma_wait3A_39 : memref<1x1x80xi32, #tpu.memory_space<vmem>> -> memref<1x80xi32, #tpu.memory_space<vmem>>
      %dma_wait3A_41 = arith.constant 124 : i32
      %dma_wait3A_42 = arith.constant 0 : i32
      %dma_wait3A_43 = tpu.memref_slice %arg4[%arg1, %dma_wait3A_41, %dma_wait3A_42] : memref<16x125x80xi32, #tpu.memory_space<hbm>> -> memref<1x1x80xi32, #tpu.memory_space<hbm>>
      %dma_wait3A_44 = tpu.memref_squeeze %dma_wait3A_43 : memref<1x1x80xi32, #tpu.memory_space<hbm>> -> memref<1x80xi32, #tpu.memory_space<hbm>>
      %dma_wait3A_45 = arith.constant 0 : i32
      %dma_wait3A_46 = arith.constant 0 : i32
      %dma_wait3A_47 = tpu.memref_slice %arg9[%dma_wait3A, %dma_wait3A_45, %dma_wait3A_46] : memref<2x1x80xi32, #tpu.memory_space<vmem>> -> memref<1x1x80xi32, #tpu.memory_space<vmem>>
      %dma_wait3A_48 = tpu.memref_squeeze %dma_wait3A_47 : memref<1x1x80xi32, #tpu.memory_space<vmem>> -> memref<1x80xi32, #tpu.memory_space<vmem>>
      %dma_wait3A_49 = arith.constant 124 : i32
      %dma_wait3A_50 = arith.constant 0 : i32
      %dma_wait3A_51 = tpu.memref_slice %arg4[%arg1, %dma_wait3A_49, %dma_wait3A_50] : memref<16x125x80xi32, #tpu.memory_space<hbm>> -> memref<1x1x80xi32, #tpu.memory_space<hbm>>
      %dma_wait3A_52 = tpu.memref_squeeze %dma_wait3A_51 : memref<1x1x80xi32, #tpu.memory_space<hbm>> -> memref<1x80xi32, #tpu.memory_space<hbm>>
      tpu.wait_dma2 semaphore(%arg17 : memref<!tpu.dma_semaphore, #tpu.memory_space<semaphore_mem>>) src(%dma_wait3A_52 : memref<1x80xi32, #tpu.memory_space<hbm>>) dst(%dma_wait3A_48 : memref<1x80xi32, #tpu.memory_space<vmem>>)
      %dma_wait3A_53 = arith.constant 0 : i32
      %dma_wait3A_54 = arith.constant 0 : i32
      %dma_wait3A_55 = arith.constant 0 : i32
      %dma_wait3A_56 = tpu.memref_slice %arg9[%dma_wait3A_53, %dma_wait3A_54, %dma_wait3A_55] : memref<2x1x80xi32, #tpu.memory_space<vmem>> -> memref<1x1x80xi32, #tpu.memory_space<vmem>>
      %dma_wait3A_57 = tpu.memref_squeeze %dma_wait3A_56 : memref<1x1x80xi32, #tpu.memory_space<vmem>> -> memref<80xi32, #tpu.memory_space<vmem>>
      %dma_wait3A_58 = arith.constant 0 : i32
      %dma_wait3A_59 = arith.constant 0 : i32
      %dma_wait3A_60 = tpu.memref_slice %arg3[%dma_wait3A_58, %dma_wait3A_59] : memref<10000x128xf32, #tpu.memory_space<hbm>> -> memref<10000x128xf32, #tpu.memory_space<hbm>>
      tpu.wait_indirect_dma semaphore(%arg14 : memref<!tpu.dma_semaphore, #tpu.memory_space<semaphore_mem>>) src(%dma_wait3A_60 : memref<10000x128xf32, #tpu.memory_space<hbm>>) dst(%arg11 : memref<80x128xf32, #tpu.memory_space<vmem>>)
      %run_scoped3A_61 = arith.constant 124 : i32
      "tpu.region"() ({
        %run_scoped3A_67 = tpu.sem_alloc : memref<!tpu.dma_semaphore, #tpu.memory_space<semaphore_mem>>
        %dma_start3A_68 = arith.constant 0 : i32
        %dma_start3A_69 = tpu.memref_slice %arg10[%run_scoped3A_61, %dma_start3A_68] : memref<125x80xi32, #tpu.memory_space<vmem>> -> memref<1x80xi32, #tpu.memory_space<vmem>>
        %dma_start3A_70 = tpu.memref_squeeze %dma_start3A_69 : memref<1x80xi32, #tpu.memory_space<vmem>> -> memref<80xi32, #tpu.memory_space<vmem>>
        %dma_start3A_71 = arith.constant 0 : i32
        %dma_start3A_72 = arith.constant 0 : i32
        %dma_start3A_73 = tpu.memref_slice %arg13[%dma_start3A_71, %dma_start3A_72] : memref<10240x128xf32, #tpu.memory_space<vmem_shared>> -> memref<10240x128xf32, #tpu.memory_space<vmem_shared>>
        tpu.enqueue_indirect_dma source(%arg11 : memref<80x128xf32, #tpu.memory_space<vmem>>) target(%dma_start3A_73 : memref<10240x128xf32, #tpu.memory_space<vmem_shared>>) offsets(%dma_start3A_70 : memref<80xi32, #tpu.memory_space<vmem>>) semaphore(%run_scoped3A_67 : memref<!tpu.dma_semaphore, #tpu.memory_space<semaphore_mem>>) {add = true}
        %dma_wait3A_74 = arith.constant 0 : i32
        %dma_wait3A_75 = tpu.memref_slice %arg10[%run_scoped3A_61, %dma_wait3A_74] : memref<125x80xi32, #tpu.memory_space<vmem>> -> memref<1x80xi32, #tpu.memory_space<vmem>>
        %dma_wait3A_76 = tpu.memref_squeeze %dma_wait3A_75 : memref<1x80xi32, #tpu.memory_space<vmem>> -> memref<80xi32, #tpu.memory_space<vmem>>
        %dma_wait3A_77 = arith.constant 0 : i32
        %dma_wait3A_78 = arith.constant 0 : i32
        %dma_wait3A_79 = tpu.memref_slice %arg13[%dma_wait3A_77, %dma_wait3A_78] : memref<10240x128xf32, #tpu.memory_space<vmem_shared>> -> memref<10240x128xf32, #tpu.memory_space<vmem_shared>>
        tpu.wait_indirect_dma semaphore(%run_scoped3A_67 : memref<!tpu.dma_semaphore, #tpu.memory_space<semaphore_mem>>) src(%arg11 : memref<80x128xf32, #tpu.memory_space<vmem>>) dst(%dma_wait3A_79 : memref<10240x128xf32, #tpu.memory_space<vmem_shared>>)
        tpu.yield
      }) : () -> ()
      %barrier3A_62 = arith.constant 0 : index
      tpu.barrier barrier_id(%barrier3A_62)
      %mul3A_63 = arith.constant 640 : i32
      %mul3A_64 = arith.muli %arg1, %mul3A_63 : i32
      %mul3A_65 = arith.constant 640 : i32
      %mul3A_66 = arith.muli %arg1, %mul3A_65 : i32
      "tpu.region"() ({
        %run_scoped3A_67 = tpu.sem_alloc : memref<!tpu.dma_semaphore, #tpu.memory_space<semaphore_mem>>
        %dma_start3A_68 = arith.constant 0 : i32
        %dma_start3A_69 = tpu.memref_slice %arg8[%mul3A_66, %dma_start3A_68] : memref<10240x128xf32, #tpu.memory_space<hbm>> -> memref<640x128xf32, #tpu.memory_space<hbm>>
        %dma_start3A_70 = arith.constant 0 : i32
        %dma_start3A_71 = tpu.memref_slice %arg13[%mul3A_64, %dma_start3A_70] : memref<10240x128xf32, #tpu.memory_space<vmem_shared>> -> memref<640x128xf32, #tpu.memory_space<vmem_shared>>
        tpu.enqueue_dma source(%dma_start3A_71 : memref<640x128xf32, #tpu.memory_space<vmem_shared>>) target(%dma_start3A_69 : memref<640x128xf32, #tpu.memory_space<hbm>>) target_semaphore(%run_scoped3A_67 : memref<!tpu.dma_semaphore, #tpu.memory_space<semaphore_mem>>)
        %dma_wait3A_72 = arith.constant 0 : i32
        %dma_wait3A_73 = tpu.memref_slice %arg8[%mul3A_66, %dma_wait3A_72] : memref<10240x128xf32, #tpu.memory_space<hbm>> -> memref<640x128xf32, #tpu.memory_space<hbm>>
        %dma_wait3A_74 = arith.constant 0 : i32
        %dma_wait3A_75 = tpu.memref_slice %arg13[%mul3A_64, %dma_wait3A_74] : memref<10240x128xf32, #tpu.memory_space<vmem_shared>> -> memref<640x128xf32, #tpu.memory_space<vmem_shared>>
        tpu.wait_dma2 semaphore(%run_scoped3A_67 : memref<!tpu.dma_semaphore, #tpu.memory_space<semaphore_mem>>) src(%dma_wait3A_75 : memref<640x128xf32, #tpu.memory_space<vmem_shared>>) dst(%dma_wait3A_73 : memref<640x128xf32, #tpu.memory_space<hbm>>)
        tpu.yield
      }) : () -> ()
    } else {
    }
    return
  }
}

#map = affine_map<(d0, d1) -> (0, 0)>
#map1 = affine_map<(d0, d1) -> (0, 0, 0)>
module attributes {stable_mosaic.version = 14 : i64} {
  func.func @_sc_segsum(%arg0: i32, %arg1: i32, %arg2: memref<10000x128xf32, #tpu.memory_space<hbm>>, %arg3: memref<10000x128xf32, #tpu.memory_space<hbm>>, %arg4: memref<16x125x80xi32, #tpu.memory_space<hbm>>, %arg5: memref<16x125x80xi32, #tpu.memory_space<hbm>>, %arg6: memref<640x128xf32, #tpu.memory_space<hbm>>, %arg7: memref<10240x128xf32, #tpu.memory_space<hbm>>, %arg8: memref<10240x128xf32, #tpu.memory_space<hbm>>, %arg9: memref<2x1x80xi32, #tpu.memory_space<vmem>>, %arg10: memref<125x80xi32, #tpu.memory_space<vmem>>, %arg11: memref<80x128xf32, #tpu.memory_space<vmem>>, %arg12: memref<80x128xf32, #tpu.memory_space<vmem>>, %arg13: memref<10240x128xf32, #tpu.memory_space<vmem_shared>>, %arg14: memref<!tpu.dma_semaphore, #tpu.memory_space<semaphore_mem>>, %arg15: memref<!tpu.dma_semaphore, #tpu.memory_space<semaphore_mem>>, %arg16: memref<!tpu.dma_semaphore, #tpu.memory_space<semaphore_mem>>, %arg17: memref<!tpu.dma_semaphore, #tpu.memory_space<semaphore_mem>>) attributes {dimension_semantics = [#tpu.dimension_semantics<core_parallel>, #tpu.dimension_semantics<subcore_parallel>], iteration_bounds = array<i64: 2, 16>, scalar_prefetch = 0 : i64, scratch_operands = 9 : i64, tpu.core_type = #tpu.core_type<sc_vector_subcore>, window_params = [{transform_indices = #map}, {transform_indices = #map}, {transform_indices = #map1}, {transform_indices = #map1}, {transform_indices = #map}, {transform_indices = #map}, {transform_indices = #map}]} {
    %mul3A = arith.constant 640 : i32
    %mul3A_0 = arith.muli %arg1, %mul3A : i32
    "tpu.region"() ({
      %run_scoped3A = tpu.sem_alloc : memref<!tpu.dma_semaphore, #tpu.memory_space<semaphore_mem>>
      %dma_start3A = arith.constant 0 : i32
      %dma_start3A_8 = tpu.memref_slice %arg13[%mul3A_0, %dma_start3A] : memref<10240x128xf32, #tpu.memory_space<vmem_shared>> -> memref<640x128xf32, #tpu.memory_space<vmem_shared>>
      tpu.enqueue_dma source(%arg6 : memref<640x128xf32, #tpu.memory_space<hbm>>) target(%dma_start3A_8 : memref<640x128xf32, #tpu.memory_space<vmem_shared>>) target_semaphore(%run_scoped3A : memref<!tpu.dma_semaphore, #tpu.memory_space<semaphore_mem>>)
      %dma_wait3A = arith.constant 0 : i32
      %dma_wait3A_9 = tpu.memref_slice %arg13[%mul3A_0, %dma_wait3A] : memref<10240x128xf32, #tpu.memory_space<vmem_shared>> -> memref<640x128xf32, #tpu.memory_space<vmem_shared>>
      tpu.wait_dma2 semaphore(%run_scoped3A : memref<!tpu.dma_semaphore, #tpu.memory_space<semaphore_mem>>) src(%arg6 : memref<640x128xf32, #tpu.memory_space<hbm>>) dst(%dma_wait3A_9 : memref<640x128xf32, #tpu.memory_space<vmem_shared>>)
      tpu.yield
    }) : () -> ()
    "tpu.region"() ({
      %run_scoped3A = tpu.sem_alloc : memref<!tpu.dma_semaphore, #tpu.memory_space<semaphore_mem>>
      %dma_start3A = arith.constant 0 : i32
      %dma_start3A_8 = arith.constant 0 : i32
      %dma_start3A_9 = tpu.memref_slice %arg5[%arg1, %dma_start3A, %dma_start3A_8] : memref<16x125x80xi32, #tpu.memory_space<hbm>> -> memref<1x125x80xi32, #tpu.memory_space<hbm>>
      %dma_start3A_10 = tpu.memref_squeeze %dma_start3A_9 : memref<1x125x80xi32, #tpu.memory_space<hbm>> -> memref<125x80xi32, #tpu.memory_space<hbm>>
      %dma_start3A_11 = arith.constant 0 : i32
      %dma_start3A_12 = arith.constant 0 : i32
      %dma_start3A_13 = tpu.memref_slice %arg5[%arg1, %dma_start3A_11, %dma_start3A_12] : memref<16x125x80xi32, #tpu.memory_space<hbm>> -> memref<1x125x80xi32, #tpu.memory_space<hbm>>
      %dma_start3A_14 = tpu.memref_squeeze %dma_start3A_13 : memref<1x125x80xi32, #tpu.memory_space<hbm>> -> memref<125x80xi32, #tpu.memory_space<hbm>>
      tpu.enqueue_dma source(%dma_start3A_14 : memref<125x80xi32, #tpu.memory_space<hbm>>) target(%arg10 : memref<125x80xi32, #tpu.memory_space<vmem>>) target_semaphore(%run_scoped3A : memref<!tpu.dma_semaphore, #tpu.memory_space<semaphore_mem>>)
      %dma_wait3A = arith.constant 0 : i32
      %dma_wait3A_15 = arith.constant 0 : i32
      %dma_wait3A_16 = tpu.memref_slice %arg5[%arg1, %dma_wait3A, %dma_wait3A_15] : memref<16x125x80xi32, #tpu.memory_space<hbm>> -> memref<1x125x80xi32, #tpu.memory_space<hbm>>
      %dma_wait3A_17 = tpu.memref_squeeze %dma_wait3A_16 : memref<1x125x80xi32, #tpu.memory_space<hbm>> -> memref<125x80xi32, #tpu.memory_space<hbm>>
      %dma_wait3A_18 = arith.constant 0 : i32
      %dma_wait3A_19 = arith.constant 0 : i32
      %dma_wait3A_20 = tpu.memref_slice %arg5[%arg1, %dma_wait3A_18, %dma_wait3A_19] : memref<16x125x80xi32, #tpu.memory_space<hbm>> -> memref<1x125x80xi32, #tpu.memory_space<hbm>>
      %dma_wait3A_21 = tpu.memref_squeeze %dma_wait3A_20 : memref<1x125x80xi32, #tpu.memory_space<hbm>> -> memref<125x80xi32, #tpu.memory_space<hbm>>
      tpu.wait_dma2 semaphore(%run_scoped3A : memref<!tpu.dma_semaphore, #tpu.memory_space<semaphore_mem>>) src(%dma_wait3A_21 : memref<125x80xi32, #tpu.memory_space<hbm>>) dst(%arg10 : memref<125x80xi32, #tpu.memory_space<vmem>>)
      tpu.yield
    }) : () -> ()
    %barrier3A = arith.constant 0 : index
    tpu.barrier barrier_id(%barrier3A)
    %eq3A = arith.constant 0 : i32
    %eq3A_1 = arith.cmpi eq, %arg0, %eq3A : i32
    %convert_element_type3A = arith.extui %eq3A_1 : i1 to i32
    %cond3A = arith.constant 0 : i32
    %cond3A_2 = arith.cmpi ne, %convert_element_type3A, %cond3A : i32
    scf.if %cond3A_2 {
      %run_scoped3A = arith.constant 0 : i32
      "tpu.region"() ({
        %run_scoped3A_67 = tpu.sem_alloc : memref<!tpu.dma_semaphore, #tpu.memory_space<semaphore_mem>>
        %dma_start3A_68 = arith.constant 0 : i32
        %dma_start3A_69 = arith.constant 0 : i32
        %dma_start3A_70 = tpu.memref_slice %arg9[%run_scoped3A, %dma_start3A_68, %dma_start3A_69] : memref<2x1x80xi32, #tpu.memory_space<vmem>> -> memref<1x1x80xi32, #tpu.memory_space<vmem>>
        %dma_start3A_71 = tpu.memref_squeeze %dma_start3A_70 : memref<1x1x80xi32, #tpu.memory_space<vmem>> -> memref<1x80xi32, #tpu.memory_space<vmem>>
        %dma_start3A_72 = arith.constant 0 : i32
        %dma_start3A_73 = arith.constant 0 : i32
        %dma_start3A_74 = tpu.memref_slice %arg4[%arg1, %dma_start3A_72, %dma_start3A_73] : memref<16x125x80xi32, #tpu.memory_space<hbm>> -> memref<1x1x80xi32, #tpu.memory_space<hbm>>
        %dma_start3A_75 = tpu.memref_squeeze %dma_start3A_74 : memref<1x1x80xi32, #tpu.memory_space<hbm>> -> memref<1x80xi32, #tpu.memory_space<hbm>>
        %dma_start3A_76 = arith.constant 0 : i32
        %dma_start3A_77 = arith.constant 0 : i32
        %dma_start3A_78 = tpu.memref_slice %arg9[%run_scoped3A, %dma_start3A_76, %dma_start3A_77] : memref<2x1x80xi32, #tpu.memory_space<vmem>> -> memref<1x1x80xi32, #tpu.memory_space<vmem>>
        %dma_start3A_79 = tpu.memref_squeeze %dma_start3A_78 : memref<1x1x80xi32, #tpu.memory_space<vmem>> -> memref<1x80xi32, #tpu.memory_space<vmem>>
        %dma_start3A_80 = arith.constant 0 : i32
        %dma_start3A_81 = arith.constant 0 : i32
        %dma_start3A_82 = tpu.memref_slice %arg4[%arg1, %dma_start3A_80, %dma_start3A_81] : memref<16x125x80xi32, #tpu.memory_space<hbm>> -> memref<1x1x80xi32, #tpu.memory_space<hbm>>
        %dma_start3A_83 = tpu.memref_squeeze %dma_start3A_82 : memref<1x1x80xi32, #tpu.memory_space<hbm>> -> memref<1x80xi32, #tpu.memory_space<hbm>>
        tpu.enqueue_dma source(%dma_start3A_83 : memref<1x80xi32, #tpu.memory_space<hbm>>) target(%dma_start3A_79 : memref<1x80xi32, #tpu.memory_space<vmem>>) target_semaphore(%run_scoped3A_67 : memref<!tpu.dma_semaphore, #tpu.memory_space<semaphore_mem>>)
        %dma_wait3A_84 = arith.constant 0 : i32
        %dma_wait3A_85 = arith.constant 0 : i32
        %dma_wait3A_86 = tpu.memref_slice %arg9[%run_scoped3A, %dma_wait3A_84, %dma_wait3A_85] : memref<2x1x80xi32, #tpu.memory_space<vmem>> -> memref<1x1x80xi32, #tpu.memory_space<vmem>>
        %dma_wait3A_87 = tpu.memref_squeeze %dma_wait3A_86 : memref<1x1x80xi32, #tpu.memory_space<vmem>> -> memref<1x80xi32, #tpu.memory_space<vmem>>
        %dma_wait3A_88 = arith.constant 0 : i32
        %dma_wait3A_89 = arith.constant 0 : i32
        %dma_wait3A_90 = tpu.memref_slice %arg4[%arg1, %dma_wait3A_88, %dma_wait3A_89] : memref<16x125x80xi32, #tpu.memory_space<hbm>> -> memref<1x1x80xi32, #tpu.memory_space<hbm>>
        %dma_wait3A_91 = tpu.memref_squeeze %dma_wait3A_90 : memref<1x1x80xi32, #tpu.memory_space<hbm>> -> memref<1x80xi32, #tpu.memory_space<hbm>>
        %dma_wait3A_92 = arith.constant 0 : i32
        %dma_wait3A_93 = arith.constant 0 : i32
        %dma_wait3A_94 = tpu.memref_slice %arg9[%run_scoped3A, %dma_wait3A_92, %dma_wait3A_93] : memref<2x1x80xi32, #tpu.memory_space<vmem>> -> memref<1x1x80xi32, #tpu.memory_space<vmem>>
        %dma_wait3A_95 = tpu.memref_squeeze %dma_wait3A_94 : memref<1x1x80xi32, #tpu.memory_space<vmem>> -> memref<1x80xi32, #tpu.memory_space<vmem>>
        %dma_wait3A_96 = arith.constant 0 : i32
        %dma_wait3A_97 = arith.constant 0 : i32
        %dma_wait3A_98 = tpu.memref_slice %arg4[%arg1, %dma_wait3A_96, %dma_wait3A_97] : memref<16x125x80xi32, #tpu.memory_space<hbm>> -> memref<1x1x80xi32, #tpu.memory_space<hbm>>
        %dma_wait3A_99 = tpu.memref_squeeze %dma_wait3A_98 : memref<1x1x80xi32, #tpu.memory_space<hbm>> -> memref<1x80xi32, #tpu.memory_space<hbm>>
        tpu.wait_dma2 semaphore(%run_scoped3A_67 : memref<!tpu.dma_semaphore, #tpu.memory_space<semaphore_mem>>) src(%dma_wait3A_99 : memref<1x80xi32, #tpu.memory_space<hbm>>) dst(%dma_wait3A_95 : memref<1x80xi32, #tpu.memory_space<vmem>>)
        tpu.yield
      }) : () -> ()
      %dma_start3A = arith.constant 1 : i32
      %dma_start3A_8 = arith.constant 0 : i32
      %dma_start3A_9 = arith.constant 0 : i32
      %dma_start3A_10 = tpu.memref_slice %arg9[%dma_start3A, %dma_start3A_8, %dma_start3A_9] : memref<2x1x80xi32, #tpu.memory_space<vmem>> -> memref<1x1x80xi32, #tpu.memory_space<vmem>>
      %dma_start3A_11 = tpu.memref_squeeze %dma_start3A_10 : memref<1x1x80xi32, #tpu.memory_space<vmem>> -> memref<1x80xi32, #tpu.memory_space<vmem>>
      %dma_start3A_12 = arith.constant 1 : i32
      %dma_start3A_13 = arith.constant 0 : i32
      %dma_start3A_14 = tpu.memref_slice %arg4[%arg1, %dma_start3A_12, %dma_start3A_13] : memref<16x125x80xi32, #tpu.memory_space<hbm>> -> memref<1x1x80xi32, #tpu.memory_space<hbm>>
      %dma_start3A_15 = tpu.memref_squeeze %dma_start3A_14 : memref<1x1x80xi32, #tpu.memory_space<hbm>> -> memref<1x80xi32, #tpu.memory_space<hbm>>
      %dma_start3A_16 = arith.constant 0 : i32
      %dma_start3A_17 = arith.constant 0 : i32
      %dma_start3A_18 = tpu.memref_slice %arg9[%dma_start3A, %dma_start3A_16, %dma_start3A_17] : memref<2x1x80xi32, #tpu.memory_space<vmem>> -> memref<1x1x80xi32, #tpu.memory_space<vmem>>
      %dma_start3A_19 = tpu.memref_squeeze %dma_start3A_18 : memref<1x1x80xi32, #tpu.memory_space<vmem>> -> memref<1x80xi32, #tpu.memory_space<vmem>>
      %dma_start3A_20 = arith.constant 1 : i32
      %dma_start3A_21 = arith.constant 0 : i32
      %dma_start3A_22 = tpu.memref_slice %arg4[%arg1, %dma_start3A_20, %dma_start3A_21] : memref<16x125x80xi32, #tpu.memory_space<hbm>> -> memref<1x1x80xi32, #tpu.memory_space<hbm>>
      %dma_start3A_23 = tpu.memref_squeeze %dma_start3A_22 : memref<1x1x80xi32, #tpu.memory_space<hbm>> -> memref<1x80xi32, #tpu.memory_space<hbm>>
      tpu.enqueue_dma source(%dma_start3A_23 : memref<1x80xi32, #tpu.memory_space<hbm>>) target(%dma_start3A_19 : memref<1x80xi32, #tpu.memory_space<vmem>>) target_semaphore(%arg17 : memref<!tpu.dma_semaphore, #tpu.memory_space<semaphore_mem>>)
      %dma_start3A_24 = arith.constant 0 : i32
      %dma_start3A_25 = arith.constant 0 : i32
      %dma_start3A_26 = arith.constant 0 : i32
      %dma_start3A_27 = tpu.memref_slice %arg9[%dma_start3A_24, %dma_start3A_25, %dma_start3A_26] : memref<2x1x80xi32, #tpu.memory_space<vmem>> -> memref<1x1x80xi32, #tpu.memory_space<vmem>>
      %dma_start3A_28 = tpu.memref_squeeze %dma_start3A_27 : memref<1x1x80xi32, #tpu.memory_space<vmem>> -> memref<80xi32, #tpu.memory_space<vmem>>
      %dma_start3A_29 = arith.constant 0 : i32
      %dma_start3A_30 = arith.constant 0 : i32
      %dma_start3A_31 = tpu.memref_slice %arg2[%dma_start3A_29, %dma_start3A_30] : memref<10000x128xf32, #tpu.memory_space<hbm>> -> memref<10000x128xf32, #tpu.memory_space<hbm>>
      tpu.enqueue_indirect_dma source(%dma_start3A_31 : memref<10000x128xf32, #tpu.memory_space<hbm>>) target(%arg11 : memref<80x128xf32, #tpu.memory_space<vmem>>) offsets(%dma_start3A_28 : memref<80xi32, #tpu.memory_space<vmem>>) semaphore(%arg14 : memref<!tpu.dma_semaphore, #tpu.memory_space<semaphore_mem>>)
      %scan3A = arith.constant 0 : i32
      %scan3A_32 = arith.constant 0 : i32
      %scan3A_33 = arith.constant 62 : i32
      %scan3A_34 = arith.addi %scan3A_32, %scan3A_33 : i32
      %scan3A_35 = arith.constant 1 : i32
      scf.for %scan3A_67 = %scan3A_32 to %scan3A_34 step %scan3A_35  : i32 {
        %mul3A_68 = arith.constant 2 : i32
        %mul3A_69 = arith.muli %mul3A_68, %scan3A_67 : i32
        %add3A = arith.constant 1 : i32
        %add3A_70 = arith.addi %mul3A_69, %add3A : i32
        %dma_wait3A_71 = arith.constant 1 : i32
        %dma_wait3A_72 = arith.constant 0 : i32
        %dma_wait3A_73 = arith.constant 0 : i32
        %dma_wait3A_74 = tpu.memref_slice %arg9[%dma_wait3A_71, %dma_wait3A_72, %dma_wait3A_73] : memref<2x1x80xi32, #tpu.memory_space<vmem>> -> memref<1x1x80xi32, #tpu.memory_space<vmem>>
        %dma_wait3A_75 = tpu.memref_squeeze %dma_wait3A_74 : memref<1x1x80xi32, #tpu.memory_space<vmem>> -> memref<1x80xi32, #tpu.memory_space<vmem>>
        %dma_wait3A_76 = arith.constant 0 : i32
        %dma_wait3A_77 = tpu.memref_slice %arg4[%arg1, %add3A_70, %dma_wait3A_76] : memref<16x125x80xi32, #tpu.memory_space<hbm>> -> memref<1x1x80xi32, #tpu.memory_space<hbm>>
        %dma_wait3A_78 = tpu.memref_squeeze %dma_wait3A_77 : memref<1x1x80xi32, #tpu.memory_space<hbm>> -> memref<1x80xi32, #tpu.memory_space<hbm>>
        %dma_wait3A_79 = arith.constant 0 : i32
        %dma_wait3A_80 = arith.constant 0 : i32
        %dma_wait3A_81 = tpu.memref_slice %arg9[%dma_wait3A_71, %dma_wait3A_79, %dma_wait3A_80] : memref<2x1x80xi32, #tpu.memory_space<vmem>> -> memref<1x1x80xi32, #tpu.memory_space<vmem>>
        %dma_wait3A_82 = tpu.memref_squeeze %dma_wait3A_81 : memref<1x1x80xi32, #tpu.memory_space<vmem>> -> memref<1x80xi32, #tpu.memory_space<vmem>>
        %dma_wait3A_83 = arith.constant 0 : i32
        %dma_wait3A_84 = tpu.memref_slice %arg4[%arg1, %add3A_70, %dma_wait3A_83] : memref<16x125x80xi32, #tpu.memory_space<hbm>> -> memref<1x1x80xi32, #tpu.memory_space<hbm>>
        %dma_wait3A_85 = tpu.memref_squeeze %dma_wait3A_84 : memref<1x1x80xi32, #tpu.memory_space<hbm>> -> memref<1x80xi32, #tpu.memory_space<hbm>>
        tpu.wait_dma2 semaphore(%arg17 : memref<!tpu.dma_semaphore, #tpu.memory_space<semaphore_mem>>) src(%dma_wait3A_85 : memref<1x80xi32, #tpu.memory_space<hbm>>) dst(%dma_wait3A_82 : memref<1x80xi32, #tpu.memory_space<vmem>>)
        %dma_wait3A_86 = arith.constant 0 : i32
        %dma_wait3A_87 = arith.constant 0 : i32
        %dma_wait3A_88 = arith.constant 0 : i32
        %dma_wait3A_89 = tpu.memref_slice %arg9[%dma_wait3A_86, %dma_wait3A_87, %dma_wait3A_88] : memref<2x1x80xi32, #tpu.memory_space<vmem>> -> memref<1x1x80xi32, #tpu.memory_space<vmem>>
        %dma_wait3A_90 = tpu.memref_squeeze %dma_wait3A_89 : memref<1x1x80xi32, #tpu.memory_space<vmem>> -> memref<80xi32, #tpu.memory_space<vmem>>
        %dma_wait3A_91 = arith.constant 0 : i32
        %dma_wait3A_92 = arith.constant 0 : i32
        %dma_wait3A_93 = tpu.memref_slice %arg2[%dma_wait3A_91, %dma_wait3A_92] : memref<10000x128xf32, #tpu.memory_space<hbm>> -> memref<10000x128xf32, #tpu.memory_space<hbm>>
        tpu.wait_indirect_dma semaphore(%arg14 : memref<!tpu.dma_semaphore, #tpu.memory_space<semaphore_mem>>) src(%dma_wait3A_93 : memref<10000x128xf32, #tpu.memory_space<hbm>>) dst(%arg11 : memref<80x128xf32, #tpu.memory_space<vmem>>)
        %dma_start3A_94 = arith.constant 1 : i32
        %dma_start3A_95 = arith.constant 0 : i32
        %dma_start3A_96 = arith.constant 0 : i32
        %dma_start3A_97 = tpu.memref_slice %arg9[%dma_start3A_94, %dma_start3A_95, %dma_start3A_96] : memref<2x1x80xi32, #tpu.memory_space<vmem>> -> memref<1x1x80xi32, #tpu.memory_space<vmem>>
        %dma_start3A_98 = tpu.memref_squeeze %dma_start3A_97 : memref<1x1x80xi32, #tpu.memory_space<vmem>> -> memref<80xi32, #tpu.memory_space<vmem>>
        %dma_start3A_99 = arith.constant 0 : i32
        %dma_start3A_100 = arith.constant 0 : i32
        %dma_start3A_101 = tpu.memref_slice %arg2[%dma_start3A_99, %dma_start3A_100] : memref<10000x128xf32, #tpu.memory_space<hbm>> -> memref<10000x128xf32, #tpu.memory_space<hbm>>
        tpu.enqueue_indirect_dma source(%dma_start3A_101 : memref<10000x128xf32, #tpu.memory_space<hbm>>) target(%arg12 : memref<80x128xf32, #tpu.memory_space<vmem>>) offsets(%dma_start3A_98 : memref<80xi32, #tpu.memory_space<vmem>>) semaphore(%arg15 : memref<!tpu.dma_semaphore, #tpu.memory_space<semaphore_mem>>)
        %add3A_102 = arith.constant 2 : i32
        %add3A_103 = arith.addi %mul3A_69, %add3A_102 : i32
        %dma_start3A_104 = arith.constant 0 : i32
        %dma_start3A_105 = arith.constant 0 : i32
        %dma_start3A_106 = arith.constant 0 : i32
        %dma_start3A_107 = tpu.memref_slice %arg9[%dma_start3A_104, %dma_start3A_105, %dma_start3A_106] : memref<2x1x80xi32, #tpu.memory_space<vmem>> -> memref<1x1x80xi32, #tpu.memory_space<vmem>>
        %dma_start3A_108 = tpu.memref_squeeze %dma_start3A_107 : memref<1x1x80xi32, #tpu.memory_space<vmem>> -> memref<1x80xi32, #tpu.memory_space<vmem>>
        %dma_start3A_109 = arith.constant 0 : i32
        %dma_start3A_110 = tpu.memref_slice %arg4[%arg1, %add3A_103, %dma_start3A_109] : memref<16x125x80xi32, #tpu.memory_space<hbm>> -> memref<1x1x80xi32, #tpu.memory_space<hbm>>
        %dma_start3A_111 = tpu.memref_squeeze %dma_start3A_110 : memref<1x1x80xi32, #tpu.memory_space<hbm>> -> memref<1x80xi32, #tpu.memory_space<hbm>>
        %dma_start3A_112 = arith.constant 0 : i32
        %dma_start3A_113 = arith.constant 0 : i32
        %dma_start3A_114 = tpu.memref_slice %arg9[%dma_start3A_104, %dma_start3A_112, %dma_start3A_113] : memref<2x1x80xi32, #tpu.memory_space<vmem>> -> memref<1x1x80xi32, #tpu.memory_space<vmem>>
        %dma_start3A_115 = tpu.memref_squeeze %dma_start3A_114 : memref<1x1x80xi32, #tpu.memory_space<vmem>> -> memref<1x80xi32, #tpu.memory_space<vmem>>
        %dma_start3A_116 = arith.constant 0 : i32
        %dma_start3A_117 = tpu.memref_slice %arg4[%arg1, %add3A_103, %dma_start3A_116] : memref<16x125x80xi32, #tpu.memory_space<hbm>> -> memref<1x1x80xi32, #tpu.memory_space<hbm>>
        %dma_start3A_118 = tpu.memref_squeeze %dma_start3A_117 : memref<1x1x80xi32, #tpu.memory_space<hbm>> -> memref<1x80xi32, #tpu.memory_space<hbm>>
        tpu.enqueue_dma source(%dma_start3A_118 : memref<1x80xi32, #tpu.memory_space<hbm>>) target(%dma_start3A_115 : memref<1x80xi32, #tpu.memory_space<vmem>>) target_semaphore(%arg16 : memref<!tpu.dma_semaphore, #tpu.memory_space<semaphore_mem>>)
        "tpu.region"() ({
          %run_scoped3A_172 = tpu.sem_alloc : memref<!tpu.dma_semaphore, #tpu.memory_space<semaphore_mem>>
          %dma_start3A_173 = arith.constant 0 : i32
          %dma_start3A_174 = tpu.memref_slice %arg10[%mul3A_69, %dma_start3A_173] : memref<125x80xi32, #tpu.memory_space<vmem>> -> memref<1x80xi32, #tpu.memory_space<vmem>>
          %dma_start3A_175 = tpu.memref_squeeze %dma_start3A_174 : memref<1x80xi32, #tpu.memory_space<vmem>> -> memref<80xi32, #tpu.memory_space<vmem>>
          %dma_start3A_176 = arith.constant 0 : i32
          %dma_start3A_177 = arith.constant 0 : i32
          %dma_start3A_178 = tpu.memref_slice %arg13[%dma_start3A_176, %dma_start3A_177] : memref<10240x128xf32, #tpu.memory_space<vmem_shared>> -> memref<10240x128xf32, #tpu.memory_space<vmem_shared>>
          tpu.enqueue_indirect_dma source(%arg11 : memref<80x128xf32, #tpu.memory_space<vmem>>) target(%dma_start3A_178 : memref<10240x128xf32, #tpu.memory_space<vmem_shared>>) offsets(%dma_start3A_175 : memref<80xi32, #tpu.memory_space<vmem>>) semaphore(%run_scoped3A_172 : memref<!tpu.dma_semaphore, #tpu.memory_space<semaphore_mem>>) {add = true}
          %dma_wait3A_179 = arith.constant 0 : i32
          %dma_wait3A_180 = tpu.memref_slice %arg10[%mul3A_69, %dma_wait3A_179] : memref<125x80xi32, #tpu.memory_space<vmem>> -> memref<1x80xi32, #tpu.memory_space<vmem>>
          %dma_wait3A_181 = tpu.memref_squeeze %dma_wait3A_180 : memref<1x80xi32, #tpu.memory_space<vmem>> -> memref<80xi32, #tpu.memory_space<vmem>>
          %dma_wait3A_182 = arith.constant 0 : i32
          %dma_wait3A_183 = arith.constant 0 : i32
          %dma_wait3A_184 = tpu.memref_slice %arg13[%dma_wait3A_182, %dma_wait3A_183] : memref<10240x128xf32, #tpu.memory_space<vmem_shared>> -> memref<10240x128xf32, #tpu.memory_space<vmem_shared>>
          tpu.wait_indirect_dma semaphore(%run_scoped3A_172 : memref<!tpu.dma_semaphore, #tpu.memory_space<semaphore_mem>>) src(%arg11 : memref<80x128xf32, #tpu.memory_space<vmem>>) dst(%dma_wait3A_184 : memref<10240x128xf32, #tpu.memory_space<vmem_shared>>)
          tpu.yield
        }) : () -> ()
        %add3A_119 = arith.constant 2 : i32
        %add3A_120 = arith.addi %mul3A_69, %add3A_119 : i32
        %dma_wait3A_121 = arith.constant 0 : i32
        %dma_wait3A_122 = arith.constant 0 : i32
        %dma_wait3A_123 = arith.constant 0 : i32
        %dma_wait3A_124 = tpu.memref_slice %arg9[%dma_wait3A_121, %dma_wait3A_122, %dma_wait3A_123] : memref<2x1x80xi32, #tpu.memory_space<vmem>> -> memref<1x1x80xi32, #tpu.memory_space<vmem>>
        %dma_wait3A_125 = tpu.memref_squeeze %dma_wait3A_124 : memref<1x1x80xi32, #tpu.memory_space<vmem>> -> memref<1x80xi32, #tpu.memory_space<vmem>>
        %dma_wait3A_126 = arith.constant 0 : i32
        %dma_wait3A_127 = tpu.memref_slice %arg4[%arg1, %add3A_120, %dma_wait3A_126] : memref<16x125x80xi32, #tpu.memory_space<hbm>> -> memref<1x1x80xi32, #tpu.memory_space<hbm>>
        %dma_wait3A_128 = tpu.memref_squeeze %dma_wait3A_127 : memref<1x1x80xi32, #tpu.memory_space<hbm>> -> memref<1x80xi32, #tpu.memory_space<hbm>>
        %dma_wait3A_129 = arith.constant 0 : i32
        %dma_wait3A_130 = arith.constant 0 : i32
        %dma_wait3A_131 = tpu.memref_slice %arg9[%dma_wait3A_121, %dma_wait3A_129, %dma_wait3A_130] : memref<2x1x80xi32, #tpu.memory_space<vmem>> -> memref<1x1x80xi32, #tpu.memory_space<vmem>>
        %dma_wait3A_132 = tpu.memref_squeeze %dma_wait3A_131 : memref<1x1x80xi32, #tpu.memory_space<vmem>> -> memref<1x80xi32, #tpu.memory_space<vmem>>
        %dma_wait3A_133 = arith.constant 0 : i32
        %dma_wait3A_134 = tpu.memref_slice %arg4[%arg1, %add3A_120, %dma_wait3A_133] : memref<16x125x80xi32, #tpu.memory_space<hbm>> -> memref<1x1x80xi32, #tpu.memory_space<hbm>>
        %dma_wait3A_135 = tpu.memref_squeeze %dma_wait3A_134 : memref<1x1x80xi32, #tpu.memory_space<hbm>> -> memref<1x80xi32, #tpu.memory_space<hbm>>
        tpu.wait_dma2 semaphore(%arg16 : memref<!tpu.dma_semaphore, #tpu.memory_space<semaphore_mem>>) src(%dma_wait3A_135 : memref<1x80xi32, #tpu.memory_space<hbm>>) dst(%dma_wait3A_132 : memref<1x80xi32, #tpu.memory_space<vmem>>)
        %dma_wait3A_136 = arith.constant 1 : i32
        %dma_wait3A_137 = arith.constant 0 : i32
        %dma_wait3A_138 = arith.constant 0 : i32
        %dma_wait3A_139 = tpu.memref_slice %arg9[%dma_wait3A_136, %dma_wait3A_137, %dma_wait3A_138] : memref<2x1x80xi32, #tpu.memory_space<vmem>> -> memref<1x1x80xi32, #tpu.memory_space<vmem>>
        %dma_wait3A_140 = tpu.memref_squeeze %dma_wait3A_139 : memref<1x1x80xi32, #tpu.memory_space<vmem>> -> memref<80xi32, #tpu.memory_space<vmem>>
        %dma_wait3A_141 = arith.constant 0 : i32
        %dma_wait3A_142 = arith.constant 0 : i32
        %dma_wait3A_143 = tpu.memref_slice %arg2[%dma_wait3A_141, %dma_wait3A_142] : memref<10000x128xf32, #tpu.memory_space<hbm>> -> memref<10000x128xf32, #tpu.memory_space<hbm>>
        tpu.wait_indirect_dma semaphore(%arg15 : memref<!tpu.dma_semaphore, #tpu.memory_space<semaphore_mem>>) src(%dma_wait3A_143 : memref<10000x128xf32, #tpu.memory_space<hbm>>) dst(%arg12 : memref<80x128xf32, #tpu.memory_space<vmem>>)
        %dma_start3A_144 = arith.constant 0 : i32
        %dma_start3A_145 = arith.constant 0 : i32
        %dma_start3A_146 = arith.constant 0 : i32
        %dma_start3A_147 = tpu.memref_slice %arg9[%dma_start3A_144, %dma_start3A_145, %dma_start3A_146] : memref<2x1x80xi32, #tpu.memory_space<vmem>> -> memref<1x1x80xi32, #tpu.memory_space<vmem>>
        %dma_start3A_148 = tpu.memref_squeeze %dma_start3A_147 : memref<1x1x80xi32, #tpu.memory_space<vmem>> -> memref<80xi32, #tpu.memory_space<vmem>>
        %dma_start3A_149 = arith.constant 0 : i32
        %dma_start3A_150 = arith.constant 0 : i32
        %dma_start3A_151 = tpu.memref_slice %arg2[%dma_start3A_149, %dma_start3A_150] : memref<10000x128xf32, #tpu.memory_space<hbm>> -> memref<10000x128xf32, #tpu.memory_space<hbm>>
        tpu.enqueue_indirect_dma source(%dma_start3A_151 : memref<10000x128xf32, #tpu.memory_space<hbm>>) target(%arg11 : memref<80x128xf32, #tpu.memory_space<vmem>>) offsets(%dma_start3A_148 : memref<80xi32, #tpu.memory_space<vmem>>) semaphore(%arg14 : memref<!tpu.dma_semaphore, #tpu.memory_space<semaphore_mem>>)
        %add3A_152 = arith.constant 3 : i32
        %add3A_153 = arith.addi %mul3A_69, %add3A_152 : i32
        %min3A = arith.constant 124 : i32
        %min3A_154 = arith.minsi %add3A_153, %min3A : i32
        %dma_start3A_155 = arith.constant 1 : i32
        %dma_start3A_156 = arith.constant 0 : i32
        %dma_start3A_157 = arith.constant 0 : i32
        %dma_start3A_158 = tpu.memref_slice %arg9[%dma_start3A_155, %dma_start3A_156, %dma_start3A_157] : memref<2x1x80xi32, #tpu.memory_space<vmem>> -> memref<1x1x80xi32, #tpu.memory_space<vmem>>
        %dma_start3A_159 = tpu.memref_squeeze %dma_start3A_158 : memref<1x1x80xi32, #tpu.memory_space<vmem>> -> memref<1x80xi32, #tpu.memory_space<vmem>>
        %dma_start3A_160 = arith.constant 0 : i32
        %dma_start3A_161 = tpu.memref_slice %arg4[%arg1, %min3A_154, %dma_start3A_160] : memref<16x125x80xi32, #tpu.memory_space<hbm>> -> memref<1x1x80xi32, #tpu.memory_space<hbm>>
        %dma_start3A_162 = tpu.memref_squeeze %dma_start3A_161 : memref<1x1x80xi32, #tpu.memory_space<hbm>> -> memref<1x80xi32, #tpu.memory_space<hbm>>
        %dma_start3A_163 = arith.constant 0 : i32
        %dma_start3A_164 = arith.constant 0 : i32
        %dma_start3A_165 = tpu.memref_slice %arg9[%dma_start3A_155, %dma_start3A_163, %dma_start3A_164] : memref<2x1x80xi32, #tpu.memory_space<vmem>> -> memref<1x1x80xi32, #tpu.memory_space<vmem>>
        %dma_start3A_166 = tpu.memref_squeeze %dma_start3A_165 : memref<1x1x80xi32, #tpu.memory_space<vmem>> -> memref<1x80xi32, #tpu.memory_space<vmem>>
        %dma_start3A_167 = arith.constant 0 : i32
        %dma_start3A_168 = tpu.memref_slice %arg4[%arg1, %min3A_154, %dma_start3A_167] : memref<16x125x80xi32, #tpu.memory_space<hbm>> -> memref<1x1x80xi32, #tpu.memory_space<hbm>>
        %dma_start3A_169 = tpu.memref_squeeze %dma_start3A_168 : memref<1x1x80xi32, #tpu.memory_space<hbm>> -> memref<1x80xi32, #tpu.memory_space<hbm>>
        tpu.enqueue_dma source(%dma_start3A_169 : memref<1x80xi32, #tpu.memory_space<hbm>>) target(%dma_start3A_166 : memref<1x80xi32, #tpu.memory_space<vmem>>) target_semaphore(%arg17 : memref<!tpu.dma_semaphore, #tpu.memory_space<semaphore_mem>>)
        %add3A_170 = arith.constant 1 : i32
        %add3A_171 = arith.addi %mul3A_69, %add3A_170 : i32
        "tpu.region"() ({
          %run_scoped3A_172 = tpu.sem_alloc : memref<!tpu.dma_semaphore, #tpu.memory_space<semaphore_mem>>
          %dma_start3A_173 = arith.constant 0 : i32
          %dma_start3A_174 = tpu.memref_slice %arg10[%add3A_171, %dma_start3A_173] : memref<125x80xi32, #tpu.memory_space<vmem>> -> memref<1x80xi32, #tpu.memory_space<vmem>>
          %dma_start3A_175 = tpu.memref_squeeze %dma_start3A_174 : memref<1x80xi32, #tpu.memory_space<vmem>> -> memref<80xi32, #tpu.memory_space<vmem>>
          %dma_start3A_176 = arith.constant 0 : i32
          %dma_start3A_177 = arith.constant 0 : i32
          %dma_start3A_178 = tpu.memref_slice %arg13[%dma_start3A_176, %dma_start3A_177] : memref<10240x128xf32, #tpu.memory_space<vmem_shared>> -> memref<10240x128xf32, #tpu.memory_space<vmem_shared>>
          tpu.enqueue_indirect_dma source(%arg12 : memref<80x128xf32, #tpu.memory_space<vmem>>) target(%dma_start3A_178 : memref<10240x128xf32, #tpu.memory_space<vmem_shared>>) offsets(%dma_start3A_175 : memref<80xi32, #tpu.memory_space<vmem>>) semaphore(%run_scoped3A_172 : memref<!tpu.dma_semaphore, #tpu.memory_space<semaphore_mem>>) {add = true}
          %dma_wait3A_179 = arith.constant 0 : i32
          %dma_wait3A_180 = tpu.memref_slice %arg10[%add3A_171, %dma_wait3A_179] : memref<125x80xi32, #tpu.memory_space<vmem>> -> memref<1x80xi32, #tpu.memory_space<vmem>>
          %dma_wait3A_181 = tpu.memref_squeeze %dma_wait3A_180 : memref<1x80xi32, #tpu.memory_space<vmem>> -> memref<80xi32, #tpu.memory_space<vmem>>
          %dma_wait3A_182 = arith.constant 0 : i32
          %dma_wait3A_183 = arith.constant 0 : i32
          %dma_wait3A_184 = tpu.memref_slice %arg13[%dma_wait3A_182, %dma_wait3A_183] : memref<10240x128xf32, #tpu.memory_space<vmem_shared>> -> memref<10240x128xf32, #tpu.memory_space<vmem_shared>>
          tpu.wait_indirect_dma semaphore(%run_scoped3A_172 : memref<!tpu.dma_semaphore, #tpu.memory_space<semaphore_mem>>) src(%arg12 : memref<80x128xf32, #tpu.memory_space<vmem>>) dst(%dma_wait3A_184 : memref<10240x128xf32, #tpu.memory_space<vmem_shared>>)
          tpu.yield
        }) : () -> ()
      }
      %scan3A_36 = arith.constant 62 : i32
      %dma_wait3A = arith.constant 1 : i32
      %dma_wait3A_37 = arith.constant 0 : i32
      %dma_wait3A_38 = arith.constant 0 : i32
      %dma_wait3A_39 = tpu.memref_slice %arg9[%dma_wait3A, %dma_wait3A_37, %dma_wait3A_38] : memref<2x1x80xi32, #tpu.memory_space<vmem>> -> memref<1x1x80xi32, #tpu.memory_space<vmem>>
      %dma_wait3A_40 = tpu.memref_squeeze %dma_wait3A_39 : memref<1x1x80xi32, #tpu.memory_space<vmem>> -> memref<1x80xi32, #tpu.memory_space<vmem>>
      %dma_wait3A_41 = arith.constant 124 : i32
      %dma_wait3A_42 = arith.constant 0 : i32
      %dma_wait3A_43 = tpu.memref_slice %arg4[%arg1, %dma_wait3A_41, %dma_wait3A_42] : memref<16x125x80xi32, #tpu.memory_space<hbm>> -> memref<1x1x80xi32, #tpu.memory_space<hbm>>
      %dma_wait3A_44 = tpu.memref_squeeze %dma_wait3A_43 : memref<1x1x80xi32, #tpu.memory_space<hbm>> -> memref<1x80xi32, #tpu.memory_space<hbm>>
      %dma_wait3A_45 = arith.constant 0 : i32
      %dma_wait3A_46 = arith.constant 0 : i32
      %dma_wait3A_47 = tpu.memref_slice %arg9[%dma_wait3A, %dma_wait3A_45, %dma_wait3A_46] : memref<2x1x80xi32, #tpu.memory_space<vmem>> -> memref<1x1x80xi32, #tpu.memory_space<vmem>>
      %dma_wait3A_48 = tpu.memref_squeeze %dma_wait3A_47 : memref<1x1x80xi32, #tpu.memory_space<vmem>> -> memref<1x80xi32, #tpu.memory_space<vmem>>
      %dma_wait3A_49 = arith.constant 124 : i32
      %dma_wait3A_50 = arith.constant 0 : i32
      %dma_wait3A_51 = tpu.memref_slice %arg4[%arg1, %dma_wait3A_49, %dma_wait3A_50] : memref<16x125x80xi32, #tpu.memory_space<hbm>> -> memref<1x1x80xi32, #tpu.memory_space<hbm>>
      %dma_wait3A_52 = tpu.memref_squeeze %dma_wait3A_51 : memref<1x1x80xi32, #tpu.memory_space<hbm>> -> memref<1x80xi32, #tpu.memory_space<hbm>>
      tpu.wait_dma2 semaphore(%arg17 : memref<!tpu.dma_semaphore, #tpu.memory_space<semaphore_mem>>) src(%dma_wait3A_52 : memref<1x80xi32, #tpu.memory_space<hbm>>) dst(%dma_wait3A_48 : memref<1x80xi32, #tpu.memory_space<vmem>>)
      %dma_wait3A_53 = arith.constant 0 : i32
      %dma_wait3A_54 = arith.constant 0 : i32
      %dma_wait3A_55 = arith.constant 0 : i32
      %dma_wait3A_56 = tpu.memref_slice %arg9[%dma_wait3A_53, %dma_wait3A_54, %dma_wait3A_55] : memref<2x1x80xi32, #tpu.memory_space<vmem>> -> memref<1x1x80xi32, #tpu.memory_space<vmem>>
      %dma_wait3A_57 = tpu.memref_squeeze %dma_wait3A_56 : memref<1x1x80xi32, #tpu.memory_space<vmem>> -> memref<80xi32, #tpu.memory_space<vmem>>
      %dma_wait3A_58 = arith.constant 0 : i32
      %dma_wait3A_59 = arith.constant 0 : i32
      %dma_wait3A_60 = tpu.memref_slice %arg2[%dma_wait3A_58, %dma_wait3A_59] : memref<10000x128xf32, #tpu.memory_space<hbm>> -> memref<10000x128xf32, #tpu.memory_space<hbm>>
      tpu.wait_indirect_dma semaphore(%arg14 : memref<!tpu.dma_semaphore, #tpu.memory_space<semaphore_mem>>) src(%dma_wait3A_60 : memref<10000x128xf32, #tpu.memory_space<hbm>>) dst(%arg11 : memref<80x128xf32, #tpu.memory_space<vmem>>)
      %run_scoped3A_61 = arith.constant 124 : i32
      "tpu.region"() ({
        %run_scoped3A_67 = tpu.sem_alloc : memref<!tpu.dma_semaphore, #tpu.memory_space<semaphore_mem>>
        %dma_start3A_68 = arith.constant 0 : i32
        %dma_start3A_69 = tpu.memref_slice %arg10[%run_scoped3A_61, %dma_start3A_68] : memref<125x80xi32, #tpu.memory_space<vmem>> -> memref<1x80xi32, #tpu.memory_space<vmem>>
        %dma_start3A_70 = tpu.memref_squeeze %dma_start3A_69 : memref<1x80xi32, #tpu.memory_space<vmem>> -> memref<80xi32, #tpu.memory_space<vmem>>
        %dma_start3A_71 = arith.constant 0 : i32
        %dma_start3A_72 = arith.constant 0 : i32
        %dma_start3A_73 = tpu.memref_slice %arg13[%dma_start3A_71, %dma_start3A_72] : memref<10240x128xf32, #tpu.memory_space<vmem_shared>> -> memref<10240x128xf32, #tpu.memory_space<vmem_shared>>
        tpu.enqueue_indirect_dma source(%arg11 : memref<80x128xf32, #tpu.memory_space<vmem>>) target(%dma_start3A_73 : memref<10240x128xf32, #tpu.memory_space<vmem_shared>>) offsets(%dma_start3A_70 : memref<80xi32, #tpu.memory_space<vmem>>) semaphore(%run_scoped3A_67 : memref<!tpu.dma_semaphore, #tpu.memory_space<semaphore_mem>>) {add = true}
        %dma_wait3A_74 = arith.constant 0 : i32
        %dma_wait3A_75 = tpu.memref_slice %arg10[%run_scoped3A_61, %dma_wait3A_74] : memref<125x80xi32, #tpu.memory_space<vmem>> -> memref<1x80xi32, #tpu.memory_space<vmem>>
        %dma_wait3A_76 = tpu.memref_squeeze %dma_wait3A_75 : memref<1x80xi32, #tpu.memory_space<vmem>> -> memref<80xi32, #tpu.memory_space<vmem>>
        %dma_wait3A_77 = arith.constant 0 : i32
        %dma_wait3A_78 = arith.constant 0 : i32
        %dma_wait3A_79 = tpu.memref_slice %arg13[%dma_wait3A_77, %dma_wait3A_78] : memref<10240x128xf32, #tpu.memory_space<vmem_shared>> -> memref<10240x128xf32, #tpu.memory_space<vmem_shared>>
        tpu.wait_indirect_dma semaphore(%run_scoped3A_67 : memref<!tpu.dma_semaphore, #tpu.memory_space<semaphore_mem>>) src(%arg11 : memref<80x128xf32, #tpu.memory_space<vmem>>) dst(%dma_wait3A_79 : memref<10240x128xf32, #tpu.memory_space<vmem_shared>>)
        tpu.yield
      }) : () -> ()
      %barrier3A_62 = arith.constant 0 : index
      tpu.barrier barrier_id(%barrier3A_62)
      %mul3A_63 = arith.constant 640 : i32
      %mul3A_64 = arith.muli %arg1, %mul3A_63 : i32
      %mul3A_65 = arith.constant 640 : i32
      %mul3A_66 = arith.muli %arg1, %mul3A_65 : i32
      "tpu.region"() ({
        %run_scoped3A_67 = tpu.sem_alloc : memref<!tpu.dma_semaphore, #tpu.memory_space<semaphore_mem>>
        %dma_start3A_68 = arith.constant 0 : i32
        %dma_start3A_69 = tpu.memref_slice %arg7[%mul3A_66, %dma_start3A_68] : memref<10240x128xf32, #tpu.memory_space<hbm>> -> memref<640x128xf32, #tpu.memory_space<hbm>>
        %dma_start3A_70 = arith.constant 0 : i32
        %dma_start3A_71 = tpu.memref_slice %arg13[%mul3A_64, %dma_start3A_70] : memref<10240x128xf32, #tpu.memory_space<vmem_shared>> -> memref<640x128xf32, #tpu.memory_space<vmem_shared>>
        tpu.enqueue_dma source(%dma_start3A_71 : memref<640x128xf32, #tpu.memory_space<vmem_shared>>) target(%dma_start3A_69 : memref<640x128xf32, #tpu.memory_space<hbm>>) target_semaphore(%run_scoped3A_67 : memref<!tpu.dma_semaphore, #tpu.memory_space<semaphore_mem>>)
        %dma_wait3A_72 = arith.constant 0 : i32
        %dma_wait3A_73 = tpu.memref_slice %arg7[%mul3A_66, %dma_wait3A_72] : memref<10240x128xf32, #tpu.memory_space<hbm>> -> memref<640x128xf32, #tpu.memory_space<hbm>>
        %dma_wait3A_74 = arith.constant 0 : i32
        %dma_wait3A_75 = tpu.memref_slice %arg13[%mul3A_64, %dma_wait3A_74] : memref<10240x128xf32, #tpu.memory_space<vmem_shared>> -> memref<640x128xf32, #tpu.memory_space<vmem_shared>>
        tpu.wait_dma2 semaphore(%run_scoped3A_67 : memref<!tpu.dma_semaphore, #tpu.memory_space<semaphore_mem>>) src(%dma_wait3A_75 : memref<640x128xf32, #tpu.memory_space<vmem_shared>>) dst(%dma_wait3A_73 : memref<640x128xf32, #tpu.memory_space<hbm>>)
        tpu.yield
      }) : () -> ()
    } else {
    }
    %eq3A_3 = arith.constant 1 : i32
    %eq3A_4 = arith.cmpi eq, %arg0, %eq3A_3 : i32
    %convert_element_type3A_5 = arith.extui %eq3A_4 : i1 to i32
    %cond3A_6 = arith.constant 0 : i32
    %cond3A_7 = arith.cmpi ne, %convert_element_type3A_5, %cond3A_6 : i32
    scf.if %cond3A_7 {
      %run_scoped3A = arith.constant 0 : i32
      "tpu.region"() ({
        %run_scoped3A_67 = tpu.sem_alloc : memref<!tpu.dma_semaphore, #tpu.memory_space<semaphore_mem>>
        %dma_start3A_68 = arith.constant 0 : i32
        %dma_start3A_69 = arith.constant 0 : i32
        %dma_start3A_70 = tpu.memref_slice %arg9[%run_scoped3A, %dma_start3A_68, %dma_start3A_69] : memref<2x1x80xi32, #tpu.memory_space<vmem>> -> memref<1x1x80xi32, #tpu.memory_space<vmem>>
        %dma_start3A_71 = tpu.memref_squeeze %dma_start3A_70 : memref<1x1x80xi32, #tpu.memory_space<vmem>> -> memref<1x80xi32, #tpu.memory_space<vmem>>
        %dma_start3A_72 = arith.constant 0 : i32
        %dma_start3A_73 = arith.constant 0 : i32
        %dma_start3A_74 = tpu.memref_slice %arg4[%arg1, %dma_start3A_72, %dma_start3A_73] : memref<16x125x80xi32, #tpu.memory_space<hbm>> -> memref<1x1x80xi32, #tpu.memory_space<hbm>>
        %dma_start3A_75 = tpu.memref_squeeze %dma_start3A_74 : memref<1x1x80xi32, #tpu.memory_space<hbm>> -> memref<1x80xi32, #tpu.memory_space<hbm>>
        %dma_start3A_76 = arith.constant 0 : i32
        %dma_start3A_77 = arith.constant 0 : i32
        %dma_start3A_78 = tpu.memref_slice %arg9[%run_scoped3A, %dma_start3A_76, %dma_start3A_77] : memref<2x1x80xi32, #tpu.memory_space<vmem>> -> memref<1x1x80xi32, #tpu.memory_space<vmem>>
        %dma_start3A_79 = tpu.memref_squeeze %dma_start3A_78 : memref<1x1x80xi32, #tpu.memory_space<vmem>> -> memref<1x80xi32, #tpu.memory_space<vmem>>
        %dma_start3A_80 = arith.constant 0 : i32
        %dma_start3A_81 = arith.constant 0 : i32
        %dma_start3A_82 = tpu.memref_slice %arg4[%arg1, %dma_start3A_80, %dma_start3A_81] : memref<16x125x80xi32, #tpu.memory_space<hbm>> -> memref<1x1x80xi32, #tpu.memory_space<hbm>>
        %dma_start3A_83 = tpu.memref_squeeze %dma_start3A_82 : memref<1x1x80xi32, #tpu.memory_space<hbm>> -> memref<1x80xi32, #tpu.memory_space<hbm>>
        tpu.enqueue_dma source(%dma_start3A_83 : memref<1x80xi32, #tpu.memory_space<hbm>>) target(%dma_start3A_79 : memref<1x80xi32, #tpu.memory_space<vmem>>) target_semaphore(%run_scoped3A_67 : memref<!tpu.dma_semaphore, #tpu.memory_space<semaphore_mem>>)
        %dma_wait3A_84 = arith.constant 0 : i32
        %dma_wait3A_85 = arith.constant 0 : i32
        %dma_wait3A_86 = tpu.memref_slice %arg9[%run_scoped3A, %dma_wait3A_84, %dma_wait3A_85] : memref<2x1x80xi32, #tpu.memory_space<vmem>> -> memref<1x1x80xi32, #tpu.memory_space<vmem>>
        %dma_wait3A_87 = tpu.memref_squeeze %dma_wait3A_86 : memref<1x1x80xi32, #tpu.memory_space<vmem>> -> memref<1x80xi32, #tpu.memory_space<vmem>>
        %dma_wait3A_88 = arith.constant 0 : i32
        %dma_wait3A_89 = arith.constant 0 : i32
        %dma_wait3A_90 = tpu.memref_slice %arg4[%arg1, %dma_wait3A_88, %dma_wait3A_89] : memref<16x125x80xi32, #tpu.memory_space<hbm>> -> memref<1x1x80xi32, #tpu.memory_space<hbm>>
        %dma_wait3A_91 = tpu.memref_squeeze %dma_wait3A_90 : memref<1x1x80xi32, #tpu.memory_space<hbm>> -> memref<1x80xi32, #tpu.memory_space<hbm>>
        %dma_wait3A_92 = arith.constant 0 : i32
        %dma_wait3A_93 = arith.constant 0 : i32
        %dma_wait3A_94 = tpu.memref_slice %arg9[%run_scoped3A, %dma_wait3A_92, %dma_wait3A_93] : memref<2x1x80xi32, #tpu.memory_space<vmem>> -> memref<1x1x80xi32, #tpu.memory_space<vmem>>
        %dma_wait3A_95 = tpu.memref_squeeze %dma_wait3A_94 : memref<1x1x80xi32, #tpu.memory_space<vmem>> -> memref<1x80xi32, #tpu.memory_space<vmem>>
        %dma_wait3A_96 = arith.constant 0 : i32
        %dma_wait3A_97 = arith.constant 0 : i32
        %dma_wait3A_98 = tpu.memref_slice %arg4[%arg1, %dma_wait3A_96, %dma_wait3A_97] : memref<16x125x80xi32, #tpu.memory_space<hbm>> -> memref<1x1x80xi32, #tpu.memory_space<hbm>>
        %dma_wait3A_99 = tpu.memref_squeeze %dma_wait3A_98 : memref<1x1x80xi32, #tpu.memory_space<hbm>> -> memref<1x80xi32, #tpu.memory_space<hbm>>
        tpu.wait_dma2 semaphore(%run_scoped3A_67 : memref<!tpu.dma_semaphore, #tpu.memory_space<semaphore_mem>>) src(%dma_wait3A_99 : memref<1x80xi32, #tpu.memory_space<hbm>>) dst(%dma_wait3A_95 : memref<1x80xi32, #tpu.memory_space<vmem>>)
        tpu.yield
      }) : () -> ()
      %dma_start3A = arith.constant 1 : i32
      %dma_start3A_8 = arith.constant 0 : i32
      %dma_start3A_9 = arith.constant 0 : i32
      %dma_start3A_10 = tpu.memref_slice %arg9[%dma_start3A, %dma_start3A_8, %dma_start3A_9] : memref<2x1x80xi32, #tpu.memory_space<vmem>> -> memref<1x1x80xi32, #tpu.memory_space<vmem>>
      %dma_start3A_11 = tpu.memref_squeeze %dma_start3A_10 : memref<1x1x80xi32, #tpu.memory_space<vmem>> -> memref<1x80xi32, #tpu.memory_space<vmem>>
      %dma_start3A_12 = arith.constant 1 : i32
      %dma_start3A_13 = arith.constant 0 : i32
      %dma_start3A_14 = tpu.memref_slice %arg4[%arg1, %dma_start3A_12, %dma_start3A_13] : memref<16x125x80xi32, #tpu.memory_space<hbm>> -> memref<1x1x80xi32, #tpu.memory_space<hbm>>
      %dma_start3A_15 = tpu.memref_squeeze %dma_start3A_14 : memref<1x1x80xi32, #tpu.memory_space<hbm>> -> memref<1x80xi32, #tpu.memory_space<hbm>>
      %dma_start3A_16 = arith.constant 0 : i32
      %dma_start3A_17 = arith.constant 0 : i32
      %dma_start3A_18 = tpu.memref_slice %arg9[%dma_start3A, %dma_start3A_16, %dma_start3A_17] : memref<2x1x80xi32, #tpu.memory_space<vmem>> -> memref<1x1x80xi32, #tpu.memory_space<vmem>>
      %dma_start3A_19 = tpu.memref_squeeze %dma_start3A_18 : memref<1x1x80xi32, #tpu.memory_space<vmem>> -> memref<1x80xi32, #tpu.memory_space<vmem>>
      %dma_start3A_20 = arith.constant 1 : i32
      %dma_start3A_21 = arith.constant 0 : i32
      %dma_start3A_22 = tpu.memref_slice %arg4[%arg1, %dma_start3A_20, %dma_start3A_21] : memref<16x125x80xi32, #tpu.memory_space<hbm>> -> memref<1x1x80xi32, #tpu.memory_space<hbm>>
      %dma_start3A_23 = tpu.memref_squeeze %dma_start3A_22 : memref<1x1x80xi32, #tpu.memory_space<hbm>> -> memref<1x80xi32, #tpu.memory_space<hbm>>
      tpu.enqueue_dma source(%dma_start3A_23 : memref<1x80xi32, #tpu.memory_space<hbm>>) target(%dma_start3A_19 : memref<1x80xi32, #tpu.memory_space<vmem>>) target_semaphore(%arg17 : memref<!tpu.dma_semaphore, #tpu.memory_space<semaphore_mem>>)
      %dma_start3A_24 = arith.constant 0 : i32
      %dma_start3A_25 = arith.constant 0 : i32
      %dma_start3A_26 = arith.constant 0 : i32
      %dma_start3A_27 = tpu.memref_slice %arg9[%dma_start3A_24, %dma_start3A_25, %dma_start3A_26] : memref<2x1x80xi32, #tpu.memory_space<vmem>> -> memref<1x1x80xi32, #tpu.memory_space<vmem>>
      %dma_start3A_28 = tpu.memref_squeeze %dma_start3A_27 : memref<1x1x80xi32, #tpu.memory_space<vmem>> -> memref<80xi32, #tpu.memory_space<vmem>>
      %dma_start3A_29 = arith.constant 0 : i32
      %dma_start3A_30 = arith.constant 0 : i32
      %dma_start3A_31 = tpu.memref_slice %arg3[%dma_start3A_29, %dma_start3A_30] : memref<10000x128xf32, #tpu.memory_space<hbm>> -> memref<10000x128xf32, #tpu.memory_space<hbm>>
      tpu.enqueue_indirect_dma source(%dma_start3A_31 : memref<10000x128xf32, #tpu.memory_space<hbm>>) target(%arg11 : memref<80x128xf32, #tpu.memory_space<vmem>>) offsets(%dma_start3A_28 : memref<80xi32, #tpu.memory_space<vmem>>) semaphore(%arg14 : memref<!tpu.dma_semaphore, #tpu.memory_space<semaphore_mem>>)
      %scan3A = arith.constant 0 : i32
      %scan3A_32 = arith.constant 0 : i32
      %scan3A_33 = arith.constant 62 : i32
      %scan3A_34 = arith.addi %scan3A_32, %scan3A_33 : i32
      %scan3A_35 = arith.constant 1 : i32
      scf.for %scan3A_67 = %scan3A_32 to %scan3A_34 step %scan3A_35  : i32 {
        %mul3A_68 = arith.constant 2 : i32
        %mul3A_69 = arith.muli %mul3A_68, %scan3A_67 : i32
        %add3A = arith.constant 1 : i32
        %add3A_70 = arith.addi %mul3A_69, %add3A : i32
        %dma_wait3A_71 = arith.constant 1 : i32
        %dma_wait3A_72 = arith.constant 0 : i32
        %dma_wait3A_73 = arith.constant 0 : i32
        %dma_wait3A_74 = tpu.memref_slice %arg9[%dma_wait3A_71, %dma_wait3A_72, %dma_wait3A_73] : memref<2x1x80xi32, #tpu.memory_space<vmem>> -> memref<1x1x80xi32, #tpu.memory_space<vmem>>
        %dma_wait3A_75 = tpu.memref_squeeze %dma_wait3A_74 : memref<1x1x80xi32, #tpu.memory_space<vmem>> -> memref<1x80xi32, #tpu.memory_space<vmem>>
        %dma_wait3A_76 = arith.constant 0 : i32
        %dma_wait3A_77 = tpu.memref_slice %arg4[%arg1, %add3A_70, %dma_wait3A_76] : memref<16x125x80xi32, #tpu.memory_space<hbm>> -> memref<1x1x80xi32, #tpu.memory_space<hbm>>
        %dma_wait3A_78 = tpu.memref_squeeze %dma_wait3A_77 : memref<1x1x80xi32, #tpu.memory_space<hbm>> -> memref<1x80xi32, #tpu.memory_space<hbm>>
        %dma_wait3A_79 = arith.constant 0 : i32
        %dma_wait3A_80 = arith.constant 0 : i32
        %dma_wait3A_81 = tpu.memref_slice %arg9[%dma_wait3A_71, %dma_wait3A_79, %dma_wait3A_80] : memref<2x1x80xi32, #tpu.memory_space<vmem>> -> memref<1x1x80xi32, #tpu.memory_space<vmem>>
        %dma_wait3A_82 = tpu.memref_squeeze %dma_wait3A_81 : memref<1x1x80xi32, #tpu.memory_space<vmem>> -> memref<1x80xi32, #tpu.memory_space<vmem>>
        %dma_wait3A_83 = arith.constant 0 : i32
        %dma_wait3A_84 = tpu.memref_slice %arg4[%arg1, %add3A_70, %dma_wait3A_83] : memref<16x125x80xi32, #tpu.memory_space<hbm>> -> memref<1x1x80xi32, #tpu.memory_space<hbm>>
        %dma_wait3A_85 = tpu.memref_squeeze %dma_wait3A_84 : memref<1x1x80xi32, #tpu.memory_space<hbm>> -> memref<1x80xi32, #tpu.memory_space<hbm>>
        tpu.wait_dma2 semaphore(%arg17 : memref<!tpu.dma_semaphore, #tpu.memory_space<semaphore_mem>>) src(%dma_wait3A_85 : memref<1x80xi32, #tpu.memory_space<hbm>>) dst(%dma_wait3A_82 : memref<1x80xi32, #tpu.memory_space<vmem>>)
        %dma_wait3A_86 = arith.constant 0 : i32
        %dma_wait3A_87 = arith.constant 0 : i32
        %dma_wait3A_88 = arith.constant 0 : i32
        %dma_wait3A_89 = tpu.memref_slice %arg9[%dma_wait3A_86, %dma_wait3A_87, %dma_wait3A_88] : memref<2x1x80xi32, #tpu.memory_space<vmem>> -> memref<1x1x80xi32, #tpu.memory_space<vmem>>
        %dma_wait3A_90 = tpu.memref_squeeze %dma_wait3A_89 : memref<1x1x80xi32, #tpu.memory_space<vmem>> -> memref<80xi32, #tpu.memory_space<vmem>>
        %dma_wait3A_91 = arith.constant 0 : i32
        %dma_wait3A_92 = arith.constant 0 : i32
        %dma_wait3A_93 = tpu.memref_slice %arg3[%dma_wait3A_91, %dma_wait3A_92] : memref<10000x128xf32, #tpu.memory_space<hbm>> -> memref<10000x128xf32, #tpu.memory_space<hbm>>
        tpu.wait_indirect_dma semaphore(%arg14 : memref<!tpu.dma_semaphore, #tpu.memory_space<semaphore_mem>>) src(%dma_wait3A_93 : memref<10000x128xf32, #tpu.memory_space<hbm>>) dst(%arg11 : memref<80x128xf32, #tpu.memory_space<vmem>>)
        %dma_start3A_94 = arith.constant 1 : i32
        %dma_start3A_95 = arith.constant 0 : i32
        %dma_start3A_96 = arith.constant 0 : i32
        %dma_start3A_97 = tpu.memref_slice %arg9[%dma_start3A_94, %dma_start3A_95, %dma_start3A_96] : memref<2x1x80xi32, #tpu.memory_space<vmem>> -> memref<1x1x80xi32, #tpu.memory_space<vmem>>
        %dma_start3A_98 = tpu.memref_squeeze %dma_start3A_97 : memref<1x1x80xi32, #tpu.memory_space<vmem>> -> memref<80xi32, #tpu.memory_space<vmem>>
        %dma_start3A_99 = arith.constant 0 : i32
        %dma_start3A_100 = arith.constant 0 : i32
        %dma_start3A_101 = tpu.memref_slice %arg3[%dma_start3A_99, %dma_start3A_100] : memref<10000x128xf32, #tpu.memory_space<hbm>> -> memref<10000x128xf32, #tpu.memory_space<hbm>>
        tpu.enqueue_indirect_dma source(%dma_start3A_101 : memref<10000x128xf32, #tpu.memory_space<hbm>>) target(%arg12 : memref<80x128xf32, #tpu.memory_space<vmem>>) offsets(%dma_start3A_98 : memref<80xi32, #tpu.memory_space<vmem>>) semaphore(%arg15 : memref<!tpu.dma_semaphore, #tpu.memory_space<semaphore_mem>>)
        %add3A_102 = arith.constant 2 : i32
        %add3A_103 = arith.addi %mul3A_69, %add3A_102 : i32
        %dma_start3A_104 = arith.constant 0 : i32
        %dma_start3A_105 = arith.constant 0 : i32
        %dma_start3A_106 = arith.constant 0 : i32
        %dma_start3A_107 = tpu.memref_slice %arg9[%dma_start3A_104, %dma_start3A_105, %dma_start3A_106] : memref<2x1x80xi32, #tpu.memory_space<vmem>> -> memref<1x1x80xi32, #tpu.memory_space<vmem>>
        %dma_start3A_108 = tpu.memref_squeeze %dma_start3A_107 : memref<1x1x80xi32, #tpu.memory_space<vmem>> -> memref<1x80xi32, #tpu.memory_space<vmem>>
        %dma_start3A_109 = arith.constant 0 : i32
        %dma_start3A_110 = tpu.memref_slice %arg4[%arg1, %add3A_103, %dma_start3A_109] : memref<16x125x80xi32, #tpu.memory_space<hbm>> -> memref<1x1x80xi32, #tpu.memory_space<hbm>>
        %dma_start3A_111 = tpu.memref_squeeze %dma_start3A_110 : memref<1x1x80xi32, #tpu.memory_space<hbm>> -> memref<1x80xi32, #tpu.memory_space<hbm>>
        %dma_start3A_112 = arith.constant 0 : i32
        %dma_start3A_113 = arith.constant 0 : i32
        %dma_start3A_114 = tpu.memref_slice %arg9[%dma_start3A_104, %dma_start3A_112, %dma_start3A_113] : memref<2x1x80xi32, #tpu.memory_space<vmem>> -> memref<1x1x80xi32, #tpu.memory_space<vmem>>
        %dma_start3A_115 = tpu.memref_squeeze %dma_start3A_114 : memref<1x1x80xi32, #tpu.memory_space<vmem>> -> memref<1x80xi32, #tpu.memory_space<vmem>>
        %dma_start3A_116 = arith.constant 0 : i32
        %dma_start3A_117 = tpu.memref_slice %arg4[%arg1, %add3A_103, %dma_start3A_116] : memref<16x125x80xi32, #tpu.memory_space<hbm>> -> memref<1x1x80xi32, #tpu.memory_space<hbm>>
        %dma_start3A_118 = tpu.memref_squeeze %dma_start3A_117 : memref<1x1x80xi32, #tpu.memory_space<hbm>> -> memref<1x80xi32, #tpu.memory_space<hbm>>
        tpu.enqueue_dma source(%dma_start3A_118 : memref<1x80xi32, #tpu.memory_space<hbm>>) target(%dma_start3A_115 : memref<1x80xi32, #tpu.memory_space<vmem>>) target_semaphore(%arg16 : memref<!tpu.dma_semaphore, #tpu.memory_space<semaphore_mem>>)
        "tpu.region"() ({
          %run_scoped3A_172 = tpu.sem_alloc : memref<!tpu.dma_semaphore, #tpu.memory_space<semaphore_mem>>
          %dma_start3A_173 = arith.constant 0 : i32
          %dma_start3A_174 = tpu.memref_slice %arg10[%mul3A_69, %dma_start3A_173] : memref<125x80xi32, #tpu.memory_space<vmem>> -> memref<1x80xi32, #tpu.memory_space<vmem>>
          %dma_start3A_175 = tpu.memref_squeeze %dma_start3A_174 : memref<1x80xi32, #tpu.memory_space<vmem>> -> memref<80xi32, #tpu.memory_space<vmem>>
          %dma_start3A_176 = arith.constant 0 : i32
          %dma_start3A_177 = arith.constant 0 : i32
          %dma_start3A_178 = tpu.memref_slice %arg13[%dma_start3A_176, %dma_start3A_177] : memref<10240x128xf32, #tpu.memory_space<vmem_shared>> -> memref<10240x128xf32, #tpu.memory_space<vmem_shared>>
          tpu.enqueue_indirect_dma source(%arg11 : memref<80x128xf32, #tpu.memory_space<vmem>>) target(%dma_start3A_178 : memref<10240x128xf32, #tpu.memory_space<vmem_shared>>) offsets(%dma_start3A_175 : memref<80xi32, #tpu.memory_space<vmem>>) semaphore(%run_scoped3A_172 : memref<!tpu.dma_semaphore, #tpu.memory_space<semaphore_mem>>) {add = true}
          %dma_wait3A_179 = arith.constant 0 : i32
          %dma_wait3A_180 = tpu.memref_slice %arg10[%mul3A_69, %dma_wait3A_179] : memref<125x80xi32, #tpu.memory_space<vmem>> -> memref<1x80xi32, #tpu.memory_space<vmem>>
          %dma_wait3A_181 = tpu.memref_squeeze %dma_wait3A_180 : memref<1x80xi32, #tpu.memory_space<vmem>> -> memref<80xi32, #tpu.memory_space<vmem>>
          %dma_wait3A_182 = arith.constant 0 : i32
          %dma_wait3A_183 = arith.constant 0 : i32
          %dma_wait3A_184 = tpu.memref_slice %arg13[%dma_wait3A_182, %dma_wait3A_183] : memref<10240x128xf32, #tpu.memory_space<vmem_shared>> -> memref<10240x128xf32, #tpu.memory_space<vmem_shared>>
          tpu.wait_indirect_dma semaphore(%run_scoped3A_172 : memref<!tpu.dma_semaphore, #tpu.memory_space<semaphore_mem>>) src(%arg11 : memref<80x128xf32, #tpu.memory_space<vmem>>) dst(%dma_wait3A_184 : memref<10240x128xf32, #tpu.memory_space<vmem_shared>>)
          tpu.yield
        }) : () -> ()
        %add3A_119 = arith.constant 2 : i32
        %add3A_120 = arith.addi %mul3A_69, %add3A_119 : i32
        %dma_wait3A_121 = arith.constant 0 : i32
        %dma_wait3A_122 = arith.constant 0 : i32
        %dma_wait3A_123 = arith.constant 0 : i32
        %dma_wait3A_124 = tpu.memref_slice %arg9[%dma_wait3A_121, %dma_wait3A_122, %dma_wait3A_123] : memref<2x1x80xi32, #tpu.memory_space<vmem>> -> memref<1x1x80xi32, #tpu.memory_space<vmem>>
        %dma_wait3A_125 = tpu.memref_squeeze %dma_wait3A_124 : memref<1x1x80xi32, #tpu.memory_space<vmem>> -> memref<1x80xi32, #tpu.memory_space<vmem>>
        %dma_wait3A_126 = arith.constant 0 : i32
        %dma_wait3A_127 = tpu.memref_slice %arg4[%arg1, %add3A_120, %dma_wait3A_126] : memref<16x125x80xi32, #tpu.memory_space<hbm>> -> memref<1x1x80xi32, #tpu.memory_space<hbm>>
        %dma_wait3A_128 = tpu.memref_squeeze %dma_wait3A_127 : memref<1x1x80xi32, #tpu.memory_space<hbm>> -> memref<1x80xi32, #tpu.memory_space<hbm>>
        %dma_wait3A_129 = arith.constant 0 : i32
        %dma_wait3A_130 = arith.constant 0 : i32
        %dma_wait3A_131 = tpu.memref_slice %arg9[%dma_wait3A_121, %dma_wait3A_129, %dma_wait3A_130] : memref<2x1x80xi32, #tpu.memory_space<vmem>> -> memref<1x1x80xi32, #tpu.memory_space<vmem>>
        %dma_wait3A_132 = tpu.memref_squeeze %dma_wait3A_131 : memref<1x1x80xi32, #tpu.memory_space<vmem>> -> memref<1x80xi32, #tpu.memory_space<vmem>>
        %dma_wait3A_133 = arith.constant 0 : i32
        %dma_wait3A_134 = tpu.memref_slice %arg4[%arg1, %add3A_120, %dma_wait3A_133] : memref<16x125x80xi32, #tpu.memory_space<hbm>> -> memref<1x1x80xi32, #tpu.memory_space<hbm>>
        %dma_wait3A_135 = tpu.memref_squeeze %dma_wait3A_134 : memref<1x1x80xi32, #tpu.memory_space<hbm>> -> memref<1x80xi32, #tpu.memory_space<hbm>>
        tpu.wait_dma2 semaphore(%arg16 : memref<!tpu.dma_semaphore, #tpu.memory_space<semaphore_mem>>) src(%dma_wait3A_135 : memref<1x80xi32, #tpu.memory_space<hbm>>) dst(%dma_wait3A_132 : memref<1x80xi32, #tpu.memory_space<vmem>>)
        %dma_wait3A_136 = arith.constant 1 : i32
        %dma_wait3A_137 = arith.constant 0 : i32
        %dma_wait3A_138 = arith.constant 0 : i32
        %dma_wait3A_139 = tpu.memref_slice %arg9[%dma_wait3A_136, %dma_wait3A_137, %dma_wait3A_138] : memref<2x1x80xi32, #tpu.memory_space<vmem>> -> memref<1x1x80xi32, #tpu.memory_space<vmem>>
        %dma_wait3A_140 = tpu.memref_squeeze %dma_wait3A_139 : memref<1x1x80xi32, #tpu.memory_space<vmem>> -> memref<80xi32, #tpu.memory_space<vmem>>
        %dma_wait3A_141 = arith.constant 0 : i32
        %dma_wait3A_142 = arith.constant 0 : i32
        %dma_wait3A_143 = tpu.memref_slice %arg3[%dma_wait3A_141, %dma_wait3A_142] : memref<10000x128xf32, #tpu.memory_space<hbm>> -> memref<10000x128xf32, #tpu.memory_space<hbm>>
        tpu.wait_indirect_dma semaphore(%arg15 : memref<!tpu.dma_semaphore, #tpu.memory_space<semaphore_mem>>) src(%dma_wait3A_143 : memref<10000x128xf32, #tpu.memory_space<hbm>>) dst(%arg12 : memref<80x128xf32, #tpu.memory_space<vmem>>)
        %dma_start3A_144 = arith.constant 0 : i32
        %dma_start3A_145 = arith.constant 0 : i32
        %dma_start3A_146 = arith.constant 0 : i32
        %dma_start3A_147 = tpu.memref_slice %arg9[%dma_start3A_144, %dma_start3A_145, %dma_start3A_146] : memref<2x1x80xi32, #tpu.memory_space<vmem>> -> memref<1x1x80xi32, #tpu.memory_space<vmem>>
        %dma_start3A_148 = tpu.memref_squeeze %dma_start3A_147 : memref<1x1x80xi32, #tpu.memory_space<vmem>> -> memref<80xi32, #tpu.memory_space<vmem>>
        %dma_start3A_149 = arith.constant 0 : i32
        %dma_start3A_150 = arith.constant 0 : i32
        %dma_start3A_151 = tpu.memref_slice %arg3[%dma_start3A_149, %dma_start3A_150] : memref<10000x128xf32, #tpu.memory_space<hbm>> -> memref<10000x128xf32, #tpu.memory_space<hbm>>
        tpu.enqueue_indirect_dma source(%dma_start3A_151 : memref<10000x128xf32, #tpu.memory_space<hbm>>) target(%arg11 : memref<80x128xf32, #tpu.memory_space<vmem>>) offsets(%dma_start3A_148 : memref<80xi32, #tpu.memory_space<vmem>>) semaphore(%arg14 : memref<!tpu.dma_semaphore, #tpu.memory_space<semaphore_mem>>)
        %add3A_152 = arith.constant 3 : i32
        %add3A_153 = arith.addi %mul3A_69, %add3A_152 : i32
        %min3A = arith.constant 124 : i32
        %min3A_154 = arith.minsi %add3A_153, %min3A : i32
        %dma_start3A_155 = arith.constant 1 : i32
        %dma_start3A_156 = arith.constant 0 : i32
        %dma_start3A_157 = arith.constant 0 : i32
        %dma_start3A_158 = tpu.memref_slice %arg9[%dma_start3A_155, %dma_start3A_156, %dma_start3A_157] : memref<2x1x80xi32, #tpu.memory_space<vmem>> -> memref<1x1x80xi32, #tpu.memory_space<vmem>>
        %dma_start3A_159 = tpu.memref_squeeze %dma_start3A_158 : memref<1x1x80xi32, #tpu.memory_space<vmem>> -> memref<1x80xi32, #tpu.memory_space<vmem>>
        %dma_start3A_160 = arith.constant 0 : i32
        %dma_start3A_161 = tpu.memref_slice %arg4[%arg1, %min3A_154, %dma_start3A_160] : memref<16x125x80xi32, #tpu.memory_space<hbm>> -> memref<1x1x80xi32, #tpu.memory_space<hbm>>
        %dma_start3A_162 = tpu.memref_squeeze %dma_start3A_161 : memref<1x1x80xi32, #tpu.memory_space<hbm>> -> memref<1x80xi32, #tpu.memory_space<hbm>>
        %dma_start3A_163 = arith.constant 0 : i32
        %dma_start3A_164 = arith.constant 0 : i32
        %dma_start3A_165 = tpu.memref_slice %arg9[%dma_start3A_155, %dma_start3A_163, %dma_start3A_164] : memref<2x1x80xi32, #tpu.memory_space<vmem>> -> memref<1x1x80xi32, #tpu.memory_space<vmem>>
        %dma_start3A_166 = tpu.memref_squeeze %dma_start3A_165 : memref<1x1x80xi32, #tpu.memory_space<vmem>> -> memref<1x80xi32, #tpu.memory_space<vmem>>
        %dma_start3A_167 = arith.constant 0 : i32
        %dma_start3A_168 = tpu.memref_slice %arg4[%arg1, %min3A_154, %dma_start3A_167] : memref<16x125x80xi32, #tpu.memory_space<hbm>> -> memref<1x1x80xi32, #tpu.memory_space<hbm>>
        %dma_start3A_169 = tpu.memref_squeeze %dma_start3A_168 : memref<1x1x80xi32, #tpu.memory_space<hbm>> -> memref<1x80xi32, #tpu.memory_space<hbm>>
        tpu.enqueue_dma source(%dma_start3A_169 : memref<1x80xi32, #tpu.memory_space<hbm>>) target(%dma_start3A_166 : memref<1x80xi32, #tpu.memory_space<vmem>>) target_semaphore(%arg17 : memref<!tpu.dma_semaphore, #tpu.memory_space<semaphore_mem>>)
        %add3A_170 = arith.constant 1 : i32
        %add3A_171 = arith.addi %mul3A_69, %add3A_170 : i32
        "tpu.region"() ({
          %run_scoped3A_172 = tpu.sem_alloc : memref<!tpu.dma_semaphore, #tpu.memory_space<semaphore_mem>>
          %dma_start3A_173 = arith.constant 0 : i32
          %dma_start3A_174 = tpu.memref_slice %arg10[%add3A_171, %dma_start3A_173] : memref<125x80xi32, #tpu.memory_space<vmem>> -> memref<1x80xi32, #tpu.memory_space<vmem>>
          %dma_start3A_175 = tpu.memref_squeeze %dma_start3A_174 : memref<1x80xi32, #tpu.memory_space<vmem>> -> memref<80xi32, #tpu.memory_space<vmem>>
          %dma_start3A_176 = arith.constant 0 : i32
          %dma_start3A_177 = arith.constant 0 : i32
          %dma_start3A_178 = tpu.memref_slice %arg13[%dma_start3A_176, %dma_start3A_177] : memref<10240x128xf32, #tpu.memory_space<vmem_shared>> -> memref<10240x128xf32, #tpu.memory_space<vmem_shared>>
          tpu.enqueue_indirect_dma source(%arg12 : memref<80x128xf32, #tpu.memory_space<vmem>>) target(%dma_start3A_178 : memref<10240x128xf32, #tpu.memory_space<vmem_shared>>) offsets(%dma_start3A_175 : memref<80xi32, #tpu.memory_space<vmem>>) semaphore(%run_scoped3A_172 : memref<!tpu.dma_semaphore, #tpu.memory_space<semaphore_mem>>) {add = true}
          %dma_wait3A_179 = arith.constant 0 : i32
          %dma_wait3A_180 = tpu.memref_slice %arg10[%add3A_171, %dma_wait3A_179] : memref<125x80xi32, #tpu.memory_space<vmem>> -> memref<1x80xi32, #tpu.memory_space<vmem>>
          %dma_wait3A_181 = tpu.memref_squeeze %dma_wait3A_180 : memref<1x80xi32, #tpu.memory_space<vmem>> -> memref<80xi32, #tpu.memory_space<vmem>>
          %dma_wait3A_182 = arith.constant 0 : i32
          %dma_wait3A_183 = arith.constant 0 : i32
          %dma_wait3A_184 = tpu.memref_slice %arg13[%dma_wait3A_182, %dma_wait3A_183] : memref<10240x128xf32, #tpu.memory_space<vmem_shared>> -> memref<10240x128xf32, #tpu.memory_space<vmem_shared>>
          tpu.wait_indirect_dma semaphore(%run_scoped3A_172 : memref<!tpu.dma_semaphore, #tpu.memory_space<semaphore_mem>>) src(%arg12 : memref<80x128xf32, #tpu.memory_space<vmem>>) dst(%dma_wait3A_184 : memref<10240x128xf32, #tpu.memory_space<vmem_shared>>)
          tpu.yield
        }) : () -> ()
      }
      %scan3A_36 = arith.constant 62 : i32
      %dma_wait3A = arith.constant 1 : i32
      %dma_wait3A_37 = arith.constant 0 : i32
      %dma_wait3A_38 = arith.constant 0 : i32
      %dma_wait3A_39 = tpu.memref_slice %arg9[%dma_wait3A, %dma_wait3A_37, %dma_wait3A_38] : memref<2x1x80xi32, #tpu.memory_space<vmem>> -> memref<1x1x80xi32, #tpu.memory_space<vmem>>
      %dma_wait3A_40 = tpu.memref_squeeze %dma_wait3A_39 : memref<1x1x80xi32, #tpu.memory_space<vmem>> -> memref<1x80xi32, #tpu.memory_space<vmem>>
      %dma_wait3A_41 = arith.constant 124 : i32
      %dma_wait3A_42 = arith.constant 0 : i32
      %dma_wait3A_43 = tpu.memref_slice %arg4[%arg1, %dma_wait3A_41, %dma_wait3A_42] : memref<16x125x80xi32, #tpu.memory_space<hbm>> -> memref<1x1x80xi32, #tpu.memory_space<hbm>>
      %dma_wait3A_44 = tpu.memref_squeeze %dma_wait3A_43 : memref<1x1x80xi32, #tpu.memory_space<hbm>> -> memref<1x80xi32, #tpu.memory_space<hbm>>
      %dma_wait3A_45 = arith.constant 0 : i32
      %dma_wait3A_46 = arith.constant 0 : i32
      %dma_wait3A_47 = tpu.memref_slice %arg9[%dma_wait3A, %dma_wait3A_45, %dma_wait3A_46] : memref<2x1x80xi32, #tpu.memory_space<vmem>> -> memref<1x1x80xi32, #tpu.memory_space<vmem>>
      %dma_wait3A_48 = tpu.memref_squeeze %dma_wait3A_47 : memref<1x1x80xi32, #tpu.memory_space<vmem>> -> memref<1x80xi32, #tpu.memory_space<vmem>>
      %dma_wait3A_49 = arith.constant 124 : i32
      %dma_wait3A_50 = arith.constant 0 : i32
      %dma_wait3A_51 = tpu.memref_slice %arg4[%arg1, %dma_wait3A_49, %dma_wait3A_50] : memref<16x125x80xi32, #tpu.memory_space<hbm>> -> memref<1x1x80xi32, #tpu.memory_space<hbm>>
      %dma_wait3A_52 = tpu.memref_squeeze %dma_wait3A_51 : memref<1x1x80xi32, #tpu.memory_space<hbm>> -> memref<1x80xi32, #tpu.memory_space<hbm>>
      tpu.wait_dma2 semaphore(%arg17 : memref<!tpu.dma_semaphore, #tpu.memory_space<semaphore_mem>>) src(%dma_wait3A_52 : memref<1x80xi32, #tpu.memory_space<hbm>>) dst(%dma_wait3A_48 : memref<1x80xi32, #tpu.memory_space<vmem>>)
      %dma_wait3A_53 = arith.constant 0 : i32
      %dma_wait3A_54 = arith.constant 0 : i32
      %dma_wait3A_55 = arith.constant 0 : i32
      %dma_wait3A_56 = tpu.memref_slice %arg9[%dma_wait3A_53, %dma_wait3A_54, %dma_wait3A_55] : memref<2x1x80xi32, #tpu.memory_space<vmem>> -> memref<1x1x80xi32, #tpu.memory_space<vmem>>
      %dma_wait3A_57 = tpu.memref_squeeze %dma_wait3A_56 : memref<1x1x80xi32, #tpu.memory_space<vmem>> -> memref<80xi32, #tpu.memory_space<vmem>>
      %dma_wait3A_58 = arith.constant 0 : i32
      %dma_wait3A_59 = arith.constant 0 : i32
      %dma_wait3A_60 = tpu.memref_slice %arg3[%dma_wait3A_58, %dma_wait3A_59] : memref<10000x128xf32, #tpu.memory_space<hbm>> -> memref<10000x128xf32, #tpu.memory_space<hbm>>
      tpu.wait_indirect_dma semaphore(%arg14 : memref<!tpu.dma_semaphore, #tpu.memory_space<semaphore_mem>>) src(%dma_wait3A_60 : memref<10000x128xf32, #tpu.memory_space<hbm>>) dst(%arg11 : memref<80x128xf32, #tpu.memory_space<vmem>>)
      %run_scoped3A_61 = arith.constant 124 : i32
      "tpu.region"() ({
        %run_scoped3A_67 = tpu.sem_alloc : memref<!tpu.dma_semaphore, #tpu.memory_space<semaphore_mem>>
        %dma_start3A_68 = arith.constant 0 : i32
        %dma_start3A_69 = tpu.memref_slice %arg10[%run_scoped3A_61, %dma_start3A_68] : memref<125x80xi32, #tpu.memory_space<vmem>> -> memref<1x80xi32, #tpu.memory_space<vmem>>
        %dma_start3A_70 = tpu.memref_squeeze %dma_start3A_69 : memref<1x80xi32, #tpu.memory_space<vmem>> -> memref<80xi32, #tpu.memory_space<vmem>>
        %dma_start3A_71 = arith.constant 0 : i32
        %dma_start3A_72 = arith.constant 0 : i32
        %dma_start3A_73 = tpu.memref_slice %arg13[%dma_start3A_71, %dma_start3A_72] : memref<10240x128xf32, #tpu.memory_space<vmem_shared>> -> memref<10240x128xf32, #tpu.memory_space<vmem_shared>>
        tpu.enqueue_indirect_dma source(%arg11 : memref<80x128xf32, #tpu.memory_space<vmem>>) target(%dma_start3A_73 : memref<10240x128xf32, #tpu.memory_space<vmem_shared>>) offsets(%dma_start3A_70 : memref<80xi32, #tpu.memory_space<vmem>>) semaphore(%run_scoped3A_67 : memref<!tpu.dma_semaphore, #tpu.memory_space<semaphore_mem>>) {add = true}
        %dma_wait3A_74 = arith.constant 0 : i32
        %dma_wait3A_75 = tpu.memref_slice %arg10[%run_scoped3A_61, %dma_wait3A_74] : memref<125x80xi32, #tpu.memory_space<vmem>> -> memref<1x80xi32, #tpu.memory_space<vmem>>
        %dma_wait3A_76 = tpu.memref_squeeze %dma_wait3A_75 : memref<1x80xi32, #tpu.memory_space<vmem>> -> memref<80xi32, #tpu.memory_space<vmem>>
        %dma_wait3A_77 = arith.constant 0 : i32
        %dma_wait3A_78 = arith.constant 0 : i32
        %dma_wait3A_79 = tpu.memref_slice %arg13[%dma_wait3A_77, %dma_wait3A_78] : memref<10240x128xf32, #tpu.memory_space<vmem_shared>> -> memref<10240x128xf32, #tpu.memory_space<vmem_shared>>
        tpu.wait_indirect_dma semaphore(%run_scoped3A_67 : memref<!tpu.dma_semaphore, #tpu.memory_space<semaphore_mem>>) src(%arg11 : memref<80x128xf32, #tpu.memory_space<vmem>>) dst(%dma_wait3A_79 : memref<10240x128xf32, #tpu.memory_space<vmem_shared>>)
        tpu.yield
      }) : () -> ()
      %barrier3A_62 = arith.constant 0 : index
      tpu.barrier barrier_id(%barrier3A_62)
      %mul3A_63 = arith.constant 640 : i32
      %mul3A_64 = arith.muli %arg1, %mul3A_63 : i32
      %mul3A_65 = arith.constant 640 : i32
      %mul3A_66 = arith.muli %arg1, %mul3A_65 : i32
      "tpu.region"() ({
        %run_scoped3A_67 = tpu.sem_alloc : memref<!tpu.dma_semaphore, #tpu.memory_space<semaphore_mem>>
        %dma_start3A_68 = arith.constant 0 : i32
        %dma_start3A_69 = tpu.memref_slice %arg8[%mul3A_66, %dma_start3A_68] : memref<10240x128xf32, #tpu.memory_space<hbm>> -> memref<640x128xf32, #tpu.memory_space<hbm>>
        %dma_start3A_70 = arith.constant 0 : i32
        %dma_start3A_71 = tpu.memref_slice %arg13[%mul3A_64, %dma_start3A_70] : memref<10240x128xf32, #tpu.memory_space<vmem_shared>> -> memref<640x128xf32, #tpu.memory_space<vmem_shared>>
        tpu.enqueue_dma source(%dma_start3A_71 : memref<640x128xf32, #tpu.memory_space<vmem_shared>>) target(%dma_start3A_69 : memref<640x128xf32, #tpu.memory_space<hbm>>) target_semaphore(%run_scoped3A_67 : memref<!tpu.dma_semaphore, #tpu.memory_space<semaphore_mem>>)
        %dma_wait3A_72 = arith.constant 0 : i32
        %dma_wait3A_73 = tpu.memref_slice %arg8[%mul3A_66, %dma_wait3A_72] : memref<10240x128xf32, #tpu.memory_space<hbm>> -> memref<640x128xf32, #tpu.memory_space<hbm>>
        %dma_wait3A_74 = arith.constant 0 : i32
        %dma_wait3A_75 = tpu.memref_slice %arg13[%mul3A_64, %dma_wait3A_74] : memref<10240x128xf32, #tpu.memory_space<vmem_shared>> -> memref<640x128xf32, #tpu.memory_space<vmem_shared>>
        tpu.wait_dma2 semaphore(%run_scoped3A_67 : memref<!tpu.dma_semaphore, #tpu.memory_space<semaphore_mem>>) src(%dma_wait3A_75 : memref<640x128xf32, #tpu.memory_space<vmem_shared>>) dst(%dma_wait3A_73 : memref<640x128xf32, #tpu.memory_space<hbm>>)
        tpu.yield
      }) : () -> ()
    } else {
    }
    return
  }
}

#map = affine_map<(d0, d1) -> (0, 0, 0)>
#map1 = affine_map<(d0, d1) -> (0, 0)>
module attributes {stable_mosaic.version = 14 : i64} {
  func.func @_sc_count(%arg0: i32, %arg1: i32, %arg2: memref<16x125x80xi32, #tpu.memory_space<hbm>>, %arg3: memref<80x128xf32, #tpu.memory_space<hbm>>, %arg4: memref<640x128xf32, #tpu.memory_space<hbm>>, %arg5: memref<10240x128xf32, #tpu.memory_space<hbm>>, %arg6: memref<10240x128xf32, #tpu.memory_space<hbm>>, %arg7: memref<125x80xi32, #tpu.memory_space<vmem>>, %arg8: memref<80x128xf32, #tpu.memory_space<vmem>>, %arg9: memref<10240x128xf32, #tpu.memory_space<vmem_shared>>) attributes {dimension_semantics = [#tpu.dimension_semantics<core_parallel>, #tpu.dimension_semantics<subcore_parallel>], iteration_bounds = array<i64: 2, 16>, scalar_prefetch = 0 : i64, scratch_operands = 3 : i64, tpu.core_type = #tpu.core_type<sc_vector_subcore>, window_params = [{transform_indices = #map}, {transform_indices = #map1}, {transform_indices = #map1}, {transform_indices = #map1}, {transform_indices = #map1}]} {
    %mul3A = arith.constant 640 : i32
    %mul3A_0 = arith.muli %arg1, %mul3A : i32
    "tpu.region"() ({
      %run_scoped3A = tpu.sem_alloc : memref<!tpu.dma_semaphore, #tpu.memory_space<semaphore_mem>>
      %dma_start3A = arith.constant 0 : i32
      %dma_start3A_8 = tpu.memref_slice %arg9[%mul3A_0, %dma_start3A] : memref<10240x128xf32, #tpu.memory_space<vmem_shared>> -> memref<640x128xf32, #tpu.memory_space<vmem_shared>>
      tpu.enqueue_dma source(%arg4 : memref<640x128xf32, #tpu.memory_space<hbm>>) target(%dma_start3A_8 : memref<640x128xf32, #tpu.memory_space<vmem_shared>>) target_semaphore(%run_scoped3A : memref<!tpu.dma_semaphore, #tpu.memory_space<semaphore_mem>>)
      %dma_wait3A = arith.constant 0 : i32
      %dma_wait3A_9 = tpu.memref_slice %arg9[%mul3A_0, %dma_wait3A] : memref<10240x128xf32, #tpu.memory_space<vmem_shared>> -> memref<640x128xf32, #tpu.memory_space<vmem_shared>>
      tpu.wait_dma2 semaphore(%run_scoped3A : memref<!tpu.dma_semaphore, #tpu.memory_space<semaphore_mem>>) src(%arg4 : memref<640x128xf32, #tpu.memory_space<hbm>>) dst(%dma_wait3A_9 : memref<640x128xf32, #tpu.memory_space<vmem_shared>>)
      tpu.yield
    }) : () -> ()
    "tpu.region"() ({
      %run_scoped3A = tpu.sem_alloc : memref<!tpu.dma_semaphore, #tpu.memory_space<semaphore_mem>>
      %dma_start3A = arith.constant 0 : i32
      %dma_start3A_8 = arith.constant 0 : i32
      %dma_start3A_9 = tpu.memref_slice %arg2[%arg1, %dma_start3A, %dma_start3A_8] : memref<16x125x80xi32, #tpu.memory_space<hbm>> -> memref<1x125x80xi32, #tpu.memory_space<hbm>>
      %dma_start3A_10 = tpu.memref_squeeze %dma_start3A_9 : memref<1x125x80xi32, #tpu.memory_space<hbm>> -> memref<125x80xi32, #tpu.memory_space<hbm>>
      %dma_start3A_11 = arith.constant 0 : i32
      %dma_start3A_12 = arith.constant 0 : i32
      %dma_start3A_13 = tpu.memref_slice %arg2[%arg1, %dma_start3A_11, %dma_start3A_12] : memref<16x125x80xi32, #tpu.memory_space<hbm>> -> memref<1x125x80xi32, #tpu.memory_space<hbm>>
      %dma_start3A_14 = tpu.memref_squeeze %dma_start3A_13 : memref<1x125x80xi32, #tpu.memory_space<hbm>> -> memref<125x80xi32, #tpu.memory_space<hbm>>
      tpu.enqueue_dma source(%dma_start3A_14 : memref<125x80xi32, #tpu.memory_space<hbm>>) target(%arg7 : memref<125x80xi32, #tpu.memory_space<vmem>>) target_semaphore(%run_scoped3A : memref<!tpu.dma_semaphore, #tpu.memory_space<semaphore_mem>>)
      %dma_wait3A = arith.constant 0 : i32
      %dma_wait3A_15 = arith.constant 0 : i32
      %dma_wait3A_16 = tpu.memref_slice %arg2[%arg1, %dma_wait3A, %dma_wait3A_15] : memref<16x125x80xi32, #tpu.memory_space<hbm>> -> memref<1x125x80xi32, #tpu.memory_space<hbm>>
      %dma_wait3A_17 = tpu.memref_squeeze %dma_wait3A_16 : memref<1x125x80xi32, #tpu.memory_space<hbm>> -> memref<125x80xi32, #tpu.memory_space<hbm>>
      %dma_wait3A_18 = arith.constant 0 : i32
      %dma_wait3A_19 = arith.constant 0 : i32
      %dma_wait3A_20 = tpu.memref_slice %arg2[%arg1, %dma_wait3A_18, %dma_wait3A_19] : memref<16x125x80xi32, #tpu.memory_space<hbm>> -> memref<1x125x80xi32, #tpu.memory_space<hbm>>
      %dma_wait3A_21 = tpu.memref_squeeze %dma_wait3A_20 : memref<1x125x80xi32, #tpu.memory_space<hbm>> -> memref<125x80xi32, #tpu.memory_space<hbm>>
      tpu.wait_dma2 semaphore(%run_scoped3A : memref<!tpu.dma_semaphore, #tpu.memory_space<semaphore_mem>>) src(%dma_wait3A_21 : memref<125x80xi32, #tpu.memory_space<hbm>>) dst(%arg7 : memref<125x80xi32, #tpu.memory_space<vmem>>)
      tpu.yield
    }) : () -> ()
    "tpu.region"() ({
      %run_scoped3A = tpu.sem_alloc : memref<!tpu.dma_semaphore, #tpu.memory_space<semaphore_mem>>
      tpu.enqueue_dma source(%arg3 : memref<80x128xf32, #tpu.memory_space<hbm>>) target(%arg8 : memref<80x128xf32, #tpu.memory_space<vmem>>) target_semaphore(%run_scoped3A : memref<!tpu.dma_semaphore, #tpu.memory_space<semaphore_mem>>)
      tpu.wait_dma2 semaphore(%run_scoped3A : memref<!tpu.dma_semaphore, #tpu.memory_space<semaphore_mem>>) src(%arg3 : memref<80x128xf32, #tpu.memory_space<hbm>>) dst(%arg8 : memref<80x128xf32, #tpu.memory_space<vmem>>)
      tpu.yield
    }) : () -> ()
    %barrier3A = arith.constant 0 : index
    tpu.barrier barrier_id(%barrier3A)
    %eq3A = arith.constant 0 : i32
    %eq3A_1 = arith.cmpi eq, %arg0, %eq3A : i32
    %convert_element_type3A = arith.extui %eq3A_1 : i1 to i32
    %cond3A = arith.constant 0 : i32
    %cond3A_2 = arith.cmpi ne, %convert_element_type3A, %cond3A : i32
    scf.if %cond3A_2 {
      %scan3A = arith.constant 0 : i32
      %scan3A_8 = arith.constant 0 : i32
      %scan3A_9 = arith.constant 62 : i32
      %scan3A_10 = arith.addi %scan3A_8, %scan3A_9 : i32
      %scan3A_11 = arith.constant 1 : i32
      scf.for %scan3A_18 = %scan3A_8 to %scan3A_10 step %scan3A_11  : i32 {
        "tpu.region"() ({
          %run_scoped3A = tpu.sem_alloc : memref<!tpu.dma_semaphore, #tpu.memory_space<semaphore_mem>>
          %dma_start3A = arith.constant 0 : i32
          %dma_start3A_19 = tpu.memref_slice %arg7[%scan3A_18, %dma_start3A] : memref<125x80xi32, #tpu.memory_space<vmem>> -> memref<1x80xi32, #tpu.memory_space<vmem>>
          %dma_start3A_20 = tpu.memref_squeeze %dma_start3A_19 : memref<1x80xi32, #tpu.memory_space<vmem>> -> memref<80xi32, #tpu.memory_space<vmem>>
          %dma_start3A_21 = arith.constant 0 : i32
          %dma_start3A_22 = arith.constant 0 : i32
          %dma_start3A_23 = tpu.memref_slice %arg9[%dma_start3A_21, %dma_start3A_22] : memref<10240x128xf32, #tpu.memory_space<vmem_shared>> -> memref<10240x128xf32, #tpu.memory_space<vmem_shared>>
          tpu.enqueue_indirect_dma source(%arg8 : memref<80x128xf32, #tpu.memory_space<vmem>>) target(%dma_start3A_23 : memref<10240x128xf32, #tpu.memory_space<vmem_shared>>) offsets(%dma_start3A_20 : memref<80xi32, #tpu.memory_space<vmem>>) semaphore(%run_scoped3A : memref<!tpu.dma_semaphore, #tpu.memory_space<semaphore_mem>>) {add = true}
          %dma_wait3A = arith.constant 0 : i32
          %dma_wait3A_24 = tpu.memref_slice %arg7[%scan3A_18, %dma_wait3A] : memref<125x80xi32, #tpu.memory_space<vmem>> -> memref<1x80xi32, #tpu.memory_space<vmem>>
          %dma_wait3A_25 = tpu.memref_squeeze %dma_wait3A_24 : memref<1x80xi32, #tpu.memory_space<vmem>> -> memref<80xi32, #tpu.memory_space<vmem>>
          %dma_wait3A_26 = arith.constant 0 : i32
          %dma_wait3A_27 = arith.constant 0 : i32
          %dma_wait3A_28 = tpu.memref_slice %arg9[%dma_wait3A_26, %dma_wait3A_27] : memref<10240x128xf32, #tpu.memory_space<vmem_shared>> -> memref<10240x128xf32, #tpu.memory_space<vmem_shared>>
          tpu.wait_indirect_dma semaphore(%run_scoped3A : memref<!tpu.dma_semaphore, #tpu.memory_space<semaphore_mem>>) src(%arg8 : memref<80x128xf32, #tpu.memory_space<vmem>>) dst(%dma_wait3A_28 : memref<10240x128xf32, #tpu.memory_space<vmem_shared>>)
          tpu.yield
        }) : () -> ()
      }
      %scan3A_12 = arith.constant 62 : i32
      %barrier3A_13 = arith.constant 0 : index
      tpu.barrier barrier_id(%barrier3A_13)
      %mul3A_14 = arith.constant 640 : i32
      %mul3A_15 = arith.muli %arg1, %mul3A_14 : i32
      %mul3A_16 = arith.constant 640 : i32
      %mul3A_17 = arith.muli %arg1, %mul3A_16 : i32
      "tpu.region"() ({
        %run_scoped3A = tpu.sem_alloc : memref<!tpu.dma_semaphore, #tpu.memory_space<semaphore_mem>>
        %dma_start3A = arith.constant 0 : i32
        %dma_start3A_18 = tpu.memref_slice %arg5[%mul3A_17, %dma_start3A] : memref<10240x128xf32, #tpu.memory_space<hbm>> -> memref<640x128xf32, #tpu.memory_space<hbm>>
        %dma_start3A_19 = arith.constant 0 : i32
        %dma_start3A_20 = tpu.memref_slice %arg9[%mul3A_15, %dma_start3A_19] : memref<10240x128xf32, #tpu.memory_space<vmem_shared>> -> memref<640x128xf32, #tpu.memory_space<vmem_shared>>
        tpu.enqueue_dma source(%dma_start3A_20 : memref<640x128xf32, #tpu.memory_space<vmem_shared>>) target(%dma_start3A_18 : memref<640x128xf32, #tpu.memory_space<hbm>>) target_semaphore(%run_scoped3A : memref<!tpu.dma_semaphore, #tpu.memory_space<semaphore_mem>>)
        %dma_wait3A = arith.constant 0 : i32
        %dma_wait3A_21 = tpu.memref_slice %arg5[%mul3A_17, %dma_wait3A] : memref<10240x128xf32, #tpu.memory_space<hbm>> -> memref<640x128xf32, #tpu.memory_space<hbm>>
        %dma_wait3A_22 = arith.constant 0 : i32
        %dma_wait3A_23 = tpu.memref_slice %arg9[%mul3A_15, %dma_wait3A_22] : memref<10240x128xf32, #tpu.memory_space<vmem_shared>> -> memref<640x128xf32, #tpu.memory_space<vmem_shared>>
        tpu.wait_dma2 semaphore(%run_scoped3A : memref<!tpu.dma_semaphore, #tpu.memory_space<semaphore_mem>>) src(%dma_wait3A_23 : memref<640x128xf32, #tpu.memory_space<vmem_shared>>) dst(%dma_wait3A_21 : memref<640x128xf32, #tpu.memory_space<hbm>>)
        tpu.yield
      }) : () -> ()
    } else {
    }
    %eq3A_3 = arith.constant 1 : i32
    %eq3A_4 = arith.cmpi eq, %arg0, %eq3A_3 : i32
    %convert_element_type3A_5 = arith.extui %eq3A_4 : i1 to i32
    %cond3A_6 = arith.constant 0 : i32
    %cond3A_7 = arith.cmpi ne, %convert_element_type3A_5, %cond3A_6 : i32
    scf.if %cond3A_7 {
      %scan3A = arith.constant 0 : i32
      %scan3A_8 = arith.constant 62 : i32
      %scan3A_9 = arith.constant 63 : i32
      %scan3A_10 = arith.addi %scan3A_8, %scan3A_9 : i32
      %scan3A_11 = arith.constant 1 : i32
      scf.for %scan3A_18 = %scan3A_8 to %scan3A_10 step %scan3A_11  : i32 {
        "tpu.region"() ({
          %run_scoped3A = tpu.sem_alloc : memref<!tpu.dma_semaphore, #tpu.memory_space<semaphore_mem>>
          %dma_start3A = arith.constant 0 : i32
          %dma_start3A_19 = tpu.memref_slice %arg7[%scan3A_18, %dma_start3A] : memref<125x80xi32, #tpu.memory_space<vmem>> -> memref<1x80xi32, #tpu.memory_space<vmem>>
          %dma_start3A_20 = tpu.memref_squeeze %dma_start3A_19 : memref<1x80xi32, #tpu.memory_space<vmem>> -> memref<80xi32, #tpu.memory_space<vmem>>
          %dma_start3A_21 = arith.constant 0 : i32
          %dma_start3A_22 = arith.constant 0 : i32
          %dma_start3A_23 = tpu.memref_slice %arg9[%dma_start3A_21, %dma_start3A_22] : memref<10240x128xf32, #tpu.memory_space<vmem_shared>> -> memref<10240x128xf32, #tpu.memory_space<vmem_shared>>
          tpu.enqueue_indirect_dma source(%arg8 : memref<80x128xf32, #tpu.memory_space<vmem>>) target(%dma_start3A_23 : memref<10240x128xf32, #tpu.memory_space<vmem_shared>>) offsets(%dma_start3A_20 : memref<80xi32, #tpu.memory_space<vmem>>) semaphore(%run_scoped3A : memref<!tpu.dma_semaphore, #tpu.memory_space<semaphore_mem>>) {add = true}
          %dma_wait3A = arith.constant 0 : i32
          %dma_wait3A_24 = tpu.memref_slice %arg7[%scan3A_18, %dma_wait3A] : memref<125x80xi32, #tpu.memory_space<vmem>> -> memref<1x80xi32, #tpu.memory_space<vmem>>
          %dma_wait3A_25 = tpu.memref_squeeze %dma_wait3A_24 : memref<1x80xi32, #tpu.memory_space<vmem>> -> memref<80xi32, #tpu.memory_space<vmem>>
          %dma_wait3A_26 = arith.constant 0 : i32
          %dma_wait3A_27 = arith.constant 0 : i32
          %dma_wait3A_28 = tpu.memref_slice %arg9[%dma_wait3A_26, %dma_wait3A_27] : memref<10240x128xf32, #tpu.memory_space<vmem_shared>> -> memref<10240x128xf32, #tpu.memory_space<vmem_shared>>
          tpu.wait_indirect_dma semaphore(%run_scoped3A : memref<!tpu.dma_semaphore, #tpu.memory_space<semaphore_mem>>) src(%arg8 : memref<80x128xf32, #tpu.memory_space<vmem>>) dst(%dma_wait3A_28 : memref<10240x128xf32, #tpu.memory_space<vmem_shared>>)
          tpu.yield
        }) : () -> ()
      }
      %scan3A_12 = arith.constant 63 : i32
      %barrier3A_13 = arith.constant 0 : index
      tpu.barrier barrier_id(%barrier3A_13)
      %mul3A_14 = arith.constant 640 : i32
      %mul3A_15 = arith.muli %arg1, %mul3A_14 : i32
      %mul3A_16 = arith.constant 640 : i32
      %mul3A_17 = arith.muli %arg1, %mul3A_16 : i32
      "tpu.region"() ({
        %run_scoped3A = tpu.sem_alloc : memref<!tpu.dma_semaphore, #tpu.memory_space<semaphore_mem>>
        %dma_start3A = arith.constant 0 : i32
        %dma_start3A_18 = tpu.memref_slice %arg6[%mul3A_17, %dma_start3A] : memref<10240x128xf32, #tpu.memory_space<hbm>> -> memref<640x128xf32, #tpu.memory_space<hbm>>
        %dma_start3A_19 = arith.constant 0 : i32
        %dma_start3A_20 = tpu.memref_slice %arg9[%mul3A_15, %dma_start3A_19] : memref<10240x128xf32, #tpu.memory_space<vmem_shared>> -> memref<640x128xf32, #tpu.memory_space<vmem_shared>>
        tpu.enqueue_dma source(%dma_start3A_20 : memref<640x128xf32, #tpu.memory_space<vmem_shared>>) target(%dma_start3A_18 : memref<640x128xf32, #tpu.memory_space<hbm>>) target_semaphore(%run_scoped3A : memref<!tpu.dma_semaphore, #tpu.memory_space<semaphore_mem>>)
        %dma_wait3A = arith.constant 0 : i32
        %dma_wait3A_21 = tpu.memref_slice %arg6[%mul3A_17, %dma_wait3A] : memref<10240x128xf32, #tpu.memory_space<hbm>> -> memref<640x128xf32, #tpu.memory_space<hbm>>
        %dma_wait3A_22 = arith.constant 0 : i32
        %dma_wait3A_23 = tpu.memref_slice %arg9[%mul3A_15, %dma_wait3A_22] : memref<10240x128xf32, #tpu.memory_space<vmem_shared>> -> memref<640x128xf32, #tpu.memory_space<vmem_shared>>
        tpu.wait_dma2 semaphore(%run_scoped3A : memref<!tpu.dma_semaphore, #tpu.memory_space<semaphore_mem>>) src(%dma_wait3A_23 : memref<640x128xf32, #tpu.memory_space<vmem_shared>>) dst(%dma_wait3A_21 : memref<640x128xf32, #tpu.memory_space<hbm>>)
        tpu.yield
      }) : () -> ()
    } else {
    }
    return
  }
}

#map = affine_map<(d0, d1) -> (0, 0)>
#map1 = affine_map<(d0, d1) -> (0, 0, 0)>
module attributes {stable_mosaic.version = 14 : i64} {
  func.func @_sc_segsum(%arg0: i32, %arg1: i32, %arg2: memref<10000x128xf32, #tpu.memory_space<hbm>>, %arg3: memref<10000x128xf32, #tpu.memory_space<hbm>>, %arg4: memref<16x125x80xi32, #tpu.memory_space<hbm>>, %arg5: memref<16x125x80xi32, #tpu.memory_space<hbm>>, %arg6: memref<640x128xf32, #tpu.memory_space<hbm>>, %arg7: memref<10240x128xf32, #tpu.memory_space<hbm>>, %arg8: memref<10240x128xf32, #tpu.memory_space<hbm>>, %arg9: memref<2x1x80xi32, #tpu.memory_space<vmem>>, %arg10: memref<125x80xi32, #tpu.memory_space<vmem>>, %arg11: memref<80x128xf32, #tpu.memory_space<vmem>>, %arg12: memref<80x128xf32, #tpu.memory_space<vmem>>, %arg13: memref<10240x128xf32, #tpu.memory_space<vmem_shared>>, %arg14: memref<!tpu.dma_semaphore, #tpu.memory_space<semaphore_mem>>, %arg15: memref<!tpu.dma_semaphore, #tpu.memory_space<semaphore_mem>>, %arg16: memref<!tpu.dma_semaphore, #tpu.memory_space<semaphore_mem>>, %arg17: memref<!tpu.dma_semaphore, #tpu.memory_space<semaphore_mem>>) attributes {dimension_semantics = [#tpu.dimension_semantics<core_parallel>, #tpu.dimension_semantics<subcore_parallel>], iteration_bounds = array<i64: 2, 16>, scalar_prefetch = 0 : i64, scratch_operands = 9 : i64, tpu.core_type = #tpu.core_type<sc_vector_subcore>, window_params = [{transform_indices = #map}, {transform_indices = #map}, {transform_indices = #map1}, {transform_indices = #map1}, {transform_indices = #map}, {transform_indices = #map}, {transform_indices = #map}]} {
    %mul3A = arith.constant 640 : i32
    %mul3A_0 = arith.muli %arg1, %mul3A : i32
    "tpu.region"() ({
      %run_scoped3A = tpu.sem_alloc : memref<!tpu.dma_semaphore, #tpu.memory_space<semaphore_mem>>
      %dma_start3A = arith.constant 0 : i32
      %dma_start3A_8 = tpu.memref_slice %arg13[%mul3A_0, %dma_start3A] : memref<10240x128xf32, #tpu.memory_space<vmem_shared>> -> memref<640x128xf32, #tpu.memory_space<vmem_shared>>
      tpu.enqueue_dma source(%arg6 : memref<640x128xf32, #tpu.memory_space<hbm>>) target(%dma_start3A_8 : memref<640x128xf32, #tpu.memory_space<vmem_shared>>) target_semaphore(%run_scoped3A : memref<!tpu.dma_semaphore, #tpu.memory_space<semaphore_mem>>)
      %dma_wait3A = arith.constant 0 : i32
      %dma_wait3A_9 = tpu.memref_slice %arg13[%mul3A_0, %dma_wait3A] : memref<10240x128xf32, #tpu.memory_space<vmem_shared>> -> memref<640x128xf32, #tpu.memory_space<vmem_shared>>
      tpu.wait_dma2 semaphore(%run_scoped3A : memref<!tpu.dma_semaphore, #tpu.memory_space<semaphore_mem>>) src(%arg6 : memref<640x128xf32, #tpu.memory_space<hbm>>) dst(%dma_wait3A_9 : memref<640x128xf32, #tpu.memory_space<vmem_shared>>)
      tpu.yield
    }) : () -> ()
    "tpu.region"() ({
      %run_scoped3A = tpu.sem_alloc : memref<!tpu.dma_semaphore, #tpu.memory_space<semaphore_mem>>
      %dma_start3A = arith.constant 0 : i32
      %dma_start3A_8 = arith.constant 0 : i32
      %dma_start3A_9 = tpu.memref_slice %arg5[%arg1, %dma_start3A, %dma_start3A_8] : memref<16x125x80xi32, #tpu.memory_space<hbm>> -> memref<1x125x80xi32, #tpu.memory_space<hbm>>
      %dma_start3A_10 = tpu.memref_squeeze %dma_start3A_9 : memref<1x125x80xi32, #tpu.memory_space<hbm>> -> memref<125x80xi32, #tpu.memory_space<hbm>>
      %dma_start3A_11 = arith.constant 0 : i32
      %dma_start3A_12 = arith.constant 0 : i32
      %dma_start3A_13 = tpu.memref_slice %arg5[%arg1, %dma_start3A_11, %dma_start3A_12] : memref<16x125x80xi32, #tpu.memory_space<hbm>> -> memref<1x125x80xi32, #tpu.memory_space<hbm>>
      %dma_start3A_14 = tpu.memref_squeeze %dma_start3A_13 : memref<1x125x80xi32, #tpu.memory_space<hbm>> -> memref<125x80xi32, #tpu.memory_space<hbm>>
      tpu.enqueue_dma source(%dma_start3A_14 : memref<125x80xi32, #tpu.memory_space<hbm>>) target(%arg10 : memref<125x80xi32, #tpu.memory_space<vmem>>) target_semaphore(%run_scoped3A : memref<!tpu.dma_semaphore, #tpu.memory_space<semaphore_mem>>)
      %dma_wait3A = arith.constant 0 : i32
      %dma_wait3A_15 = arith.constant 0 : i32
      %dma_wait3A_16 = tpu.memref_slice %arg5[%arg1, %dma_wait3A, %dma_wait3A_15] : memref<16x125x80xi32, #tpu.memory_space<hbm>> -> memref<1x125x80xi32, #tpu.memory_space<hbm>>
      %dma_wait3A_17 = tpu.memref_squeeze %dma_wait3A_16 : memref<1x125x80xi32, #tpu.memory_space<hbm>> -> memref<125x80xi32, #tpu.memory_space<hbm>>
      %dma_wait3A_18 = arith.constant 0 : i32
      %dma_wait3A_19 = arith.constant 0 : i32
      %dma_wait3A_20 = tpu.memref_slice %arg5[%arg1, %dma_wait3A_18, %dma_wait3A_19] : memref<16x125x80xi32, #tpu.memory_space<hbm>> -> memref<1x125x80xi32, #tpu.memory_space<hbm>>
      %dma_wait3A_21 = tpu.memref_squeeze %dma_wait3A_20 : memref<1x125x80xi32, #tpu.memory_space<hbm>> -> memref<125x80xi32, #tpu.memory_space<hbm>>
      tpu.wait_dma2 semaphore(%run_scoped3A : memref<!tpu.dma_semaphore, #tpu.memory_space<semaphore_mem>>) src(%dma_wait3A_21 : memref<125x80xi32, #tpu.memory_space<hbm>>) dst(%arg10 : memref<125x80xi32, #tpu.memory_space<vmem>>)
      tpu.yield
    }) : () -> ()
    %barrier3A = arith.constant 0 : index
    tpu.barrier barrier_id(%barrier3A)
    %eq3A = arith.constant 0 : i32
    %eq3A_1 = arith.cmpi eq, %arg0, %eq3A : i32
    %convert_element_type3A = arith.extui %eq3A_1 : i1 to i32
    %cond3A = arith.constant 0 : i32
    %cond3A_2 = arith.cmpi ne, %convert_element_type3A, %cond3A : i32
    scf.if %cond3A_2 {
      %run_scoped3A = arith.constant 0 : i32
      "tpu.region"() ({
        %run_scoped3A_67 = tpu.sem_alloc : memref<!tpu.dma_semaphore, #tpu.memory_space<semaphore_mem>>
        %dma_start3A_68 = arith.constant 0 : i32
        %dma_start3A_69 = arith.constant 0 : i32
        %dma_start3A_70 = tpu.memref_slice %arg9[%run_scoped3A, %dma_start3A_68, %dma_start3A_69] : memref<2x1x80xi32, #tpu.memory_space<vmem>> -> memref<1x1x80xi32, #tpu.memory_space<vmem>>
        %dma_start3A_71 = tpu.memref_squeeze %dma_start3A_70 : memref<1x1x80xi32, #tpu.memory_space<vmem>> -> memref<1x80xi32, #tpu.memory_space<vmem>>
        %dma_start3A_72 = arith.constant 0 : i32
        %dma_start3A_73 = arith.constant 0 : i32
        %dma_start3A_74 = tpu.memref_slice %arg4[%arg1, %dma_start3A_72, %dma_start3A_73] : memref<16x125x80xi32, #tpu.memory_space<hbm>> -> memref<1x1x80xi32, #tpu.memory_space<hbm>>
        %dma_start3A_75 = tpu.memref_squeeze %dma_start3A_74 : memref<1x1x80xi32, #tpu.memory_space<hbm>> -> memref<1x80xi32, #tpu.memory_space<hbm>>
        %dma_start3A_76 = arith.constant 0 : i32
        %dma_start3A_77 = arith.constant 0 : i32
        %dma_start3A_78 = tpu.memref_slice %arg9[%run_scoped3A, %dma_start3A_76, %dma_start3A_77] : memref<2x1x80xi32, #tpu.memory_space<vmem>> -> memref<1x1x80xi32, #tpu.memory_space<vmem>>
        %dma_start3A_79 = tpu.memref_squeeze %dma_start3A_78 : memref<1x1x80xi32, #tpu.memory_space<vmem>> -> memref<1x80xi32, #tpu.memory_space<vmem>>
        %dma_start3A_80 = arith.constant 0 : i32
        %dma_start3A_81 = arith.constant 0 : i32
        %dma_start3A_82 = tpu.memref_slice %arg4[%arg1, %dma_start3A_80, %dma_start3A_81] : memref<16x125x80xi32, #tpu.memory_space<hbm>> -> memref<1x1x80xi32, #tpu.memory_space<hbm>>
        %dma_start3A_83 = tpu.memref_squeeze %dma_start3A_82 : memref<1x1x80xi32, #tpu.memory_space<hbm>> -> memref<1x80xi32, #tpu.memory_space<hbm>>
        tpu.enqueue_dma source(%dma_start3A_83 : memref<1x80xi32, #tpu.memory_space<hbm>>) target(%dma_start3A_79 : memref<1x80xi32, #tpu.memory_space<vmem>>) target_semaphore(%run_scoped3A_67 : memref<!tpu.dma_semaphore, #tpu.memory_space<semaphore_mem>>)
        %dma_wait3A_84 = arith.constant 0 : i32
        %dma_wait3A_85 = arith.constant 0 : i32
        %dma_wait3A_86 = tpu.memref_slice %arg9[%run_scoped3A, %dma_wait3A_84, %dma_wait3A_85] : memref<2x1x80xi32, #tpu.memory_space<vmem>> -> memref<1x1x80xi32, #tpu.memory_space<vmem>>
        %dma_wait3A_87 = tpu.memref_squeeze %dma_wait3A_86 : memref<1x1x80xi32, #tpu.memory_space<vmem>> -> memref<1x80xi32, #tpu.memory_space<vmem>>
        %dma_wait3A_88 = arith.constant 0 : i32
        %dma_wait3A_89 = arith.constant 0 : i32
        %dma_wait3A_90 = tpu.memref_slice %arg4[%arg1, %dma_wait3A_88, %dma_wait3A_89] : memref<16x125x80xi32, #tpu.memory_space<hbm>> -> memref<1x1x80xi32, #tpu.memory_space<hbm>>
        %dma_wait3A_91 = tpu.memref_squeeze %dma_wait3A_90 : memref<1x1x80xi32, #tpu.memory_space<hbm>> -> memref<1x80xi32, #tpu.memory_space<hbm>>
        %dma_wait3A_92 = arith.constant 0 : i32
        %dma_wait3A_93 = arith.constant 0 : i32
        %dma_wait3A_94 = tpu.memref_slice %arg9[%run_scoped3A, %dma_wait3A_92, %dma_wait3A_93] : memref<2x1x80xi32, #tpu.memory_space<vmem>> -> memref<1x1x80xi32, #tpu.memory_space<vmem>>
        %dma_wait3A_95 = tpu.memref_squeeze %dma_wait3A_94 : memref<1x1x80xi32, #tpu.memory_space<vmem>> -> memref<1x80xi32, #tpu.memory_space<vmem>>
        %dma_wait3A_96 = arith.constant 0 : i32
        %dma_wait3A_97 = arith.constant 0 : i32
        %dma_wait3A_98 = tpu.memref_slice %arg4[%arg1, %dma_wait3A_96, %dma_wait3A_97] : memref<16x125x80xi32, #tpu.memory_space<hbm>> -> memref<1x1x80xi32, #tpu.memory_space<hbm>>
        %dma_wait3A_99 = tpu.memref_squeeze %dma_wait3A_98 : memref<1x1x80xi32, #tpu.memory_space<hbm>> -> memref<1x80xi32, #tpu.memory_space<hbm>>
        tpu.wait_dma2 semaphore(%run_scoped3A_67 : memref<!tpu.dma_semaphore, #tpu.memory_space<semaphore_mem>>) src(%dma_wait3A_99 : memref<1x80xi32, #tpu.memory_space<hbm>>) dst(%dma_wait3A_95 : memref<1x80xi32, #tpu.memory_space<vmem>>)
        tpu.yield
      }) : () -> ()
      %dma_start3A = arith.constant 1 : i32
      %dma_start3A_8 = arith.constant 0 : i32
      %dma_start3A_9 = arith.constant 0 : i32
      %dma_start3A_10 = tpu.memref_slice %arg9[%dma_start3A, %dma_start3A_8, %dma_start3A_9] : memref<2x1x80xi32, #tpu.memory_space<vmem>> -> memref<1x1x80xi32, #tpu.memory_space<vmem>>
      %dma_start3A_11 = tpu.memref_squeeze %dma_start3A_10 : memref<1x1x80xi32, #tpu.memory_space<vmem>> -> memref<1x80xi32, #tpu.memory_space<vmem>>
      %dma_start3A_12 = arith.constant 1 : i32
      %dma_start3A_13 = arith.constant 0 : i32
      %dma_start3A_14 = tpu.memref_slice %arg4[%arg1, %dma_start3A_12, %dma_start3A_13] : memref<16x125x80xi32, #tpu.memory_space<hbm>> -> memref<1x1x80xi32, #tpu.memory_space<hbm>>
      %dma_start3A_15 = tpu.memref_squeeze %dma_start3A_14 : memref<1x1x80xi32, #tpu.memory_space<hbm>> -> memref<1x80xi32, #tpu.memory_space<hbm>>
      %dma_start3A_16 = arith.constant 0 : i32
      %dma_start3A_17 = arith.constant 0 : i32
      %dma_start3A_18 = tpu.memref_slice %arg9[%dma_start3A, %dma_start3A_16, %dma_start3A_17] : memref<2x1x80xi32, #tpu.memory_space<vmem>> -> memref<1x1x80xi32, #tpu.memory_space<vmem>>
      %dma_start3A_19 = tpu.memref_squeeze %dma_start3A_18 : memref<1x1x80xi32, #tpu.memory_space<vmem>> -> memref<1x80xi32, #tpu.memory_space<vmem>>
      %dma_start3A_20 = arith.constant 1 : i32
      %dma_start3A_21 = arith.constant 0 : i32
      %dma_start3A_22 = tpu.memref_slice %arg4[%arg1, %dma_start3A_20, %dma_start3A_21] : memref<16x125x80xi32, #tpu.memory_space<hbm>> -> memref<1x1x80xi32, #tpu.memory_space<hbm>>
      %dma_start3A_23 = tpu.memref_squeeze %dma_start3A_22 : memref<1x1x80xi32, #tpu.memory_space<hbm>> -> memref<1x80xi32, #tpu.memory_space<hbm>>
      tpu.enqueue_dma source(%dma_start3A_23 : memref<1x80xi32, #tpu.memory_space<hbm>>) target(%dma_start3A_19 : memref<1x80xi32, #tpu.memory_space<vmem>>) target_semaphore(%arg17 : memref<!tpu.dma_semaphore, #tpu.memory_space<semaphore_mem>>)
      %dma_start3A_24 = arith.constant 0 : i32
      %dma_start3A_25 = arith.constant 0 : i32
      %dma_start3A_26 = arith.constant 0 : i32
      %dma_start3A_27 = tpu.memref_slice %arg9[%dma_start3A_24, %dma_start3A_25, %dma_start3A_26] : memref<2x1x80xi32, #tpu.memory_space<vmem>> -> memref<1x1x80xi32, #tpu.memory_space<vmem>>
      %dma_start3A_28 = tpu.memref_squeeze %dma_start3A_27 : memref<1x1x80xi32, #tpu.memory_space<vmem>> -> memref<80xi32, #tpu.memory_space<vmem>>
      %dma_start3A_29 = arith.constant 0 : i32
      %dma_start3A_30 = arith.constant 0 : i32
      %dma_start3A_31 = tpu.memref_slice %arg2[%dma_start3A_29, %dma_start3A_30] : memref<10000x128xf32, #tpu.memory_space<hbm>> -> memref<10000x128xf32, #tpu.memory_space<hbm>>
      tpu.enqueue_indirect_dma source(%dma_start3A_31 : memref<10000x128xf32, #tpu.memory_space<hbm>>) target(%arg11 : memref<80x128xf32, #tpu.memory_space<vmem>>) offsets(%dma_start3A_28 : memref<80xi32, #tpu.memory_space<vmem>>) semaphore(%arg14 : memref<!tpu.dma_semaphore, #tpu.memory_space<semaphore_mem>>)
      %scan3A = arith.constant 0 : i32
      %scan3A_32 = arith.constant 0 : i32
      %scan3A_33 = arith.constant 62 : i32
      %scan3A_34 = arith.addi %scan3A_32, %scan3A_33 : i32
      %scan3A_35 = arith.constant 1 : i32
      scf.for %scan3A_67 = %scan3A_32 to %scan3A_34 step %scan3A_35  : i32 {
        %mul3A_68 = arith.constant 2 : i32
        %mul3A_69 = arith.muli %mul3A_68, %scan3A_67 : i32
        %add3A = arith.constant 1 : i32
        %add3A_70 = arith.addi %mul3A_69, %add3A : i32
        %dma_wait3A_71 = arith.constant 1 : i32
        %dma_wait3A_72 = arith.constant 0 : i32
        %dma_wait3A_73 = arith.constant 0 : i32
        %dma_wait3A_74 = tpu.memref_slice %arg9[%dma_wait3A_71, %dma_wait3A_72, %dma_wait3A_73] : memref<2x1x80xi32, #tpu.memory_space<vmem>> -> memref<1x1x80xi32, #tpu.memory_space<vmem>>
        %dma_wait3A_75 = tpu.memref_squeeze %dma_wait3A_74 : memref<1x1x80xi32, #tpu.memory_space<vmem>> -> memref<1x80xi32, #tpu.memory_space<vmem>>
        %dma_wait3A_76 = arith.constant 0 : i32
        %dma_wait3A_77 = tpu.memref_slice %arg4[%arg1, %add3A_70, %dma_wait3A_76] : memref<16x125x80xi32, #tpu.memory_space<hbm>> -> memref<1x1x80xi32, #tpu.memory_space<hbm>>
        %dma_wait3A_78 = tpu.memref_squeeze %dma_wait3A_77 : memref<1x1x80xi32, #tpu.memory_space<hbm>> -> memref<1x80xi32, #tpu.memory_space<hbm>>
        %dma_wait3A_79 = arith.constant 0 : i32
        %dma_wait3A_80 = arith.constant 0 : i32
        %dma_wait3A_81 = tpu.memref_slice %arg9[%dma_wait3A_71, %dma_wait3A_79, %dma_wait3A_80] : memref<2x1x80xi32, #tpu.memory_space<vmem>> -> memref<1x1x80xi32, #tpu.memory_space<vmem>>
        %dma_wait3A_82 = tpu.memref_squeeze %dma_wait3A_81 : memref<1x1x80xi32, #tpu.memory_space<vmem>> -> memref<1x80xi32, #tpu.memory_space<vmem>>
        %dma_wait3A_83 = arith.constant 0 : i32
        %dma_wait3A_84 = tpu.memref_slice %arg4[%arg1, %add3A_70, %dma_wait3A_83] : memref<16x125x80xi32, #tpu.memory_space<hbm>> -> memref<1x1x80xi32, #tpu.memory_space<hbm>>
        %dma_wait3A_85 = tpu.memref_squeeze %dma_wait3A_84 : memref<1x1x80xi32, #tpu.memory_space<hbm>> -> memref<1x80xi32, #tpu.memory_space<hbm>>
        tpu.wait_dma2 semaphore(%arg17 : memref<!tpu.dma_semaphore, #tpu.memory_space<semaphore_mem>>) src(%dma_wait3A_85 : memref<1x80xi32, #tpu.memory_space<hbm>>) dst(%dma_wait3A_82 : memref<1x80xi32, #tpu.memory_space<vmem>>)
        %dma_wait3A_86 = arith.constant 0 : i32
        %dma_wait3A_87 = arith.constant 0 : i32
        %dma_wait3A_88 = arith.constant 0 : i32
        %dma_wait3A_89 = tpu.memref_slice %arg9[%dma_wait3A_86, %dma_wait3A_87, %dma_wait3A_88] : memref<2x1x80xi32, #tpu.memory_space<vmem>> -> memref<1x1x80xi32, #tpu.memory_space<vmem>>
        %dma_wait3A_90 = tpu.memref_squeeze %dma_wait3A_89 : memref<1x1x80xi32, #tpu.memory_space<vmem>> -> memref<80xi32, #tpu.memory_space<vmem>>
        %dma_wait3A_91 = arith.constant 0 : i32
        %dma_wait3A_92 = arith.constant 0 : i32
        %dma_wait3A_93 = tpu.memref_slice %arg2[%dma_wait3A_91, %dma_wait3A_92] : memref<10000x128xf32, #tpu.memory_space<hbm>> -> memref<10000x128xf32, #tpu.memory_space<hbm>>
        tpu.wait_indirect_dma semaphore(%arg14 : memref<!tpu.dma_semaphore, #tpu.memory_space<semaphore_mem>>) src(%dma_wait3A_93 : memref<10000x128xf32, #tpu.memory_space<hbm>>) dst(%arg11 : memref<80x128xf32, #tpu.memory_space<vmem>>)
        %dma_start3A_94 = arith.constant 1 : i32
        %dma_start3A_95 = arith.constant 0 : i32
        %dma_start3A_96 = arith.constant 0 : i32
        %dma_start3A_97 = tpu.memref_slice %arg9[%dma_start3A_94, %dma_start3A_95, %dma_start3A_96] : memref<2x1x80xi32, #tpu.memory_space<vmem>> -> memref<1x1x80xi32, #tpu.memory_space<vmem>>
        %dma_start3A_98 = tpu.memref_squeeze %dma_start3A_97 : memref<1x1x80xi32, #tpu.memory_space<vmem>> -> memref<80xi32, #tpu.memory_space<vmem>>
        %dma_start3A_99 = arith.constant 0 : i32
        %dma_start3A_100 = arith.constant 0 : i32
        %dma_start3A_101 = tpu.memref_slice %arg2[%dma_start3A_99, %dma_start3A_100] : memref<10000x128xf32, #tpu.memory_space<hbm>> -> memref<10000x128xf32, #tpu.memory_space<hbm>>
        tpu.enqueue_indirect_dma source(%dma_start3A_101 : memref<10000x128xf32, #tpu.memory_space<hbm>>) target(%arg12 : memref<80x128xf32, #tpu.memory_space<vmem>>) offsets(%dma_start3A_98 : memref<80xi32, #tpu.memory_space<vmem>>) semaphore(%arg15 : memref<!tpu.dma_semaphore, #tpu.memory_space<semaphore_mem>>)
        %add3A_102 = arith.constant 2 : i32
        %add3A_103 = arith.addi %mul3A_69, %add3A_102 : i32
        %dma_start3A_104 = arith.constant 0 : i32
        %dma_start3A_105 = arith.constant 0 : i32
        %dma_start3A_106 = arith.constant 0 : i32
        %dma_start3A_107 = tpu.memref_slice %arg9[%dma_start3A_104, %dma_start3A_105, %dma_start3A_106] : memref<2x1x80xi32, #tpu.memory_space<vmem>> -> memref<1x1x80xi32, #tpu.memory_space<vmem>>
        %dma_start3A_108 = tpu.memref_squeeze %dma_start3A_107 : memref<1x1x80xi32, #tpu.memory_space<vmem>> -> memref<1x80xi32, #tpu.memory_space<vmem>>
        %dma_start3A_109 = arith.constant 0 : i32
        %dma_start3A_110 = tpu.memref_slice %arg4[%arg1, %add3A_103, %dma_start3A_109] : memref<16x125x80xi32, #tpu.memory_space<hbm>> -> memref<1x1x80xi32, #tpu.memory_space<hbm>>
        %dma_start3A_111 = tpu.memref_squeeze %dma_start3A_110 : memref<1x1x80xi32, #tpu.memory_space<hbm>> -> memref<1x80xi32, #tpu.memory_space<hbm>>
        %dma_start3A_112 = arith.constant 0 : i32
        %dma_start3A_113 = arith.constant 0 : i32
        %dma_start3A_114 = tpu.memref_slice %arg9[%dma_start3A_104, %dma_start3A_112, %dma_start3A_113] : memref<2x1x80xi32, #tpu.memory_space<vmem>> -> memref<1x1x80xi32, #tpu.memory_space<vmem>>
        %dma_start3A_115 = tpu.memref_squeeze %dma_start3A_114 : memref<1x1x80xi32, #tpu.memory_space<vmem>> -> memref<1x80xi32, #tpu.memory_space<vmem>>
        %dma_start3A_116 = arith.constant 0 : i32
        %dma_start3A_117 = tpu.memref_slice %arg4[%arg1, %add3A_103, %dma_start3A_116] : memref<16x125x80xi32, #tpu.memory_space<hbm>> -> memref<1x1x80xi32, #tpu.memory_space<hbm>>
        %dma_start3A_118 = tpu.memref_squeeze %dma_start3A_117 : memref<1x1x80xi32, #tpu.memory_space<hbm>> -> memref<1x80xi32, #tpu.memory_space<hbm>>
        tpu.enqueue_dma source(%dma_start3A_118 : memref<1x80xi32, #tpu.memory_space<hbm>>) target(%dma_start3A_115 : memref<1x80xi32, #tpu.memory_space<vmem>>) target_semaphore(%arg16 : memref<!tpu.dma_semaphore, #tpu.memory_space<semaphore_mem>>)
        "tpu.region"() ({
          %run_scoped3A_172 = tpu.sem_alloc : memref<!tpu.dma_semaphore, #tpu.memory_space<semaphore_mem>>
          %dma_start3A_173 = arith.constant 0 : i32
          %dma_start3A_174 = tpu.memref_slice %arg10[%mul3A_69, %dma_start3A_173] : memref<125x80xi32, #tpu.memory_space<vmem>> -> memref<1x80xi32, #tpu.memory_space<vmem>>
          %dma_start3A_175 = tpu.memref_squeeze %dma_start3A_174 : memref<1x80xi32, #tpu.memory_space<vmem>> -> memref<80xi32, #tpu.memory_space<vmem>>
          %dma_start3A_176 = arith.constant 0 : i32
          %dma_start3A_177 = arith.constant 0 : i32
          %dma_start3A_178 = tpu.memref_slice %arg13[%dma_start3A_176, %dma_start3A_177] : memref<10240x128xf32, #tpu.memory_space<vmem_shared>> -> memref<10240x128xf32, #tpu.memory_space<vmem_shared>>
          tpu.enqueue_indirect_dma source(%arg11 : memref<80x128xf32, #tpu.memory_space<vmem>>) target(%dma_start3A_178 : memref<10240x128xf32, #tpu.memory_space<vmem_shared>>) offsets(%dma_start3A_175 : memref<80xi32, #tpu.memory_space<vmem>>) semaphore(%run_scoped3A_172 : memref<!tpu.dma_semaphore, #tpu.memory_space<semaphore_mem>>) {add = true}
          %dma_wait3A_179 = arith.constant 0 : i32
          %dma_wait3A_180 = tpu.memref_slice %arg10[%mul3A_69, %dma_wait3A_179] : memref<125x80xi32, #tpu.memory_space<vmem>> -> memref<1x80xi32, #tpu.memory_space<vmem>>
          %dma_wait3A_181 = tpu.memref_squeeze %dma_wait3A_180 : memref<1x80xi32, #tpu.memory_space<vmem>> -> memref<80xi32, #tpu.memory_space<vmem>>
          %dma_wait3A_182 = arith.constant 0 : i32
          %dma_wait3A_183 = arith.constant 0 : i32
          %dma_wait3A_184 = tpu.memref_slice %arg13[%dma_wait3A_182, %dma_wait3A_183] : memref<10240x128xf32, #tpu.memory_space<vmem_shared>> -> memref<10240x128xf32, #tpu.memory_space<vmem_shared>>
          tpu.wait_indirect_dma semaphore(%run_scoped3A_172 : memref<!tpu.dma_semaphore, #tpu.memory_space<semaphore_mem>>) src(%arg11 : memref<80x128xf32, #tpu.memory_space<vmem>>) dst(%dma_wait3A_184 : memref<10240x128xf32, #tpu.memory_space<vmem_shared>>)
          tpu.yield
        }) : () -> ()
        %add3A_119 = arith.constant 2 : i32
        %add3A_120 = arith.addi %mul3A_69, %add3A_119 : i32
        %dma_wait3A_121 = arith.constant 0 : i32
        %dma_wait3A_122 = arith.constant 0 : i32
        %dma_wait3A_123 = arith.constant 0 : i32
        %dma_wait3A_124 = tpu.memref_slice %arg9[%dma_wait3A_121, %dma_wait3A_122, %dma_wait3A_123] : memref<2x1x80xi32, #tpu.memory_space<vmem>> -> memref<1x1x80xi32, #tpu.memory_space<vmem>>
        %dma_wait3A_125 = tpu.memref_squeeze %dma_wait3A_124 : memref<1x1x80xi32, #tpu.memory_space<vmem>> -> memref<1x80xi32, #tpu.memory_space<vmem>>
        %dma_wait3A_126 = arith.constant 0 : i32
        %dma_wait3A_127 = tpu.memref_slice %arg4[%arg1, %add3A_120, %dma_wait3A_126] : memref<16x125x80xi32, #tpu.memory_space<hbm>> -> memref<1x1x80xi32, #tpu.memory_space<hbm>>
        %dma_wait3A_128 = tpu.memref_squeeze %dma_wait3A_127 : memref<1x1x80xi32, #tpu.memory_space<hbm>> -> memref<1x80xi32, #tpu.memory_space<hbm>>
        %dma_wait3A_129 = arith.constant 0 : i32
        %dma_wait3A_130 = arith.constant 0 : i32
        %dma_wait3A_131 = tpu.memref_slice %arg9[%dma_wait3A_121, %dma_wait3A_129, %dma_wait3A_130] : memref<2x1x80xi32, #tpu.memory_space<vmem>> -> memref<1x1x80xi32, #tpu.memory_space<vmem>>
        %dma_wait3A_132 = tpu.memref_squeeze %dma_wait3A_131 : memref<1x1x80xi32, #tpu.memory_space<vmem>> -> memref<1x80xi32, #tpu.memory_space<vmem>>
        %dma_wait3A_133 = arith.constant 0 : i32
        %dma_wait3A_134 = tpu.memref_slice %arg4[%arg1, %add3A_120, %dma_wait3A_133] : memref<16x125x80xi32, #tpu.memory_space<hbm>> -> memref<1x1x80xi32, #tpu.memory_space<hbm>>
        %dma_wait3A_135 = tpu.memref_squeeze %dma_wait3A_134 : memref<1x1x80xi32, #tpu.memory_space<hbm>> -> memref<1x80xi32, #tpu.memory_space<hbm>>
        tpu.wait_dma2 semaphore(%arg16 : memref<!tpu.dma_semaphore, #tpu.memory_space<semaphore_mem>>) src(%dma_wait3A_135 : memref<1x80xi32, #tpu.memory_space<hbm>>) dst(%dma_wait3A_132 : memref<1x80xi32, #tpu.memory_space<vmem>>)
        %dma_wait3A_136 = arith.constant 1 : i32
        %dma_wait3A_137 = arith.constant 0 : i32
        %dma_wait3A_138 = arith.constant 0 : i32
        %dma_wait3A_139 = tpu.memref_slice %arg9[%dma_wait3A_136, %dma_wait3A_137, %dma_wait3A_138] : memref<2x1x80xi32, #tpu.memory_space<vmem>> -> memref<1x1x80xi32, #tpu.memory_space<vmem>>
        %dma_wait3A_140 = tpu.memref_squeeze %dma_wait3A_139 : memref<1x1x80xi32, #tpu.memory_space<vmem>> -> memref<80xi32, #tpu.memory_space<vmem>>
        %dma_wait3A_141 = arith.constant 0 : i32
        %dma_wait3A_142 = arith.constant 0 : i32
        %dma_wait3A_143 = tpu.memref_slice %arg2[%dma_wait3A_141, %dma_wait3A_142] : memref<10000x128xf32, #tpu.memory_space<hbm>> -> memref<10000x128xf32, #tpu.memory_space<hbm>>
        tpu.wait_indirect_dma semaphore(%arg15 : memref<!tpu.dma_semaphore, #tpu.memory_space<semaphore_mem>>) src(%dma_wait3A_143 : memref<10000x128xf32, #tpu.memory_space<hbm>>) dst(%arg12 : memref<80x128xf32, #tpu.memory_space<vmem>>)
        %dma_start3A_144 = arith.constant 0 : i32
        %dma_start3A_145 = arith.constant 0 : i32
        %dma_start3A_146 = arith.constant 0 : i32
        %dma_start3A_147 = tpu.memref_slice %arg9[%dma_start3A_144, %dma_start3A_145, %dma_start3A_146] : memref<2x1x80xi32, #tpu.memory_space<vmem>> -> memref<1x1x80xi32, #tpu.memory_space<vmem>>
        %dma_start3A_148 = tpu.memref_squeeze %dma_start3A_147 : memref<1x1x80xi32, #tpu.memory_space<vmem>> -> memref<80xi32, #tpu.memory_space<vmem>>
        %dma_start3A_149 = arith.constant 0 : i32
        %dma_start3A_150 = arith.constant 0 : i32
        %dma_start3A_151 = tpu.memref_slice %arg2[%dma_start3A_149, %dma_start3A_150] : memref<10000x128xf32, #tpu.memory_space<hbm>> -> memref<10000x128xf32, #tpu.memory_space<hbm>>
        tpu.enqueue_indirect_dma source(%dma_start3A_151 : memref<10000x128xf32, #tpu.memory_space<hbm>>) target(%arg11 : memref<80x128xf32, #tpu.memory_space<vmem>>) offsets(%dma_start3A_148 : memref<80xi32, #tpu.memory_space<vmem>>) semaphore(%arg14 : memref<!tpu.dma_semaphore, #tpu.memory_space<semaphore_mem>>)
        %add3A_152 = arith.constant 3 : i32
        %add3A_153 = arith.addi %mul3A_69, %add3A_152 : i32
        %min3A = arith.constant 124 : i32
        %min3A_154 = arith.minsi %add3A_153, %min3A : i32
        %dma_start3A_155 = arith.constant 1 : i32
        %dma_start3A_156 = arith.constant 0 : i32
        %dma_start3A_157 = arith.constant 0 : i32
        %dma_start3A_158 = tpu.memref_slice %arg9[%dma_start3A_155, %dma_start3A_156, %dma_start3A_157] : memref<2x1x80xi32, #tpu.memory_space<vmem>> -> memref<1x1x80xi32, #tpu.memory_space<vmem>>
        %dma_start3A_159 = tpu.memref_squeeze %dma_start3A_158 : memref<1x1x80xi32, #tpu.memory_space<vmem>> -> memref<1x80xi32, #tpu.memory_space<vmem>>
        %dma_start3A_160 = arith.constant 0 : i32
        %dma_start3A_161 = tpu.memref_slice %arg4[%arg1, %min3A_154, %dma_start3A_160] : memref<16x125x80xi32, #tpu.memory_space<hbm>> -> memref<1x1x80xi32, #tpu.memory_space<hbm>>
        %dma_start3A_162 = tpu.memref_squeeze %dma_start3A_161 : memref<1x1x80xi32, #tpu.memory_space<hbm>> -> memref<1x80xi32, #tpu.memory_space<hbm>>
        %dma_start3A_163 = arith.constant 0 : i32
        %dma_start3A_164 = arith.constant 0 : i32
        %dma_start3A_165 = tpu.memref_slice %arg9[%dma_start3A_155, %dma_start3A_163, %dma_start3A_164] : memref<2x1x80xi32, #tpu.memory_space<vmem>> -> memref<1x1x80xi32, #tpu.memory_space<vmem>>
        %dma_start3A_166 = tpu.memref_squeeze %dma_start3A_165 : memref<1x1x80xi32, #tpu.memory_space<vmem>> -> memref<1x80xi32, #tpu.memory_space<vmem>>
        %dma_start3A_167 = arith.constant 0 : i32
        %dma_start3A_168 = tpu.memref_slice %arg4[%arg1, %min3A_154, %dma_start3A_167] : memref<16x125x80xi32, #tpu.memory_space<hbm>> -> memref<1x1x80xi32, #tpu.memory_space<hbm>>
        %dma_start3A_169 = tpu.memref_squeeze %dma_start3A_168 : memref<1x1x80xi32, #tpu.memory_space<hbm>> -> memref<1x80xi32, #tpu.memory_space<hbm>>
        tpu.enqueue_dma source(%dma_start3A_169 : memref<1x80xi32, #tpu.memory_space<hbm>>) target(%dma_start3A_166 : memref<1x80xi32, #tpu.memory_space<vmem>>) target_semaphore(%arg17 : memref<!tpu.dma_semaphore, #tpu.memory_space<semaphore_mem>>)
        %add3A_170 = arith.constant 1 : i32
        %add3A_171 = arith.addi %mul3A_69, %add3A_170 : i32
        "tpu.region"() ({
          %run_scoped3A_172 = tpu.sem_alloc : memref<!tpu.dma_semaphore, #tpu.memory_space<semaphore_mem>>
          %dma_start3A_173 = arith.constant 0 : i32
          %dma_start3A_174 = tpu.memref_slice %arg10[%add3A_171, %dma_start3A_173] : memref<125x80xi32, #tpu.memory_space<vmem>> -> memref<1x80xi32, #tpu.memory_space<vmem>>
          %dma_start3A_175 = tpu.memref_squeeze %dma_start3A_174 : memref<1x80xi32, #tpu.memory_space<vmem>> -> memref<80xi32, #tpu.memory_space<vmem>>
          %dma_start3A_176 = arith.constant 0 : i32
          %dma_start3A_177 = arith.constant 0 : i32
          %dma_start3A_178 = tpu.memref_slice %arg13[%dma_start3A_176, %dma_start3A_177] : memref<10240x128xf32, #tpu.memory_space<vmem_shared>> -> memref<10240x128xf32, #tpu.memory_space<vmem_shared>>
          tpu.enqueue_indirect_dma source(%arg12 : memref<80x128xf32, #tpu.memory_space<vmem>>) target(%dma_start3A_178 : memref<10240x128xf32, #tpu.memory_space<vmem_shared>>) offsets(%dma_start3A_175 : memref<80xi32, #tpu.memory_space<vmem>>) semaphore(%run_scoped3A_172 : memref<!tpu.dma_semaphore, #tpu.memory_space<semaphore_mem>>) {add = true}
          %dma_wait3A_179 = arith.constant 0 : i32
          %dma_wait3A_180 = tpu.memref_slice %arg10[%add3A_171, %dma_wait3A_179] : memref<125x80xi32, #tpu.memory_space<vmem>> -> memref<1x80xi32, #tpu.memory_space<vmem>>
          %dma_wait3A_181 = tpu.memref_squeeze %dma_wait3A_180 : memref<1x80xi32, #tpu.memory_space<vmem>> -> memref<80xi32, #tpu.memory_space<vmem>>
          %dma_wait3A_182 = arith.constant 0 : i32
          %dma_wait3A_183 = arith.constant 0 : i32
          %dma_wait3A_184 = tpu.memref_slice %arg13[%dma_wait3A_182, %dma_wait3A_183] : memref<10240x128xf32, #tpu.memory_space<vmem_shared>> -> memref<10240x128xf32, #tpu.memory_space<vmem_shared>>
          tpu.wait_indirect_dma semaphore(%run_scoped3A_172 : memref<!tpu.dma_semaphore, #tpu.memory_space<semaphore_mem>>) src(%arg12 : memref<80x128xf32, #tpu.memory_space<vmem>>) dst(%dma_wait3A_184 : memref<10240x128xf32, #tpu.memory_space<vmem_shared>>)
          tpu.yield
        }) : () -> ()
      }
      %scan3A_36 = arith.constant 62 : i32
      %dma_wait3A = arith.constant 1 : i32
      %dma_wait3A_37 = arith.constant 0 : i32
      %dma_wait3A_38 = arith.constant 0 : i32
      %dma_wait3A_39 = tpu.memref_slice %arg9[%dma_wait3A, %dma_wait3A_37, %dma_wait3A_38] : memref<2x1x80xi32, #tpu.memory_space<vmem>> -> memref<1x1x80xi32, #tpu.memory_space<vmem>>
      %dma_wait3A_40 = tpu.memref_squeeze %dma_wait3A_39 : memref<1x1x80xi32, #tpu.memory_space<vmem>> -> memref<1x80xi32, #tpu.memory_space<vmem>>
      %dma_wait3A_41 = arith.constant 124 : i32
      %dma_wait3A_42 = arith.constant 0 : i32
      %dma_wait3A_43 = tpu.memref_slice %arg4[%arg1, %dma_wait3A_41, %dma_wait3A_42] : memref<16x125x80xi32, #tpu.memory_space<hbm>> -> memref<1x1x80xi32, #tpu.memory_space<hbm>>
      %dma_wait3A_44 = tpu.memref_squeeze %dma_wait3A_43 : memref<1x1x80xi32, #tpu.memory_space<hbm>> -> memref<1x80xi32, #tpu.memory_space<hbm>>
      %dma_wait3A_45 = arith.constant 0 : i32
      %dma_wait3A_46 = arith.constant 0 : i32
      %dma_wait3A_47 = tpu.memref_slice %arg9[%dma_wait3A, %dma_wait3A_45, %dma_wait3A_46] : memref<2x1x80xi32, #tpu.memory_space<vmem>> -> memref<1x1x80xi32, #tpu.memory_space<vmem>>
      %dma_wait3A_48 = tpu.memref_squeeze %dma_wait3A_47 : memref<1x1x80xi32, #tpu.memory_space<vmem>> -> memref<1x80xi32, #tpu.memory_space<vmem>>
      %dma_wait3A_49 = arith.constant 124 : i32
      %dma_wait3A_50 = arith.constant 0 : i32
      %dma_wait3A_51 = tpu.memref_slice %arg4[%arg1, %dma_wait3A_49, %dma_wait3A_50] : memref<16x125x80xi32, #tpu.memory_space<hbm>> -> memref<1x1x80xi32, #tpu.memory_space<hbm>>
      %dma_wait3A_52 = tpu.memref_squeeze %dma_wait3A_51 : memref<1x1x80xi32, #tpu.memory_space<hbm>> -> memref<1x80xi32, #tpu.memory_space<hbm>>
      tpu.wait_dma2 semaphore(%arg17 : memref<!tpu.dma_semaphore, #tpu.memory_space<semaphore_mem>>) src(%dma_wait3A_52 : memref<1x80xi32, #tpu.memory_space<hbm>>) dst(%dma_wait3A_48 : memref<1x80xi32, #tpu.memory_space<vmem>>)
      %dma_wait3A_53 = arith.constant 0 : i32
      %dma_wait3A_54 = arith.constant 0 : i32
      %dma_wait3A_55 = arith.constant 0 : i32
      %dma_wait3A_56 = tpu.memref_slice %arg9[%dma_wait3A_53, %dma_wait3A_54, %dma_wait3A_55] : memref<2x1x80xi32, #tpu.memory_space<vmem>> -> memref<1x1x80xi32, #tpu.memory_space<vmem>>
      %dma_wait3A_57 = tpu.memref_squeeze %dma_wait3A_56 : memref<1x1x80xi32, #tpu.memory_space<vmem>> -> memref<80xi32, #tpu.memory_space<vmem>>
      %dma_wait3A_58 = arith.constant 0 : i32
      %dma_wait3A_59 = arith.constant 0 : i32
      %dma_wait3A_60 = tpu.memref_slice %arg2[%dma_wait3A_58, %dma_wait3A_59] : memref<10000x128xf32, #tpu.memory_space<hbm>> -> memref<10000x128xf32, #tpu.memory_space<hbm>>
      tpu.wait_indirect_dma semaphore(%arg14 : memref<!tpu.dma_semaphore, #tpu.memory_space<semaphore_mem>>) src(%dma_wait3A_60 : memref<10000x128xf32, #tpu.memory_space<hbm>>) dst(%arg11 : memref<80x128xf32, #tpu.memory_space<vmem>>)
      %run_scoped3A_61 = arith.constant 124 : i32
      "tpu.region"() ({
        %run_scoped3A_67 = tpu.sem_alloc : memref<!tpu.dma_semaphore, #tpu.memory_space<semaphore_mem>>
        %dma_start3A_68 = arith.constant 0 : i32
        %dma_start3A_69 = tpu.memref_slice %arg10[%run_scoped3A_61, %dma_start3A_68] : memref<125x80xi32, #tpu.memory_space<vmem>> -> memref<1x80xi32, #tpu.memory_space<vmem>>
        %dma_start3A_70 = tpu.memref_squeeze %dma_start3A_69 : memref<1x80xi32, #tpu.memory_space<vmem>> -> memref<80xi32, #tpu.memory_space<vmem>>
        %dma_start3A_71 = arith.constant 0 : i32
        %dma_start3A_72 = arith.constant 0 : i32
        %dma_start3A_73 = tpu.memref_slice %arg13[%dma_start3A_71, %dma_start3A_72] : memref<10240x128xf32, #tpu.memory_space<vmem_shared>> -> memref<10240x128xf32, #tpu.memory_space<vmem_shared>>
        tpu.enqueue_indirect_dma source(%arg11 : memref<80x128xf32, #tpu.memory_space<vmem>>) target(%dma_start3A_73 : memref<10240x128xf32, #tpu.memory_space<vmem_shared>>) offsets(%dma_start3A_70 : memref<80xi32, #tpu.memory_space<vmem>>) semaphore(%run_scoped3A_67 : memref<!tpu.dma_semaphore, #tpu.memory_space<semaphore_mem>>) {add = true}
        %dma_wait3A_74 = arith.constant 0 : i32
        %dma_wait3A_75 = tpu.memref_slice %arg10[%run_scoped3A_61, %dma_wait3A_74] : memref<125x80xi32, #tpu.memory_space<vmem>> -> memref<1x80xi32, #tpu.memory_space<vmem>>
        %dma_wait3A_76 = tpu.memref_squeeze %dma_wait3A_75 : memref<1x80xi32, #tpu.memory_space<vmem>> -> memref<80xi32, #tpu.memory_space<vmem>>
        %dma_wait3A_77 = arith.constant 0 : i32
        %dma_wait3A_78 = arith.constant 0 : i32
        %dma_wait3A_79 = tpu.memref_slice %arg13[%dma_wait3A_77, %dma_wait3A_78] : memref<10240x128xf32, #tpu.memory_space<vmem_shared>> -> memref<10240x128xf32, #tpu.memory_space<vmem_shared>>
        tpu.wait_indirect_dma semaphore(%run_scoped3A_67 : memref<!tpu.dma_semaphore, #tpu.memory_space<semaphore_mem>>) src(%arg11 : memref<80x128xf32, #tpu.memory_space<vmem>>) dst(%dma_wait3A_79 : memref<10240x128xf32, #tpu.memory_space<vmem_shared>>)
        tpu.yield
      }) : () -> ()
      %barrier3A_62 = arith.constant 0 : index
      tpu.barrier barrier_id(%barrier3A_62)
      %mul3A_63 = arith.constant 640 : i32
      %mul3A_64 = arith.muli %arg1, %mul3A_63 : i32
      %mul3A_65 = arith.constant 640 : i32
      %mul3A_66 = arith.muli %arg1, %mul3A_65 : i32
      "tpu.region"() ({
        %run_scoped3A_67 = tpu.sem_alloc : memref<!tpu.dma_semaphore, #tpu.memory_space<semaphore_mem>>
        %dma_start3A_68 = arith.constant 0 : i32
        %dma_start3A_69 = tpu.memref_slice %arg7[%mul3A_66, %dma_start3A_68] : memref<10240x128xf32, #tpu.memory_space<hbm>> -> memref<640x128xf32, #tpu.memory_space<hbm>>
        %dma_start3A_70 = arith.constant 0 : i32
        %dma_start3A_71 = tpu.memref_slice %arg13[%mul3A_64, %dma_start3A_70] : memref<10240x128xf32, #tpu.memory_space<vmem_shared>> -> memref<640x128xf32, #tpu.memory_space<vmem_shared>>
        tpu.enqueue_dma source(%dma_start3A_71 : memref<640x128xf32, #tpu.memory_space<vmem_shared>>) target(%dma_start3A_69 : memref<640x128xf32, #tpu.memory_space<hbm>>) target_semaphore(%run_scoped3A_67 : memref<!tpu.dma_semaphore, #tpu.memory_space<semaphore_mem>>)
        %dma_wait3A_72 = arith.constant 0 : i32
        %dma_wait3A_73 = tpu.memref_slice %arg7[%mul3A_66, %dma_wait3A_72] : memref<10240x128xf32, #tpu.memory_space<hbm>> -> memref<640x128xf32, #tpu.memory_space<hbm>>
        %dma_wait3A_74 = arith.constant 0 : i32
        %dma_wait3A_75 = tpu.memref_slice %arg13[%mul3A_64, %dma_wait3A_74] : memref<10240x128xf32, #tpu.memory_space<vmem_shared>> -> memref<640x128xf32, #tpu.memory_space<vmem_shared>>
        tpu.wait_dma2 semaphore(%run_scoped3A_67 : memref<!tpu.dma_semaphore, #tpu.memory_space<semaphore_mem>>) src(%dma_wait3A_75 : memref<640x128xf32, #tpu.memory_space<vmem_shared>>) dst(%dma_wait3A_73 : memref<640x128xf32, #tpu.memory_space<hbm>>)
        tpu.yield
      }) : () -> ()
    } else {
    }
    %eq3A_3 = arith.constant 1 : i32
    %eq3A_4 = arith.cmpi eq, %arg0, %eq3A_3 : i32
    %convert_element_type3A_5 = arith.extui %eq3A_4 : i1 to i32
    %cond3A_6 = arith.constant 0 : i32
    %cond3A_7 = arith.cmpi ne, %convert_element_type3A_5, %cond3A_6 : i32
    scf.if %cond3A_7 {
      %run_scoped3A = arith.constant 0 : i32
      "tpu.region"() ({
        %run_scoped3A_67 = tpu.sem_alloc : memref<!tpu.dma_semaphore, #tpu.memory_space<semaphore_mem>>
        %dma_start3A_68 = arith.constant 0 : i32
        %dma_start3A_69 = arith.constant 0 : i32
        %dma_start3A_70 = tpu.memref_slice %arg9[%run_scoped3A, %dma_start3A_68, %dma_start3A_69] : memref<2x1x80xi32, #tpu.memory_space<vmem>> -> memref<1x1x80xi32, #tpu.memory_space<vmem>>
        %dma_start3A_71 = tpu.memref_squeeze %dma_start3A_70 : memref<1x1x80xi32, #tpu.memory_space<vmem>> -> memref<1x80xi32, #tpu.memory_space<vmem>>
        %dma_start3A_72 = arith.constant 0 : i32
        %dma_start3A_73 = arith.constant 0 : i32
        %dma_start3A_74 = tpu.memref_slice %arg4[%arg1, %dma_start3A_72, %dma_start3A_73] : memref<16x125x80xi32, #tpu.memory_space<hbm>> -> memref<1x1x80xi32, #tpu.memory_space<hbm>>
        %dma_start3A_75 = tpu.memref_squeeze %dma_start3A_74 : memref<1x1x80xi32, #tpu.memory_space<hbm>> -> memref<1x80xi32, #tpu.memory_space<hbm>>
        %dma_start3A_76 = arith.constant 0 : i32
        %dma_start3A_77 = arith.constant 0 : i32
        %dma_start3A_78 = tpu.memref_slice %arg9[%run_scoped3A, %dma_start3A_76, %dma_start3A_77] : memref<2x1x80xi32, #tpu.memory_space<vmem>> -> memref<1x1x80xi32, #tpu.memory_space<vmem>>
        %dma_start3A_79 = tpu.memref_squeeze %dma_start3A_78 : memref<1x1x80xi32, #tpu.memory_space<vmem>> -> memref<1x80xi32, #tpu.memory_space<vmem>>
        %dma_start3A_80 = arith.constant 0 : i32
        %dma_start3A_81 = arith.constant 0 : i32
        %dma_start3A_82 = tpu.memref_slice %arg4[%arg1, %dma_start3A_80, %dma_start3A_81] : memref<16x125x80xi32, #tpu.memory_space<hbm>> -> memref<1x1x80xi32, #tpu.memory_space<hbm>>
        %dma_start3A_83 = tpu.memref_squeeze %dma_start3A_82 : memref<1x1x80xi32, #tpu.memory_space<hbm>> -> memref<1x80xi32, #tpu.memory_space<hbm>>
        tpu.enqueue_dma source(%dma_start3A_83 : memref<1x80xi32, #tpu.memory_space<hbm>>) target(%dma_start3A_79 : memref<1x80xi32, #tpu.memory_space<vmem>>) target_semaphore(%run_scoped3A_67 : memref<!tpu.dma_semaphore, #tpu.memory_space<semaphore_mem>>)
        %dma_wait3A_84 = arith.constant 0 : i32
        %dma_wait3A_85 = arith.constant 0 : i32
        %dma_wait3A_86 = tpu.memref_slice %arg9[%run_scoped3A, %dma_wait3A_84, %dma_wait3A_85] : memref<2x1x80xi32, #tpu.memory_space<vmem>> -> memref<1x1x80xi32, #tpu.memory_space<vmem>>
        %dma_wait3A_87 = tpu.memref_squeeze %dma_wait3A_86 : memref<1x1x80xi32, #tpu.memory_space<vmem>> -> memref<1x80xi32, #tpu.memory_space<vmem>>
        %dma_wait3A_88 = arith.constant 0 : i32
        %dma_wait3A_89 = arith.constant 0 : i32
        %dma_wait3A_90 = tpu.memref_slice %arg4[%arg1, %dma_wait3A_88, %dma_wait3A_89] : memref<16x125x80xi32, #tpu.memory_space<hbm>> -> memref<1x1x80xi32, #tpu.memory_space<hbm>>
        %dma_wait3A_91 = tpu.memref_squeeze %dma_wait3A_90 : memref<1x1x80xi32, #tpu.memory_space<hbm>> -> memref<1x80xi32, #tpu.memory_space<hbm>>
        %dma_wait3A_92 = arith.constant 0 : i32
        %dma_wait3A_93 = arith.constant 0 : i32
        %dma_wait3A_94 = tpu.memref_slice %arg9[%run_scoped3A, %dma_wait3A_92, %dma_wait3A_93] : memref<2x1x80xi32, #tpu.memory_space<vmem>> -> memref<1x1x80xi32, #tpu.memory_space<vmem>>
        %dma_wait3A_95 = tpu.memref_squeeze %dma_wait3A_94 : memref<1x1x80xi32, #tpu.memory_space<vmem>> -> memref<1x80xi32, #tpu.memory_space<vmem>>
        %dma_wait3A_96 = arith.constant 0 : i32
        %dma_wait3A_97 = arith.constant 0 : i32
        %dma_wait3A_98 = tpu.memref_slice %arg4[%arg1, %dma_wait3A_96, %dma_wait3A_97] : memref<16x125x80xi32, #tpu.memory_space<hbm>> -> memref<1x1x80xi32, #tpu.memory_space<hbm>>
        %dma_wait3A_99 = tpu.memref_squeeze %dma_wait3A_98 : memref<1x1x80xi32, #tpu.memory_space<hbm>> -> memref<1x80xi32, #tpu.memory_space<hbm>>
        tpu.wait_dma2 semaphore(%run_scoped3A_67 : memref<!tpu.dma_semaphore, #tpu.memory_space<semaphore_mem>>) src(%dma_wait3A_99 : memref<1x80xi32, #tpu.memory_space<hbm>>) dst(%dma_wait3A_95 : memref<1x80xi32, #tpu.memory_space<vmem>>)
        tpu.yield
      }) : () -> ()
      %dma_start3A = arith.constant 1 : i32
      %dma_start3A_8 = arith.constant 0 : i32
      %dma_start3A_9 = arith.constant 0 : i32
      %dma_start3A_10 = tpu.memref_slice %arg9[%dma_start3A, %dma_start3A_8, %dma_start3A_9] : memref<2x1x80xi32, #tpu.memory_space<vmem>> -> memref<1x1x80xi32, #tpu.memory_space<vmem>>
      %dma_start3A_11 = tpu.memref_squeeze %dma_start3A_10 : memref<1x1x80xi32, #tpu.memory_space<vmem>> -> memref<1x80xi32, #tpu.memory_space<vmem>>
      %dma_start3A_12 = arith.constant 1 : i32
      %dma_start3A_13 = arith.constant 0 : i32
      %dma_start3A_14 = tpu.memref_slice %arg4[%arg1, %dma_start3A_12, %dma_start3A_13] : memref<16x125x80xi32, #tpu.memory_space<hbm>> -> memref<1x1x80xi32, #tpu.memory_space<hbm>>
      %dma_start3A_15 = tpu.memref_squeeze %dma_start3A_14 : memref<1x1x80xi32, #tpu.memory_space<hbm>> -> memref<1x80xi32, #tpu.memory_space<hbm>>
      %dma_start3A_16 = arith.constant 0 : i32
      %dma_start3A_17 = arith.constant 0 : i32
      %dma_start3A_18 = tpu.memref_slice %arg9[%dma_start3A, %dma_start3A_16, %dma_start3A_17] : memref<2x1x80xi32, #tpu.memory_space<vmem>> -> memref<1x1x80xi32, #tpu.memory_space<vmem>>
      %dma_start3A_19 = tpu.memref_squeeze %dma_start3A_18 : memref<1x1x80xi32, #tpu.memory_space<vmem>> -> memref<1x80xi32, #tpu.memory_space<vmem>>
      %dma_start3A_20 = arith.constant 1 : i32
      %dma_start3A_21 = arith.constant 0 : i32
      %dma_start3A_22 = tpu.memref_slice %arg4[%arg1, %dma_start3A_20, %dma_start3A_21] : memref<16x125x80xi32, #tpu.memory_space<hbm>> -> memref<1x1x80xi32, #tpu.memory_space<hbm>>
      %dma_start3A_23 = tpu.memref_squeeze %dma_start3A_22 : memref<1x1x80xi32, #tpu.memory_space<hbm>> -> memref<1x80xi32, #tpu.memory_space<hbm>>
      tpu.enqueue_dma source(%dma_start3A_23 : memref<1x80xi32, #tpu.memory_space<hbm>>) target(%dma_start3A_19 : memref<1x80xi32, #tpu.memory_space<vmem>>) target_semaphore(%arg17 : memref<!tpu.dma_semaphore, #tpu.memory_space<semaphore_mem>>)
      %dma_start3A_24 = arith.constant 0 : i32
      %dma_start3A_25 = arith.constant 0 : i32
      %dma_start3A_26 = arith.constant 0 : i32
      %dma_start3A_27 = tpu.memref_slice %arg9[%dma_start3A_24, %dma_start3A_25, %dma_start3A_26] : memref<2x1x80xi32, #tpu.memory_space<vmem>> -> memref<1x1x80xi32, #tpu.memory_space<vmem>>
      %dma_start3A_28 = tpu.memref_squeeze %dma_start3A_27 : memref<1x1x80xi32, #tpu.memory_space<vmem>> -> memref<80xi32, #tpu.memory_space<vmem>>
      %dma_start3A_29 = arith.constant 0 : i32
      %dma_start3A_30 = arith.constant 0 : i32
      %dma_start3A_31 = tpu.memref_slice %arg3[%dma_start3A_29, %dma_start3A_30] : memref<10000x128xf32, #tpu.memory_space<hbm>> -> memref<10000x128xf32, #tpu.memory_space<hbm>>
      tpu.enqueue_indirect_dma source(%dma_start3A_31 : memref<10000x128xf32, #tpu.memory_space<hbm>>) target(%arg11 : memref<80x128xf32, #tpu.memory_space<vmem>>) offsets(%dma_start3A_28 : memref<80xi32, #tpu.memory_space<vmem>>) semaphore(%arg14 : memref<!tpu.dma_semaphore, #tpu.memory_space<semaphore_mem>>)
      %scan3A = arith.constant 0 : i32
      %scan3A_32 = arith.constant 0 : i32
      %scan3A_33 = arith.constant 62 : i32
      %scan3A_34 = arith.addi %scan3A_32, %scan3A_33 : i32
      %scan3A_35 = arith.constant 1 : i32
      scf.for %scan3A_67 = %scan3A_32 to %scan3A_34 step %scan3A_35  : i32 {
        %mul3A_68 = arith.constant 2 : i32
        %mul3A_69 = arith.muli %mul3A_68, %scan3A_67 : i32
        %add3A = arith.constant 1 : i32
        %add3A_70 = arith.addi %mul3A_69, %add3A : i32
        %dma_wait3A_71 = arith.constant 1 : i32
        %dma_wait3A_72 = arith.constant 0 : i32
        %dma_wait3A_73 = arith.constant 0 : i32
        %dma_wait3A_74 = tpu.memref_slice %arg9[%dma_wait3A_71, %dma_wait3A_72, %dma_wait3A_73] : memref<2x1x80xi32, #tpu.memory_space<vmem>> -> memref<1x1x80xi32, #tpu.memory_space<vmem>>
        %dma_wait3A_75 = tpu.memref_squeeze %dma_wait3A_74 : memref<1x1x80xi32, #tpu.memory_space<vmem>> -> memref<1x80xi32, #tpu.memory_space<vmem>>
        %dma_wait3A_76 = arith.constant 0 : i32
        %dma_wait3A_77 = tpu.memref_slice %arg4[%arg1, %add3A_70, %dma_wait3A_76] : memref<16x125x80xi32, #tpu.memory_space<hbm>> -> memref<1x1x80xi32, #tpu.memory_space<hbm>>
        %dma_wait3A_78 = tpu.memref_squeeze %dma_wait3A_77 : memref<1x1x80xi32, #tpu.memory_space<hbm>> -> memref<1x80xi32, #tpu.memory_space<hbm>>
        %dma_wait3A_79 = arith.constant 0 : i32
        %dma_wait3A_80 = arith.constant 0 : i32
        %dma_wait3A_81 = tpu.memref_slice %arg9[%dma_wait3A_71, %dma_wait3A_79, %dma_wait3A_80] : memref<2x1x80xi32, #tpu.memory_space<vmem>> -> memref<1x1x80xi32, #tpu.memory_space<vmem>>
        %dma_wait3A_82 = tpu.memref_squeeze %dma_wait3A_81 : memref<1x1x80xi32, #tpu.memory_space<vmem>> -> memref<1x80xi32, #tpu.memory_space<vmem>>
        %dma_wait3A_83 = arith.constant 0 : i32
        %dma_wait3A_84 = tpu.memref_slice %arg4[%arg1, %add3A_70, %dma_wait3A_83] : memref<16x125x80xi32, #tpu.memory_space<hbm>> -> memref<1x1x80xi32, #tpu.memory_space<hbm>>
        %dma_wait3A_85 = tpu.memref_squeeze %dma_wait3A_84 : memref<1x1x80xi32, #tpu.memory_space<hbm>> -> memref<1x80xi32, #tpu.memory_space<hbm>>
        tpu.wait_dma2 semaphore(%arg17 : memref<!tpu.dma_semaphore, #tpu.memory_space<semaphore_mem>>) src(%dma_wait3A_85 : memref<1x80xi32, #tpu.memory_space<hbm>>) dst(%dma_wait3A_82 : memref<1x80xi32, #tpu.memory_space<vmem>>)
        %dma_wait3A_86 = arith.constant 0 : i32
        %dma_wait3A_87 = arith.constant 0 : i32
        %dma_wait3A_88 = arith.constant 0 : i32
        %dma_wait3A_89 = tpu.memref_slice %arg9[%dma_wait3A_86, %dma_wait3A_87, %dma_wait3A_88] : memref<2x1x80xi32, #tpu.memory_space<vmem>> -> memref<1x1x80xi32, #tpu.memory_space<vmem>>
        %dma_wait3A_90 = tpu.memref_squeeze %dma_wait3A_89 : memref<1x1x80xi32, #tpu.memory_space<vmem>> -> memref<80xi32, #tpu.memory_space<vmem>>
        %dma_wait3A_91 = arith.constant 0 : i32
        %dma_wait3A_92 = arith.constant 0 : i32
        %dma_wait3A_93 = tpu.memref_slice %arg3[%dma_wait3A_91, %dma_wait3A_92] : memref<10000x128xf32, #tpu.memory_space<hbm>> -> memref<10000x128xf32, #tpu.memory_space<hbm>>
        tpu.wait_indirect_dma semaphore(%arg14 : memref<!tpu.dma_semaphore, #tpu.memory_space<semaphore_mem>>) src(%dma_wait3A_93 : memref<10000x128xf32, #tpu.memory_space<hbm>>) dst(%arg11 : memref<80x128xf32, #tpu.memory_space<vmem>>)
        %dma_start3A_94 = arith.constant 1 : i32
        %dma_start3A_95 = arith.constant 0 : i32
        %dma_start3A_96 = arith.constant 0 : i32
        %dma_start3A_97 = tpu.memref_slice %arg9[%dma_start3A_94, %dma_start3A_95, %dma_start3A_96] : memref<2x1x80xi32, #tpu.memory_space<vmem>> -> memref<1x1x80xi32, #tpu.memory_space<vmem>>
        %dma_start3A_98 = tpu.memref_squeeze %dma_start3A_97 : memref<1x1x80xi32, #tpu.memory_space<vmem>> -> memref<80xi32, #tpu.memory_space<vmem>>
        %dma_start3A_99 = arith.constant 0 : i32
        %dma_start3A_100 = arith.constant 0 : i32
        %dma_start3A_101 = tpu.memref_slice %arg3[%dma_start3A_99, %dma_start3A_100] : memref<10000x128xf32, #tpu.memory_space<hbm>> -> memref<10000x128xf32, #tpu.memory_space<hbm>>
        tpu.enqueue_indirect_dma source(%dma_start3A_101 : memref<10000x128xf32, #tpu.memory_space<hbm>>) target(%arg12 : memref<80x128xf32, #tpu.memory_space<vmem>>) offsets(%dma_start3A_98 : memref<80xi32, #tpu.memory_space<vmem>>) semaphore(%arg15 : memref<!tpu.dma_semaphore, #tpu.memory_space<semaphore_mem>>)
        %add3A_102 = arith.constant 2 : i32
        %add3A_103 = arith.addi %mul3A_69, %add3A_102 : i32
        %dma_start3A_104 = arith.constant 0 : i32
        %dma_start3A_105 = arith.constant 0 : i32
        %dma_start3A_106 = arith.constant 0 : i32
        %dma_start3A_107 = tpu.memref_slice %arg9[%dma_start3A_104, %dma_start3A_105, %dma_start3A_106] : memref<2x1x80xi32, #tpu.memory_space<vmem>> -> memref<1x1x80xi32, #tpu.memory_space<vmem>>
        %dma_start3A_108 = tpu.memref_squeeze %dma_start3A_107 : memref<1x1x80xi32, #tpu.memory_space<vmem>> -> memref<1x80xi32, #tpu.memory_space<vmem>>
        %dma_start3A_109 = arith.constant 0 : i32
        %dma_start3A_110 = tpu.memref_slice %arg4[%arg1, %add3A_103, %dma_start3A_109] : memref<16x125x80xi32, #tpu.memory_space<hbm>> -> memref<1x1x80xi32, #tpu.memory_space<hbm>>
        %dma_start3A_111 = tpu.memref_squeeze %dma_start3A_110 : memref<1x1x80xi32, #tpu.memory_space<hbm>> -> memref<1x80xi32, #tpu.memory_space<hbm>>
        %dma_start3A_112 = arith.constant 0 : i32
        %dma_start3A_113 = arith.constant 0 : i32
        %dma_start3A_114 = tpu.memref_slice %arg9[%dma_start3A_104, %dma_start3A_112, %dma_start3A_113] : memref<2x1x80xi32, #tpu.memory_space<vmem>> -> memref<1x1x80xi32, #tpu.memory_space<vmem>>
        %dma_start3A_115 = tpu.memref_squeeze %dma_start3A_114 : memref<1x1x80xi32, #tpu.memory_space<vmem>> -> memref<1x80xi32, #tpu.memory_space<vmem>>
        %dma_start3A_116 = arith.constant 0 : i32
        %dma_start3A_117 = tpu.memref_slice %arg4[%arg1, %add3A_103, %dma_start3A_116] : memref<16x125x80xi32, #tpu.memory_space<hbm>> -> memref<1x1x80xi32, #tpu.memory_space<hbm>>
        %dma_start3A_118 = tpu.memref_squeeze %dma_start3A_117 : memref<1x1x80xi32, #tpu.memory_space<hbm>> -> memref<1x80xi32, #tpu.memory_space<hbm>>
        tpu.enqueue_dma source(%dma_start3A_118 : memref<1x80xi32, #tpu.memory_space<hbm>>) target(%dma_start3A_115 : memref<1x80xi32, #tpu.memory_space<vmem>>) target_semaphore(%arg16 : memref<!tpu.dma_semaphore, #tpu.memory_space<semaphore_mem>>)
        "tpu.region"() ({
          %run_scoped3A_172 = tpu.sem_alloc : memref<!tpu.dma_semaphore, #tpu.memory_space<semaphore_mem>>
          %dma_start3A_173 = arith.constant 0 : i32
          %dma_start3A_174 = tpu.memref_slice %arg10[%mul3A_69, %dma_start3A_173] : memref<125x80xi32, #tpu.memory_space<vmem>> -> memref<1x80xi32, #tpu.memory_space<vmem>>
          %dma_start3A_175 = tpu.memref_squeeze %dma_start3A_174 : memref<1x80xi32, #tpu.memory_space<vmem>> -> memref<80xi32, #tpu.memory_space<vmem>>
          %dma_start3A_176 = arith.constant 0 : i32
          %dma_start3A_177 = arith.constant 0 : i32
          %dma_start3A_178 = tpu.memref_slice %arg13[%dma_start3A_176, %dma_start3A_177] : memref<10240x128xf32, #tpu.memory_space<vmem_shared>> -> memref<10240x128xf32, #tpu.memory_space<vmem_shared>>
          tpu.enqueue_indirect_dma source(%arg11 : memref<80x128xf32, #tpu.memory_space<vmem>>) target(%dma_start3A_178 : memref<10240x128xf32, #tpu.memory_space<vmem_shared>>) offsets(%dma_start3A_175 : memref<80xi32, #tpu.memory_space<vmem>>) semaphore(%run_scoped3A_172 : memref<!tpu.dma_semaphore, #tpu.memory_space<semaphore_mem>>) {add = true}
          %dma_wait3A_179 = arith.constant 0 : i32
          %dma_wait3A_180 = tpu.memref_slice %arg10[%mul3A_69, %dma_wait3A_179] : memref<125x80xi32, #tpu.memory_space<vmem>> -> memref<1x80xi32, #tpu.memory_space<vmem>>
          %dma_wait3A_181 = tpu.memref_squeeze %dma_wait3A_180 : memref<1x80xi32, #tpu.memory_space<vmem>> -> memref<80xi32, #tpu.memory_space<vmem>>
          %dma_wait3A_182 = arith.constant 0 : i32
          %dma_wait3A_183 = arith.constant 0 : i32
          %dma_wait3A_184 = tpu.memref_slice %arg13[%dma_wait3A_182, %dma_wait3A_183] : memref<10240x128xf32, #tpu.memory_space<vmem_shared>> -> memref<10240x128xf32, #tpu.memory_space<vmem_shared>>
          tpu.wait_indirect_dma semaphore(%run_scoped3A_172 : memref<!tpu.dma_semaphore, #tpu.memory_space<semaphore_mem>>) src(%arg11 : memref<80x128xf32, #tpu.memory_space<vmem>>) dst(%dma_wait3A_184 : memref<10240x128xf32, #tpu.memory_space<vmem_shared>>)
          tpu.yield
        }) : () -> ()
        %add3A_119 = arith.constant 2 : i32
        %add3A_120 = arith.addi %mul3A_69, %add3A_119 : i32
        %dma_wait3A_121 = arith.constant 0 : i32
        %dma_wait3A_122 = arith.constant 0 : i32
        %dma_wait3A_123 = arith.constant 0 : i32
        %dma_wait3A_124 = tpu.memref_slice %arg9[%dma_wait3A_121, %dma_wait3A_122, %dma_wait3A_123] : memref<2x1x80xi32, #tpu.memory_space<vmem>> -> memref<1x1x80xi32, #tpu.memory_space<vmem>>
        %dma_wait3A_125 = tpu.memref_squeeze %dma_wait3A_124 : memref<1x1x80xi32, #tpu.memory_space<vmem>> -> memref<1x80xi32, #tpu.memory_space<vmem>>
        %dma_wait3A_126 = arith.constant 0 : i32
        %dma_wait3A_127 = tpu.memref_slice %arg4[%arg1, %add3A_120, %dma_wait3A_126] : memref<16x125x80xi32, #tpu.memory_space<hbm>> -> memref<1x1x80xi32, #tpu.memory_space<hbm>>
        %dma_wait3A_128 = tpu.memref_squeeze %dma_wait3A_127 : memref<1x1x80xi32, #tpu.memory_space<hbm>> -> memref<1x80xi32, #tpu.memory_space<hbm>>
        %dma_wait3A_129 = arith.constant 0 : i32
        %dma_wait3A_130 = arith.constant 0 : i32
        %dma_wait3A_131 = tpu.memref_slice %arg9[%dma_wait3A_121, %dma_wait3A_129, %dma_wait3A_130] : memref<2x1x80xi32, #tpu.memory_space<vmem>> -> memref<1x1x80xi32, #tpu.memory_space<vmem>>
        %dma_wait3A_132 = tpu.memref_squeeze %dma_wait3A_131 : memref<1x1x80xi32, #tpu.memory_space<vmem>> -> memref<1x80xi32, #tpu.memory_space<vmem>>
        %dma_wait3A_133 = arith.constant 0 : i32
        %dma_wait3A_134 = tpu.memref_slice %arg4[%arg1, %add3A_120, %dma_wait3A_133] : memref<16x125x80xi32, #tpu.memory_space<hbm>> -> memref<1x1x80xi32, #tpu.memory_space<hbm>>
        %dma_wait3A_135 = tpu.memref_squeeze %dma_wait3A_134 : memref<1x1x80xi32, #tpu.memory_space<hbm>> -> memref<1x80xi32, #tpu.memory_space<hbm>>
        tpu.wait_dma2 semaphore(%arg16 : memref<!tpu.dma_semaphore, #tpu.memory_space<semaphore_mem>>) src(%dma_wait3A_135 : memref<1x80xi32, #tpu.memory_space<hbm>>) dst(%dma_wait3A_132 : memref<1x80xi32, #tpu.memory_space<vmem>>)
        %dma_wait3A_136 = arith.constant 1 : i32
        %dma_wait3A_137 = arith.constant 0 : i32
        %dma_wait3A_138 = arith.constant 0 : i32
        %dma_wait3A_139 = tpu.memref_slice %arg9[%dma_wait3A_136, %dma_wait3A_137, %dma_wait3A_138] : memref<2x1x80xi32, #tpu.memory_space<vmem>> -> memref<1x1x80xi32, #tpu.memory_space<vmem>>
        %dma_wait3A_140 = tpu.memref_squeeze %dma_wait3A_139 : memref<1x1x80xi32, #tpu.memory_space<vmem>> -> memref<80xi32, #tpu.memory_space<vmem>>
        %dma_wait3A_141 = arith.constant 0 : i32
        %dma_wait3A_142 = arith.constant 0 : i32
        %dma_wait3A_143 = tpu.memref_slice %arg3[%dma_wait3A_141, %dma_wait3A_142] : memref<10000x128xf32, #tpu.memory_space<hbm>> -> memref<10000x128xf32, #tpu.memory_space<hbm>>
        tpu.wait_indirect_dma semaphore(%arg15 : memref<!tpu.dma_semaphore, #tpu.memory_space<semaphore_mem>>) src(%dma_wait3A_143 : memref<10000x128xf32, #tpu.memory_space<hbm>>) dst(%arg12 : memref<80x128xf32, #tpu.memory_space<vmem>>)
        %dma_start3A_144 = arith.constant 0 : i32
        %dma_start3A_145 = arith.constant 0 : i32
        %dma_start3A_146 = arith.constant 0 : i32
        %dma_start3A_147 = tpu.memref_slice %arg9[%dma_start3A_144, %dma_start3A_145, %dma_start3A_146] : memref<2x1x80xi32, #tpu.memory_space<vmem>> -> memref<1x1x80xi32, #tpu.memory_space<vmem>>
        %dma_start3A_148 = tpu.memref_squeeze %dma_start3A_147 : memref<1x1x80xi32, #tpu.memory_space<vmem>> -> memref<80xi32, #tpu.memory_space<vmem>>
        %dma_start3A_149 = arith.constant 0 : i32
        %dma_start3A_150 = arith.constant 0 : i32
        %dma_start3A_151 = tpu.memref_slice %arg3[%dma_start3A_149, %dma_start3A_150] : memref<10000x128xf32, #tpu.memory_space<hbm>> -> memref<10000x128xf32, #tpu.memory_space<hbm>>
        tpu.enqueue_indirect_dma source(%dma_start3A_151 : memref<10000x128xf32, #tpu.memory_space<hbm>>) target(%arg11 : memref<80x128xf32, #tpu.memory_space<vmem>>) offsets(%dma_start3A_148 : memref<80xi32, #tpu.memory_space<vmem>>) semaphore(%arg14 : memref<!tpu.dma_semaphore, #tpu.memory_space<semaphore_mem>>)
        %add3A_152 = arith.constant 3 : i32
        %add3A_153 = arith.addi %mul3A_69, %add3A_152 : i32
        %min3A = arith.constant 124 : i32
        %min3A_154 = arith.minsi %add3A_153, %min3A : i32
        %dma_start3A_155 = arith.constant 1 : i32
        %dma_start3A_156 = arith.constant 0 : i32
        %dma_start3A_157 = arith.constant 0 : i32
        %dma_start3A_158 = tpu.memref_slice %arg9[%dma_start3A_155, %dma_start3A_156, %dma_start3A_157] : memref<2x1x80xi32, #tpu.memory_space<vmem>> -> memref<1x1x80xi32, #tpu.memory_space<vmem>>
        %dma_start3A_159 = tpu.memref_squeeze %dma_start3A_158 : memref<1x1x80xi32, #tpu.memory_space<vmem>> -> memref<1x80xi32, #tpu.memory_space<vmem>>
        %dma_start3A_160 = arith.constant 0 : i32
        %dma_start3A_161 = tpu.memref_slice %arg4[%arg1, %min3A_154, %dma_start3A_160] : memref<16x125x80xi32, #tpu.memory_space<hbm>> -> memref<1x1x80xi32, #tpu.memory_space<hbm>>
        %dma_start3A_162 = tpu.memref_squeeze %dma_start3A_161 : memref<1x1x80xi32, #tpu.memory_space<hbm>> -> memref<1x80xi32, #tpu.memory_space<hbm>>
        %dma_start3A_163 = arith.constant 0 : i32
        %dma_start3A_164 = arith.constant 0 : i32
        %dma_start3A_165 = tpu.memref_slice %arg9[%dma_start3A_155, %dma_start3A_163, %dma_start3A_164] : memref<2x1x80xi32, #tpu.memory_space<vmem>> -> memref<1x1x80xi32, #tpu.memory_space<vmem>>
        %dma_start3A_166 = tpu.memref_squeeze %dma_start3A_165 : memref<1x1x80xi32, #tpu.memory_space<vmem>> -> memref<1x80xi32, #tpu.memory_space<vmem>>
        %dma_start3A_167 = arith.constant 0 : i32
        %dma_start3A_168 = tpu.memref_slice %arg4[%arg1, %min3A_154, %dma_start3A_167] : memref<16x125x80xi32, #tpu.memory_space<hbm>> -> memref<1x1x80xi32, #tpu.memory_space<hbm>>
        %dma_start3A_169 = tpu.memref_squeeze %dma_start3A_168 : memref<1x1x80xi32, #tpu.memory_space<hbm>> -> memref<1x80xi32, #tpu.memory_space<hbm>>
        tpu.enqueue_dma source(%dma_start3A_169 : memref<1x80xi32, #tpu.memory_space<hbm>>) target(%dma_start3A_166 : memref<1x80xi32, #tpu.memory_space<vmem>>) target_semaphore(%arg17 : memref<!tpu.dma_semaphore, #tpu.memory_space<semaphore_mem>>)
        %add3A_170 = arith.constant 1 : i32
        %add3A_171 = arith.addi %mul3A_69, %add3A_170 : i32
        "tpu.region"() ({
          %run_scoped3A_172 = tpu.sem_alloc : memref<!tpu.dma_semaphore, #tpu.memory_space<semaphore_mem>>
          %dma_start3A_173 = arith.constant 0 : i32
          %dma_start3A_174 = tpu.memref_slice %arg10[%add3A_171, %dma_start3A_173] : memref<125x80xi32, #tpu.memory_space<vmem>> -> memref<1x80xi32, #tpu.memory_space<vmem>>
          %dma_start3A_175 = tpu.memref_squeeze %dma_start3A_174 : memref<1x80xi32, #tpu.memory_space<vmem>> -> memref<80xi32, #tpu.memory_space<vmem>>
          %dma_start3A_176 = arith.constant 0 : i32
          %dma_start3A_177 = arith.constant 0 : i32
          %dma_start3A_178 = tpu.memref_slice %arg13[%dma_start3A_176, %dma_start3A_177] : memref<10240x128xf32, #tpu.memory_space<vmem_shared>> -> memref<10240x128xf32, #tpu.memory_space<vmem_shared>>
          tpu.enqueue_indirect_dma source(%arg12 : memref<80x128xf32, #tpu.memory_space<vmem>>) target(%dma_start3A_178 : memref<10240x128xf32, #tpu.memory_space<vmem_shared>>) offsets(%dma_start3A_175 : memref<80xi32, #tpu.memory_space<vmem>>) semaphore(%run_scoped3A_172 : memref<!tpu.dma_semaphore, #tpu.memory_space<semaphore_mem>>) {add = true}
          %dma_wait3A_179 = arith.constant 0 : i32
          %dma_wait3A_180 = tpu.memref_slice %arg10[%add3A_171, %dma_wait3A_179] : memref<125x80xi32, #tpu.memory_space<vmem>> -> memref<1x80xi32, #tpu.memory_space<vmem>>
          %dma_wait3A_181 = tpu.memref_squeeze %dma_wait3A_180 : memref<1x80xi32, #tpu.memory_space<vmem>> -> memref<80xi32, #tpu.memory_space<vmem>>
          %dma_wait3A_182 = arith.constant 0 : i32
          %dma_wait3A_183 = arith.constant 0 : i32
          %dma_wait3A_184 = tpu.memref_slice %arg13[%dma_wait3A_182, %dma_wait3A_183] : memref<10240x128xf32, #tpu.memory_space<vmem_shared>> -> memref<10240x128xf32, #tpu.memory_space<vmem_shared>>
          tpu.wait_indirect_dma semaphore(%run_scoped3A_172 : memref<!tpu.dma_semaphore, #tpu.memory_space<semaphore_mem>>) src(%arg12 : memref<80x128xf32, #tpu.memory_space<vmem>>) dst(%dma_wait3A_184 : memref<10240x128xf32, #tpu.memory_space<vmem_shared>>)
          tpu.yield
        }) : () -> ()
      }
      %scan3A_36 = arith.constant 62 : i32
      %dma_wait3A = arith.constant 1 : i32
      %dma_wait3A_37 = arith.constant 0 : i32
      %dma_wait3A_38 = arith.constant 0 : i32
      %dma_wait3A_39 = tpu.memref_slice %arg9[%dma_wait3A, %dma_wait3A_37, %dma_wait3A_38] : memref<2x1x80xi32, #tpu.memory_space<vmem>> -> memref<1x1x80xi32, #tpu.memory_space<vmem>>
      %dma_wait3A_40 = tpu.memref_squeeze %dma_wait3A_39 : memref<1x1x80xi32, #tpu.memory_space<vmem>> -> memref<1x80xi32, #tpu.memory_space<vmem>>
      %dma_wait3A_41 = arith.constant 124 : i32
      %dma_wait3A_42 = arith.constant 0 : i32
      %dma_wait3A_43 = tpu.memref_slice %arg4[%arg1, %dma_wait3A_41, %dma_wait3A_42] : memref<16x125x80xi32, #tpu.memory_space<hbm>> -> memref<1x1x80xi32, #tpu.memory_space<hbm>>
      %dma_wait3A_44 = tpu.memref_squeeze %dma_wait3A_43 : memref<1x1x80xi32, #tpu.memory_space<hbm>> -> memref<1x80xi32, #tpu.memory_space<hbm>>
      %dma_wait3A_45 = arith.constant 0 : i32
      %dma_wait3A_46 = arith.constant 0 : i32
      %dma_wait3A_47 = tpu.memref_slice %arg9[%dma_wait3A, %dma_wait3A_45, %dma_wait3A_46] : memref<2x1x80xi32, #tpu.memory_space<vmem>> -> memref<1x1x80xi32, #tpu.memory_space<vmem>>
      %dma_wait3A_48 = tpu.memref_squeeze %dma_wait3A_47 : memref<1x1x80xi32, #tpu.memory_space<vmem>> -> memref<1x80xi32, #tpu.memory_space<vmem>>
      %dma_wait3A_49 = arith.constant 124 : i32
      %dma_wait3A_50 = arith.constant 0 : i32
      %dma_wait3A_51 = tpu.memref_slice %arg4[%arg1, %dma_wait3A_49, %dma_wait3A_50] : memref<16x125x80xi32, #tpu.memory_space<hbm>> -> memref<1x1x80xi32, #tpu.memory_space<hbm>>
      %dma_wait3A_52 = tpu.memref_squeeze %dma_wait3A_51 : memref<1x1x80xi32, #tpu.memory_space<hbm>> -> memref<1x80xi32, #tpu.memory_space<hbm>>
      tpu.wait_dma2 semaphore(%arg17 : memref<!tpu.dma_semaphore, #tpu.memory_space<semaphore_mem>>) src(%dma_wait3A_52 : memref<1x80xi32, #tpu.memory_space<hbm>>) dst(%dma_wait3A_48 : memref<1x80xi32, #tpu.memory_space<vmem>>)
      %dma_wait3A_53 = arith.constant 0 : i32
      %dma_wait3A_54 = arith.constant 0 : i32
      %dma_wait3A_55 = arith.constant 0 : i32
      %dma_wait3A_56 = tpu.memref_slice %arg9[%dma_wait3A_53, %dma_wait3A_54, %dma_wait3A_55] : memref<2x1x80xi32, #tpu.memory_space<vmem>> -> memref<1x1x80xi32, #tpu.memory_space<vmem>>
      %dma_wait3A_57 = tpu.memref_squeeze %dma_wait3A_56 : memref<1x1x80xi32, #tpu.memory_space<vmem>> -> memref<80xi32, #tpu.memory_space<vmem>>
      %dma_wait3A_58 = arith.constant 0 : i32
      %dma_wait3A_59 = arith.constant 0 : i32
      %dma_wait3A_60 = tpu.memref_slice %arg3[%dma_wait3A_58, %dma_wait3A_59] : memref<10000x128xf32, #tpu.memory_space<hbm>> -> memref<10000x128xf32, #tpu.memory_space<hbm>>
      tpu.wait_indirect_dma semaphore(%arg14 : memref<!tpu.dma_semaphore, #tpu.memory_space<semaphore_mem>>) src(%dma_wait3A_60 : memref<10000x128xf32, #tpu.memory_space<hbm>>) dst(%arg11 : memref<80x128xf32, #tpu.memory_space<vmem>>)
      %run_scoped3A_61 = arith.constant 124 : i32
      "tpu.region"() ({
        %run_scoped3A_67 = tpu.sem_alloc : memref<!tpu.dma_semaphore, #tpu.memory_space<semaphore_mem>>
        %dma_start3A_68 = arith.constant 0 : i32
        %dma_start3A_69 = tpu.memref_slice %arg10[%run_scoped3A_61, %dma_start3A_68] : memref<125x80xi32, #tpu.memory_space<vmem>> -> memref<1x80xi32, #tpu.memory_space<vmem>>
        %dma_start3A_70 = tpu.memref_squeeze %dma_start3A_69 : memref<1x80xi32, #tpu.memory_space<vmem>> -> memref<80xi32, #tpu.memory_space<vmem>>
        %dma_start3A_71 = arith.constant 0 : i32
        %dma_start3A_72 = arith.constant 0 : i32
        %dma_start3A_73 = tpu.memref_slice %arg13[%dma_start3A_71, %dma_start3A_72] : memref<10240x128xf32, #tpu.memory_space<vmem_shared>> -> memref<10240x128xf32, #tpu.memory_space<vmem_shared>>
        tpu.enqueue_indirect_dma source(%arg11 : memref<80x128xf32, #tpu.memory_space<vmem>>) target(%dma_start3A_73 : memref<10240x128xf32, #tpu.memory_space<vmem_shared>>) offsets(%dma_start3A_70 : memref<80xi32, #tpu.memory_space<vmem>>) semaphore(%run_scoped3A_67 : memref<!tpu.dma_semaphore, #tpu.memory_space<semaphore_mem>>) {add = true}
        %dma_wait3A_74 = arith.constant 0 : i32
        %dma_wait3A_75 = tpu.memref_slice %arg10[%run_scoped3A_61, %dma_wait3A_74] : memref<125x80xi32, #tpu.memory_space<vmem>> -> memref<1x80xi32, #tpu.memory_space<vmem>>
        %dma_wait3A_76 = tpu.memref_squeeze %dma_wait3A_75 : memref<1x80xi32, #tpu.memory_space<vmem>> -> memref<80xi32, #tpu.memory_space<vmem>>
        %dma_wait3A_77 = arith.constant 0 : i32
        %dma_wait3A_78 = arith.constant 0 : i32
        %dma_wait3A_79 = tpu.memref_slice %arg13[%dma_wait3A_77, %dma_wait3A_78] : memref<10240x128xf32, #tpu.memory_space<vmem_shared>> -> memref<10240x128xf32, #tpu.memory_space<vmem_shared>>
        tpu.wait_indirect_dma semaphore(%run_scoped3A_67 : memref<!tpu.dma_semaphore, #tpu.memory_space<semaphore_mem>>) src(%arg11 : memref<80x128xf32, #tpu.memory_space<vmem>>) dst(%dma_wait3A_79 : memref<10240x128xf32, #tpu.memory_space<vmem_shared>>)
        tpu.yield
      }) : () -> ()
      %barrier3A_62 = arith.constant 0 : index
      tpu.barrier barrier_id(%barrier3A_62)
      %mul3A_63 = arith.constant 640 : i32
      %mul3A_64 = arith.muli %arg1, %mul3A_63 : i32
      %mul3A_65 = arith.constant 640 : i32
      %mul3A_66 = arith.muli %arg1, %mul3A_65 : i32
      "tpu.region"() ({
        %run_scoped3A_67 = tpu.sem_alloc : memref<!tpu.dma_semaphore, #tpu.memory_space<semaphore_mem>>
        %dma_start3A_68 = arith.constant 0 : i32
        %dma_start3A_69 = tpu.memref_slice %arg8[%mul3A_66, %dma_start3A_68] : memref<10240x128xf32, #tpu.memory_space<hbm>> -> memref<640x128xf32, #tpu.memory_space<hbm>>
        %dma_start3A_70 = arith.constant 0 : i32
        %dma_start3A_71 = tpu.memref_slice %arg13[%mul3A_64, %dma_start3A_70] : memref<10240x128xf32, #tpu.memory_space<vmem_shared>> -> memref<640x128xf32, #tpu.memory_space<vmem_shared>>
        tpu.enqueue_dma source(%dma_start3A_71 : memref<640x128xf32, #tpu.memory_space<vmem_shared>>) target(%dma_start3A_69 : memref<640x128xf32, #tpu.memory_space<hbm>>) target_semaphore(%run_scoped3A_67 : memref<!tpu.dma_semaphore, #tpu.memory_space<semaphore_mem>>)
        %dma_wait3A_72 = arith.constant 0 : i32
        %dma_wait3A_73 = tpu.memref_slice %arg8[%mul3A_66, %dma_wait3A_72] : memref<10240x128xf32, #tpu.memory_space<hbm>> -> memref<640x128xf32, #tpu.memory_space<hbm>>
        %dma_wait3A_74 = arith.constant 0 : i32
        %dma_wait3A_75 = tpu.memref_slice %arg13[%mul3A_64, %dma_wait3A_74] : memref<10240x128xf32, #tpu.memory_space<vmem_shared>> -> memref<640x128xf32, #tpu.memory_space<vmem_shared>>
        tpu.wait_dma2 semaphore(%run_scoped3A_67 : memref<!tpu.dma_semaphore, #tpu.memory_space<semaphore_mem>>) src(%dma_wait3A_75 : memref<640x128xf32, #tpu.memory_space<vmem_shared>>) dst(%dma_wait3A_73 : memref<640x128xf32, #tpu.memory_space<hbm>>)
        tpu.yield
      }) : () -> ()
    } else {
    }
    return
  }
}

module attributes {stable_mosaic.version = 14 : i64} {
  func.func @_layer_body(%arg0: i32, %arg1: memref<1000x128xf32, #tpu.memory_space<vmem>>, %arg2: memref<1000x128xf32, #tpu.memory_space<vmem>>, %arg3: memref<1000x128xf32, #tpu.memory_space<vmem>>, %arg4: memref<1000x128xf32, #tpu.memory_space<vmem>>, %arg5: memref<1000x128xf32, #tpu.memory_space<vmem>>, %arg6: memref<1000x128xf32, #tpu.memory_space<vmem>>, %arg7: memref<128x256xf32, #tpu.memory_space<vmem>>, %arg8: memref<128x256xf32, #tpu.memory_space<vmem>>, %arg9: memref<128x256xf32, #tpu.memory_space<vmem>>, %arg10: memref<128x256xf32, #tpu.memory_space<vmem>>, %arg11: memref<1x256xf32, #tpu.memory_space<vmem>>, %arg12: memref<1000x128xf32, #tpu.memory_space<vmem>>, %arg13: memref<1000x128xf32, #tpu.memory_space<vmem>>) attributes {dimension_semantics = [#tpu.dimension_semantics<arbitrary>], iteration_bounds = array<i64: 10>, scalar_prefetch = 0 : i64, scratch_operands = 0 : i64, tpu.core_type = #tpu.core_type<tc>, window_params = [{transform_indices = @transform_0, window_bounds = array<i64: 1000, 128>}, {transform_indices = @transform_1, window_bounds = array<i64: 1000, 128>}, {transform_indices = @transform_2, window_bounds = array<i64: 1000, 128>}, {transform_indices = @transform_3, window_bounds = array<i64: 1000, 128>}, {transform_indices = @transform_4, window_bounds = array<i64: 1000, 128>}, {transform_indices = @transform_5, window_bounds = array<i64: 1000, 128>}, {pipeline_mode = #tpu.pipeline_mode<synchronous>, transform_indices = @transform_6, window_bounds = array<i64: 128, 256>}, {pipeline_mode = #tpu.pipeline_mode<synchronous>, transform_indices = @transform_7, window_bounds = array<i64: 128, 256>}, {pipeline_mode = #tpu.pipeline_mode<synchronous>, transform_indices = @transform_8, window_bounds = array<i64: 128, 256>}, {pipeline_mode = #tpu.pipeline_mode<synchronous>, transform_indices = @transform_9, window_bounds = array<i64: 128, 256>}, {pipeline_mode = #tpu.pipeline_mode<synchronous>, transform_indices = @transform_10, window_bounds = array<i64: 1, 256>}, {transform_indices = @transform_11, window_bounds = array<i64: 1000, 128>}, {transform_indices = @transform_12, window_bounds = array<i64: 1000, 128>}]} {
    %get3A = arith.constant 0 : index
    %get3A_0 = arith.constant 0 : index
    %get3A_1 = vector.load %arg5[%get3A, %get3A_0] : memref<1000x128xf32, #tpu.memory_space<vmem>>, vector<1000x128xf32>
    %reduce_max3A = arith.constant dense<0xFF800000> : vector<1000xf32>
    %reduce_max3A_2 = vector.multi_reduction <maximumf>, %get3A_1, %reduce_max3A [1] : vector<1000x128xf32> to vector<1000xf32>
    %broadcast_in_dim3A = vector.shape_cast %reduce_max3A_2 : vector<1000xf32> to vector<1000x1xf32>
    %get3A_3 = arith.constant 0 : index
    %get3A_4 = arith.constant 0 : index
    %get3A_5 = vector.load %arg6[%get3A_3, %get3A_4] : memref<1000x128xf32, #tpu.memory_space<vmem>>, vector<1000x128xf32>
    %reduce_max3A_6 = arith.constant dense<0xFF800000> : vector<1000xf32>
    %reduce_max3A_7 = vector.multi_reduction <maximumf>, %get3A_5, %reduce_max3A_6 [1] : vector<1000x128xf32> to vector<1000xf32>
    %broadcast_in_dim3A_8 = vector.shape_cast %reduce_max3A_7 : vector<1000xf32> to vector<1000x1xf32>
    %add3A = arith.addf %broadcast_in_dim3A, %broadcast_in_dim3A_8 : vector<1000x1xf32>
    %max3A = arith.constant 1.000000e+00 : f32
    %max3A_9 = vector.broadcast %max3A : f32 to vector<1000x1xf32>
    %max3A_10 = arith.maximumf %add3A, %max3A_9 : vector<1000x1xf32>
    %div3A = arith.constant 1.000000e+00 : f32
    %div3A_11 = vector.broadcast %div3A : f32 to vector<1000x1xf32>
    %div3A_12 = arith.divf %div3A_11, %max3A_10 : vector<1000x1xf32>
    %get3A_13 = arith.constant 0 : index
    %get3A_14 = arith.constant 0 : index
    %get3A_15 = vector.load %arg1[%get3A_13, %get3A_14] : memref<1000x128xf32, #tpu.memory_space<vmem>>, vector<1000x128xf32>
    %mul3A = vector.broadcast %div3A_12 : vector<1000x1xf32> to vector<1000x128xf32>
    %mul3A_16 = arith.mulf %get3A_15, %mul3A : vector<1000x128xf32>
    %get3A_17 = arith.constant 0 : index
    %get3A_18 = arith.constant 0 : index
    %get3A_19 = vector.load %arg7[%get3A_17, %get3A_18] : memref<128x256xf32, #tpu.memory_space<vmem>>, vector<128x256xf32>
    %dot_general3A = arith.constant dense<0.000000e+00> : vector<1000x256xf32>
    %dot_general3A_20 = tpu.matmul %mul3A_16, %get3A_19, %dot_general3A {dimension_numbers = #tpu.dot_dimension_numbers<[1], [0], [0], [1], [0, 0, 1, 1], [], []>, transpose_lhs_hint = false} : vector<1000x128xf32>, vector<128x256xf32>, vector<1000x256xf32> -> vector<1000x256xf32>
    %get3A_21 = arith.constant 0 : index
    %get3A_22 = arith.constant 0 : index
    %get3A_23 = vector.load %arg2[%get3A_21, %get3A_22] : memref<1000x128xf32, #tpu.memory_space<vmem>>, vector<1000x128xf32>
    %mul3A_24 = vector.broadcast %div3A_12 : vector<1000x1xf32> to vector<1000x128xf32>
    %mul3A_25 = arith.mulf %get3A_23, %mul3A_24 : vector<1000x128xf32>
    %get3A_26 = arith.constant 0 : index
    %get3A_27 = arith.constant 0 : index
    %get3A_28 = vector.load %arg8[%get3A_26, %get3A_27] : memref<128x256xf32, #tpu.memory_space<vmem>>, vector<128x256xf32>
    %dot_general3A_29 = arith.constant dense<0.000000e+00> : vector<1000x256xf32>
    %dot_general3A_30 = tpu.matmul %mul3A_25, %get3A_28, %dot_general3A_29 {dimension_numbers = #tpu.dot_dimension_numbers<[1], [0], [0], [1], [0, 0, 1, 1], [], []>, transpose_lhs_hint = false} : vector<1000x128xf32>, vector<128x256xf32>, vector<1000x256xf32> -> vector<1000x256xf32>
    %add3A_31 = arith.addf %dot_general3A_20, %dot_general3A_30 : vector<1000x256xf32>
    %get3A_32 = arith.constant 0 : index
    %get3A_33 = arith.constant 0 : index
    %get3A_34 = vector.load %arg3[%get3A_32, %get3A_33] : memref<1000x128xf32, #tpu.memory_space<vmem>>, vector<1000x128xf32>
    %get3A_35 = arith.constant 0 : index
    %get3A_36 = arith.constant 0 : index
    %get3A_37 = vector.load %arg9[%get3A_35, %get3A_36] : memref<128x256xf32, #tpu.memory_space<vmem>>, vector<128x256xf32>
    %dot_general3A_38 = arith.constant dense<0.000000e+00> : vector<1000x256xf32>
    %dot_general3A_39 = tpu.matmul %get3A_34, %get3A_37, %dot_general3A_38 {dimension_numbers = #tpu.dot_dimension_numbers<[1], [0], [0], [1], [0, 0, 1, 1], [], []>, transpose_lhs_hint = false} : vector<1000x128xf32>, vector<128x256xf32>, vector<1000x256xf32> -> vector<1000x256xf32>
    %add3A_40 = arith.addf %add3A_31, %dot_general3A_39 : vector<1000x256xf32>
    %get3A_41 = arith.constant 0 : index
    %get3A_42 = arith.constant 0 : index
    %get3A_43 = vector.load %arg4[%get3A_41, %get3A_42] : memref<1000x128xf32, #tpu.memory_space<vmem>>, vector<1000x128xf32>
    %get3A_44 = arith.constant 0 : index
    %get3A_45 = arith.constant 0 : index
    %get3A_46 = vector.load %arg10[%get3A_44, %get3A_45] : memref<128x256xf32, #tpu.memory_space<vmem>>, vector<128x256xf32>
    %dot_general3A_47 = arith.constant dense<0.000000e+00> : vector<1000x256xf32>
    %dot_general3A_48 = tpu.matmul %get3A_43, %get3A_46, %dot_general3A_47 {dimension_numbers = #tpu.dot_dimension_numbers<[1], [0], [0], [1], [0, 0, 1, 1], [], []>, transpose_lhs_hint = false} : vector<1000x128xf32>, vector<128x256xf32>, vector<1000x256xf32> -> vector<1000x256xf32>
    %add3A_49 = arith.addf %add3A_40, %dot_general3A_48 : vector<1000x256xf32>
    %get3A_50 = arith.constant 0 : index
    %get3A_51 = arith.constant 0 : index
    %get3A_52 = vector.load %arg11[%get3A_50, %get3A_51] : memref<1x256xf32, #tpu.memory_space<vmem>>, vector<1x256xf32>
    %add3A_53 = vector.broadcast %get3A_52 : vector<1x256xf32> to vector<1000x256xf32>
    %add3A_54 = arith.addf %add3A_49, %add3A_53 : vector<1000x256xf32>
    %max3A_55 = arith.constant 0.000000e+00 : f32
    %max3A_56 = vector.broadcast %max3A_55 : f32 to vector<1000x256xf32>
    %max3A_57 = arith.maximumf %add3A_54, %max3A_56 : vector<1000x256xf32>
    %slice3A = vector.extract_strided_slice %max3A_57 {offsets = [0, 0], sizes = [1000, 128], strides = [1, 1]} : vector<1000x256xf32> to vector<1000x128xf32>
    %swap3A = arith.constant 0 : index
    %swap3A_58 = arith.constant 0 : index
    %swap3A_59 = vector.load %arg12[%swap3A, %swap3A_58] : memref<1000x128xf32, #tpu.memory_space<vmem>>, vector<1000x128xf32>
    tpu.vector_store %arg12[%swap3A, %swap3A_58], %slice3A {strides = array<i32>} : memref<1000x128xf32, #tpu.memory_space<vmem>>, vector<1000x128xf32>,
    %slice3A_60 = vector.extract_strided_slice %max3A_57 {offsets = [0, 128], sizes = [1000, 128], strides = [1, 1]} : vector<1000x256xf32> to vector<1000x128xf32>
    %swap3A_61 = arith.constant 0 : index
    %swap3A_62 = arith.constant 0 : index
    %swap3A_63 = vector.load %arg13[%swap3A_61, %swap3A_62] : memref<1000x128xf32, #tpu.memory_space<vmem>>, vector<1000x128xf32>
    tpu.vector_store %arg13[%swap3A_61, %swap3A_62], %slice3A_60 {strides = array<i32>} : memref<1000x128xf32, #tpu.memory_space<vmem>>, vector<1000x128xf32>,
    return
  }
  func.func @transform_0(%arg0: i32) -> (i32, i32) {
    %c0_i32 = arith.constant 0 : i32
    %c0_i32_0 = arith.constant 0 : i32
    return %arg0, %c0_i32 : i32, i32
  }
  func.func @transform_1(%arg0: i32) -> (i32, i32) {
    %c0_i32 = arith.constant 0 : i32
    %c0_i32_0 = arith.constant 0 : i32
    return %arg0, %c0_i32 : i32, i32
  }
  func.func @transform_2(%arg0: i32) -> (i32, i32) {
    %c0_i32 = arith.constant 0 : i32
    %c0_i32_0 = arith.constant 0 : i32
    return %arg0, %c0_i32 : i32, i32
  }
  func.func @transform_3(%arg0: i32) -> (i32, i32) {
    %c0_i32 = arith.constant 0 : i32
    %c0_i32_0 = arith.constant 0 : i32
    return %arg0, %c0_i32 : i32, i32
  }
  func.func @transform_4(%arg0: i32) -> (i32, i32) {
    %c0_i32 = arith.constant 0 : i32
    %c0_i32_0 = arith.constant 0 : i32
    return %arg0, %c0_i32 : i32, i32
  }
  func.func @transform_5(%arg0: i32) -> (i32, i32) {
    %c0_i32 = arith.constant 0 : i32
    %c0_i32_0 = arith.constant 0 : i32
    return %arg0, %c0_i32 : i32, i32
  }
  func.func @transform_6(%arg0: i32) -> (i32, i32) {
    %c0_i32 = arith.constant 0 : i32
    %c0_i32_0 = arith.constant 0 : i32
    %c0_i32_1 = arith.constant 0 : i32
    return %c0_i32, %c0_i32_0 : i32, i32
  }
  func.func @transform_7(%arg0: i32) -> (i32, i32) {
    %c0_i32 = arith.constant 0 : i32
    %c0_i32_0 = arith.constant 0 : i32
    %c0_i32_1 = arith.constant 0 : i32
    return %c0_i32, %c0_i32_0 : i32, i32
  }
  func.func @transform_8(%arg0: i32) -> (i32, i32) {
    %c0_i32 = arith.constant 0 : i32
    %c0_i32_0 = arith.constant 0 : i32
    %c0_i32_1 = arith.constant 0 : i32
    return %c0_i32, %c0_i32_0 : i32, i32
  }
  func.func @transform_9(%arg0: i32) -> (i32, i32) {
    %c0_i32 = arith.constant 0 : i32
    %c0_i32_0 = arith.constant 0 : i32
    %c0_i32_1 = arith.constant 0 : i32
    return %c0_i32, %c0_i32_0 : i32, i32
  }
  func.func @transform_10(%arg0: i32) -> (i32, i32) {
    %c0_i32 = arith.constant 0 : i32
    %c0_i32_0 = arith.constant 0 : i32
    %c0_i32_1 = arith.constant 0 : i32
    return %c0_i32, %c0_i32_0 : i32, i32
  }
  func.func @transform_11(%arg0: i32) -> (i32, i32) {
    %c0_i32 = arith.constant 0 : i32
    %c0_i32_0 = arith.constant 0 : i32
    return %arg0, %c0_i32 : i32, i32
  }
  func.func @transform_12(%arg0: i32) -> (i32, i32) {
    %c0_i32 = arith.constant 0 : i32
    %c0_i32_0 = arith.constant 0 : i32
    return %arg0, %c0_i32 : i32, i32
  }
}

module attributes {stable_mosaic.version = 14 : i64} {
  func.func @_head_body(%arg0: memref<10016x128xf32, #tpu.memory_space<vmem>>, %arg1: memref<10016x128xf32, #tpu.memory_space<vmem>>, %arg2: memref<128x128xf32, #tpu.memory_space<vmem>>, %arg3: memref<128x128xf32, #tpu.memory_space<vmem>>, %arg4: memref<1x128xf32, #tpu.memory_space<vmem>>, %arg5: memref<1x128xf32, #tpu.memory_space<vmem>>, %arg6: memref<1x1xf32, #tpu.memory_space<vmem>>, %arg7: memref<64x1xf32, #tpu.memory_space<vmem>>, %arg8: memref<64x128xf32, #tpu.memory_space<vmem>>, %arg9: memref<64x128xf32, #tpu.memory_space<vmem>>) attributes {dimension_semantics = [], scalar_prefetch = 0 : i64, scratch_operands = 2 : i64, tpu.core_type = #tpu.core_type<tc>} {
    %scan3A = arith.constant 0 : i32
    %scan3A_0 = arith.constant 64 : i32
    %scan3A_1 = arith.addi %scan3A, %scan3A_0 : i32
    %scan3A_2 = arith.constant 1 : i32
    scf.for %scan3A_40 = %scan3A to %scan3A_1 step %scan3A_2  : i32 {
      %mul3A_41 = arith.constant 625 : i32
      %mul3A_42 = arith.muli %mul3A_41, %scan3A_40 : i32
      %add3A_43 = arith.constant 3 : i32
      %add3A_44 = arith.addi %mul3A_42, %add3A_43 : i32
      %jit3A = arith.constant 4 : i32
      %div3A = arith.divsi %add3A_44, %jit3A : i32
      %sign3A = arith.constant 0 : i32
      %sign3A_45 = arith.cmpi sgt, %add3A_44, %sign3A : i32
      %sign3A_46 = arith.extui %sign3A_45 : i1 to i32
      %sign3A_47 = arith.constant 0 : i32
      %sign3A_48 = arith.cmpi slt, %add3A_44, %sign3A_47 : i32
      %sign3A_49 = arith.extui %sign3A_48 : i1 to i32
      %sign3A_50 = arith.subi %sign3A_46, %sign3A_49 : i32
      %sign3A_51 = arith.constant 0 : i32
      %sign3A_52 = arith.cmpi sgt, %jit3A, %sign3A_51 : i32
      %sign3A_53 = arith.extui %sign3A_52 : i1 to i32
      %sign3A_54 = arith.constant 0 : i32
      %sign3A_55 = arith.cmpi slt, %jit3A, %sign3A_54 : i32
      %sign3A_56 = arith.extui %sign3A_55 : i1 to i32
      %sign3A_57 = arith.subi %sign3A_53, %sign3A_56 : i32
      %ne3A = arith.cmpi ne, %sign3A_50, %sign3A_57 : i32
      %rem3A = arith.remsi %add3A_44, %jit3A : i32
      %ne3A_58 = arith.constant 0 : i32
      %ne3A_59 = arith.cmpi ne, %rem3A, %ne3A_58 : i32
      %and3A = arith.andi %ne3A, %ne3A_59 : i1
      %sub3A = arith.constant 1 : i32
      %sub3A_60 = arith.subi %div3A, %sub3A : i32
      %select_n3A = arith.select %and3A, %sub3A_60, %div3A : i32
      %add3A_61 = arith.constant 1 : i32
      %add3A_62 = arith.addi %scan3A_40, %add3A_61 : i32
      %mul3A_63 = arith.constant 625 : i32
      %mul3A_64 = arith.muli %mul3A_63, %add3A_62 : i32
      %add3A_65 = arith.constant 3 : i32
      %add3A_66 = arith.addi %mul3A_64, %add3A_65 : i32
      %jit3A_67 = arith.constant 4 : i32
      %div3A_68 = arith.divsi %add3A_66, %jit3A_67 : i32
      %sign3A_69 = arith.constant 0 : i32
      %sign3A_70 = arith.cmpi sgt, %add3A_66, %sign3A_69 : i32
      %sign3A_71 = arith.extui %sign3A_70 : i1 to i32
      %sign3A_72 = arith.constant 0 : i32
      %sign3A_73 = arith.cmpi slt, %add3A_66, %sign3A_72 : i32
      %sign3A_74 = arith.extui %sign3A_73 : i1 to i32
      %sign3A_75 = arith.subi %sign3A_71, %sign3A_74 : i32
      %sign3A_76 = arith.constant 0 : i32
      %sign3A_77 = arith.cmpi sgt, %jit3A_67, %sign3A_76 : i32
      %sign3A_78 = arith.extui %sign3A_77 : i1 to i32
      %sign3A_79 = arith.constant 0 : i32
      %sign3A_80 = arith.cmpi slt, %jit3A_67, %sign3A_79 : i32
      %sign3A_81 = arith.extui %sign3A_80 : i1 to i32
      %sign3A_82 = arith.subi %sign3A_78, %sign3A_81 : i32
      %ne3A_83 = arith.cmpi ne, %sign3A_75, %sign3A_82 : i32
      %rem3A_84 = arith.remsi %add3A_66, %jit3A_67 : i32
      %ne3A_85 = arith.constant 0 : i32
      %ne3A_86 = arith.cmpi ne, %rem3A_84, %ne3A_85 : i32
      %and3A_87 = arith.andi %ne3A_83, %ne3A_86 : i1
      %sub3A_88 = arith.constant 1 : i32
      %sub3A_89 = arith.subi %div3A_68, %sub3A_88 : i32
      %select_n3A_90 = arith.select %and3A_87, %sub3A_89, %div3A_68 : i32
      %sub3A_91 = arith.subi %select_n3A_90, %select_n3A : i32
      %iota3A = tpu.iota {dimensions = array<i32: 0>} : vector<160x1xi32>
      %lt3A = vector.broadcast %sub3A_91 : i32 to vector<160x1xi32>
      %lt3A_92 = arith.cmpi slt, %iota3A, %lt3A : vector<160x1xi32>
      %get3A_93 = arith.index_cast %select_n3A : i32 to index
      %get3A_94 = arith.constant 0 : index
      %get3A_95 = vector.load %arg0[%get3A_93, %get3A_94] : memref<10016x128xf32, #tpu.memory_space<vmem>>, vector<160x128xf32>
      %jit3A_96 = arith.constant 0.000000e+00 : f32
      %broadcast_in_dim3A_97 = vector.shape_cast %lt3A_92 : vector<160x1xi1> to vector<160x1xi1>
      %broadcast_in_dim3A_98 = vector.broadcast %broadcast_in_dim3A_97 : vector<160x1xi1> to vector<160x128xi1>
      %broadcast_in_dim3A_99 = vector.broadcast %jit3A_96 : f32 to vector<160x128xf32>
      %select_n3A_100 = arith.select %broadcast_in_dim3A_98, %get3A_95, %broadcast_in_dim3A_99 : vector<160x128xi1>, vector<160x128xf32>
      %get3A_101 = arith.index_cast %select_n3A : i32 to index
      %get3A_102 = arith.constant 0 : index
      %get3A_103 = vector.load %arg1[%get3A_101, %get3A_102] : memref<10016x128xf32, #tpu.memory_space<vmem>>, vector<160x128xf32>
      %jit3A_104 = arith.constant 0.000000e+00 : f32
      %broadcast_in_dim3A_105 = vector.shape_cast %lt3A_92 : vector<160x1xi1> to vector<160x1xi1>
      %broadcast_in_dim3A_106 = vector.broadcast %broadcast_in_dim3A_105 : vector<160x1xi1> to vector<160x128xi1>
      %broadcast_in_dim3A_107 = vector.broadcast %jit3A_104 : f32 to vector<160x128xf32>
      %select_n3A_108 = arith.select %broadcast_in_dim3A_106, %get3A_103, %broadcast_in_dim3A_107 : vector<160x128xi1>, vector<160x128xf32>
      %reduce_max3A = arith.constant dense<0xFF800000> : vector<128xf32>
      %reduce_max3A_109 = vector.multi_reduction <maximumf>, %select_n3A_100, %reduce_max3A [0] : vector<160x128xf32> to vector<128xf32>
      %broadcast_in_dim3A_110 = vector.shape_cast %reduce_max3A_109 : vector<128xf32> to vector<1x128xf32>
      %swap3A_111 = arith.index_cast %scan3A_40 : i32 to index
      %swap3A_112 = arith.constant 0 : index
      %swap3A_113 = vector.load %arg8[%swap3A_111, %swap3A_112] : memref<64x128xf32, #tpu.memory_space<vmem>>, vector<1x128xf32>
      tpu.vector_store %arg8[%swap3A_111, %swap3A_112], %broadcast_in_dim3A_110 {strides = array<i32>} : memref<64x128xf32, #tpu.memory_space<vmem>>, vector<1x128xf32>,
      %reduce_max3A_114 = arith.constant dense<0xFF800000> : vector<128xf32>
      %reduce_max3A_115 = vector.multi_reduction <maximumf>, %select_n3A_108, %reduce_max3A_114 [0] : vector<160x128xf32> to vector<128xf32>
      %broadcast_in_dim3A_116 = vector.shape_cast %reduce_max3A_115 : vector<128xf32> to vector<1x128xf32>
      %swap3A_117 = arith.index_cast %scan3A_40 : i32 to index
      %swap3A_118 = arith.constant 0 : index
      %swap3A_119 = vector.load %arg9[%swap3A_117, %swap3A_118] : memref<64x128xf32, #tpu.memory_space<vmem>>, vector<1x128xf32>
      tpu.vector_store %arg9[%swap3A_117, %swap3A_118], %broadcast_in_dim3A_116 {strides = array<i32>} : memref<64x128xf32, #tpu.memory_space<vmem>>, vector<1x128xf32>,
    }
    %scan3A_3 = arith.constant 64 : i32
    %get3A = arith.constant 0 : index
    %get3A_4 = arith.constant 0 : index
    %get3A_5 = vector.load %arg8[%get3A, %get3A_4] : memref<64x128xf32, #tpu.memory_space<vmem>>, vector<64x128xf32>
    %get3A_6 = arith.constant 0 : index
    %get3A_7 = arith.constant 0 : index
    %get3A_8 = vector.load %arg2[%get3A_6, %get3A_7] : memref<128x128xf32, #tpu.memory_space<vmem>>, vector<128x128xf32>
    %dot_general3A = arith.constant dense<0.000000e+00> : vector<64x128xf32>
    %dot_general3A_9 = tpu.matmul %get3A_5, %get3A_8, %dot_general3A {dimension_numbers = #tpu.dot_dimension_numbers<[1], [0], [0], [1], [0, 0, 1, 1], [], []>, transpose_lhs_hint = false} : vector<64x128xf32>, vector<128x128xf32>, vector<64x128xf32> -> vector<64x128xf32>
    %get3A_10 = arith.constant 0 : index
    %get3A_11 = arith.constant 0 : index
    %get3A_12 = vector.load %arg9[%get3A_10, %get3A_11] : memref<64x128xf32, #tpu.memory_space<vmem>>, vector<64x128xf32>
    %get3A_13 = arith.constant 0 : index
    %get3A_14 = arith.constant 0 : index
    %get3A_15 = vector.load %arg3[%get3A_13, %get3A_14] : memref<128x128xf32, #tpu.memory_space<vmem>>, vector<128x128xf32>
    %dot_general3A_16 = arith.constant dense<0.000000e+00> : vector<64x128xf32>
    %dot_general3A_17 = tpu.matmul %get3A_12, %get3A_15, %dot_general3A_16 {dimension_numbers = #tpu.dot_dimension_numbers<[1], [0], [0], [1], [0, 0, 1, 1], [], []>, transpose_lhs_hint = false} : vector<64x128xf32>, vector<128x128xf32>, vector<64x128xf32> -> vector<64x128xf32>
    %add3A = arith.addf %dot_general3A_9, %dot_general3A_17 : vector<64x128xf32>
    %get3A_18 = arith.constant 0 : index
    %get3A_19 = arith.constant 0 : index
    %get3A_20 = vector.load %arg4[%get3A_18, %get3A_19] : memref<1x128xf32, #tpu.memory_space<vmem>>, vector<1x128xf32>
    %add3A_21 = vector.broadcast %get3A_20 : vector<1x128xf32> to vector<64x128xf32>
    %add3A_22 = arith.addf %add3A, %add3A_21 : vector<64x128xf32>
    %max3A = arith.constant 0.000000e+00 : f32
    %max3A_23 = vector.broadcast %max3A : f32 to vector<64x128xf32>
    %max3A_24 = arith.maximumf %add3A_22, %max3A_23 : vector<64x128xf32>
    %convert_element_type3A = arith.truncf %max3A_24 : vector<64x128xf32> to vector<64x128xbf16>
    %convert_element_type3A_25 = arith.extf %convert_element_type3A : vector<64x128xbf16> to vector<64x128xf32>
    %get3A_26 = arith.constant 0 : index
    %get3A_27 = arith.constant 0 : index
    %get3A_28 = vector.load %arg5[%get3A_26, %get3A_27] : memref<1x128xf32, #tpu.memory_space<vmem>>, vector<1x128xf32>
    %convert_element_type3A_29 = arith.truncf %get3A_28 : vector<1x128xf32> to vector<1x128xbf16>
    %convert_element_type3A_30 = arith.extf %convert_element_type3A_29 : vector<1x128xbf16> to vector<1x128xf32>
    %mul3A = vector.broadcast %convert_element_type3A_30 : vector<1x128xf32> to vector<64x128xf32>
    %mul3A_31 = arith.mulf %convert_element_type3A_25, %mul3A : vector<64x128xf32>
    %reduce_sum3A = arith.constant dense<0.000000e+00> : vector<64xf32>
    %reduce_sum3A_32 = vector.multi_reduction <add>, %mul3A_31, %reduce_sum3A [1] : vector<64x128xf32> to vector<64xf32>
    %broadcast_in_dim3A = vector.shape_cast %reduce_sum3A_32 : vector<64xf32> to vector<64x1xf32>
    %get3A_33 = arith.constant 0 : index
    %get3A_34 = arith.constant 0 : index
    %get3A_35 = vector.load %arg6[%get3A_33, %get3A_34] : memref<1x1xf32, #tpu.memory_space<vmem>>, vector<1x1xf32>
    %add3A_36 = vector.broadcast %get3A_35 : vector<1x1xf32> to vector<64x1xf32>
    %add3A_37 = arith.addf %broadcast_in_dim3A, %add3A_36 : vector<64x1xf32>
    %swap3A = arith.constant 0 : index
    %swap3A_38 = arith.constant 0 : index
    %swap3A_39 = vector.load %arg7[%swap3A, %swap3A_38] : memref<64x1xf32, #tpu.memory_space<vmem>>, vector<64x1xf32>
    tpu.vector_store %arg7[%swap3A, %swap3A_38], %add3A_37 {strides = array<i32>} : memref<64x1xf32, #tpu.memory_space<vmem>>, vector<64x1xf32>,
    return
  }
}

</mosaic_0001>

<sc_bundles>
// kernel: kernel.10.cloned.1.call-start
scs
__scs_entry_jumppad:
0x0: {  	(pc) =	sbr.rel $0x88, $3  }
0x1: {  	(tag) =	ssettag $0x0;
	lr =	simm.s32 $0x1  }
0x2: {  	[smem:$0x3F92] =	sst lr;
	_ =	strace $0xD0000000  }
0x3: {  	_ = 	snop  }
0x4: {  	_ = 	snop  }
0x5: {  	_ = 	snop  }
0x6: {  	_ = 	snop  }
0x7: {  	_ = 	snop  }
__scs_overlays_trampoline_lowered:
0x8: {  	[smem:$0x3FA1] =	sst s0  }
0x9: {  	[smem:$0x3FA2] =	sst s1  }
0xa: {  	[smem:$0x3FA3] =	sst s2  }
0xb: {  	[smem:$0x3FA4] =	sst s3  }
0xc: {  	[smem:$0x3FA5] =	sst s4  }
0xd: {  	[smem:$0x3FA6] =	sst s5  }
0xe: {  	[smem:$0x3FA7] =	sst s6  }
0xf: {  	[smem:$0x3FA8] =	sst s7  }
0x10: {  	[smem:$0x3FA9] =	sst s8  }
0x11: {  	[smem:$0x3FAA] =	sst s9;
	s0 =	simm.s32 @!p0 $0x0  }
0x12: {  	s1 =	sld [smem:$0x3F90];
	s0 =	simm.s32 @p0 $0x1  }
0x13: {  	[smem:$0x3FAB] =	sst s0;
	s0 =	simm.s32 @!p1 $0x0  }
0x14: {  	s2 =	sld [smem:$0x3F8F];
	s0 =	simm.s32 @p1 $0x1  }
0x15: {  	[smem:$0x3FAC] =	sst s0;
	s0 =	simm.s32 @!p2 $0x0  }
0x16: {  	s3 =	sld [smem:$0x3FDB];
	s0 =	simm.s32 @p2 $0x1  }
0x17: {  	s4 =	simm.s32 $0x1BF5;
	[smem:$0x3FAE] =	sst s0  }
0x18: {  	s0 =	sld [smem:$0x3F91];
	_ =	swait.ge [sflag:s4], $0x0  }
0x19: {  	s7 =	sld [smem:$0x3F92]  }
0x1a: {  	s8 =	sadd.s32 $0xFFFFE003, lr  }
0x1b: {  	s9 =	sadd.s32 $0xFFFFFEF7, lr;
	s5 =	simm.s32 $0xFFFFFFFF;
	p2 =	slt.u32 s8, $0xFFFFF086  }
0x1c: {  	p1 =	slt.u32 s9, $0xF7A;
	s5 =	simm.s32 @!p2 $0x0  }
0x1d: {  	s5 =	simm.s32 @p1 $0x1;
	p0 =	seq.s32 s7, s2  }
0x1e: {  	s7 =	smul.u32 @!p0 $0xF7A, s2;
	p2 =	seq.s32 @!p0 s5, $0x0  }
0x1f: {  	s9 =	smul.u32 $0xF7A, s1;
	s8 =	simm.s32 @!p0 $0x1BF5;
	p2 =	por !p2, p0  }
0x20: {  	[sflag:s8] =	ssyncset.s32 @!p0 $0xFFFFF086;
	s6 =	sadd.s32 @!p0 s3, s7;
	s7 =	simm.s32 @!p0 $0x108  }
0x21: {  	s3 =	sadd.s32 s3, s9;
	s6 =	sadd.s32 @!p0 $0x88, s6;
	s7 =	simm.s32 @p2 $0x1082  }
0x22: {  	[simem:s7], [sflag:s8] =	dma.local @!p0 [hbm:s6], $0xF7A  }
0x23: {  	s9 =	sor.u32 $0xD0000000, s2;
	s6 =	simm.s32 $0x108;
	_ =	swait.ge @!p0 [sflag:s8], $0x0  }
0x24: {  	s3 =	sadd.s32 $0x88, s3;
	s6 =	simm.s32 @!p1 $0x1082;
	[sflag:s4] =	ssyncset.s32 $0xFFFFF086  }
0x25: {  	[simem:s6], [sflag:s4] =	dma.local [hbm:s3], $0xF7A  }
0x26: {  	[smem:$0x3F92] =	sst s1;
	(tag) =	ssettag s2;
	_ =	strace s9  }
0x27: {  	s1 =	sld [smem:$0x3FA2]  }
0x28: {  	s2 =	sld [smem:$0x3FA3]  }
0x29: {  	s4 =	sld [smem:$0x3FA5]  }
0x2a: {  	p0 =	seq.s32 s5, $0x0;
	s5 =	sld [smem:$0x3FA6]  }
0x2b: {  	s6 =	sld [smem:$0x3FA7]  }
0x2c: {  	s7 =	sld [smem:$0x3FA8]  }
0x2d: {  	s3 =	simm.s32 $0x108;
	s8 =	sld [smem:$0x3FA9]  }
0x2e: {  	s3 =	simm.s32 @!p0 $0x1082;
	s9 =	sld [smem:$0x3FAA]  }
0x2f: {  	lr =	sadd.s32 s0, s3;
	s0 =	sld [smem:$0x3FA1]  }
0x30: {  	s3 =	sld [smem:$0x3FA4]  }
0x31: {  	[smem:$0x3FAD] =	sst s10  }
0x32: {  	s10 =	sld [smem:$0x3FAB];
	_ =	sdelay $0x3  }
0x33: {  	p0 =	seq.s32 s10, $0x1;
	s10 =	sld [smem:$0x3FAD];
	_ =	sdelay $0x3  }
0x34: {  	[smem:$0x3FAD] =	sst s10  }
0x35: {  	s10 =	sld [smem:$0x3FAC];
	_ =	sdelay $0x3  }
0x36: {  	p1 =	seq.s32 s10, $0x1;
	s10 =	sld [smem:$0x3FAD];
	_ =	sdelay $0x3  }
0x37: {  	[smem:$0x3FAD] =	sst s10  }
0x38: {  	s10 =	sld [smem:$0x3FAE]  }
0x39: {  	_ = 	snop;
	(pc) =	sbr.ind lr, $3  }
0x3a: {  	_ = 	snop  }
0x3b: {  	_ = 	snop  }
0x3c: {  	p2 =	seq.s32 s10, $0x1;
	s10 =	sld [smem:$0x3FAD]  }
0x3d: {  	_ =	shalt  }
0x3e: {  	_ =	shalt  }
0x3f: {  	_ =	shalt  }
0x40: {  	_ =	shalt  }
0x41: {  	_ =	shalt  }
0x42: {  	_ =	shalt  }
0x43: {  	_ =	shalt  }
0x44: {  	_ =	shalt  }
0x45: {  	_ =	shalt  }
0x46: {  	_ =	shalt  }
0x47: {  	_ =	shalt  }
0x48: {  	_ =	shalt  }
0x49: {  	_ =	shalt  }
0x4a: {  	_ =	shalt  }
0x4b: {  	_ =	shalt  }
0x4c: {  	_ =	shalt  }
0x4d: {  	_ =	shalt  }
0x4e: {  	_ =	shalt  }
0x4f: {  	_ =	shalt  }
0x50: {  	_ =	shalt  }
0x51: {  	_ =	shalt  }
0x52: {  	_ =	shalt  }
0x53: {  	_ =	shalt  }
0x54: {  	_ =	shalt  }
0x55: {  	_ =	shalt  }
0x56: {  	_ =	shalt  }
0x57: {  	_ =	shalt  }
0x58: {  	_ =	shalt  }
0x59: {  	_ =	shalt  }
0x5a: {  	_ =	shalt  }
0x5b: {  	_ =	shalt  }
0x5c: {  	_ =	shalt  }
0x5d: {  	_ =	shalt  }
0x5e: {  	_ =	shalt  }
0x5f: {  	_ =	shalt  }
0x60: {  	_ =	shalt  }
0x61: {  	_ =	shalt  }
0x62: {  	_ =	shalt  }
0x63: {  	_ =	shalt  }
0x64: {  	_ =	shalt  }
0x65: {  	_ =	shalt  }
0x66: {  	_ =	shalt  }
0x67: {  	_ =	shalt  }
0x68: {  	_ =	shalt  }
0x69: {  	_ =	shalt  }
0x6a: {  	_ =	shalt  }
0x6b: {  	_ =	shalt  }
0x6c: {  	_ =	shalt  }
0x6d: {  	_ =	shalt  }
0x6e: {  	_ =	shalt  }
0x6f: {  	_ =	shalt  }
0x70: {  	_ =	shalt  }
0x71: {  	_ =	shalt  }
0x72: {  	_ =	shalt  }
0x73: {  	_ =	shalt  }
0x74: {  	_ =	shalt  }
0x75: {  	_ =	shalt  }
0x76: {  	_ =	shalt  }
0x77: {  	_ =	shalt  }
0x78: {  	_ =	shalt  }
0x79: {  	_ =	shalt  }
0x7a: {  	_ =	shalt  }
0x7b: {  	_ =	shalt  }
0x7c: {  	_ =	shalt  }
0x7d: {  	_ =	shalt  }
0x7e: {  	_ =	shalt  }
0x7f: {  	_ =	shalt  }
0x80: {  	_ =	shalt  }
0x81: {  	_ =	shalt  }
0x82: {  	_ =	shalt  }
0x83: {  	_ =	shalt  }
0x84: {  	_ =	shalt  }
0x85: {  	_ =	shalt  }
0x86: {  	_ =	shalt  }
0x87: {  	_ =	shalt  }
.Lfunc_end0:
.L_simem_size_0:
called_computation_lowered:
.L_overlay_start_0:
0x88: {  	s2 =	sld [smem:$0x3FD9]  }
0x89: {  	s3 =	sld [smem:$0x3FFE];
	_ =	sdelay $0x1  }
0x8a: {  	s1 =	srdreg.scid  }
0x8b: {  	s0 =	sand.u32 $0x1, s1  }
0x8c: {  	s17 =	sshll.u32 s0, $0xA;
	s2 =	sadd.s32 s3, s2  }
0x8d: {  	s2 =	sadd.s32 s2, s17  }
0x8e: {  	[smem:$0x3FB9] =	sst s2  }
0x8f: {  	_ = 	snop  }
0x90: {  	(tm) =	ssettm $0x1  }
0x91: {  	s18 =	sld [smem:$0x3FFB];
	_ =	sdelay $0x3  }
0x92: {  	_ =	strace s18  }
0x93: {  	s2 =	sld [smem:$0x3FFC];
	_ =	sdelay $0x3  }
0x94: {  	_ =	strace s2  }
0x95: {  	s2 =	sld [smem:$0x3FFD];
	_ =	sdelay $0x3  }
0x96: {  	_ =	strace s2  }
0x97: {  	_ =	strace $0x8FFFFFFF  }
0x98: {  	s19 =	sld [smem:$0x3FDB];
	_ =	sdelay $0x1  }
0x99: {  	s20 =	simm.s32 $_scs_section_size  }
0x9a: {  	s4 =	simm.s32 $_size__tile_overlayer_lowered;
	s5 =	simm.s32 $_tile_overlayer_lowered  }
0x9b: {  	s6 =	simm.s32 $0x1BFF;
	s21 =	sshll.u32 s5, $0x1;
	s3 =	sadd.s32 s20, s19  }
0x9c: {  	s22 =	simm.s32 $0x0;
	s4 =	sshll.u32 s4, $0x1;
	s5 =	sadd.s32 s21, s3  }
0x9d: {  	[timem:s22], [sflag:s6] =	dma.local [hbm:s5], s4  }
0x9e: {  	_ =	swait.ge [sflag:s6], s4  }
0x9f: {  	s4 =	ssub.s32 $0x0, s4;
	[sflag:s6] =	ssyncset.done $0x0  }
0xa0: {  	[sflag:s6] =	ssyncadd.s32 s4;
	_ =	sdelay $0x1  }
0xa1: {  	s23 =	simm.s32 $0x1B8B  }
0xa2: {  	_ =	swait.ge [sflag:s23], $0x1  }
0xa3: {  	[sflag:s23] =	ssyncset.done $0x0  }
0xa4: {  	[sflag:s23] =	ssyncadd.s32 $0xFFFFFFFF  }
0xa5: {  	s4 =	sld [smem:$0x0]  }
0xa6: {  	s5 =	sand.u32 $0xFFFFFFFE, s1  }
0xa7: {  	p0 =	sne.s32 s1, s5  }
0xa8: {  	s5 =	sshll.u32 @p0 s5, $0xE  }
0xa9: {  	s5 =	sadd.s32 @p0 $0x11B8D, s5;
	s6 =	sshll.u32 @p0 s4, $0x11  }
0xaa: {  	s5 =	sor.u32 @p0 s6, s5  }
0xab: {  	[sflag:s5] =	ssyncadd.remote.s32 @p0 $0x1;
	_ =	sdelay $0x1  }
0xac: {  	s5 =	simm.s32 @p0 $0x1B8D  }
0xad: {  	_ =	swait.eq @p0 [sflag:s5], $0x1  }
0xae: {  	[sflag:s5] =	ssyncadd.s32 @p0 $0xFFFFFFFF  }
0xaf: {  	s6 =	sshll.u32 @!p0 s1, $0xE  }
0xb0: {  	s6 =	sor.u32 @!p0 $0x4000, s6;
	s5 =	simm.s32 @!p0 $0x1B8D  }
0xb1: {  	s4 =	sshll.u32 @!p0 s4, $0x11;
	s6 =	sadd.s32 @!p0 $0x11B8D, s6;
	_ =	swait.eq @!p0 [sflag:s5], $0x1  }
0xb2: {  	s4 =	sor.u32 @!p0 s4, s6;
	[sflag:s5] =	ssyncadd.s32 @!p0 $0xFFFFFFFF  }
0xb3: {  	s25 =	simm.s32 $0x1B8E;
	s24 =	sld [smem:$0x3FFE];
	[sflag:s4] =	ssyncadd.remote.s32 @!p0 $0x1  }
0xb4: {  	s26 =	simm.s32 $execute0_lowered;
	[smem:$0x3FD2] =	sst s25  }
0xb5: {  	s5 =	sshll.u32 s26, $0x1;
	_ =	strace $0x80000049;
	[dreg:$0x1] =	wrdreg $0xFFFFFFFF  }
0xb6: {  	s28 =	simm.s32 $_size_execute0_lowered;
	s3 =	sadd.s32 s3, s5;
	[dreg:$0x0] =	wrdreg $0x0  }
0xb7: {  	s5 =	sshll.u32 s28, $0x1;
	[dreg:$0x2] =	wrdreg s3  }
0xb8: {  	[dreg:$0x3] =	wrdreg s5  }
0xb9: {  	[dreg:$0x4] =	wrdreg $0xC0  }
0xba: {  	_ =	task [dreg:s22], $0x5FFFF  }
0xbb: {  	[dreg:$0x1] =	wrdreg $0xFFFFFFFF  }
0xbc: {  	[dreg:$0x0] =	wrdreg $0x60  }
0xbd: {  	[dreg:$0x2] =	wrdreg s24  }
0xbe: {  	[dreg:$0x3] =	wrdreg $0x68000  }
0xbf: {  	[dreg:$0x4] =	wrdreg $0x9  }
0xc0: {  	_ =	task.clear_ibuf [dreg:s22], $0x5FFFF;
	_ =	strace $0x90000049  }
0xc1: {  	s29 =	simm.s32 $0x9;
	_ =	strace $0x8000004B  }
0xc2: {  	_ =	swait.ge [sflag:s29], $0x1  }
0xc3: {  	[sflag:s29] =	ssyncadd.s32 $0xFFFFFFFF  }
0xc4: {  	_ =	strace $0x9000004B  }
0xc5: {  	_ =	sfence  }
0xc6: {  	s30 =	sld [smem:$0x0];
	_ =	sdelay $0x2  }
0xc7: {  	s31 =	sshll.u32 s1, $0xD;
	s1 =	sshrl.u32 s1, $0x2  }
0xc8: {  	s4 =	sand.u32 $0x4000, s31;
	s1 =	sadd.s32 s1, s30  }
0xc9: {  	s0 =	sor.u32 s4, s0;
	s1 =	sshll.u32 s1, $0x11  }
0xca: {  	s0 =	sor.u32 s1, s0  }
0xcb: {  	s0 =	sadd.s32 $0x8F2B, s0  }
0xcc: {  	[sflag:s0] =	ssyncadd.remote.s32 $0x1  }
0xcd: {  	_ =	sfence.sel $0xFFFF  }
0xce: {  	[dreg:$0x0] =	wrdreg $0xFFFFFFFF;
	(pc) =	sbr.abs _section_cstart, $3  }
0xcf: {  	[dreg:$0x1] =	wrdreg $0xFFFFFFFF  }
0xd0: {  	_ =	task.clear_ibuf [dreg:s22], $0x2FFFF;
	_ =	strace $0x9FFFFFFF  }
0xd1: {  	(tm) =	ssettm $0x7FFFFFFF  }
tec
execute0_lowered:
.L_overlay_start_1:
0x0: {  	(tag) =	ssettag $0x1  }
0x1: {  	s7 =	rddreg [dreg:$0x0]  }
0x2: {  	s2 =	rddreg [dreg:$0x1]  }
0x3: {  	s0 =	rddreg [dreg:$0x2]  }
0x4: {  	s3 =	simm.s32 $0x0;
	s1 =	stileid.u32;
	s6 =	srdreg.scid  }
0x5: {  	s14 =	simm.s32 $0x4000;
	s15 =	simm.s32 $0x50;
	s16 =	simm.s32 $0x0  }
0x6: {  	[smem:$0x7FF] =	sst s3;
	s4 =	sshll.u32 s1, $0xB;
	s5 =	sadd.s32 $0x63E00, s7  }
0x7: {  	s10 =	sand.u32 $0x1, s6;
	s8 =	smul.u32 $0x50000, s1;
	s6 =	sadd.s32 $0xB6C00, s7  }
0x8: {  	s13 =	sshll.u32 s1, $0x6;
	_ =	strace $0x8000004A;
	s9 =	sadd.s32 s4, s7  }
.Ltmp0:
0x9: {  	s4 =	sadd.s32 $0xB6600, s7;
	s7 =	sadd.s32 $0xDEC00, s7;
	(pc) =	sbr.rel .LBB2_1-.Ltmp0, $4  }
0xa: {  	s11 =	ssub.s32 $0x2, s10;
	p0 =	seq.s32 s10, $0x1;
	s10 =	smul.u32 $0x2800, s1  }
0xb: {  	s12 =	sshrl.u32 s11, $0x1;
	s8 =	sshrl.u32 s8, $0x2;
	s9 =	sadd.s32 $0x5A00, s9  }
0xc: {  	s11 =	ssub.s32 s11, s12;
	s31 =	sadd.s32 s8, s2;
	s8 =	sor.u32 $0x1C01, s13  }
0xd: {  	s13 =	simm.s32 $0x1;
	s11 =	smax.u32 s11, $0x1;
	s12 =	sshrl.u32 s31, $0x3  }
.LBB2_7:
0xe: {  	[sflag:s13] =	ssyncset.done $0x0  }
0xf: {  	s17 =	smov.u32 s7;
	[sflag:s13] =	ssyncadd.s32 $0xFFFFD800  }
.LBB2_8:
0x10: {  	s16 =	sadd.s32 $0x1, s16  }
0x11: {  	p1 =	sne.s32 s16, s11  }
.Ltmp1:
0x12: {  	s17 =	sadd.s32 s17, s10;
	[bflag:$0x0] =	sbarrier.arrive $0xFFFF;
	(pc) =	sbr.rel @!p1 .LBB2_9-.Ltmp1, $4  }
0x13: {  	[hbm:s17], [sflag:s8] =	dma.local [spmem:s12], $0x2800  }
0x14: {  	_ =	swait.ge [sflag:s13], $0x2800  }
0x15: {  	[sflag:s13] =	ssyncset.done $0x0  }
0x16: {  	[sflag:s13] =	ssyncadd.s32 $0xFFFFD800  }
.LBB2_1:
0x17: {  	[spmem:s12], [sflag:s8] =	dma.local [hbm:s5], $0x2800  }
0x18: {  	_ =	swait.ge [sflag:s13], $0x2800  }
0x19: {  	[sflag:s13] =	ssyncset.done $0x0  }
0x1a: {  	[sflag:s13] =	ssyncadd.s32 $0xFFFFD800  }
0x1b: {  	[tilespmem:s3], [sflag:$0x1] =	stream.linear.gather [hbm4b:s9+s3], $0x3E80, $0x38;
	[tilespmem:$0x1A800] =	vst v63  }
0x1c: {  	_ =	swait.ge [sflag:s13], $0x3E80  }
0x1d: {  	[sflag:s13] =	ssyncset.done $0x0  }
0x1e: {  	[sflag:s13] =	ssyncadd.s32 $0xFFFFC180  }
0x1f: {  	[tilespmem:s14], [sflag:$0x1] =	stream.linear.gather [hbm4b:s4+s3], $0x2800, $0x38;
	[tilespmem:$0x1A800] =	vst v63  }
.Ltmp2:
0x20: {  	_ =	swait.ge [sflag:s13], $0x2800;
	(pc) =	sbr.rel @!p0 .LBB2_2-.Ltmp2, $4  }
0x21: {  	[sflag:s13] =	ssyncset.done $0x0  }
0x22: {  	[sflag:s13] =	ssyncadd.s32 $0xFFFFD800  }
0x23: {  	[bflag:$0x0] =	sbarrier.arrive $0xFFFF  }
0x24: {  	s17 =	sshra.s32 s3, $0x2  }
0x25: {  	s17 =	sadd.s32 $0x1F00, s17  }
0x26: {  	[spmem:s2] =	stream.indirect.scatter.add.f32 [tilespmem:s14], [sflag:$0x1], $0x80, s17, s15, $0xb8;
	[tilespmem:$0x1A800] =	vst v63  }
0x27: {  	s17 =	sadd.s32 $0x200, s3;
	_ =	swait.ge [sflag:s13], $0x2800  }
.LBB2_6:
0x28: {  	s18 =	sshra.s32 s17, $0x2;
	[sflag:s13] =	ssyncset.done $0x0;
	p1 =	sne.s32 s17, $0x7C00  }
.Ltmp3:
0x29: {  	s18 =	sadd.s32 $0x1F00, s18;
	[sflag:s13] =	ssyncadd.s32 $0xFFFFD800;
	(pc) =	sbr.rel @p1 .LBB2_6-.Ltmp3, $3  }
0x2a: {  	[spmem:s2] =	stream.indirect.scatter.add.f32 [tilespmem:s14], [sflag:$0x1], $0x80, s18, s15, $0xb8;
	[tilespmem:$0x1A800] =	vst v63  }
0x2b: {  	s17 =	sadd.s32 $0x200, s17;
	_ =	sdelay $0x1  }
0x2c: {  	_ =	swait.ge [sflag:s13], $0x2800  }
.Ltmp4:
0x2d: {  	_ = 	snop;
	(pc) =	sbr.rel .LBB2_7-.Ltmp4, $1  }
0x2e: {  	_ =	sdelay $0x3  }
.LBB2_2:
0x2f: {  	[spmem:s2] =	stream.indirect.scatter.add.f32 [tilespmem:s14], [sflag:$0x1], $0x80, s17, s15, $0xb8;
	[tilespmem:$0x1A800] =	vst v63  }
0x30: {  	_ =	swait.ge [sflag:s13], $0x2800  }
0x31: {  	s17 =	sadd.s32 $0x200, s3;
	[sflag:s13] =	ssyncset.done $0x0  }
.LBB2_3:
0x32: {  	s18 =	sshra.s32 s17, $0x2;
	[sflag:s13] =	ssyncadd.s32 $0xFFFFD800;
	p1 =	seq.s32 s17, $0x7A00  }
0x33: {  	[spmem:s2] =	stream.indirect.scatter.add.f32 [tilespmem:s14], [sflag:$0x1], $0x80, s18, s15, $0xb8;
	[tilespmem:$0x1A800] =	vst v63  }
.Ltmp5:
0x34: {  	_ = 	snop;
	(pc) =	sbr.rel @!p1 .LBB2_3-.Ltmp5, $4  }
0x35: {  	_ = 	snop  }
0x36: {  	s17 =	sadd.s32 $0x200, s17  }
0x37: {  	_ =	swait.ge [sflag:s13], $0x2800  }
0x38: {  	[sflag:s13] =	ssyncset.done $0x0  }
.Ltmp6:
0x39: {  	(pc) =	sbr.rel .LBB2_8-.Ltmp6, $2  }
0x3a: {  	_ =	sdelay $0x2  }
0x3b: {  	[sflag:s13] =	ssyncadd.s32 $0xFFFFD800;
	s17 =	smov.u32 s6  }
.LBB2_9:
0x3c: {  	_ =	sfence.sel $0x180000  }
0x3d: {  	[bflag:$0x0] =	sbarrier.arrive $0xFFFF  }
0x3e: {  	p0 =	sne.s32 s1, $0x0;
	_ =	strace $0x9000004A  }
0x3f: {  	s0 =	sadd.s32 @!p0 $0x100000, s0;
	[bflag:$0x2] =	sbarrier.arrive $0xFFFF  }
0x40: {  	[sflag:s0] =	ssyncadd.tile.s32 @!p0 $0x1;
	_ =	shalt  }
.Lfunc_end2:
_tile_overlayer_lowered:
.L_overlay_start_2:
0x41: {  	(tag) =	ssettag $0x2  }
0x42: {  	s0 =	rddreg [dreg:$0x0];
	s2 =	stileid.u32  }
0x43: {  	s1 =	rddreg [dreg:$0x1];
	p0 =	sne.s32 s2, $0x0  }
0x44: {  	s3 =	rddreg [dreg:$0x2];
	[bflag:$0x3] =	sbarrier.arrive $0xFFFF;
	s2 =	simm.s32 @!p0 $0x1C01  }
0x45: {  	[timem:s3], [sflag:s2] =	dma.local @!p0 [hbm:s0], s1  }
0x46: {  	s0 =	simm.s32 @!p0 $0x1  }
0x47: {  	_ =	swait.ge @!p0 [sflag:s0], s1  }
0x48: {  	s1 =	ssub.s32 @!p0 $0x0, s1;
	[sflag:s0] =	ssyncset.done @!p0 $0x0  }
0x49: {  	[sflag:s0] =	ssyncadd.s32 @!p0 s1  }
0x4a: {  	[bflag:$0x3] =	sbarrier.arrive $0xFFFF  }
0x4b: {  	_ =	shalt  }

// kernel: kernel.13.cloned.1.call-start
scs
__scs_entry_jumppad:
0x0: {  	(pc) =	sbr.rel $0x88, $3  }
0x1: {  	(tag) =	ssettag $0x0;
	lr =	simm.s32 $0x1  }
0x2: {  	[smem:$0x3F92] =	sst lr;
	_ =	strace $0xD0000000  }
0x3: {  	_ = 	snop  }
0x4: {  	_ = 	snop  }
0x5: {  	_ = 	snop  }
0x6: {  	_ = 	snop  }
0x7: {  	_ = 	snop  }
__scs_overlays_trampoline_lowered:
0x8: {  	[smem:$0x3FA1] =	sst s0  }
0x9: {  	[smem:$0x3FA2] =	sst s1  }
0xa: {  	[smem:$0x3FA3] =	sst s2  }
0xb: {  	[smem:$0x3FA4] =	sst s3  }
0xc: {  	[smem:$0x3FA5] =	sst s4  }
0xd: {  	[smem:$0x3FA6] =	sst s5  }
0xe: {  	[smem:$0x3FA7] =	sst s6  }
0xf: {  	[smem:$0x3FA8] =	sst s7  }
0x10: {  	[smem:$0x3FA9] =	sst s8  }
0x11: {  	[smem:$0x3FAA] =	sst s9;
	s0 =	simm.s32 @!p0 $0x0  }
0x12: {  	s1 =	sld [smem:$0x3F90];
	s0 =	simm.s32 @p0 $0x1  }
0x13: {  	[smem:$0x3FAB] =	sst s0;
	s0 =	simm.s32 @!p1 $0x0  }
0x14: {  	s2 =	sld [smem:$0x3F8F];
	s0 =	simm.s32 @p1 $0x1  }
0x15: {  	[smem:$0x3FAC] =	sst s0;
	s0 =	simm.s32 @!p2 $0x0  }
0x16: {  	s3 =	sld [smem:$0x3FDB];
	s0 =	simm.s32 @p2 $0x1  }
0x17: {  	s4 =	simm.s32 $0x1BF5;
	[smem:$0x3FAE] =	sst s0  }
0x18: {  	s0 =	sld [smem:$0x3F91];
	_ =	swait.ge [sflag:s4], $0x0  }
0x19: {  	s7 =	sld [smem:$0x3F92]  }
0x1a: {  	s8 =	sadd.s32 $0xFFFFE003, lr  }
0x1b: {  	s9 =	sadd.s32 $0xFFFFFEF7, lr;
	s5 =	simm.s32 $0xFFFFFFFF;
	p2 =	slt.u32 s8, $0xFFFFF086  }
0x1c: {  	p1 =	slt.u32 s9, $0xF7A;
	s5 =	simm.s32 @!p2 $0x0  }
0x1d: {  	s5 =	simm.s32 @p1 $0x1;
	p0 =	seq.s32 s7, s2  }
0x1e: {  	s7 =	smul.u32 @!p0 $0xF7A, s2;
	p2 =	seq.s32 @!p0 s5, $0x0  }
0x1f: {  	s9 =	smul.u32 $0xF7A, s1;
	s8 =	simm.s32 @!p0 $0x1BF5;
	p2 =	por !p2, p0  }
0x20: {  	[sflag:s8] =	ssyncset.s32 @!p0 $0xFFFFF086;
	s6 =	sadd.s32 @!p0 s3, s7;
	s7 =	simm.s32 @!p0 $0x108  }
0x21: {  	s3 =	sadd.s32 s3, s9;
	s6 =	sadd.s32 @!p0 $0x88, s6;
	s7 =	simm.s32 @p2 $0x1082  }
0x22: {  	[simem:s7], [sflag:s8] =	dma.local @!p0 [hbm:s6], $0xF7A  }
0x23: {  	s9 =	sor.u32 $0xD0000000, s2;
	s6 =	simm.s32 $0x108;
	_ =	swait.ge @!p0 [sflag:s8], $0x0  }
0x24: {  	s3 =	sadd.s32 $0x88, s3;
	s6 =	simm.s32 @!p1 $0x1082;
	[sflag:s4] =	ssyncset.s32 $0xFFFFF086  }
0x25: {  	[simem:s6], [sflag:s4] =	dma.local [hbm:s3], $0xF7A  }
0x26: {  	[smem:$0x3F92] =	sst s1;
	(tag) =	ssettag s2;
	_ =	strace s9  }
0x27: {  	s1 =	sld [smem:$0x3FA2]  }
0x28: {  	s2 =	sld [smem:$0x3FA3]  }
0x29: {  	s4 =	sld [smem:$0x3FA5]  }
0x2a: {  	p0 =	seq.s32 s5, $0x0;
	s5 =	sld [smem:$0x3FA6]  }
0x2b: {  	s6 =	sld [smem:$0x3FA7]  }
0x2c: {  	s7 =	sld [smem:$0x3FA8]  }
0x2d: {  	s3 =	simm.s32 $0x108;
	s8 =	sld [smem:$0x3FA9]  }
0x2e: {  	s3 =	simm.s32 @!p0 $0x1082;
	s9 =	sld [smem:$0x3FAA]  }
0x2f: {  	lr =	sadd.s32 s0, s3;
	s0 =	sld [smem:$0x3FA1]  }
0x30: {  	s3 =	sld [smem:$0x3FA4]  }
0x31: {  	[smem:$0x3FAD] =	sst s10  }
0x32: {  	s10 =	sld [smem:$0x3FAB];
	_ =	sdelay $0x3  }
0x33: {  	p0 =	seq.s32 s10, $0x1;
	s10 =	sld [smem:$0x3FAD];
	_ =	sdelay $0x3  }
0x34: {  	[smem:$0x3FAD] =	sst s10  }
0x35: {  	s10 =	sld [smem:$0x3FAC];
	_ =	sdelay $0x3  }
0x36: {  	p1 =	seq.s32 s10, $0x1;
	s10 =	sld [smem:$0x3FAD];
	_ =	sdelay $0x3  }
0x37: {  	[smem:$0x3FAD] =	sst s10  }
0x38: {  	s10 =	sld [smem:$0x3FAE]  }
0x39: {  	_ = 	snop;
	(pc) =	sbr.ind lr, $3  }
0x3a: {  	_ = 	snop  }
0x3b: {  	_ = 	snop  }
0x3c: {  	p2 =	seq.s32 s10, $0x1;
	s10 =	sld [smem:$0x3FAD]  }
0x3d: {  	_ =	shalt  }
0x3e: {  	_ =	shalt  }
0x3f: {  	_ =	shalt  }
0x40: {  	_ =	shalt  }
0x41: {  	_ =	shalt  }
0x42: {  	_ =	shalt  }
0x43: {  	_ =	shalt  }
0x44: {  	_ =	shalt  }
0x45: {  	_ =	shalt  }
0x46: {  	_ =	shalt  }
0x47: {  	_ =	shalt  }
0x48: {  	_ =	shalt  }
0x49: {  	_ =	shalt  }
0x4a: {  	_ =	shalt  }
0x4b: {  	_ =	shalt  }
0x4c: {  	_ =	shalt  }
0x4d: {  	_ =	shalt  }
0x4e: {  	_ =	shalt  }
0x4f: {  	_ =	shalt  }
0x50: {  	_ =	shalt  }
0x51: {  	_ =	shalt  }
0x52: {  	_ =	shalt  }
0x53: {  	_ =	shalt  }
0x54: {  	_ =	shalt  }
0x55: {  	_ =	shalt  }
0x56: {  	_ =	shalt  }
0x57: {  	_ =	shalt  }
0x58: {  	_ =	shalt  }
0x59: {  	_ =	shalt  }
0x5a: {  	_ =	shalt  }
0x5b: {  	_ =	shalt  }
0x5c: {  	_ =	shalt  }
0x5d: {  	_ =	shalt  }
0x5e: {  	_ =	shalt  }
0x5f: {  	_ =	shalt  }
0x60: {  	_ =	shalt  }
0x61: {  	_ =	shalt  }
0x62: {  	_ =	shalt  }
0x63: {  	_ =	shalt  }
0x64: {  	_ =	shalt  }
0x65: {  	_ =	shalt  }
0x66: {  	_ =	shalt  }
0x67: {  	_ =	shalt  }
0x68: {  	_ =	shalt  }
0x69: {  	_ =	shalt  }
0x6a: {  	_ =	shalt  }
0x6b: {  	_ =	shalt  }
0x6c: {  	_ =	shalt  }
0x6d: {  	_ =	shalt  }
0x6e: {  	_ =	shalt  }
0x6f: {  	_ =	shalt  }
0x70: {  	_ =	shalt  }
0x71: {  	_ =	shalt  }
0x72: {  	_ =	shalt  }
0x73: {  	_ =	shalt  }
0x74: {  	_ =	shalt  }
0x75: {  	_ =	shalt  }
0x76: {  	_ =	shalt  }
0x77: {  	_ =	shalt  }
0x78: {  	_ =	shalt  }
0x79: {  	_ =	shalt  }
0x7a: {  	_ =	shalt  }
0x7b: {  	_ =	shalt  }
0x7c: {  	_ =	shalt  }
0x7d: {  	_ =	shalt  }
0x7e: {  	_ =	shalt  }
0x7f: {  	_ =	shalt  }
0x80: {  	_ =	shalt  }
0x81: {  	_ =	shalt  }
0x82: {  	_ =	shalt  }
0x83: {  	_ =	shalt  }
0x84: {  	_ =	shalt  }
0x85: {  	_ =	shalt  }
0x86: {  	_ =	shalt  }
0x87: {  	_ =	shalt  }
.Lfunc_end0:
.L_simem_size_0:
called_computation.1_lowered:
.L_overlay_start_0:
0x88: {  	s2 =	sld [smem:$0x3FD9]  }
0x89: {  	s3 =	sld [smem:$0x3FFE];
	_ =	sdelay $0x1  }
0x8a: {  	s1 =	srdreg.scid  }
0x8b: {  	s0 =	sand.u32 $0x1, s1  }
0x8c: {  	s16 =	sshll.u32 s0, $0xA;
	s2 =	sadd.s32 s3, s2  }
0x8d: {  	s2 =	sadd.s32 s2, s16  }
0x8e: {  	[smem:$0x3FB9] =	sst s2  }
0x8f: {  	_ = 	snop  }
0x90: {  	(tm) =	ssettm $0x1  }
0x91: {  	s17 =	sld [smem:$0x3FFB];
	_ =	sdelay $0x3  }
0x92: {  	_ =	strace s17  }
0x93: {  	s2 =	sld [smem:$0x3FFC];
	_ =	sdelay $0x3  }
0x94: {  	_ =	strace s2  }
0x95: {  	s2 =	sld [smem:$0x3FFD];
	_ =	sdelay $0x3  }
0x96: {  	_ =	strace s2  }
0x97: {  	_ =	strace $0x8FFFFFFF  }
0x98: {  	s18 =	sld [smem:$0x3FDB];
	_ =	sdelay $0x1  }
0x99: {  	s19 =	simm.s32 $_scs_section_size  }
0x9a: {  	s4 =	simm.s32 $_size__tile_overlayer_lowered;
	s5 =	simm.s32 $_tile_overlayer_lowered  }
0x9b: {  	s22 =	simm.s32 $0x1BFF;
	s21 =	sshll.u32 s5, $0x1;
	s2 =	sadd.s32 s19, s18  }
0x9c: {  	s6 =	simm.s32 $0x0;
	s20 =	sshll.u32 s4, $0x1;
	s4 =	sadd.s32 s21, s2  }
0x9d: {  	[timem:s6], [sflag:s22] =	dma.local [hbm:s4], s20  }
0x9e: {  	_ =	swait.ge [sflag:s22], s20  }
0x9f: {  	s3 =	ssub.s32 $0x0, s20;
	[sflag:s22] =	ssyncset.done $0x0  }
0xa0: {  	[sflag:s22] =	ssyncadd.s32 s3;
	_ =	sdelay $0x1  }
0xa1: {  	s23 =	simm.s32 $0x1B8B  }
0xa2: {  	_ =	swait.ge [sflag:s23], $0x1  }
0xa3: {  	[sflag:s23] =	ssyncset.done $0x0  }
0xa4: {  	s25 =	simm.s32 $0x1B8E;
	s24 =	sld [smem:$0x3FFE];
	[sflag:s23] =	ssyncadd.s32 $0xFFFFFFFF  }
0xa5: {  	s26 =	simm.s32 $execute0_lowered;
	[smem:$0x3FD2] =	sst s25  }
0xa6: {  	s4 =	sshll.u32 s26, $0x1;
	_ =	strace $0x80000046;
	[dreg:$0x1] =	wrdreg $0xFFFFFFFF  }
0xa7: {  	s28 =	simm.s32 $_size_execute0_lowered;
	s2 =	sadd.s32 s2, s4;
	[dreg:$0x0] =	wrdreg $0x0  }
0xa8: {  	s4 =	sshll.u32 s28, $0x1;
	[dreg:$0x2] =	wrdreg s2  }
0xa9: {  	[dreg:$0x3] =	wrdreg s4  }
0xaa: {  	[dreg:$0x4] =	wrdreg $0xC0  }
0xab: {  	_ =	task [dreg:s6], $0x5FFFF  }
0xac: {  	[dreg:$0x1] =	wrdreg $0xFFFFFFFF  }
0xad: {  	[dreg:$0x0] =	wrdreg $0x60  }
0xae: {  	[dreg:$0x2] =	wrdreg s24  }
0xaf: {  	[dreg:$0x3] =	wrdreg $0x91000  }
0xb0: {  	[dreg:$0x4] =	wrdreg $0xA  }
0xb1: {  	_ =	task.clear_ibuf [dreg:s6], $0x5FFFF;
	_ =	strace $0x90000046  }
0xb2: {  	s29 =	simm.s32 $0xA;
	_ =	strace $0x80000048  }
0xb3: {  	_ =	swait.ge [sflag:s29], $0x1  }
0xb4: {  	[sflag:s29] =	ssyncadd.s32 $0xFFFFFFFF  }
0xb5: {  	_ =	strace $0x90000048  }
0xb6: {  	_ =	sfence  }
0xb7: {  	s30 =	sld [smem:$0x0];
	_ =	sdelay $0x2  }
0xb8: {  	s31 =	sshll.u32 s1, $0xD;
	s1 =	sshrl.u32 s1, $0x2  }
0xb9: {  	s3 =	sand.u32 $0x4000, s31;
	s1 =	sadd.s32 s1, s30  }
0xba: {  	s0 =	sor.u32 s3, s0;
	s1 =	sshll.u32 s1, $0x11  }
0xbb: {  	s0 =	sor.u32 s1, s0  }
0xbc: {  	s0 =	sadd.s32 $0x8F2B, s0  }
0xbd: {  	[sflag:s0] =	ssyncadd.remote.s32 $0x1  }
0xbe: {  	_ =	sfence.sel $0xFFFF  }
0xbf: {  	[dreg:$0x0] =	wrdreg $0xFFFFFFFF;
	(pc) =	sbr.abs _section_cstart, $3  }
0xc0: {  	[dreg:$0x1] =	wrdreg $0xFFFFFFFF  }
0xc1: {  	_ =	task.clear_ibuf [dreg:s6], $0x2FFFF;
	_ =	strace $0x9FFFFFFF  }
0xc2: {  	(tm) =	ssettm $0x7FFFFFFF  }
0xc3: {  	_ =	shalt  }
tec
execute0_lowered:
.L_overlay_start_1:
0x0: {  	(tag) =	ssettag $0x1  }
0x1: {  	s0 =	rddreg [dreg:$0x0]  }
0x2: {  	s1 =	rddreg [dreg:$0x1]  }
0x3: {  	s2 =	simm.s32 $0x0;
	s15 =	stileid.u32;
	s7 =	srdreg.scid  }
0x4: {  	s19 =	simm.s32 $0x5;
	s21 =	simm.s32 $0x80;
	s22 =	simm.s32 $0x50  }
0x5: {  	s23 =	simm.s32 $0x4100;
	s24 =	simm.s32 $0x4;
	s25 =	simm.s32 $0x1  }
0x6: {  	s28 =	simm.s32 $0x3;
	s29 =	simm.s32 $0x2;
	[smem:$0x7FF] =	sst s2  }
0x7: {  	s4 =	sadd.s32 $0x15A00, s0;
	s5 =	sadd.s32 $0x3CC00, s0;
	s6 =	sadd.s32 $0xDA00, s0  }
0x8: {  	s3 =	sshll.u32 s15, $0xB;
	s9 =	sand.u32 $0x1, s7;
	s10 =	smul.u32 $0x50000, s15  }
0x9: {  	s7 =	sadd.s32 $0x63E00, s0;
	s11 =	sadd.s32 $0x66600, s0;
	s31 =	sshll.u32 s15, $0x6  }
0xa: {  	_ =	strace $0x80000047;
	s8 =	sadd.s32 s3, s0;
	[dreg:$0x3] =	wrdreg s11  }
0xb: {  	s26 =	ssub.s32 $0x2, s9;
	s0 =	sadd.s32 $0x8E600, s0;
	s11 =	sshll.u32 s15, $0xE  }
0xc: {  	s12 =	sadd.s32 s6, s3;
	p0 =	seq.s32 s9, $0x1;
	s15 =	smul.u32 $0x2800, s15  }
.Ltmp0:
0xd: {  	s3 =	simm.s32 $0x0;
	[dreg:$0x4] =	wrdreg s0;
	(pc) =	sbr.rel .LBB2_1-.Ltmp0, $4  }
0xe: {  	s30 =	sshrl.u32 s26, $0x1;
	s10 =	sshrl.u32 s10, $0x2;
	s13 =	sadd.s32 $0x5A00, s8  }
0xf: {  	s14 =	sadd.s32 $0x10, s12;
	s17 =	sadd.s32 $0x7C0, s12;
	s0 =	ssub.s32 s26, s30  }
0x10: {  	s18 =	sadd.s32 s10, s1;
	s10 =	sor.u32 $0x1C05, s31;
	s26 =	simm.s32 $0x6900  }
0x11: {  	s16 =	smax.u32 s0, $0x1;
	s18 =	sshrl.u32 s18, $0x3;
	s0 =	simm.s32 $0x3F00  }
.LBB2_7:
0x12: {  	[sflag:s19] =	ssyncset.done $0x0  }
0x13: {  	s9 =	smov.u32 s5;
	s8 =	rddreg [dreg:$0x4];
	[sflag:s19] =	ssyncadd.s32 $0xFFFFD800  }
.LBB2_8:
0x14: {  	_ =	swait.ge [sflag:s24], $0x80  }
0x15: {  	[sflag:s24] =	ssyncset.done $0x0  }
0x16: {  	[sflag:s24] =	ssyncadd.s32 $0xFFFFFF80  }
0x17: {  	_ =	swait.ge [sflag:s25], $0x2800  }
0x18: {  	[sflag:s25] =	ssyncset.done $0x0  }
0x19: {  	[sflag:s25] =	ssyncadd.s32 $0xFFFFD800  }
0x1a: {  	[tilespmem:s26], [sflag:$0x2] =	stream.indirect.gather [hbm4b:s9+s22], $0x80, s21, s22, $0xb8;
	[tilespmem:$0x1D100] =	vst v63  }
0x1b: {  	_ = 	snop  }
0x1c: {  	[tilespmem:s2], [sflag:$0x3] =	stream.linear.gather [hbm4b:s17+s2], $0x80, $0x38;
	[tilespmem:$0x1D100] =	vst v63  }
0x1d: {  	s20 =	simm.s32 $0x3E00  }
0x1e: {  	[spmem:s1] =	stream.indirect.scatter.add.f32 [tilespmem:s23], [sflag:$0x5], $0x80, s20, s22, $0xb8;
	[tilespmem:$0x1D100] =	vst v63  }
0x1f: {  	_ =	swait.ge [sflag:s19], $0x2800  }
0x20: {  	[sflag:s19] =	ssyncset.done $0x0  }
0x21: {  	[sflag:s19] =	ssyncadd.s32 $0xFFFFD800  }
0x22: {  	_ =	swait.ge [sflag:s28], $0x80  }
0x23: {  	[sflag:s28] =	ssyncset.done $0x0  }
0x24: {  	[sflag:s28] =	ssyncadd.s32 $0xFFFFFF80  }
0x25: {  	_ =	swait.ge [sflag:s29], $0x2800  }
0x26: {  	[sflag:s29] =	ssyncset.done $0x0  }
0x27: {  	[sflag:s29] =	ssyncadd.s32 $0xFFFFD800  }
0x28: {  	[tilespmem:s23], [sflag:$0x1] =	stream.indirect.gather [hbm4b:s9+s22], $0x80, s2, s22, $0xb8;
	[tilespmem:$0x1D100] =	vst v63  }
0x29: {  	_ = 	snop  }
0x2a: {  	[tilespmem:s21], [sflag:$0x4] =	stream.linear.gather [hbm4b:s17+s2], $0x80, $0x38;
	[tilespmem:$0x1D100] =	vst v63  }
0x2b: {  	s31 =	simm.s32 $0x3E80  }
0x2c: {  	[spmem:s1] =	stream.indirect.scatter.add.f32 [tilespmem:s26], [sflag:$0x5], $0x80, s31, s22, $0xb8;
	[tilespmem:$0x1D100] =	vst v63  }
0x2d: {  	_ =	swait.ge [sflag:s19], $0x2800  }
0x2e: {  	[sflag:s19] =	ssyncset.done $0x0  }
0x2f: {  	[sflag:s19] =	ssyncadd.s32 $0xFFFFD800  }
0x30: {  	_ =	swait.ge [sflag:s24], $0x80  }
0x31: {  	[sflag:s24] =	ssyncset.done $0x0  }
0x32: {  	[sflag:s24] =	ssyncadd.s32 $0xFFFFFF80  }
0x33: {  	_ =	swait.ge [sflag:s25], $0x2800  }
0x34: {  	[sflag:s25] =	ssyncset.done $0x0  }
0x35: {  	[sflag:s25] =	ssyncadd.s32 $0xFFFFD800  }
0x36: {  	[spmem:s1] =	stream.indirect.scatter.add.f32 [tilespmem:s23], [sflag:$0x5], $0x80, s0, s22, $0xb8;
	[tilespmem:$0x1D100] =	vst v63  }
0x37: {  	_ =	swait.ge [sflag:s19], $0x2800  }
0x38: {  	s3 =	sadd.s32 $0x1, s3;
	[sflag:s19] =	ssyncset.done $0x0  }
0x39: {  	p1 =	sne.s32 s3, s16;
	[sflag:s19] =	ssyncadd.s32 $0xFFFFD800  }
.Ltmp1:
0x3a: {  	s8 =	sadd.s32 s8, s15;
	[bflag:$0x0] =	sbarrier.arrive $0xFFFF;
	(pc) =	sbr.rel @!p1 .LBB2_9-.Ltmp1, $4  }
0x3b: {  	[hbm:s8], [sflag:s10] =	dma.local [spmem:s18], $0x2800  }
0x3c: {  	_ =	swait.ge [sflag:s19], $0x2800  }
0x3d: {  	[sflag:s19] =	ssyncset.done $0x0  }
0x3e: {  	[sflag:s19] =	ssyncadd.s32 $0xFFFFD800  }
.LBB2_1:
0x3f: {  	[spmem:s18], [sflag:s10] =	dma.local [hbm:s7], $0x2800  }
0x40: {  	_ =	swait.ge [sflag:s19], $0x2800  }
0x41: {  	[sflag:s19] =	ssyncset.done $0x0  }
0x42: {  	s8 =	simm.s32 $0x100;
	[sflag:s19] =	ssyncadd.s32 $0xFFFFD800  }
0x43: {  	[tilespmem:s8], [sflag:$0x5] =	stream.linear.gather [hbm4b:s13+s2], $0x3E80, $0x38;
	[tilespmem:$0x1D100] =	vst v63  }
0x44: {  	_ =	swait.ge [sflag:s19], $0x3E80  }
0x45: {  	[sflag:s19] =	ssyncset.done $0x0  }
0x46: {  	[sflag:s19] =	ssyncadd.s32 $0xFFFFC180  }
0x47: {  	[bflag:$0x0] =	sbarrier.arrive $0xFFFF  }
0x48: {  	[tilespmem:s2], [sflag:$0x5] =	stream.linear.gather [hbm4b:s12+s2], $0x80, $0x38;
	[tilespmem:$0x1D100] =	vst v63  }
.Ltmp2:
0x49: {  	_ = 	snop;
	(pc) =	sbr.rel @!p0 .LBB2_2-.Ltmp2, $4  }
0x4a: {  	_ =	swait.ge [sflag:s19], $0x80  }
0x4b: {  	[sflag:s19] =	ssyncset.done $0x0  }
0x4c: {  	[sflag:s19] =	ssyncadd.s32 $0xFFFFFF80  }
0x4d: {  	[tilespmem:s21], [sflag:$0x4] =	stream.linear.gather [hbm4b:s14+s2], $0x80, $0x38;
	[tilespmem:$0x1D100] =	vst v63  }
0x4e: {  	[tilespmem:s23], [sflag:$0x1] =	stream.indirect.gather [hbm4b:s5+s22], $0x80, s2, s22, $0xb8;
	[tilespmem:$0x1D100] =	vst v63  }
0x4f: {  	_ =	swait.ge [sflag:s24], $0x80  }
0x50: {  	s8 =	simm.s32 $0x100;
	[sflag:s24] =	ssyncset.done $0x0  }
0x51: {  	s9 =	sand.u32 $0x7C00, s8;
	[sflag:s24] =	ssyncadd.s32 $0xFFFFFF80  }
0x52: {  	s8 =	sand.u32 $0x300, s8;
	s9 =	sadd.s32 s11, s9;
	_ =	swait.ge [sflag:s25], $0x2800  }
0x53: {  	s8 =	sor.u32 s8, s9;
	[sflag:s25] =	ssyncset.done $0x0  }
0x54: {  	s8 =	sshrl.u32 s8, $0x3;
	[sflag:s25] =	ssyncadd.s32 $0xFFFFD800  }
0x55: {  	[tilespmem:s26], [sflag:$0x2] =	stream.indirect.gather [hbm4b:s5+s22], $0x80, s21, s22, $0xb8;
	[tilespmem:$0x1D100] =	vst v63  }
0x56: {  	s8 =	sadd.s32 s6, s8  }
0x57: {  	[tilespmem:s2], [sflag:$0x3] =	stream.linear.gather [hbm4b:s8+s2], $0x80, $0x38;
	[tilespmem:$0x1D100] =	vst v63  }
0x58: {  	s30 =	simm.s32 $0x100  }
0x59: {  	[spmem:s1] =	stream.indirect.scatter.add.f32 [tilespmem:s23], [sflag:$0x5], $0x80, s30, s22, $0xb8;
	[tilespmem:$0x1D100] =	vst v63  }
0x5a: {  	_ =	swait.ge [sflag:s19], $0x2800  }
0x5b: {  	[sflag:s19] =	ssyncset.done $0x0  }
0x5c: {  	[sflag:s19] =	ssyncadd.s32 $0xFFFFD800  }
0x5d: {  	_ =	swait.ge [sflag:s28], $0x80  }
0x5e: {  	s8 =	simm.s32 $0x180;
	[sflag:s28] =	ssyncset.done $0x0  }
0x5f: {  	s31 =	sand.u32 $0x7C00, s8;
	[sflag:s28] =	ssyncadd.s32 $0xFFFFFF80  }
0x60: {  	s20 =	sand.u32 $0x380, s8;
	s9 =	sadd.s32 s11, s31;
	_ =	swait.ge [sflag:s29], $0x2800  }
0x61: {  	s9 =	sor.u32 s20, s9;
	[sflag:s29] =	ssyncset.done $0x0  }
0x62: {  	s9 =	sshrl.u32 s9, $0x3;
	[sflag:s29] =	ssyncadd.s32 $0xFFFFD800  }
0x63: {  	[tilespmem:s23], [sflag:$0x1] =	stream.indirect.gather [hbm4b:s5+s22], $0x80, s2, s22, $0xb8;
	[tilespmem:$0x1D100] =	vst v63  }
0x64: {  	s9 =	sadd.s32 s6, s9  }
0x65: {  	[tilespmem:s21], [sflag:$0x4] =	stream.linear.gather [hbm4b:s9+s2], $0x80, $0x38;
	[tilespmem:$0x1D100] =	vst v63  }
0x66: {  	_ = 	snop  }
0x67: {  	[spmem:s1] =	stream.indirect.scatter.add.f32 [tilespmem:s26], [sflag:$0x5], $0x80, s8, s22, $0xb8;
	[tilespmem:$0x1D100] =	vst v63  }
0x68: {  	s9 =	simm.s32 $0x280;
	_ =	swait.ge [sflag:s19], $0x2800  }
.LBB2_6:
0x69: {  	p1 =	sne.s32 s9, $0x3D80;
	[sflag:s19] =	ssyncset.done $0x0;
	s8 =	sadd.s32 $0x100, s8  }
0x6a: {  	s20 =	smov.u32 s9;
	s9 =	sadd.s32 $0x100, s9;
	[sflag:s19] =	ssyncadd.s32 $0xFFFFD800  }
0x6b: {  	_ =	swait.ge [sflag:s24], $0x80  }
0x6c: {  	[sflag:s24] =	ssyncset.done $0x0  }
0x6d: {  	s30 =	sadd.s32 $0xFFFFFF80, s20;
	[sflag:s24] =	ssyncadd.s32 $0xFFFFFF80  }
0x6e: {  	s31 =	sand.u32 $0x7C00, s30;
	_ =	swait.ge [sflag:s25], $0x2800  }
0x6f: {  	s30 =	sand.u32 $0x300, s30;
	s31 =	sadd.s32 s11, s31;
	[sflag:s25] =	ssyncset.done $0x0  }
0x70: {  	s30 =	sor.u32 s30, s31;
	[sflag:s25] =	ssyncadd.s32 $0xFFFFD800  }
0x71: {  	[tilespmem:s26], [sflag:$0x2] =	stream.indirect.gather [hbm4b:s5+s22], $0x80, s21, s22, $0xb8;
	[tilespmem:$0x1D100] =	vst v63  }
0x72: {  	s30 =	sshrl.u32 s30, $0x3  }
0x73: {  	s31 =	sadd.s32 $0xFFFFFF80, s8;
	s30 =	sadd.s32 s6, s30  }
0x74: {  	[tilespmem:s2], [sflag:$0x3] =	stream.linear.gather [hbm4b:s30+s2], $0x80, $0x38;
	[tilespmem:$0x1D100] =	vst v63  }
0x75: {  	_ = 	snop  }
0x76: {  	[spmem:s1] =	stream.indirect.scatter.add.f32 [tilespmem:s23], [sflag:$0x5], $0x80, s31, s22, $0xb8;
	[tilespmem:$0x1D100] =	vst v63  }
0x77: {  	_ =	swait.ge [sflag:s19], $0x2800  }
0x78: {  	[sflag:s19] =	ssyncset.done $0x0  }
0x79: {  	[sflag:s19] =	ssyncadd.s32 $0xFFFFD800  }
0x7a: {  	_ =	swait.ge [sflag:s28], $0x80  }
0x7b: {  	[sflag:s28] =	ssyncset.done $0x0  }
0x7c: {  	s30 =	sand.u32 $0x7C00, s20;
	[sflag:s28] =	ssyncadd.s32 $0xFFFFFF80  }
0x7d: {  	s20 =	sand.u32 $0x380, s20;
	s30 =	sadd.s32 s11, s30;
	_ =	swait.ge [sflag:s29], $0x2800  }
0x7e: {  	s20 =	sor.u32 s20, s30;
	[sflag:s29] =	ssyncset.done $0x0  }
0x7f: {  	s20 =	sshrl.u32 s20, $0x3;
	[sflag:s29] =	ssyncadd.s32 $0xFFFFD800  }
0x80: {  	[tilespmem:s23], [sflag:$0x1] =	stream.indirect.gather [hbm4b:s5+s22], $0x80, s2, s22, $0xb8;
	[tilespmem:$0x1D100] =	vst v63  }
.Ltmp3:
0x81: {  	s20 =	sadd.s32 s6, s20;
	(pc) =	sbr.rel @p1 .LBB2_6-.Ltmp3, $4  }
0x82: {  	[tilespmem:s21], [sflag:$0x4] =	stream.linear.gather [hbm4b:s20+s2], $0x80, $0x38;
	[tilespmem:$0x1D100] =	vst v63  }
0x83: {  	_ = 	snop  }
0x84: {  	[spmem:s1] =	stream.indirect.scatter.add.f32 [tilespmem:s26], [sflag:$0x5], $0x80, s8, s22, $0xb8;
	[tilespmem:$0x1D100] =	vst v63  }
0x85: {  	_ =	swait.ge [sflag:s19], $0x2800  }
.Ltmp4:
0x86: {  	_ = 	snop;
	(pc) =	sbr.rel .LBB2_7-.Ltmp4, $1  }
0x87: {  	_ =	sdelay $0x3  }
.LBB2_2:
0x88: {  	[tilespmem:s23], [sflag:$0x1] =	stream.indirect.gather [hbm4b:s4+s22], $0x80, s2, s22, $0xb8;
	[tilespmem:$0x1D100] =	vst v63  }
0x89: {  	_ =	swait.ge [sflag:s24], $0x80  }
0x8a: {  	s8 =	simm.s32 $0x100;
	[sflag:s24] =	ssyncset.done $0x0  }
0x8b: {  	s9 =	sand.u32 $0x7C00, s8;
	[sflag:s24] =	ssyncadd.s32 $0xFFFFFF80  }
0x8c: {  	s8 =	sand.u32 $0x300, s8;
	s9 =	sadd.s32 s11, s9;
	_ =	swait.ge [sflag:s25], $0x2800  }
0x8d: {  	s8 =	sor.u32 s8, s9;
	[sflag:s25] =	ssyncset.done $0x0  }
0x8e: {  	s8 =	sshrl.u32 s8, $0x3;
	[sflag:s25] =	ssyncadd.s32 $0xFFFFD800  }
0x8f: {  	[tilespmem:s26], [sflag:$0x2] =	stream.indirect.gather [hbm4b:s4+s22], $0x80, s21, s22, $0xb8;
	[tilespmem:$0x1D100] =	vst v63  }
0x90: {  	s8 =	sadd.s32 s6, s8  }
0x91: {  	[tilespmem:s2], [sflag:$0x3] =	stream.linear.gather [hbm4b:s8+s2], $0x80, $0x38;
	[tilespmem:$0x1D100] =	vst v63  }
0x92: {  	s30 =	simm.s32 $0x100  }
0x93: {  	[spmem:s1] =	stream.indirect.scatter.add.f32 [tilespmem:s23], [sflag:$0x5], $0x80, s30, s22, $0xb8;
	[tilespmem:$0x1D100] =	vst v63  }
0x94: {  	_ =	swait.ge [sflag:s19], $0x2800  }
0x95: {  	[sflag:s19] =	ssyncset.done $0x0  }
0x96: {  	[sflag:s19] =	ssyncadd.s32 $0xFFFFD800  }
0x97: {  	_ =	swait.ge [sflag:s28], $0x80  }
0x98: {  	s8 =	simm.s32 $0x180;
	[sflag:s28] =	ssyncset.done $0x0  }
0x99: {  	s31 =	sand.u32 $0x7C00, s8;
	[sflag:s28] =	ssyncadd.s32 $0xFFFFFF80  }
0x9a: {  	s20 =	sand.u32 $0x380, s8;
	s9 =	sadd.s32 s11, s31;
	_ =	swait.ge [sflag:s29], $0x2800  }
0x9b: {  	s9 =	sor.u32 s20, s9;
	[sflag:s29] =	ssyncset.done $0x0  }
0x9c: {  	s9 =	sshrl.u32 s9, $0x3;
	[sflag:s29] =	ssyncadd.s32 $0xFFFFD800  }
0x9d: {  	[tilespmem:s23], [sflag:$0x1] =	stream.indirect.gather [hbm4b:s4+s22], $0x80, s2, s22, $0xb8;
	[tilespmem:$0x1D100] =	vst v63  }
0x9e: {  	s9 =	sadd.s32 s6, s9  }
0x9f: {  	[tilespmem:s21], [sflag:$0x4] =	stream.linear.gather [hbm4b:s9+s2], $0x80, $0x38;
	[tilespmem:$0x1D100] =	vst v63  }
0xa0: {  	_ = 	snop  }
0xa1: {  	[spmem:s1] =	stream.indirect.scatter.add.f32 [tilespmem:s26], [sflag:$0x5], $0x80, s8, s22, $0xb8;
	[tilespmem:$0x1D100] =	vst v63  }
0xa2: {  	s9 =	simm.s32 $0x280;
	_ =	swait.ge [sflag:s19], $0x2800  }
.LBB2_3:
0xa3: {  	p1 =	seq.s32 s9, $0x3D80;
	[sflag:s19] =	ssyncset.done $0x0;
	s8 =	sadd.s32 $0x100, s8  }
0xa4: {  	s20 =	smov.u32 s9;
	s9 =	sadd.s32 $0x100, s9;
	[sflag:s19] =	ssyncadd.s32 $0xFFFFD800  }
0xa5: {  	_ =	swait.ge [sflag:s24], $0x80  }
0xa6: {  	[sflag:s24] =	ssyncset.done $0x0  }
0xa7: {  	s30 =	sadd.s32 $0xFFFFFF80, s20;
	[sflag:s24] =	ssyncadd.s32 $0xFFFFFF80  }
0xa8: {  	s31 =	sand.u32 $0x7C00, s30;
	_ =	swait.ge [sflag:s25], $0x2800  }
0xa9: {  	s30 =	sand.u32 $0x300, s30;
	s31 =	sadd.s32 s11, s31;
	[sflag:s25] =	ssyncset.done $0x0  }
0xaa: {  	s30 =	sor.u32 s30, s31;
	[sflag:s25] =	ssyncadd.s32 $0xFFFFD800  }
0xab: {  	[tilespmem:s26], [sflag:$0x2] =	stream.indirect.gather [hbm4b:s4+s22], $0x80, s21, s22, $0xb8;
	[tilespmem:$0x1D100] =	vst v63  }
0xac: {  	s30 =	sshrl.u32 s30, $0x3  }
0xad: {  	s31 =	sadd.s32 $0xFFFFFF80, s8;
	s30 =	sadd.s32 s6, s30  }
0xae: {  	[tilespmem:s2], [sflag:$0x3] =	stream.linear.gather [hbm4b:s30+s2], $0x80, $0x38;
	[tilespmem:$0x1D100] =	vst v63  }
0xaf: {  	_ = 	snop  }
0xb0: {  	[spmem:s1] =	stream.indirect.scatter.add.f32 [tilespmem:s23], [sflag:$0x5], $0x80, s31, s22, $0xb8;
	[tilespmem:$0x1D100] =	vst v63  }
0xb1: {  	_ =	swait.ge [sflag:s19], $0x2800  }
0xb2: {  	[sflag:s19] =	ssyncset.done $0x0  }
0xb3: {  	[sflag:s19] =	ssyncadd.s32 $0xFFFFD800  }
0xb4: {  	_ =	swait.ge [sflag:s28], $0x80  }
0xb5: {  	[sflag:s28] =	ssyncset.done $0x0  }
0xb6: {  	s30 =	sand.u32 $0x7C00, s20;
	[sflag:s28] =	ssyncadd.s32 $0xFFFFFF80  }
0xb7: {  	s20 =	sand.u32 $0x380, s20;
	s30 =	sadd.s32 s11, s30;
	_ =	swait.ge [sflag:s29], $0x2800  }
0xb8: {  	s20 =	sor.u32 s20, s30;
	[sflag:s29] =	ssyncset.done $0x0  }
0xb9: {  	s20 =	sshrl.u32 s20, $0x3;
	[sflag:s29] =	ssyncadd.s32 $0xFFFFD800  }
0xba: {  	[tilespmem:s23], [sflag:$0x1] =	stream.indirect.gather [hbm4b:s4+s22], $0x80, s2, s22, $0xb8;
	[tilespmem:$0x1D100] =	vst v63  }
.Ltmp5:
0xbb: {  	s20 =	sadd.s32 s6, s20;
	(pc) =	sbr.rel @!p1 .LBB2_3-.Ltmp5, $4  }
0xbc: {  	[tilespmem:s21], [sflag:$0x4] =	stream.linear.gather [hbm4b:s20+s2], $0x80, $0x38;
	[tilespmem:$0x1D100] =	vst v63  }
0xbd: {  	_ = 	snop  }
0xbe: {  	[spmem:s1] =	stream.indirect.scatter.add.f32 [tilespmem:s26], [sflag:$0x5], $0x80, s8, s22, $0xb8;
	[tilespmem:$0x1D100] =	vst v63  }
0xbf: {  	_ =	swait.ge [sflag:s19], $0x2800  }
.Ltmp6:
0xc0: {  	(pc) =	sbr.rel .LBB2_8-.Ltmp6, $3  }
0xc1: {  	_ =	sdelay $0x1  }
0xc2: {  	[sflag:s19] =	ssyncset.done $0x0  }
0xc3: {  	s9 =	smov.u32 s4;
	s8 =	rddreg [dreg:$0x3];
	[sflag:s19] =	ssyncadd.s32 $0xFFFFD800  }
.LBB2_9:
0xc4: {  	_ =	sfence.sel $0x180000  }
0xc5: {  	[bflag:$0x0] =	sbarrier.arrive $0xFFFF  }
0xc6: {  	_ =	strace $0x90000047  }
0xc7: {  	s0 =	stileid.u32;
	[bflag:$0x2] =	sbarrier.arrive $0xFFFF  }
0xc8: {  	p0 =	sne.s32 s0, $0x0;
	s0 =	rddreg [dreg:$0x2]  }
0xc9: {  	s0 =	sadd.s32 @!p0 $0x100000, s0  }
0xca: {  	[sflag:s0] =	ssyncadd.tile.s32 @!p0 $0x1;
	_ =	shalt  }
.Lfunc_end2:
_tile_overlayer_lowered:
.L_overlay_start_2:
0xcb: {  	(tag) =	ssettag $0x2  }
0xcc: {  	s0 =	rddreg [dreg:$0x0];
	s2 =	stileid.u32  }
0xcd: {  	s1 =	rddreg [dreg:$0x1];
	p0 =	sne.s32 s2, $0x0  }
0xce: {  	s3 =	rddreg [dreg:$0x2];
	[bflag:$0x3] =	sbarrier.arrive $0xFFFF;
	s2 =	simm.s32 @!p0 $0x1C05  }
0xcf: {  	[timem:s3], [sflag:s2] =	dma.local @!p0 [hbm:s0], s1  }
0xd0: {  	s0 =	simm.s32 @!p0 $0x5  }
0xd1: {  	_ =	swait.ge @!p0 [sflag:s0], s1  }
0xd2: {  	s1 =	ssub.s32 @!p0 $0x0, s1;
	[sflag:s0] =	ssyncset.done @!p0 $0x0  }
0xd3: {  	[sflag:s0] =	ssyncadd.s32 @!p0 s1  }
0xd4: {  	[bflag:$0x3] =	sbarrier.arrive $0xFFFF  }
0xd5: {  	_ =	shalt  }

// kernel: kernel.16.cloned.1.call-start
scs
__scs_entry_jumppad:
0x0: {  	(pc) =	sbr.rel $0x88, $3  }
0x1: {  	(tag) =	ssettag $0x0;
	lr =	simm.s32 $0x1  }
0x2: {  	[smem:$0x3F92] =	sst lr;
	_ =	strace $0xD0000000  }
0x3: {  	_ = 	snop  }
0x4: {  	_ = 	snop  }
0x5: {  	_ = 	snop  }
0x6: {  	_ = 	snop  }
0x7: {  	_ = 	snop  }
__scs_overlays_trampoline_lowered:
0x8: {  	[smem:$0x3FA1] =	sst s0  }
0x9: {  	[smem:$0x3FA2] =	sst s1  }
0xa: {  	[smem:$0x3FA3] =	sst s2  }
0xb: {  	[smem:$0x3FA4] =	sst s3  }
0xc: {  	[smem:$0x3FA5] =	sst s4  }
0xd: {  	[smem:$0x3FA6] =	sst s5  }
0xe: {  	[smem:$0x3FA7] =	sst s6  }
0xf: {  	[smem:$0x3FA8] =	sst s7  }
0x10: {  	[smem:$0x3FA9] =	sst s8  }
0x11: {  	[smem:$0x3FAA] =	sst s9;
	s0 =	simm.s32 @!p0 $0x0  }
0x12: {  	s1 =	sld [smem:$0x3F90];
	s0 =	simm.s32 @p0 $0x1  }
0x13: {  	[smem:$0x3FAB] =	sst s0;
	s0 =	simm.s32 @!p1 $0x0  }
0x14: {  	s2 =	sld [smem:$0x3F8F];
	s0 =	simm.s32 @p1 $0x1  }
0x15: {  	[smem:$0x3FAC] =	sst s0;
	s0 =	simm.s32 @!p2 $0x0  }
0x16: {  	s3 =	sld [smem:$0x3FDB];
	s0 =	simm.s32 @p2 $0x1  }
0x17: {  	s4 =	simm.s32 $0x1BF5;
	[smem:$0x3FAE] =	sst s0  }
0x18: {  	s0 =	sld [smem:$0x3F91];
	_ =	swait.ge [sflag:s4], $0x0  }
0x19: {  	s7 =	sld [smem:$0x3F92]  }
0x1a: {  	s8 =	sadd.s32 $0xFFFFE003, lr  }
0x1b: {  	s9 =	sadd.s32 $0xFFFFFEF7, lr;
	s5 =	simm.s32 $0xFFFFFFFF;
	p2 =	slt.u32 s8, $0xFFFFF086  }
0x1c: {  	p1 =	slt.u32 s9, $0xF7A;
	s5 =	simm.s32 @!p2 $0x0  }
0x1d: {  	s5 =	simm.s32 @p1 $0x1;
	p0 =	seq.s32 s7, s2  }
0x1e: {  	s7 =	smul.u32 @!p0 $0xF7A, s2;
	p2 =	seq.s32 @!p0 s5, $0x0  }
0x1f: {  	s9 =	smul.u32 $0xF7A, s1;
	s8 =	simm.s32 @!p0 $0x1BF5;
	p2 =	por !p2, p0  }
0x20: {  	[sflag:s8] =	ssyncset.s32 @!p0 $0xFFFFF086;
	s6 =	sadd.s32 @!p0 s3, s7;
	s7 =	simm.s32 @!p0 $0x108  }
0x21: {  	s3 =	sadd.s32 s3, s9;
	s6 =	sadd.s32 @!p0 $0x88, s6;
	s7 =	simm.s32 @p2 $0x1082  }
0x22: {  	[simem:s7], [sflag:s8] =	dma.local @!p0 [hbm:s6], $0xF7A  }
0x23: {  	s9 =	sor.u32 $0xD0000000, s2;
	s6 =	simm.s32 $0x108;
	_ =	swait.ge @!p0 [sflag:s8], $0x0  }
0x24: {  	s3 =	sadd.s32 $0x88, s3;
	s6 =	simm.s32 @!p1 $0x1082;
	[sflag:s4] =	ssyncset.s32 $0xFFFFF086  }
0x25: {  	[simem:s6], [sflag:s4] =	dma.local [hbm:s3], $0xF7A  }
0x26: {  	[smem:$0x3F92] =	sst s1;
	(tag) =	ssettag s2;
	_ =	strace s9  }
0x27: {  	s1 =	sld [smem:$0x3FA2]  }
0x28: {  	s2 =	sld [smem:$0x3FA3]  }
0x29: {  	s4 =	sld [smem:$0x3FA5]  }
0x2a: {  	p0 =	seq.s32 s5, $0x0;
	s5 =	sld [smem:$0x3FA6]  }
0x2b: {  	s6 =	sld [smem:$0x3FA7]  }
0x2c: {  	s7 =	sld [smem:$0x3FA8]  }
0x2d: {  	s3 =	simm.s32 $0x108;
	s8 =	sld [smem:$0x3FA9]  }
0x2e: {  	s3 =	simm.s32 @!p0 $0x1082;
	s9 =	sld [smem:$0x3FAA]  }
0x2f: {  	lr =	sadd.s32 s0, s3;
	s0 =	sld [smem:$0x3FA1]  }
0x30: {  	s3 =	sld [smem:$0x3FA4]  }
0x31: {  	[smem:$0x3FAD] =	sst s10  }
0x32: {  	s10 =	sld [smem:$0x3FAB];
	_ =	sdelay $0x3  }
0x33: {  	p0 =	seq.s32 s10, $0x1;
	s10 =	sld [smem:$0x3FAD];
	_ =	sdelay $0x3  }
0x34: {  	[smem:$0x3FAD] =	sst s10  }
0x35: {  	s10 =	sld [smem:$0x3FAC];
	_ =	sdelay $0x3  }
0x36: {  	p1 =	seq.s32 s10, $0x1;
	s10 =	sld [smem:$0x3FAD];
	_ =	sdelay $0x3  }
0x37: {  	[smem:$0x3FAD] =	sst s10  }
0x38: {  	s10 =	sld [smem:$0x3FAE]  }
0x39: {  	_ = 	snop;
	(pc) =	sbr.ind lr, $3  }
0x3a: {  	_ = 	snop  }
0x3b: {  	_ = 	snop  }
0x3c: {  	p2 =	seq.s32 s10, $0x1;
	s10 =	sld [smem:$0x3FAD]  }
0x3d: {  	_ =	shalt  }
0x3e: {  	_ =	shalt  }
0x3f: {  	_ =	shalt  }
0x40: {  	_ =	shalt  }
0x41: {  	_ =	shalt  }
0x42: {  	_ =	shalt  }
0x43: {  	_ =	shalt  }
0x44: {  	_ =	shalt  }
0x45: {  	_ =	shalt  }
0x46: {  	_ =	shalt  }
0x47: {  	_ =	shalt  }
0x48: {  	_ =	shalt  }
0x49: {  	_ =	shalt  }
0x4a: {  	_ =	shalt  }
0x4b: {  	_ =	shalt  }
0x4c: {  	_ =	shalt  }
0x4d: {  	_ =	shalt  }
0x4e: {  	_ =	shalt  }
0x4f: {  	_ =	shalt  }
0x50: {  	_ =	shalt  }
0x51: {  	_ =	shalt  }
0x52: {  	_ =	shalt  }
0x53: {  	_ =	shalt  }
0x54: {  	_ =	shalt  }
0x55: {  	_ =	shalt  }
0x56: {  	_ =	shalt  }
0x57: {  	_ =	shalt  }
0x58: {  	_ =	shalt  }
0x59: {  	_ =	shalt  }
0x5a: {  	_ =	shalt  }
0x5b: {  	_ =	shalt  }
0x5c: {  	_ =	shalt  }
0x5d: {  	_ =	shalt  }
0x5e: {  	_ =	shalt  }
0x5f: {  	_ =	shalt  }
0x60: {  	_ =	shalt  }
0x61: {  	_ =	shalt  }
0x62: {  	_ =	shalt  }
0x63: {  	_ =	shalt  }
0x64: {  	_ =	shalt  }
0x65: {  	_ =	shalt  }
0x66: {  	_ =	shalt  }
0x67: {  	_ =	shalt  }
0x68: {  	_ =	shalt  }
0x69: {  	_ =	shalt  }
0x6a: {  	_ =	shalt  }
0x6b: {  	_ =	shalt  }
0x6c: {  	_ =	shalt  }
0x6d: {  	_ =	shalt  }
0x6e: {  	_ =	shalt  }
0x6f: {  	_ =	shalt  }
0x70: {  	_ =	shalt  }
0x71: {  	_ =	shalt  }
0x72: {  	_ =	shalt  }
0x73: {  	_ =	shalt  }
0x74: {  	_ =	shalt  }
0x75: {  	_ =	shalt  }
0x76: {  	_ =	shalt  }
0x77: {  	_ =	shalt  }
0x78: {  	_ =	shalt  }
0x79: {  	_ =	shalt  }
0x7a: {  	_ =	shalt  }
0x7b: {  	_ =	shalt  }
0x7c: {  	_ =	shalt  }
0x7d: {  	_ =	shalt  }
0x7e: {  	_ =	shalt  }
0x7f: {  	_ =	shalt  }
0x80: {  	_ =	shalt  }
0x81: {  	_ =	shalt  }
0x82: {  	_ =	shalt  }
0x83: {  	_ =	shalt  }
0x84: {  	_ =	shalt  }
0x85: {  	_ =	shalt  }
0x86: {  	_ =	shalt  }
0x87: {  	_ =	shalt  }
.Lfunc_end0:
.L_simem_size_0:
called_computation.2_lowered:
.L_overlay_start_0:
0x88: {  	s2 =	sld [smem:$0x3FD9]  }
0x89: {  	s3 =	sld [smem:$0x3FFE];
	_ =	sdelay $0x1  }
0x8a: {  	s1 =	srdreg.scid  }
0x8b: {  	s0 =	sand.u32 $0x1, s1  }
0x8c: {  	s16 =	sshll.u32 s0, $0xA;
	s2 =	sadd.s32 s3, s2  }
0x8d: {  	s2 =	sadd.s32 s2, s16  }
0x8e: {  	[smem:$0x3FB9] =	sst s2  }
0x8f: {  	_ = 	snop  }
0x90: {  	(tm) =	ssettm $0x1  }
0x91: {  	s17 =	sld [smem:$0x3FFB];
	_ =	sdelay $0x3  }
0x92: {  	_ =	strace s17  }
0x93: {  	s2 =	sld [smem:$0x3FFC];
	_ =	sdelay $0x3  }
0x94: {  	_ =	strace s2  }
0x95: {  	s2 =	sld [smem:$0x3FFD];
	_ =	sdelay $0x3  }
0x96: {  	_ =	strace s2  }
0x97: {  	_ =	strace $0x8FFFFFFF  }
0x98: {  	s18 =	sld [smem:$0x3FDB];
	_ =	sdelay $0x1  }
0x99: {  	s19 =	simm.s32 $_scs_section_size  }
0x9a: {  	s4 =	simm.s32 $_size__tile_overlayer_lowered;
	s5 =	simm.s32 $_tile_overlayer_lowered  }
0x9b: {  	s22 =	simm.s32 $0x1BFF;
	s21 =	sshll.u32 s5, $0x1;
	s2 =	sadd.s32 s19, s18  }
0x9c: {  	s6 =	simm.s32 $0x0;
	s20 =	sshll.u32 s4, $0x1;
	s4 =	sadd.s32 s21, s2  }
0x9d: {  	[timem:s6], [sflag:s22] =	dma.local [hbm:s4], s20  }
0x9e: {  	_ =	swait.ge [sflag:s22], s20  }
0x9f: {  	s3 =	ssub.s32 $0x0, s20;
	[sflag:s22] =	ssyncset.done $0x0  }
0xa0: {  	[sflag:s22] =	ssyncadd.s32 s3;
	_ =	sdelay $0x1  }
0xa1: {  	s23 =	simm.s32 $0x1B8B  }
0xa2: {  	_ =	swait.ge [sflag:s23], $0x1  }
0xa3: {  	[sflag:s23] =	ssyncset.done $0x0  }
0xa4: {  	s25 =	simm.s32 $0x1B8E;
	s24 =	sld [smem:$0x3FFE];
	[sflag:s23] =	ssyncadd.s32 $0xFFFFFFFF  }
0xa5: {  	s26 =	simm.s32 $execute0_lowered;
	[smem:$0x3FD2] =	sst s25  }
0xa6: {  	s4 =	sshll.u32 s26, $0x1;
	_ =	strace $0x8000004C;
	[dreg:$0x1] =	wrdreg $0xFFFFFFFF  }
0xa7: {  	s28 =	simm.s32 $_size_execute0_lowered;
	s2 =	sadd.s32 s2, s4;
	[dreg:$0x0] =	wrdreg $0x0  }
0xa8: {  	s4 =	sshll.u32 s28, $0x1;
	[dreg:$0x2] =	wrdreg s2  }
0xa9: {  	[dreg:$0x3] =	wrdreg s4  }
0xaa: {  	[dreg:$0x4] =	wrdreg $0xC0  }
0xab: {  	_ =	task [dreg:s6], $0x5FFFF  }
0xac: {  	[dreg:$0x1] =	wrdreg $0xFFFFFFFF  }
0xad: {  	[dreg:$0x0] =	wrdreg $0x60  }
0xae: {  	[dreg:$0x2] =	wrdreg s24  }
0xaf: {  	[dreg:$0x3] =	wrdreg $0x91000  }
0xb0: {  	[dreg:$0x4] =	wrdreg $0x9  }
0xb1: {  	_ =	task.clear_ibuf [dreg:s6], $0x5FFFF;
	_ =	strace $0x9000004C  }
0xb2: {  	s29 =	simm.s32 $0x9;
	_ =	strace $0x8000004E  }
0xb3: {  	_ =	swait.ge [sflag:s29], $0x1  }
0xb4: {  	[sflag:s29] =	ssyncadd.s32 $0xFFFFFFFF  }
0xb5: {  	_ =	strace $0x9000004E  }
0xb6: {  	_ =	sfence  }
0xb7: {  	s30 =	sld [smem:$0x0];
	_ =	sdelay $0x2  }
0xb8: {  	s31 =	sshll.u32 s1, $0xD;
	s1 =	sshrl.u32 s1, $0x2  }
0xb9: {  	s3 =	sand.u32 $0x4000, s31;
	s1 =	sadd.s32 s1, s30  }
0xba: {  	s0 =	sor.u32 s3, s0;
	s1 =	sshll.u32 s1, $0x11  }
0xbb: {  	s0 =	sor.u32 s1, s0  }
0xbc: {  	s0 =	sadd.s32 $0x8F2B, s0  }
0xbd: {  	[sflag:s0] =	ssyncadd.remote.s32 $0x1  }
0xbe: {  	_ =	sfence.sel $0xFFFF  }
0xbf: {  	[dreg:$0x0] =	wrdreg $0xFFFFFFFF;
	(pc) =	sbr.abs _section_cstart, $3  }
0xc0: {  	[dreg:$0x1] =	wrdreg $0xFFFFFFFF  }
0xc1: {  	_ =	task.clear_ibuf [dreg:s6], $0x2FFFF;
	_ =	strace $0x9FFFFFFF  }
0xc2: {  	(tm) =	ssettm $0x7FFFFFFF  }
0xc3: {  	_ =	shalt  }
tec
execute0_lowered:
.L_overlay_start_1:
0x0: {  	(tag) =	ssettag $0x1  }
0x1: {  	s0 =	rddreg [dreg:$0x0]  }
0x2: {  	s1 =	rddreg [dreg:$0x1]  }
0x3: {  	s2 =	simm.s32 $0x0;
	s15 =	stileid.u32;
	s7 =	srdreg.scid  }
0x4: {  	s19 =	simm.s32 $0x5;
	s21 =	simm.s32 $0x80;
	s22 =	simm.s32 $0x50  }
0x5: {  	s23 =	simm.s32 $0x4100;
	s24 =	simm.s32 $0x4;
	s25 =	simm.s32 $0x1  }
0x6: {  	s28 =	simm.s32 $0x3;
	s29 =	simm.s32 $0x2;
	[smem:$0x7FF] =	sst s2  }
0x7: {  	s4 =	sadd.s32 $0x15A00, s0;
	s5 =	sadd.s32 $0x3CC00, s0;
	s6 =	sadd.s32 $0xDA00, s0  }
0x8: {  	s3 =	sshll.u32 s15, $0xB;
	s9 =	sand.u32 $0x1, s7;
	s10 =	smul.u32 $0x50000, s15  }
0x9: {  	s7 =	sadd.s32 $0x63E00, s0;
	s11 =	sadd.s32 $0x66600, s0;
	s31 =	sshll.u32 s15, $0x6  }
0xa: {  	_ =	strace $0x8000004D;
	s8 =	sadd.s32 s3, s0;
	[dreg:$0x3] =	wrdreg s11  }
0xb: {  	s26 =	ssub.s32 $0x2, s9;
	s0 =	sadd.s32 $0x8E600, s0;
	s11 =	sshll.u32 s15, $0xE  }
0xc: {  	s12 =	sadd.s32 s6, s3;
	p0 =	seq.s32 s9, $0x1;
	s15 =	smul.u32 $0x2800, s15  }
.Ltmp0:
0xd: {  	s3 =	simm.s32 $0x0;
	[dreg:$0x4] =	wrdreg s0;
	(pc) =	sbr.rel .LBB2_1-.Ltmp0, $4  }
0xe: {  	s30 =	sshrl.u32 s26, $0x1;
	s10 =	sshrl.u32 s10, $0x2;
	s13 =	sadd.s32 $0x5A00, s8  }
0xf: {  	s14 =	sadd.s32 $0x10, s12;
	s17 =	sadd.s32 $0x7C0, s12;
	s0 =	ssub.s32 s26, s30  }
0x10: {  	s18 =	sadd.s32 s10, s1;
	s10 =	sor.u32 $0x1C05, s31;
	s26 =	simm.s32 $0x6900  }
0x11: {  	s16 =	smax.u32 s0, $0x1;
	s18 =	sshrl.u32 s18, $0x3;
	s0 =	simm.s32 $0x3F00  }
.LBB2_7:
0x12: {  	[sflag:s19] =	ssyncset.done $0x0  }
0x13: {  	s9 =	smov.u32 s5;
	s8 =	rddreg [dreg:$0x4];
	[sflag:s19] =	ssyncadd.s32 $0xFFFFD800  }
.LBB2_8:
0x14: {  	_ =	swait.ge [sflag:s24], $0x80  }
0x15: {  	[sflag:s24] =	ssyncset.done $0x0  }
0x16: {  	[sflag:s24] =	ssyncadd.s32 $0xFFFFFF80  }
0x17: {  	_ =	swait.ge [sflag:s25], $0x2800  }
0x18: {  	[sflag:s25] =	ssyncset.done $0x0  }
0x19: {  	[sflag:s25] =	ssyncadd.s32 $0xFFFFD800  }
0x1a: {  	[tilespmem:s26], [sflag:$0x2] =	stream.indirect.gather [hbm4b:s9+s22], $0x80, s21, s22, $0xb8;
	[tilespmem:$0x1D100] =	vst v63  }
0x1b: {  	_ = 	snop  }
0x1c: {  	[tilespmem:s2], [sflag:$0x3] =	stream.linear.gather [hbm4b:s17+s2], $0x80, $0x38;
	[tilespmem:$0x1D100] =	vst v63  }
0x1d: {  	s20 =	simm.s32 $0x3E00  }
0x1e: {  	[spmem:s1] =	stream.indirect.scatter.add.f32 [tilespmem:s23], [sflag:$0x5], $0x80, s20, s22, $0xb8;
	[tilespmem:$0x1D100] =	vst v63  }
0x1f: {  	_ =	swait.ge [sflag:s19], $0x2800  }
0x20: {  	[sflag:s19] =	ssyncset.done $0x0  }
0x21: {  	[sflag:s19] =	ssyncadd.s32 $0xFFFFD800  }
0x22: {  	_ =	swait.ge [sflag:s28], $0x80  }
0x23: {  	[sflag:s28] =	ssyncset.done $0x0  }
0x24: {  	[sflag:s28] =	ssyncadd.s32 $0xFFFFFF80  }
0x25: {  	_ =	swait.ge [sflag:s29], $0x2800  }
0x26: {  	[sflag:s29] =	ssyncset.done $0x0  }
0x27: {  	[sflag:s29] =	ssyncadd.s32 $0xFFFFD800  }
0x28: {  	[tilespmem:s23], [sflag:$0x1] =	stream.indirect.gather [hbm4b:s9+s22], $0x80, s2, s22, $0xb8;
	[tilespmem:$0x1D100] =	vst v63  }
0x29: {  	_ = 	snop  }
0x2a: {  	[tilespmem:s21], [sflag:$0x4] =	stream.linear.gather [hbm4b:s17+s2], $0x80, $0x38;
	[tilespmem:$0x1D100] =	vst v63  }
0x2b: {  	s31 =	simm.s32 $0x3E80  }
0x2c: {  	[spmem:s1] =	stream.indirect.scatter.add.f32 [tilespmem:s26], [sflag:$0x5], $0x80, s31, s22, $0xb8;
	[tilespmem:$0x1D100] =	vst v63  }
0x2d: {  	_ =	swait.ge [sflag:s19], $0x2800  }
0x2e: {  	[sflag:s19] =	ssyncset.done $0x0  }
0x2f: {  	[sflag:s19] =	ssyncadd.s32 $0xFFFFD800  }
0x30: {  	_ =	swait.ge [sflag:s24], $0x80  }
0x31: {  	[sflag:s24] =	ssyncset.done $0x0  }
0x32: {  	[sflag:s24] =	ssyncadd.s32 $0xFFFFFF80  }
0x33: {  	_ =	swait.ge [sflag:s25], $0x2800  }
0x34: {  	[sflag:s25] =	ssyncset.done $0x0  }
0x35: {  	[sflag:s25] =	ssyncadd.s32 $0xFFFFD800  }
0x36: {  	[spmem:s1] =	stream.indirect.scatter.add.f32 [tilespmem:s23], [sflag:$0x5], $0x80, s0, s22, $0xb8;
	[tilespmem:$0x1D100] =	vst v63  }
0x37: {  	_ =	swait.ge [sflag:s19], $0x2800  }
0x38: {  	s3 =	sadd.s32 $0x1, s3;
	[sflag:s19] =	ssyncset.done $0x0  }
0x39: {  	p1 =	sne.s32 s3, s16;
	[sflag:s19] =	ssyncadd.s32 $0xFFFFD800  }
.Ltmp1:
0x3a: {  	s8 =	sadd.s32 s8, s15;
	[bflag:$0x0] =	sbarrier.arrive $0xFFFF;
	(pc) =	sbr.rel @!p1 .LBB2_9-.Ltmp1, $4  }
0x3b: {  	[hbm:s8], [sflag:s10] =	dma.local [spmem:s18], $0x2800  }
0x3c: {  	_ =	swait.ge [sflag:s19], $0x2800  }
0x3d: {  	[sflag:s19] =	ssyncset.done $0x0  }
0x3e: {  	[sflag:s19] =	ssyncadd.s32 $0xFFFFD800  }
.LBB2_1:
0x3f: {  	[spmem:s18], [sflag:s10] =	dma.local [hbm:s7], $0x2800  }
0x40: {  	_ =	swait.ge [sflag:s19], $0x2800  }
0x41: {  	[sflag:s19] =	ssyncset.done $0x0  }
0x42: {  	s8 =	simm.s32 $0x100;
	[sflag:s19] =	ssyncadd.s32 $0xFFFFD800  }
0x43: {  	[tilespmem:s8], [sflag:$0x5] =	stream.linear.gather [hbm4b:s13+s2], $0x3E80, $0x38;
	[tilespmem:$0x1D100] =	vst v63  }
0x44: {  	_ =	swait.ge [sflag:s19], $0x3E80  }
0x45: {  	[sflag:s19] =	ssyncset.done $0x0  }
0x46: {  	[sflag:s19] =	ssyncadd.s32 $0xFFFFC180  }
0x47: {  	[bflag:$0x0] =	sbarrier.arrive $0xFFFF  }
0x48: {  	[tilespmem:s2], [sflag:$0x5] =	stream.linear.gather [hbm4b:s12+s2], $0x80, $0x38;
	[tilespmem:$0x1D100] =	vst v63  }
.Ltmp2:
0x49: {  	_ = 	snop;
	(pc) =	sbr.rel @!p0 .LBB2_2-.Ltmp2, $4  }
0x4a: {  	_ =	swait.ge [sflag:s19], $0x80  }
0x4b: {  	[sflag:s19] =	ssyncset.done $0x0  }
0x4c: {  	[sflag:s19] =	ssyncadd.s32 $0xFFFFFF80  }
0x4d: {  	[tilespmem:s21], [sflag:$0x4] =	stream.linear.gather [hbm4b:s14+s2], $0x80, $0x38;
	[tilespmem:$0x1D100] =	vst v63  }
0x4e: {  	[tilespmem:s23], [sflag:$0x1] =	stream.indirect.gather [hbm4b:s5+s22], $0x80, s2, s22, $0xb8;
	[tilespmem:$0x1D100] =	vst v63  }
0x4f: {  	_ =	swait.ge [sflag:s24], $0x80  }
0x50: {  	s8 =	simm.s32 $0x100;
	[sflag:s24] =	ssyncset.done $0x0  }
0x51: {  	s9 =	sand.u32 $0x7C00, s8;
	[sflag:s24] =	ssyncadd.s32 $0xFFFFFF80  }
0x52: {  	s8 =	sand.u32 $0x300, s8;
	s9 =	sadd.s32 s11, s9;
	_ =	swait.ge [sflag:s25], $0x2800  }
0x53: {  	s8 =	sor.u32 s8, s9;
	[sflag:s25] =	ssyncset.done $0x0  }
0x54: {  	s8 =	sshrl.u32 s8, $0x3;
	[sflag:s25] =	ssyncadd.s32 $0xFFFFD800  }
0x55: {  	[tilespmem:s26], [sflag:$0x2] =	stream.indirect.gather [hbm4b:s5+s22], $0x80, s21, s22, $0xb8;
	[tilespmem:$0x1D100] =	vst v63  }
0x56: {  	s8 =	sadd.s32 s6, s8  }
0x57: {  	[tilespmem:s2], [sflag:$0x3] =	stream.linear.gather [hbm4b:s8+s2], $0x80, $0x38;
	[tilespmem:$0x1D100] =	vst v63  }
0x58: {  	s30 =	simm.s32 $0x100  }
0x59: {  	[spmem:s1] =	stream.indirect.scatter.add.f32 [tilespmem:s23], [sflag:$0x5], $0x80, s30, s22, $0xb8;
	[tilespmem:$0x1D100] =	vst v63  }
0x5a: {  	_ =	swait.ge [sflag:s19], $0x2800  }
0x5b: {  	[sflag:s19] =	ssyncset.done $0x0  }
0x5c: {  	[sflag:s19] =	ssyncadd.s32 $0xFFFFD800  }
0x5d: {  	_ =	swait.ge [sflag:s28], $0x80  }
0x5e: {  	s8 =	simm.s32 $0x180;
	[sflag:s28] =	ssyncset.done $0x0  }
0x5f: {  	s31 =	sand.u32 $0x7C00, s8;
	[sflag:s28] =	ssyncadd.s32 $0xFFFFFF80  }
0x60: {  	s20 =	sand.u32 $0x380, s8;
	s9 =	sadd.s32 s11, s31;
	_ =	swait.ge [sflag:s29], $0x2800  }
0x61: {  	s9 =	sor.u32 s20, s9;
	[sflag:s29] =	ssyncset.done $0x0  }
0x62: {  	s9 =	sshrl.u32 s9, $0x3;
	[sflag:s29] =	ssyncadd.s32 $0xFFFFD800  }
0x63: {  	[tilespmem:s23], [sflag:$0x1] =	stream.indirect.gather [hbm4b:s5+s22], $0x80, s2, s22, $0xb8;
	[tilespmem:$0x1D100] =	vst v63  }
0x64: {  	s9 =	sadd.s32 s6, s9  }
0x65: {  	[tilespmem:s21], [sflag:$0x4] =	stream.linear.gather [hbm4b:s9+s2], $0x80, $0x38;
	[tilespmem:$0x1D100] =	vst v63  }
0x66: {  	_ = 	snop  }
0x67: {  	[spmem:s1] =	stream.indirect.scatter.add.f32 [tilespmem:s26], [sflag:$0x5], $0x80, s8, s22, $0xb8;
	[tilespmem:$0x1D100] =	vst v63  }
0x68: {  	s9 =	simm.s32 $0x280;
	_ =	swait.ge [sflag:s19], $0x2800  }
.LBB2_6:
0x69: {  	p1 =	sne.s32 s9, $0x3D80;
	[sflag:s19] =	ssyncset.done $0x0;
	s8 =	sadd.s32 $0x100, s8  }
0x6a: {  	s20 =	smov.u32 s9;
	s9 =	sadd.s32 $0x100, s9;
	[sflag:s19] =	ssyncadd.s32 $0xFFFFD800  }
0x6b: {  	_ =	swait.ge [sflag:s24], $0x80  }
0x6c: {  	[sflag:s24] =	ssyncset.done $0x0  }
0x6d: {  	s30 =	sadd.s32 $0xFFFFFF80, s20;
	[sflag:s24] =	ssyncadd.s32 $0xFFFFFF80  }
0x6e: {  	s31 =	sand.u32 $0x7C00, s30;
	_ =	swait.ge [sflag:s25], $0x2800  }
0x6f: {  	s30 =	sand.u32 $0x300, s30;
	s31 =	sadd.s32 s11, s31;
	[sflag:s25] =	ssyncset.done $0x0  }
0x70: {  	s30 =	sor.u32 s30, s31;
	[sflag:s25] =	ssyncadd.s32 $0xFFFFD800  }
0x71: {  	[tilespmem:s26], [sflag:$0x2] =	stream.indirect.gather [hbm4b:s5+s22], $0x80, s21, s22, $0xb8;
	[tilespmem:$0x1D100] =	vst v63  }
0x72: {  	s30 =	sshrl.u32 s30, $0x3  }
0x73: {  	s31 =	sadd.s32 $0xFFFFFF80, s8;
	s30 =	sadd.s32 s6, s30  }
0x74: {  	[tilespmem:s2], [sflag:$0x3] =	stream.linear.gather [hbm4b:s30+s2], $0x80, $0x38;
	[tilespmem:$0x1D100] =	vst v63  }
0x75: {  	_ = 	snop  }
0x76: {  	[spmem:s1] =	stream.indirect.scatter.add.f32 [tilespmem:s23], [sflag:$0x5], $0x80, s31, s22, $0xb8;
	[tilespmem:$0x1D100] =	vst v63  }
0x77: {  	_ =	swait.ge [sflag:s19], $0x2800  }
0x78: {  	[sflag:s19] =	ssyncset.done $0x0  }
0x79: {  	[sflag:s19] =	ssyncadd.s32 $0xFFFFD800  }
0x7a: {  	_ =	swait.ge [sflag:s28], $0x80  }
0x7b: {  	[sflag:s28] =	ssyncset.done $0x0  }
0x7c: {  	s30 =	sand.u32 $0x7C00, s20;
	[sflag:s28] =	ssyncadd.s32 $0xFFFFFF80  }
0x7d: {  	s20 =	sand.u32 $0x380, s20;
	s30 =	sadd.s32 s11, s30;
	_ =	swait.ge [sflag:s29], $0x2800  }
0x7e: {  	s20 =	sor.u32 s20, s30;
	[sflag:s29] =	ssyncset.done $0x0  }
0x7f: {  	s20 =	sshrl.u32 s20, $0x3;
	[sflag:s29] =	ssyncadd.s32 $0xFFFFD800  }
0x80: {  	[tilespmem:s23], [sflag:$0x1] =	stream.indirect.gather [hbm4b:s5+s22], $0x80, s2, s22, $0xb8;
	[tilespmem:$0x1D100] =	vst v63  }
.Ltmp3:
0x81: {  	s20 =	sadd.s32 s6, s20;
	(pc) =	sbr.rel @p1 .LBB2_6-.Ltmp3, $4  }
0x82: {  	[tilespmem:s21], [sflag:$0x4] =	stream.linear.gather [hbm4b:s20+s2], $0x80, $0x38;
	[tilespmem:$0x1D100] =	vst v63  }
0x83: {  	_ = 	snop  }
0x84: {  	[spmem:s1] =	stream.indirect.scatter.add.f32 [tilespmem:s26], [sflag:$0x5], $0x80, s8, s22, $0xb8;
	[tilespmem:$0x1D100] =	vst v63  }
0x85: {  	_ =	swait.ge [sflag:s19], $0x2800  }
.Ltmp4:
0x86: {  	_ = 	snop;
	(pc) =	sbr.rel .LBB2_7-.Ltmp4, $1  }
0x87: {  	_ =	sdelay $0x3  }
.LBB2_2:
0x88: {  	[tilespmem:s23], [sflag:$0x1] =	stream.indirect.gather [hbm4b:s4+s22], $0x80, s2, s22, $0xb8;
	[tilespmem:$0x1D100] =	vst v63  }
0x89: {  	_ =	swait.ge [sflag:s24], $0x80  }
0x8a: {  	s8 =	simm.s32 $0x100;
	[sflag:s24] =	ssyncset.done $0x0  }
0x8b: {  	s9 =	sand.u32 $0x7C00, s8;
	[sflag:s24] =	ssyncadd.s32 $0xFFFFFF80  }
0x8c: {  	s8 =	sand.u32 $0x300, s8;
	s9 =	sadd.s32 s11, s9;
	_ =	swait.ge [sflag:s25], $0x2800  }
0x8d: {  	s8 =	sor.u32 s8, s9;
	[sflag:s25] =	ssyncset.done $0x0  }
0x8e: {  	s8 =	sshrl.u32 s8, $0x3;
	[sflag:s25] =	ssyncadd.s32 $0xFFFFD800  }
0x8f: {  	[tilespmem:s26], [sflag:$0x2] =	stream.indirect.gather [hbm4b:s4+s22], $0x80, s21, s22, $0xb8;
	[tilespmem:$0x1D100] =	vst v63  }
0x90: {  	s8 =	sadd.s32 s6, s8  }
0x91: {  	[tilespmem:s2], [sflag:$0x3] =	stream.linear.gather [hbm4b:s8+s2], $0x80, $0x38;
	[tilespmem:$0x1D100] =	vst v63  }
0x92: {  	s30 =	simm.s32 $0x100  }
0x93: {  	[spmem:s1] =	stream.indirect.scatter.add.f32 [tilespmem:s23], [sflag:$0x5], $0x80, s30, s22, $0xb8;
	[tilespmem:$0x1D100] =	vst v63  }
0x94: {  	_ =	swait.ge [sflag:s19], $0x2800  }
0x95: {  	[sflag:s19] =	ssyncset.done $0x0  }
0x96: {  	[sflag:s19] =	ssyncadd.s32 $0xFFFFD800  }
0x97: {  	_ =	swait.ge [sflag:s28], $0x80  }
0x98: {  	s8 =	simm.s32 $0x180;
	[sflag:s28] =	ssyncset.done $0x0  }
0x99: {  	s31 =	sand.u32 $0x7C00, s8;
	[sflag:s28] =	ssyncadd.s32 $0xFFFFFF80  }
0x9a: {  	s20 =	sand.u32 $0x380, s8;
	s9 =	sadd.s32 s11, s31;
	_ =	swait.ge [sflag:s29], $0x2800  }
0x9b: {  	s9 =	sor.u32 s20, s9;
	[sflag:s29] =	ssyncset.done $0x0  }
0x9c: {  	s9 =	sshrl.u32 s9, $0x3;
	[sflag:s29] =	ssyncadd.s32 $0xFFFFD800  }
0x9d: {  	[tilespmem:s23], [sflag:$0x1] =	stream.indirect.gather [hbm4b:s4+s22], $0x80, s2, s22, $0xb8;
	[tilespmem:$0x1D100] =	vst v63  }
0x9e: {  	s9 =	sadd.s32 s6, s9  }
0x9f: {  	[tilespmem:s21], [sflag:$0x4] =	stream.linear.gather [hbm4b:s9+s2], $0x80, $0x38;
	[tilespmem:$0x1D100] =	vst v63  }
0xa0: {  	_ = 	snop  }
0xa1: {  	[spmem:s1] =	stream.indirect.scatter.add.f32 [tilespmem:s26], [sflag:$0x5], $0x80, s8, s22, $0xb8;
	[tilespmem:$0x1D100] =	vst v63  }
0xa2: {  	s9 =	simm.s32 $0x280;
	_ =	swait.ge [sflag:s19], $0x2800  }
.LBB2_3:
0xa3: {  	p1 =	seq.s32 s9, $0x3D80;
	[sflag:s19] =	ssyncset.done $0x0;
	s8 =	sadd.s32 $0x100, s8  }
0xa4: {  	s20 =	smov.u32 s9;
	s9 =	sadd.s32 $0x100, s9;
	[sflag:s19] =	ssyncadd.s32 $0xFFFFD800  }
0xa5: {  	_ =	swait.ge [sflag:s24], $0x80  }
0xa6: {  	[sflag:s24] =	ssyncset.done $0x0  }
0xa7: {  	s30 =	sadd.s32 $0xFFFFFF80, s20;
	[sflag:s24] =	ssyncadd.s32 $0xFFFFFF80  }
0xa8: {  	s31 =	sand.u32 $0x7C00, s30;
	_ =	swait.ge [sflag:s25], $0x2800  }
0xa9: {  	s30 =	sand.u32 $0x300, s30;
	s31 =	sadd.s32 s11, s31;
	[sflag:s25] =	ssyncset.done $0x0  }
0xaa: {  	s30 =	sor.u32 s30, s31;
	[sflag:s25] =	ssyncadd.s32 $0xFFFFD800  }
0xab: {  	[tilespmem:s26], [sflag:$0x2] =	stream.indirect.gather [hbm4b:s4+s22], $0x80, s21, s22, $0xb8;
	[tilespmem:$0x1D100] =	vst v63  }
0xac: {  	s30 =	sshrl.u32 s30, $0x3  }
0xad: {  	s31 =	sadd.s32 $0xFFFFFF80, s8;
	s30 =	sadd.s32 s6, s30  }
0xae: {  	[tilespmem:s2], [sflag:$0x3] =	stream.linear.gather [hbm4b:s30+s2], $0x80, $0x38;
	[tilespmem:$0x1D100] =	vst v63  }
0xaf: {  	_ = 	snop  }
0xb0: {  	[spmem:s1] =	stream.indirect.scatter.add.f32 [tilespmem:s23], [sflag:$0x5], $0x80, s31, s22, $0xb8;
	[tilespmem:$0x1D100] =	vst v63  }
0xb1: {  	_ =	swait.ge [sflag:s19], $0x2800  }
0xb2: {  	[sflag:s19] =	ssyncset.done $0x0  }
0xb3: {  	[sflag:s19] =	ssyncadd.s32 $0xFFFFD800  }
0xb4: {  	_ =	swait.ge [sflag:s28], $0x80  }
0xb5: {  	[sflag:s28] =	ssyncset.done $0x0  }
0xb6: {  	s30 =	sand.u32 $0x7C00, s20;
	[sflag:s28] =	ssyncadd.s32 $0xFFFFFF80  }
0xb7: {  	s20 =	sand.u32 $0x380, s20;
	s30 =	sadd.s32 s11, s30;
	_ =	swait.ge [sflag:s29], $0x2800  }
0xb8: {  	s20 =	sor.u32 s20, s30;
	[sflag:s29] =	ssyncset.done $0x0  }
0xb9: {  	s20 =	sshrl.u32 s20, $0x3;
	[sflag:s29] =	ssyncadd.s32 $0xFFFFD800  }
0xba: {  	[tilespmem:s23], [sflag:$0x1] =	stream.indirect.gather [hbm4b:s4+s22], $0x80, s2, s22, $0xb8;
	[tilespmem:$0x1D100] =	vst v63  }
.Ltmp5:
0xbb: {  	s20 =	sadd.s32 s6, s20;
	(pc) =	sbr.rel @!p1 .LBB2_3-.Ltmp5, $4  }
0xbc: {  	[tilespmem:s21], [sflag:$0x4] =	stream.linear.gather [hbm4b:s20+s2], $0x80, $0x38;
	[tilespmem:$0x1D100] =	vst v63  }
0xbd: {  	_ = 	snop  }
0xbe: {  	[spmem:s1] =	stream.indirect.scatter.add.f32 [tilespmem:s26], [sflag:$0x5], $0x80, s8, s22, $0xb8;
	[tilespmem:$0x1D100] =	vst v63  }
0xbf: {  	_ =	swait.ge [sflag:s19], $0x2800  }
.Ltmp6:
0xc0: {  	(pc) =	sbr.rel .LBB2_8-.Ltmp6, $3  }
0xc1: {  	_ =	sdelay $0x1  }
0xc2: {  	[sflag:s19] =	ssyncset.done $0x0  }
0xc3: {  	s9 =	smov.u32 s4;
	s8 =	rddreg [dreg:$0x3];
	[sflag:s19] =	ssyncadd.s32 $0xFFFFD800  }
.LBB2_9:
0xc4: {  	_ =	sfence.sel $0x180000  }
0xc5: {  	[bflag:$0x0] =	sbarrier.arrive $0xFFFF  }
0xc6: {  	_ =	strace $0x9000004D  }
0xc7: {  	s0 =	stileid.u32;
	[bflag:$0x2] =	sbarrier.arrive $0xFFFF  }
0xc8: {  	p0 =	sne.s32 s0, $0x0;
	s0 =	rddreg [dreg:$0x2]  }
0xc9: {  	s0 =	sadd.s32 @!p0 $0x100000, s0  }
0xca: {  	[sflag:s0] =	ssyncadd.tile.s32 @!p0 $0x1;
	_ =	shalt  }
.Lfunc_end2:
_tile_overlayer_lowered:
.L_overlay_start_2:
0xcb: {  	(tag) =	ssettag $0x2  }
0xcc: {  	s0 =	rddreg [dreg:$0x0];
	s2 =	stileid.u32  }
0xcd: {  	s1 =	rddreg [dreg:$0x1];
	p0 =	sne.s32 s2, $0x0  }
0xce: {  	s3 =	rddreg [dreg:$0x2];
	[bflag:$0x3] =	sbarrier.arrive $0xFFFF;
	s2 =	simm.s32 @!p0 $0x1C05  }
0xcf: {  	[timem:s3], [sflag:s2] =	dma.local @!p0 [hbm:s0], s1  }
0xd0: {  	s0 =	simm.s32 @!p0 $0x5  }
0xd1: {  	_ =	swait.ge @!p0 [sflag:s0], s1  }
0xd2: {  	s1 =	ssub.s32 @!p0 $0x0, s1;
	[sflag:s0] =	ssyncset.done @!p0 $0x0  }
0xd3: {  	[sflag:s0] =	ssyncadd.s32 @!p0 s1  }
0xd4: {  	[bflag:$0x3] =	sbarrier.arrive $0xFFFF  }
0xd5: {  	_ =	shalt  }

// kernel: kernel.19.cloned.1.call-start
scs
__scs_entry_jumppad:
0x0: {  	(pc) =	sbr.rel $0x88, $3  }
0x1: {  	(tag) =	ssettag $0x0;
	lr =	simm.s32 $0x1  }
0x2: {  	[smem:$0x3F92] =	sst lr;
	_ =	strace $0xD0000000  }
0x3: {  	_ = 	snop  }
0x4: {  	_ = 	snop  }
0x5: {  	_ = 	snop  }
0x6: {  	_ = 	snop  }
0x7: {  	_ = 	snop  }
__scs_overlays_trampoline_lowered:
0x8: {  	[smem:$0x3FA1] =	sst s0  }
0x9: {  	[smem:$0x3FA2] =	sst s1  }
0xa: {  	[smem:$0x3FA3] =	sst s2  }
0xb: {  	[smem:$0x3FA4] =	sst s3  }
0xc: {  	[smem:$0x3FA5] =	sst s4  }
0xd: {  	[smem:$0x3FA6] =	sst s5  }
0xe: {  	[smem:$0x3FA7] =	sst s6  }
0xf: {  	[smem:$0x3FA8] =	sst s7  }
0x10: {  	[smem:$0x3FA9] =	sst s8  }
0x11: {  	[smem:$0x3FAA] =	sst s9;
	s0 =	simm.s32 @!p0 $0x0  }
0x12: {  	s1 =	sld [smem:$0x3F90];
	s0 =	simm.s32 @p0 $0x1  }
0x13: {  	[smem:$0x3FAB] =	sst s0;
	s0 =	simm.s32 @!p1 $0x0  }
0x14: {  	s2 =	sld [smem:$0x3F8F];
	s0 =	simm.s32 @p1 $0x1  }
0x15: {  	[smem:$0x3FAC] =	sst s0;
	s0 =	simm.s32 @!p2 $0x0  }
0x16: {  	s3 =	sld [smem:$0x3FDB];
	s0 =	simm.s32 @p2 $0x1  }
0x17: {  	s4 =	simm.s32 $0x1BF5;
	[smem:$0x3FAE] =	sst s0  }
0x18: {  	s0 =	sld [smem:$0x3F91];
	_ =	swait.ge [sflag:s4], $0x0  }
0x19: {  	s7 =	sld [smem:$0x3F92]  }
0x1a: {  	s8 =	sadd.s32 $0xFFFFE003, lr  }
0x1b: {  	s9 =	sadd.s32 $0xFFFFFEF7, lr;
	s5 =	simm.s32 $0xFFFFFFFF;
	p2 =	slt.u32 s8, $0xFFFFF086  }
0x1c: {  	p1 =	slt.u32 s9, $0xF7A;
	s5 =	simm.s32 @!p2 $0x0  }
0x1d: {  	s5 =	simm.s32 @p1 $0x1;
	p0 =	seq.s32 s7, s2  }
0x1e: {  	s7 =	smul.u32 @!p0 $0xF7A, s2;
	p2 =	seq.s32 @!p0 s5, $0x0  }
0x1f: {  	s9 =	smul.u32 $0xF7A, s1;
	s8 =	simm.s32 @!p0 $0x1BF5;
	p2 =	por !p2, p0  }
0x20: {  	[sflag:s8] =	ssyncset.s32 @!p0 $0xFFFFF086;
	s6 =	sadd.s32 @!p0 s3, s7;
	s7 =	simm.s32 @!p0 $0x108  }
0x21: {  	s3 =	sadd.s32 s3, s9;
	s6 =	sadd.s32 @!p0 $0x88, s6;
	s7 =	simm.s32 @p2 $0x1082  }
0x22: {  	[simem:s7], [sflag:s8] =	dma.local @!p0 [hbm:s6], $0xF7A  }
0x23: {  	s9 =	sor.u32 $0xD0000000, s2;
	s6 =	simm.s32 $0x108;
	_ =	swait.ge @!p0 [sflag:s8], $0x0  }
0x24: {  	s3 =	sadd.s32 $0x88, s3;
	s6 =	simm.s32 @!p1 $0x1082;
	[sflag:s4] =	ssyncset.s32 $0xFFFFF086  }
0x25: {  	[simem:s6], [sflag:s4] =	dma.local [hbm:s3], $0xF7A  }
0x26: {  	[smem:$0x3F92] =	sst s1;
	(tag) =	ssettag s2;
	_ =	strace s9  }
0x27: {  	s1 =	sld [smem:$0x3FA2]  }
0x28: {  	s2 =	sld [smem:$0x3FA3]  }
0x29: {  	s4 =	sld [smem:$0x3FA5]  }
0x2a: {  	p0 =	seq.s32 s5, $0x0;
	s5 =	sld [smem:$0x3FA6]  }
0x2b: {  	s6 =	sld [smem:$0x3FA7]  }
0x2c: {  	s7 =	sld [smem:$0x3FA8]  }
0x2d: {  	s3 =	simm.s32 $0x108;
	s8 =	sld [smem:$0x3FA9]  }
0x2e: {  	s3 =	simm.s32 @!p0 $0x1082;
	s9 =	sld [smem:$0x3FAA]  }
0x2f: {  	lr =	sadd.s32 s0, s3;
	s0 =	sld [smem:$0x3FA1]  }
0x30: {  	s3 =	sld [smem:$0x3FA4]  }
0x31: {  	[smem:$0x3FAD] =	sst s10  }
0x32: {  	s10 =	sld [smem:$0x3FAB];
	_ =	sdelay $0x3  }
0x33: {  	p0 =	seq.s32 s10, $0x1;
	s10 =	sld [smem:$0x3FAD];
	_ =	sdelay $0x3  }
0x34: {  	[smem:$0x3FAD] =	sst s10  }
0x35: {  	s10 =	sld [smem:$0x3FAC];
	_ =	sdelay $0x3  }
0x36: {  	p1 =	seq.s32 s10, $0x1;
	s10 =	sld [smem:$0x3FAD];
	_ =	sdelay $0x3  }
0x37: {  	[smem:$0x3FAD] =	sst s10  }
0x38: {  	s10 =	sld [smem:$0x3FAE]  }
0x39: {  	_ = 	snop;
	(pc) =	sbr.ind lr, $3  }
0x3a: {  	_ = 	snop  }
0x3b: {  	_ = 	snop  }
0x3c: {  	p2 =	seq.s32 s10, $0x1;
	s10 =	sld [smem:$0x3FAD]  }
0x3d: {  	_ =	shalt  }
0x3e: {  	_ =	shalt  }
0x3f: {  	_ =	shalt  }
0x40: {  	_ =	shalt  }
0x41: {  	_ =	shalt  }
0x42: {  	_ =	shalt  }
0x43: {  	_ =	shalt  }
0x44: {  	_ =	shalt  }
0x45: {  	_ =	shalt  }
0x46: {  	_ =	shalt  }
0x47: {  	_ =	shalt  }
0x48: {  	_ =	shalt  }
0x49: {  	_ =	shalt  }
0x4a: {  	_ =	shalt  }
0x4b: {  	_ =	shalt  }
0x4c: {  	_ =	shalt  }
0x4d: {  	_ =	shalt  }
0x4e: {  	_ =	shalt  }
0x4f: {  	_ =	shalt  }
0x50: {  	_ =	shalt  }
0x51: {  	_ =	shalt  }
0x52: {  	_ =	shalt  }
0x53: {  	_ =	shalt  }
0x54: {  	_ =	shalt  }
0x55: {  	_ =	shalt  }
0x56: {  	_ =	shalt  }
0x57: {  	_ =	shalt  }
0x58: {  	_ =	shalt  }
0x59: {  	_ =	shalt  }
0x5a: {  	_ =	shalt  }
0x5b: {  	_ =	shalt  }
0x5c: {  	_ =	shalt  }
0x5d: {  	_ =	shalt  }
0x5e: {  	_ =	shalt  }
0x5f: {  	_ =	shalt  }
0x60: {  	_ =	shalt  }
0x61: {  	_ =	shalt  }
0x62: {  	_ =	shalt  }
0x63: {  	_ =	shalt  }
0x64: {  	_ =	shalt  }
0x65: {  	_ =	shalt  }
0x66: {  	_ =	shalt  }
0x67: {  	_ =	shalt  }
0x68: {  	_ =	shalt  }
0x69: {  	_ =	shalt  }
0x6a: {  	_ =	shalt  }
0x6b: {  	_ =	shalt  }
0x6c: {  	_ =	shalt  }
0x6d: {  	_ =	shalt  }
0x6e: {  	_ =	shalt  }
0x6f: {  	_ =	shalt  }
0x70: {  	_ =	shalt  }
0x71: {  	_ =	shalt  }
0x72: {  	_ =	shalt  }
0x73: {  	_ =	shalt  }
0x74: {  	_ =	shalt  }
0x75: {  	_ =	shalt  }
0x76: {  	_ =	shalt  }
0x77: {  	_ =	shalt  }
0x78: {  	_ =	shalt  }
0x79: {  	_ =	shalt  }
0x7a: {  	_ =	shalt  }
0x7b: {  	_ =	shalt  }
0x7c: {  	_ =	shalt  }
0x7d: {  	_ =	shalt  }
0x7e: {  	_ =	shalt  }
0x7f: {  	_ =	shalt  }
0x80: {  	_ =	shalt  }
0x81: {  	_ =	shalt  }
0x82: {  	_ =	shalt  }
0x83: {  	_ =	shalt  }
0x84: {  	_ =	shalt  }
0x85: {  	_ =	shalt  }
0x86: {  	_ =	shalt  }
0x87: {  	_ =	shalt  }
.Lfunc_end0:
.L_simem_size_0:
called_computation.3_lowered:
.L_overlay_start_0:
0x88: {  	s2 =	sld [smem:$0x3FD9]  }
0x89: {  	s3 =	sld [smem:$0x3FFE];
	_ =	sdelay $0x1  }
0x8a: {  	s1 =	srdreg.scid  }
0x8b: {  	s0 =	sand.u32 $0x1, s1  }
0x8c: {  	s16 =	sshll.u32 s0, $0xA;
	s2 =	sadd.s32 s3, s2  }
0x8d: {  	s2 =	sadd.s32 s2, s16  }
0x8e: {  	[smem:$0x3FB9] =	sst s2  }
0x8f: {  	_ = 	snop  }
0x90: {  	(tm) =	ssettm $0x1  }
0x91: {  	s17 =	sld [smem:$0x3FFB];
	_ =	sdelay $0x3  }
0x92: {  	_ =	strace s17  }
0x93: {  	s2 =	sld [smem:$0x3FFC];
	_ =	sdelay $0x3  }
0x94: {  	_ =	strace s2  }
0x95: {  	s2 =	sld [smem:$0x3FFD];
	_ =	sdelay $0x3  }
0x96: {  	_ =	strace s2  }
0x97: {  	_ =	strace $0x8FFFFFFF  }
0x98: {  	s18 =	sld [smem:$0x3FDB];
	_ =	sdelay $0x1  }
0x99: {  	s19 =	simm.s32 $_scs_section_size  }
0x9a: {  	s4 =	simm.s32 $_size__tile_overlayer_lowered;
	s5 =	simm.s32 $_tile_overlayer_lowered  }
0x9b: {  	s22 =	simm.s32 $0x1BFF;
	s21 =	sshll.u32 s5, $0x1;
	s2 =	sadd.s32 s19, s18  }
0x9c: {  	s6 =	simm.s32 $0x0;
	s20 =	sshll.u32 s4, $0x1;
	s4 =	sadd.s32 s21, s2  }
0x9d: {  	[timem:s6], [sflag:s22] =	dma.local [hbm:s4], s20  }
0x9e: {  	_ =	swait.ge [sflag:s22], s20  }
0x9f: {  	s3 =	ssub.s32 $0x0, s20;
	[sflag:s22] =	ssyncset.done $0x0  }
0xa0: {  	[sflag:s22] =	ssyncadd.s32 s3;
	_ =	sdelay $0x1  }
0xa1: {  	s23 =	simm.s32 $0x1B8B  }
0xa2: {  	_ =	swait.ge [sflag:s23], $0x1  }
0xa3: {  	[sflag:s23] =	ssyncset.done $0x0  }
0xa4: {  	s25 =	simm.s32 $0x1B8E;
	s24 =	sld [smem:$0x3FFE];
	[sflag:s23] =	ssyncadd.s32 $0xFFFFFFFF  }
0xa5: {  	s26 =	simm.s32 $execute0_lowered;
	[smem:$0x3FD2] =	sst s25  }
0xa6: {  	s4 =	sshll.u32 s26, $0x1;
	_ =	strace $0x8000004F;
	[dreg:$0x1] =	wrdreg $0xFFFFFFFF  }
0xa7: {  	s28 =	simm.s32 $_size_execute0_lowered;
	s2 =	sadd.s32 s2, s4;
	[dreg:$0x0] =	wrdreg $0x0  }
0xa8: {  	s4 =	sshll.u32 s28, $0x1;
	[dreg:$0x2] =	wrdreg s2  }
0xa9: {  	[dreg:$0x3] =	wrdreg s4  }
0xaa: {  	[dreg:$0x4] =	wrdreg $0xC0  }
0xab: {  	_ =	task [dreg:s6], $0x5FFFF  }
0xac: {  	[dreg:$0x1] =	wrdreg $0xFFFFFFFF  }
0xad: {  	[dreg:$0x0] =	wrdreg $0x60  }
0xae: {  	[dreg:$0x2] =	wrdreg s24  }
0xaf: {  	[dreg:$0x3] =	wrdreg $0x91000  }
0xb0: {  	[dreg:$0x4] =	wrdreg $0x9  }
0xb1: {  	_ =	task.clear_ibuf [dreg:s6], $0x5FFFF;
	_ =	strace $0x9000004F  }
0xb2: {  	s29 =	simm.s32 $0x9;
	_ =	strace $0x80000051  }
0xb3: {  	_ =	swait.ge [sflag:s29], $0x1  }
0xb4: {  	[sflag:s29] =	ssyncadd.s32 $0xFFFFFFFF  }
0xb5: {  	_ =	strace $0x90000051  }
0xb6: {  	_ =	sfence  }
0xb7: {  	s30 =	sld [smem:$0x0];
	_ =	sdelay $0x2  }
0xb8: {  	s31 =	sshll.u32 s1, $0xD;
	s1 =	sshrl.u32 s1, $0x2  }
0xb9: {  	s3 =	sand.u32 $0x4000, s31;
	s1 =	sadd.s32 s1, s30  }
0xba: {  	s0 =	sor.u32 s3, s0;
	s1 =	sshll.u32 s1, $0x11  }
0xbb: {  	s0 =	sor.u32 s1, s0  }
0xbc: {  	s0 =	sadd.s32 $0x8F2B, s0  }
0xbd: {  	[sflag:s0] =	ssyncadd.remote.s32 $0x1  }
0xbe: {  	_ =	sfence.sel $0xFFFF  }
0xbf: {  	[dreg:$0x0] =	wrdreg $0xFFFFFFFF;
	(pc) =	sbr.abs _section_cstart, $3  }
0xc0: {  	[dreg:$0x1] =	wrdreg $0xFFFFFFFF  }
0xc1: {  	_ =	task.clear_ibuf [dreg:s6], $0x2FFFF;
	_ =	strace $0x9FFFFFFF  }
0xc2: {  	(tm) =	ssettm $0x7FFFFFFF  }
0xc3: {  	_ =	shalt  }
tec
execute0_lowered:
.L_overlay_start_1:
0x0: {  	(tag) =	ssettag $0x1  }
0x1: {  	s0 =	rddreg [dreg:$0x0]  }
0x2: {  	s1 =	rddreg [dreg:$0x1]  }
0x3: {  	s2 =	simm.s32 $0x0;
	s15 =	stileid.u32;
	s7 =	srdreg.scid  }
0x4: {  	s19 =	simm.s32 $0x5;
	s21 =	simm.s32 $0x80;
	s22 =	simm.s32 $0x50  }
0x5: {  	s23 =	simm.s32 $0x4100;
	s24 =	simm.s32 $0x4;
	s25 =	simm.s32 $0x1  }
0x6: {  	s28 =	simm.s32 $0x3;
	s29 =	simm.s32 $0x2;
	[smem:$0x7FF] =	sst s2  }
0x7: {  	s4 =	sadd.s32 $0x15A00, s0;
	s5 =	sadd.s32 $0x3CC00, s0;
	s6 =	sadd.s32 $0xDA00, s0  }
0x8: {  	s3 =	sshll.u32 s15, $0xB;
	s9 =	sand.u32 $0x1, s7;
	s10 =	smul.u32 $0x50000, s15  }
0x9: {  	s7 =	sadd.s32 $0x63E00, s0;
	s11 =	sadd.s32 $0x66600, s0;
	s31 =	sshll.u32 s15, $0x6  }
0xa: {  	_ =	strace $0x80000050;
	s8 =	sadd.s32 s3, s0;
	[dreg:$0x3] =	wrdreg s11  }
0xb: {  	s26 =	ssub.s32 $0x2, s9;
	s0 =	sadd.s32 $0x8E600, s0;
	s11 =	sshll.u32 s15, $0xE  }
0xc: {  	s12 =	sadd.s32 s6, s3;
	p0 =	seq.s32 s9, $0x1;
	s15 =	smul.u32 $0x2800, s15  }
.Ltmp0:
0xd: {  	s3 =	simm.s32 $0x0;
	[dreg:$0x4] =	wrdreg s0;
	(pc) =	sbr.rel .LBB2_1-.Ltmp0, $4  }
0xe: {  	s30 =	sshrl.u32 s26, $0x1;
	s10 =	sshrl.u32 s10, $0x2;
	s13 =	sadd.s32 $0x5A00, s8  }
0xf: {  	s14 =	sadd.s32 $0x10, s12;
	s17 =	sadd.s32 $0x7C0, s12;
	s0 =	ssub.s32 s26, s30  }
0x10: {  	s18 =	sadd.s32 s10, s1;
	s10 =	sor.u32 $0x1C05, s31;
	s26 =	simm.s32 $0x6900  }
0x11: {  	s16 =	smax.u32 s0, $0x1;
	s18 =	sshrl.u32 s18, $0x3;
	s0 =	simm.s32 $0x3F00  }
.LBB2_7:
0x12: {  	[sflag:s19] =	ssyncset.done $0x0  }
0x13: {  	s9 =	smov.u32 s5;
	s8 =	rddreg [dreg:$0x4];
	[sflag:s19] =	ssyncadd.s32 $0xFFFFD800  }
.LBB2_8:
0x14: {  	_ =	swait.ge [sflag:s24], $0x80  }
0x15: {  	[sflag:s24] =	ssyncset.done $0x0  }
0x16: {  	[sflag:s24] =	ssyncadd.s32 $0xFFFFFF80  }
0x17: {  	_ =	swait.ge [sflag:s25], $0x2800  }
0x18: {  	[sflag:s25] =	ssyncset.done $0x0  }
0x19: {  	[sflag:s25] =	ssyncadd.s32 $0xFFFFD800  }
0x1a: {  	[tilespmem:s26], [sflag:$0x2] =	stream.indirect.gather [hbm4b:s9+s22], $0x80, s21, s22, $0xb8;
	[tilespmem:$0x1D100] =	vst v63  }
0x1b: {  	_ = 	snop  }
0x1c: {  	[tilespmem:s2], [sflag:$0x3] =	stream.linear.gather [hbm4b:s17+s2], $0x80, $0x38;
	[tilespmem:$0x1D100] =	vst v63  }
0x1d: {  	s20 =	simm.s32 $0x3E00  }
0x1e: {  	[spmem:s1] =	stream.indirect.scatter.add.f32 [tilespmem:s23], [sflag:$0x5], $0x80, s20, s22, $0xb8;
	[tilespmem:$0x1D100] =	vst v63  }
0x1f: {  	_ =	swait.ge [sflag:s19], $0x2800  }
0x20: {  	[sflag:s19] =	ssyncset.done $0x0  }
0x21: {  	[sflag:s19] =	ssyncadd.s32 $0xFFFFD800  }
0x22: {  	_ =	swait.ge [sflag:s28], $0x80  }
0x23: {  	[sflag:s28] =	ssyncset.done $0x0  }
0x24: {  	[sflag:s28] =	ssyncadd.s32 $0xFFFFFF80  }
0x25: {  	_ =	swait.ge [sflag:s29], $0x2800  }
0x26: {  	[sflag:s29] =	ssyncset.done $0x0  }
0x27: {  	[sflag:s29] =	ssyncadd.s32 $0xFFFFD800  }
0x28: {  	[tilespmem:s23], [sflag:$0x1] =	stream.indirect.gather [hbm4b:s9+s22], $0x80, s2, s22, $0xb8;
	[tilespmem:$0x1D100] =	vst v63  }
0x29: {  	_ = 	snop  }
0x2a: {  	[tilespmem:s21], [sflag:$0x4] =	stream.linear.gather [hbm4b:s17+s2], $0x80, $0x38;
	[tilespmem:$0x1D100] =	vst v63  }
0x2b: {  	s31 =	simm.s32 $0x3E80  }
0x2c: {  	[spmem:s1] =	stream.indirect.scatter.add.f32 [tilespmem:s26], [sflag:$0x5], $0x80, s31, s22, $0xb8;
	[tilespmem:$0x1D100] =	vst v63  }
0x2d: {  	_ =	swait.ge [sflag:s19], $0x2800  }
0x2e: {  	[sflag:s19] =	ssyncset.done $0x0  }
0x2f: {  	[sflag:s19] =	ssyncadd.s32 $0xFFFFD800  }
0x30: {  	_ =	swait.ge [sflag:s24], $0x80  }
0x31: {  	[sflag:s24] =	ssyncset.done $0x0  }
0x32: {  	[sflag:s24] =	ssyncadd.s32 $0xFFFFFF80  }
0x33: {  	_ =	swait.ge [sflag:s25], $0x2800  }
0x34: {  	[sflag:s25] =	ssyncset.done $0x0  }
0x35: {  	[sflag:s25] =	ssyncadd.s32 $0xFFFFD800  }
0x36: {  	[spmem:s1] =	stream.indirect.scatter.add.f32 [tilespmem:s23], [sflag:$0x5], $0x80, s0, s22, $0xb8;
	[tilespmem:$0x1D100] =	vst v63  }
0x37: {  	_ =	swait.ge [sflag:s19], $0x2800  }
0x38: {  	s3 =	sadd.s32 $0x1, s3;
	[sflag:s19] =	ssyncset.done $0x0  }
0x39: {  	p1 =	sne.s32 s3, s16;
	[sflag:s19] =	ssyncadd.s32 $0xFFFFD800  }
.Ltmp1:
0x3a: {  	s8 =	sadd.s32 s8, s15;
	[bflag:$0x0] =	sbarrier.arrive $0xFFFF;
	(pc) =	sbr.rel @!p1 .LBB2_9-.Ltmp1, $4  }
0x3b: {  	[hbm:s8], [sflag:s10] =	dma.local [spmem:s18], $0x2800  }
0x3c: {  	_ =	swait.ge [sflag:s19], $0x2800  }
0x3d: {  	[sflag:s19] =	ssyncset.done $0x0  }
0x3e: {  	[sflag:s19] =	ssyncadd.s32 $0xFFFFD800  }
.LBB2_1:
0x3f: {  	[spmem:s18], [sflag:s10] =	dma.local [hbm:s7], $0x2800  }
0x40: {  	_ =	swait.ge [sflag:s19], $0x2800  }
0x41: {  	[sflag:s19] =	ssyncset.done $0x0  }
0x42: {  	s8 =	simm.s32 $0x100;
	[sflag:s19] =	ssyncadd.s32 $0xFFFFD800  }
0x43: {  	[tilespmem:s8], [sflag:$0x5] =	stream.linear.gather [hbm4b:s13+s2], $0x3E80, $0x38;
	[tilespmem:$0x1D100] =	vst v63  }
0x44: {  	_ =	swait.ge [sflag:s19], $0x3E80  }
0x45: {  	[sflag:s19] =	ssyncset.done $0x0  }
0x46: {  	[sflag:s19] =	ssyncadd.s32 $0xFFFFC180  }
0x47: {  	[bflag:$0x0] =	sbarrier.arrive $0xFFFF  }
0x48: {  	[tilespmem:s2], [sflag:$0x5] =	stream.linear.gather [hbm4b:s12+s2], $0x80, $0x38;
	[tilespmem:$0x1D100] =	vst v63  }
.Ltmp2:
0x49: {  	_ = 	snop;
	(pc) =	sbr.rel @!p0 .LBB2_2-.Ltmp2, $4  }
0x4a: {  	_ =	swait.ge [sflag:s19], $0x80  }
0x4b: {  	[sflag:s19] =	ssyncset.done $0x0  }
0x4c: {  	[sflag:s19] =	ssyncadd.s32 $0xFFFFFF80  }
0x4d: {  	[tilespmem:s21], [sflag:$0x4] =	stream.linear.gather [hbm4b:s14+s2], $0x80, $0x38;
	[tilespmem:$0x1D100] =	vst v63  }
0x4e: {  	[tilespmem:s23], [sflag:$0x1] =	stream.indirect.gather [hbm4b:s5+s22], $0x80, s2, s22, $0xb8;
	[tilespmem:$0x1D100] =	vst v63  }
0x4f: {  	_ =	swait.ge [sflag:s24], $0x80  }
0x50: {  	s8 =	simm.s32 $0x100;
	[sflag:s24] =	ssyncset.done $0x0  }
0x51: {  	s9 =	sand.u32 $0x7C00, s8;
	[sflag:s24] =	ssyncadd.s32 $0xFFFFFF80  }
0x52: {  	s8 =	sand.u32 $0x300, s8;
	s9 =	sadd.s32 s11, s9;
	_ =	swait.ge [sflag:s25], $0x2800  }
0x53: {  	s8 =	sor.u32 s8, s9;
	[sflag:s25] =	ssyncset.done $0x0  }
0x54: {  	s8 =	sshrl.u32 s8, $0x3;
	[sflag:s25] =	ssyncadd.s32 $0xFFFFD800  }
0x55: {  	[tilespmem:s26], [sflag:$0x2] =	stream.indirect.gather [hbm4b:s5+s22], $0x80, s21, s22, $0xb8;
	[tilespmem:$0x1D100] =	vst v63  }
0x56: {  	s8 =	sadd.s32 s6, s8  }
0x57: {  	[tilespmem:s2], [sflag:$0x3] =	stream.linear.gather [hbm4b:s8+s2], $0x80, $0x38;
	[tilespmem:$0x1D100] =	vst v63  }
0x58: {  	s30 =	simm.s32 $0x100  }
0x59: {  	[spmem:s1] =	stream.indirect.scatter.add.f32 [tilespmem:s23], [sflag:$0x5], $0x80, s30, s22, $0xb8;
	[tilespmem:$0x1D100] =	vst v63  }
0x5a: {  	_ =	swait.ge [sflag:s19], $0x2800  }
0x5b: {  	[sflag:s19] =	ssyncset.done $0x0  }
0x5c: {  	[sflag:s19] =	ssyncadd.s32 $0xFFFFD800  }
0x5d: {  	_ =	swait.ge [sflag:s28], $0x80  }
0x5e: {  	s8 =	simm.s32 $0x180;
	[sflag:s28] =	ssyncset.done $0x0  }
0x5f: {  	s31 =	sand.u32 $0x7C00, s8;
	[sflag:s28] =	ssyncadd.s32 $0xFFFFFF80  }
0x60: {  	s20 =	sand.u32 $0x380, s8;
	s9 =	sadd.s32 s11, s31;
	_ =	swait.ge [sflag:s29], $0x2800  }
0x61: {  	s9 =	sor.u32 s20, s9;
	[sflag:s29] =	ssyncset.done $0x0  }
0x62: {  	s9 =	sshrl.u32 s9, $0x3;
	[sflag:s29] =	ssyncadd.s32 $0xFFFFD800  }
0x63: {  	[tilespmem:s23], [sflag:$0x1] =	stream.indirect.gather [hbm4b:s5+s22], $0x80, s2, s22, $0xb8;
	[tilespmem:$0x1D100] =	vst v63  }
0x64: {  	s9 =	sadd.s32 s6, s9  }
0x65: {  	[tilespmem:s21], [sflag:$0x4] =	stream.linear.gather [hbm4b:s9+s2], $0x80, $0x38;
	[tilespmem:$0x1D100] =	vst v63  }
0x66: {  	_ = 	snop  }
0x67: {  	[spmem:s1] =	stream.indirect.scatter.add.f32 [tilespmem:s26], [sflag:$0x5], $0x80, s8, s22, $0xb8;
	[tilespmem:$0x1D100] =	vst v63  }
0x68: {  	s9 =	simm.s32 $0x280;
	_ =	swait.ge [sflag:s19], $0x2800  }
.LBB2_6:
0x69: {  	p1 =	sne.s32 s9, $0x3D80;
	[sflag:s19] =	ssyncset.done $0x0;
	s8 =	sadd.s32 $0x100, s8  }
0x6a: {  	s20 =	smov.u32 s9;
	s9 =	sadd.s32 $0x100, s9;
	[sflag:s19] =	ssyncadd.s32 $0xFFFFD800  }
0x6b: {  	_ =	swait.ge [sflag:s24], $0x80  }
0x6c: {  	[sflag:s24] =	ssyncset.done $0x0  }
0x6d: {  	s30 =	sadd.s32 $0xFFFFFF80, s20;
	[sflag:s24] =	ssyncadd.s32 $0xFFFFFF80  }
0x6e: {  	s31 =	sand.u32 $0x7C00, s30;
	_ =	swait.ge [sflag:s25], $0x2800  }
0x6f: {  	s30 =	sand.u32 $0x300, s30;
	s31 =	sadd.s32 s11, s31;
	[sflag:s25] =	ssyncset.done $0x0  }
0x70: {  	s30 =	sor.u32 s30, s31;
	[sflag:s25] =	ssyncadd.s32 $0xFFFFD800  }
0x71: {  	[tilespmem:s26], [sflag:$0x2] =	stream.indirect.gather [hbm4b:s5+s22], $0x80, s21, s22, $0xb8;
	[tilespmem:$0x1D100] =	vst v63  }
0x72: {  	s30 =	sshrl.u32 s30, $0x3  }
0x73: {  	s31 =	sadd.s32 $0xFFFFFF80, s8;
	s30 =	sadd.s32 s6, s30  }
0x74: {  	[tilespmem:s2], [sflag:$0x3] =	stream.linear.gather [hbm4b:s30+s2], $0x80, $0x38;
	[tilespmem:$0x1D100] =	vst v63  }
0x75: {  	_ = 	snop  }
0x76: {  	[spmem:s1] =	stream.indirect.scatter.add.f32 [tilespmem:s23], [sflag:$0x5], $0x80, s31, s22, $0xb8;
	[tilespmem:$0x1D100] =	vst v63  }
0x77: {  	_ =	swait.ge [sflag:s19], $0x2800  }
0x78: {  	[sflag:s19] =	ssyncset.done $0x0  }
0x79: {  	[sflag:s19] =	ssyncadd.s32 $0xFFFFD800  }
0x7a: {  	_ =	swait.ge [sflag:s28], $0x80  }
0x7b: {  	[sflag:s28] =	ssyncset.done $0x0  }
0x7c: {  	s30 =	sand.u32 $0x7C00, s20;
	[sflag:s28] =	ssyncadd.s32 $0xFFFFFF80  }
0x7d: {  	s20 =	sand.u32 $0x380, s20;
	s30 =	sadd.s32 s11, s30;
	_ =	swait.ge [sflag:s29], $0x2800  }
0x7e: {  	s20 =	sor.u32 s20, s30;
	[sflag:s29] =	ssyncset.done $0x0  }
0x7f: {  	s20 =	sshrl.u32 s20, $0x3;
	[sflag:s29] =	ssyncadd.s32 $0xFFFFD800  }
0x80: {  	[tilespmem:s23], [sflag:$0x1] =	stream.indirect.gather [hbm4b:s5+s22], $0x80, s2, s22, $0xb8;
	[tilespmem:$0x1D100] =	vst v63  }
.Ltmp3:
0x81: {  	s20 =	sadd.s32 s6, s20;
	(pc) =	sbr.rel @p1 .LBB2_6-.Ltmp3, $4  }
0x82: {  	[tilespmem:s21], [sflag:$0x4] =	stream.linear.gather [hbm4b:s20+s2], $0x80, $0x38;
	[tilespmem:$0x1D100] =	vst v63  }
0x83: {  	_ = 	snop  }
0x84: {  	[spmem:s1] =	stream.indirect.scatter.add.f32 [tilespmem:s26], [sflag:$0x5], $0x80, s8, s22, $0xb8;
	[tilespmem:$0x1D100] =	vst v63  }
0x85: {  	_ =	swait.ge [sflag:s19], $0x2800  }
.Ltmp4:
0x86: {  	_ = 	snop;
	(pc) =	sbr.rel .LBB2_7-.Ltmp4, $1  }
0x87: {  	_ =	sdelay $0x3  }
.LBB2_2:
0x88: {  	[tilespmem:s23], [sflag:$0x1] =	stream.indirect.gather [hbm4b:s4+s22], $0x80, s2, s22, $0xb8;
	[tilespmem:$0x1D100] =	vst v63  }
0x89: {  	_ =	swait.ge [sflag:s24], $0x80  }
0x8a: {  	s8 =	simm.s32 $0x100;
	[sflag:s24] =	ssyncset.done $0x0  }
0x8b: {  	s9 =	sand.u32 $0x7C00, s8;
	[sflag:s24] =	ssyncadd.s32 $0xFFFFFF80  }
0x8c: {  	s8 =	sand.u32 $0x300, s8;
	s9 =	sadd.s32 s11, s9;
	_ =	swait.ge [sflag:s25], $0x2800  }
0x8d: {  	s8 =	sor.u32 s8, s9;
	[sflag:s25] =	ssyncset.done $0x0  }
0x8e: {  	s8 =	sshrl.u32 s8, $0x3;
	[sflag:s25] =	ssyncadd.s32 $0xFFFFD800  }
0x8f: {  	[tilespmem:s26], [sflag:$0x2] =	stream.indirect.gather [hbm4b:s4+s22], $0x80, s21, s22, $0xb8;
	[tilespmem:$0x1D100] =	vst v63  }
0x90: {  	s8 =	sadd.s32 s6, s8  }
0x91: {  	[tilespmem:s2], [sflag:$0x3] =	stream.linear.gather [hbm4b:s8+s2], $0x80, $0x38;
	[tilespmem:$0x1D100] =	vst v63  }
0x92: {  	s30 =	simm.s32 $0x100  }
0x93: {  	[spmem:s1] =	stream.indirect.scatter.add.f32 [tilespmem:s23], [sflag:$0x5], $0x80, s30, s22, $0xb8;
	[tilespmem:$0x1D100] =	vst v63  }
0x94: {  	_ =	swait.ge [sflag:s19], $0x2800  }
0x95: {  	[sflag:s19] =	ssyncset.done $0x0  }
0x96: {  	[sflag:s19] =	ssyncadd.s32 $0xFFFFD800  }
0x97: {  	_ =	swait.ge [sflag:s28], $0x80  }
0x98: {  	s8 =	simm.s32 $0x180;
	[sflag:s28] =	ssyncset.done $0x0  }
0x99: {  	s31 =	sand.u32 $0x7C00, s8;
	[sflag:s28] =	ssyncadd.s32 $0xFFFFFF80  }
0x9a: {  	s20 =	sand.u32 $0x380, s8;
	s9 =	sadd.s32 s11, s31;
	_ =	swait.ge [sflag:s29], $0x2800  }
0x9b: {  	s9 =	sor.u32 s20, s9;
	[sflag:s29] =	ssyncset.done $0x0  }
0x9c: {  	s9 =	sshrl.u32 s9, $0x3;
	[sflag:s29] =	ssyncadd.s32 $0xFFFFD800  }
0x9d: {  	[tilespmem:s23], [sflag:$0x1] =	stream.indirect.gather [hbm4b:s4+s22], $0x80, s2, s22, $0xb8;
	[tilespmem:$0x1D100] =	vst v63  }
0x9e: {  	s9 =	sadd.s32 s6, s9  }
0x9f: {  	[tilespmem:s21], [sflag:$0x4] =	stream.linear.gather [hbm4b:s9+s2], $0x80, $0x38;
	[tilespmem:$0x1D100] =	vst v63  }
0xa0: {  	_ = 	snop  }
0xa1: {  	[spmem:s1] =	stream.indirect.scatter.add.f32 [tilespmem:s26], [sflag:$0x5], $0x80, s8, s22, $0xb8;
	[tilespmem:$0x1D100] =	vst v63  }
0xa2: {  	s9 =	simm.s32 $0x280;
	_ =	swait.ge [sflag:s19], $0x2800  }
.LBB2_3:
0xa3: {  	p1 =	seq.s32 s9, $0x3D80;
	[sflag:s19] =	ssyncset.done $0x0;
	s8 =	sadd.s32 $0x100, s8  }
0xa4: {  	s20 =	smov.u32 s9;
	s9 =	sadd.s32 $0x100, s9;
	[sflag:s19] =	ssyncadd.s32 $0xFFFFD800  }
0xa5: {  	_ =	swait.ge [sflag:s24], $0x80  }
0xa6: {  	[sflag:s24] =	ssyncset.done $0x0  }
0xa7: {  	s30 =	sadd.s32 $0xFFFFFF80, s20;
	[sflag:s24] =	ssyncadd.s32 $0xFFFFFF80  }
0xa8: {  	s31 =	sand.u32 $0x7C00, s30;
	_ =	swait.ge [sflag:s25], $0x2800  }
0xa9: {  	s30 =	sand.u32 $0x300, s30;
	s31 =	sadd.s32 s11, s31;
	[sflag:s25] =	ssyncset.done $0x0  }
0xaa: {  	s30 =	sor.u32 s30, s31;
	[sflag:s25] =	ssyncadd.s32 $0xFFFFD800  }
0xab: {  	[tilespmem:s26], [sflag:$0x2] =	stream.indirect.gather [hbm4b:s4+s22], $0x80, s21, s22, $0xb8;
	[tilespmem:$0x1D100] =	vst v63  }
0xac: {  	s30 =	sshrl.u32 s30, $0x3  }
0xad: {  	s31 =	sadd.s32 $0xFFFFFF80, s8;
	s30 =	sadd.s32 s6, s30  }
0xae: {  	[tilespmem:s2], [sflag:$0x3] =	stream.linear.gather [hbm4b:s30+s2], $0x80, $0x38;
	[tilespmem:$0x1D100] =	vst v63  }
0xaf: {  	_ = 	snop  }
0xb0: {  	[spmem:s1] =	stream.indirect.scatter.add.f32 [tilespmem:s23], [sflag:$0x5], $0x80, s31, s22, $0xb8;
	[tilespmem:$0x1D100] =	vst v63  }
0xb1: {  	_ =	swait.ge [sflag:s19], $0x2800  }
0xb2: {  	[sflag:s19] =	ssyncset.done $0x0  }
0xb3: {  	[sflag:s19] =	ssyncadd.s32 $0xFFFFD800  }
0xb4: {  	_ =	swait.ge [sflag:s28], $0x80  }
0xb5: {  	[sflag:s28] =	ssyncset.done $0x0  }
0xb6: {  	s30 =	sand.u32 $0x7C00, s20;
	[sflag:s28] =	ssyncadd.s32 $0xFFFFFF80  }
0xb7: {  	s20 =	sand.u32 $0x380, s20;
	s30 =	sadd.s32 s11, s30;
	_ =	swait.ge [sflag:s29], $0x2800  }
0xb8: {  	s20 =	sor.u32 s20, s30;
	[sflag:s29] =	ssyncset.done $0x0  }
0xb9: {  	s20 =	sshrl.u32 s20, $0x3;
	[sflag:s29] =	ssyncadd.s32 $0xFFFFD800  }
0xba: {  	[tilespmem:s23], [sflag:$0x1] =	stream.indirect.gather [hbm4b:s4+s22], $0x80, s2, s22, $0xb8;
	[tilespmem:$0x1D100] =	vst v63  }
.Ltmp5:
0xbb: {  	s20 =	sadd.s32 s6, s20;
	(pc) =	sbr.rel @!p1 .LBB2_3-.Ltmp5, $4  }
0xbc: {  	[tilespmem:s21], [sflag:$0x4] =	stream.linear.gather [hbm4b:s20+s2], $0x80, $0x38;
	[tilespmem:$0x1D100] =	vst v63  }
0xbd: {  	_ = 	snop  }
0xbe: {  	[spmem:s1] =	stream.indirect.scatter.add.f32 [tilespmem:s26], [sflag:$0x5], $0x80, s8, s22, $0xb8;
	[tilespmem:$0x1D100] =	vst v63  }
0xbf: {  	_ =	swait.ge [sflag:s19], $0x2800  }
.Ltmp6:
0xc0: {  	(pc) =	sbr.rel .LBB2_8-.Ltmp6, $3  }
0xc1: {  	_ =	sdelay $0x1  }
0xc2: {  	[sflag:s19] =	ssyncset.done $0x0  }
0xc3: {  	s9 =	smov.u32 s4;
	s8 =	rddreg [dreg:$0x3];
	[sflag:s19] =	ssyncadd.s32 $0xFFFFD800  }
.LBB2_9:
0xc4: {  	_ =	sfence.sel $0x180000  }
0xc5: {  	[bflag:$0x0] =	sbarrier.arrive $0xFFFF  }
0xc6: {  	_ =	strace $0x90000050  }
0xc7: {  	s0 =	stileid.u32;
	[bflag:$0x2] =	sbarrier.arrive $0xFFFF  }
0xc8: {  	p0 =	sne.s32 s0, $0x0;
	s0 =	rddreg [dreg:$0x2]  }
0xc9: {  	s0 =	sadd.s32 @!p0 $0x100000, s0  }
0xca: {  	[sflag:s0] =	ssyncadd.tile.s32 @!p0 $0x1;
	_ =	shalt  }
.Lfunc_end2:
_tile_overlayer_lowered:
.L_overlay_start_2:
0xcb: {  	(tag) =	ssettag $0x2  }
0xcc: {  	s0 =	rddreg [dreg:$0x0];
	s2 =	stileid.u32  }
0xcd: {  	s1 =	rddreg [dreg:$0x1];
	p0 =	sne.s32 s2, $0x0  }
0xce: {  	s3 =	rddreg [dreg:$0x2];
	[bflag:$0x3] =	sbarrier.arrive $0xFFFF;
	s2 =	simm.s32 @!p0 $0x1C05  }
0xcf: {  	[timem:s3], [sflag:s2] =	dma.local @!p0 [hbm:s0], s1  }
0xd0: {  	s0 =	simm.s32 @!p0 $0x5  }
0xd1: {  	_ =	swait.ge @!p0 [sflag:s0], s1  }
0xd2: {  	s1 =	ssub.s32 @!p0 $0x0, s1;
	[sflag:s0] =	ssyncset.done @!p0 $0x0  }
0xd3: {  	[sflag:s0] =	ssyncadd.s32 @!p0 s1  }
0xd4: {  	[bflag:$0x3] =	sbarrier.arrive $0xFFFF  }
0xd5: {  	_ =	shalt  }

</sc_bundles>
